<compile_context>
chip_gen: v7x
topology: tpu7x:2x2x1
jax: 0.10.2.dev20260603
libtpu: 0.0.44.dev20260713+nightly
codegen_flags: <defaults>
</compile_context>

<pallas_src>
import functools

import jax
import jax.numpy as jnp
from jax import lax
from jax.experimental import pallas as pl
from jax.experimental.pallas import tpu as pltpu
from jax.experimental.pallas import tpu_sc as plsc

N = 10000
G = 512
D = 128
NP = 10240
BLK = 512
NBLK = NP // BLK
NSC = 2
NTILE = 16
NW = NSC * NTILE
CW = 128
RW = 80
IG = 8
ZR = 64
EP = NW * RW * CW
RPT = NP // NTILE
DW = 128

f32 = jnp.float32


def _mm(a, b):
    return lax.dot_general(a, b, (((1,), (0,)), ((), ())),
                           preferred_element_type=f32)


def _mm_exact(a, b):
    return lax.dot_general(a, b, (((1,), (0,)), ((), ())),
                           precision=lax.Precision.HIGHEST,
                           preferred_element_type=f32)



def _mesh():
    return plsc.VectorSubcoreMesh(core_axis_name="c", subcore_axis_name="s",
                                  num_cores=NSC, num_subcores=NTILE)


def _make_sc_agg():
    def body(h_hbm, src_hbm, dst_hbm, p_hbm, acc, idx_s, idx_d,
             rows_a, rows_b, sem_a, sem_b, sem_c, sem_d):
        c = lax.axis_index("c")
        s = lax.axis_index("s")
        wid = c * NTILE + s
        zv = jnp.zeros((16,), f32)
        bufs = (rows_a, rows_b)
        sems = (sem_a, sem_b, sem_c, sem_d)

        def zrow(i, _):
            for j in range(D // 16):
                rows_a[i, pl.ds(j * 16, 16)] = zv
            return 0
        lax.fori_loop(0, CW, zrow, 0)

        for k in range(RPT // CW):
            pltpu.sync_copy(rows_a, acc.at[pl.ds(s * RPT + k * CW, CW)])
        plsc.subcore_barrier()

        HC = CW // 2

        def gather(k, slot):
            return (
                pltpu.async_copy(h_hbm.at[idx_s.at[k, pl.ds(0, HC)]],
                                 bufs[slot].at[pl.ds(0, HC)],
                                 sems[2 * slot]),
                pltpu.async_copy(h_hbm.at[idx_s.at[k, pl.ds(HC, HC)]],
                                 bufs[slot].at[pl.ds(HC, HC)],
                                 sems[2 * slot + 1]),
            )

        def group(g, _):
            pltpu.sync_copy(src_hbm.at[pl.ds(wid * RW + g * IG, IG)], idx_s)
            pltpu.sync_copy(dst_hbm.at[pl.ds(wid * RW + g * IG, IG)], idx_d)
            descs = [gather(0, 0)]
            for k in range(IG):
                if k + 1 < IG:
                    descs.append(gather(k + 1, (k + 1) % 2))
                descs[k][0].wait()
                descs[k][1].wait()
                pltpu.sync_copy(bufs[k % 2], acc.at[idx_d.at[k]], add=True)
            return 0
        lax.fori_loop(0, RW // IG, group, 0)
        plsc.subcore_barrier()

        pltpu.sync_copy(acc.at[pl.ds(s * RPT, RPT)],
                        p_hbm.at[c, pl.ds(s * RPT, RPT)])

    return pl.kernel(
        body,
        out_type=jax.ShapeDtypeStruct((NSC, NP, D), f32),
        mesh=_mesh(),
        scratch_types=[
            pltpu.VMEM_SHARED((NP, D), f32),
            pltpu.VMEM((IG, CW), jnp.int32),
            pltpu.VMEM((IG, CW), jnp.int32),
            pltpu.VMEM((CW, D), f32),
            pltpu.VMEM((CW, D), f32),
            pltpu.SemaphoreType.DMA,
            pltpu.SemaphoreType.DMA,
            pltpu.SemaphoreType.DMA,
            pltpu.SemaphoreType.DMA,
        ])


def _make_sc_deg():
    def body(dst_hbm, d_hbm, dacc, idx_d, ones_v, z_v):
        c = lax.axis_index("c")
        s = lax.axis_index("s")
        wid = c * NTILE + s
        zv = jnp.zeros((16,), f32)
        ov = jnp.ones((16,), f32)

        def orow(i, _):
            for j in range(DW // 16):
                ones_v[i, pl.ds(j * 16, 16)] = ov
            return 0
        lax.fori_loop(0, CW, orow, 0)

        def zdrow(i, _):
            for j in range(DW // 16):
                z_v[i, pl.ds(j * 16, 16)] = zv
            return 0
        lax.fori_loop(0, ZR, zdrow, 0)

        for k in range(RPT // ZR):
            pltpu.sync_copy(z_v, dacc.at[pl.ds(s * RPT + k * ZR, ZR)])
        plsc.subcore_barrier()

        def group(g, _):
            pltpu.sync_copy(dst_hbm.at[pl.ds(wid * RW + g * IG, IG)], idx_d)

            def step(j, _):
                pltpu.sync_copy(ones_v, dacc.at[idx_d.at[j]], add=True)
                return 0
            lax.fori_loop(0, IG, step, 0)
            return 0
        lax.fori_loop(0, RW // IG, group, 0)
        plsc.subcore_barrier()

        pltpu.sync_copy(dacc.at[pl.ds(s * RPT, RPT)],
                        d_hbm.at[c, pl.ds(s * RPT, RPT)])

    return pl.kernel(
        body,
        out_type=jax.ShapeDtypeStruct((NSC, NP, DW), f32),
        mesh=_mesh(),
        scratch_types=[
            pltpu.VMEM_SHARED((NP, DW), f32),
            pltpu.VMEM((IG, CW), jnp.int32),
            pltpu.VMEM((CW, DW), f32),
            pltpu.VMEM((ZR, DW), f32),
        ])


_sc_cache = {}


def _sc(which):
    if which not in _sc_cache:
        _sc_cache[which] = _make_sc_agg() if which == "agg" else _make_sc_deg()
    return _sc_cache[which]



def _layer_math(p_ref, d_ref, h_ref, wn_ref, wr_ref, b_ref):
    agg = p_ref[0] + p_ref[1]
    deg = d_ref[0][:, 0:1] + d_ref[1][:, 0:1]
    mean = agg / jnp.maximum(deg, 1.0)
    acc = _mm(mean, wn_ref[...]) + _mm(h_ref[...], wr_ref[...]) + b_ref[...]
    acc = jnp.maximum(acc, 0.0)
    r = pl.program_id(0) * BLK + lax.broadcasted_iota(jnp.int32, (BLK, D), 0)
    return jnp.where(r < N, acc, 0.0)


def _layer_body(p_ref, d_ref, h_ref, wn_ref, wr_ref, b_ref, o_ref):
    o_ref[...] = _layer_math(p_ref, d_ref, h_ref, wn_ref, wr_ref, b_ref)


def _layer3_body(p_ref, d_ref, h_ref, wn_ref, wr_ref, b_ref, batch_ref,
                 pool_ref, cnt_ref):
    h3 = _layer_math(p_ref, d_ref, h_ref, wn_ref, wr_ref, b_ref)
    bv = batch_ref[0]
    gi = lax.broadcasted_iota(jnp.int32, (G, BLK), 0)
    oh = (gi == bv).astype(f32)
    pc = _mm_exact(oh, h3)
    cc = _mm_exact(oh, jnp.ones((BLK, D), f32))

    @pl.when(pl.program_id(0) == 0)
    def _():
        pool_ref[...] = pc
        cnt_ref[...] = cc

    @pl.when(pl.program_id(0) != 0)
    def _():
        pool_ref[...] += pc
        cnt_ref[...] += cc


def _head_body(pool_ref, cnt_ref, fr_ref, w_ref, bfc_ref, o_ref):
    pooled = pool_ref[...] / jnp.maximum(cnt_ref[...], 1.0)
    nf = fr_ref[...] / fr_ref[...]
    o_ref[...] = _mm(pooled * nf, w_ref[...]) + bfc_ref[...]


_layer_specs = [
    pl.BlockSpec((2, BLK, D), lambda i: (0, i, 0)),
    pl.BlockSpec((2, BLK, DW), lambda i: (0, i, 0)),
    pl.BlockSpec((BLK, D), lambda i: (i, 0)),
    pl.BlockSpec((D, D), lambda i: (0, 0)),
    pl.BlockSpec((D, D), lambda i: (0, 0)),
    pl.BlockSpec((1, D), lambda i: (0, 0)),
]

_tc_layer = pl.pallas_call(
    _layer_body,
    grid=(NBLK,),
    in_specs=_layer_specs,
    out_specs=pl.BlockSpec((BLK, D), lambda i: (i, 0)),
    out_shape=jax.ShapeDtypeStruct((NP, D), f32),
)

_tc_layer3 = pl.pallas_call(
    _layer3_body,
    grid=(NBLK,),
    in_specs=_layer_specs + [pl.BlockSpec((1, 1, BLK), lambda i: (i, 0, 0))],
    out_specs=[pl.BlockSpec((G, D), lambda i: (0, 0)),
               pl.BlockSpec((G, D), lambda i: (0, 0))],
    out_shape=[jax.ShapeDtypeStruct((G, D), f32),
               jax.ShapeDtypeStruct((G, D), f32)],
)

_tc_head = pl.pallas_call(
    _head_body,
    in_specs=[pl.BlockSpec((G, D), lambda: (0, 0)),
              pl.BlockSpec((G, D), lambda: (0, 0)),
              pl.BlockSpec((G, D), lambda: (0, 0)),
              pl.BlockSpec((D, D), lambda: (0, 0)),
              pl.BlockSpec((1, D), lambda: (0, 0))],
    out_specs=pl.BlockSpec((G, D), lambda: (0, 0)),
    out_shape=jax.ShapeDtypeStruct((G, D), f32),
)



@jax.jit
def kernel(x, edge_index, batch, mixture_sizes, fracs,
           W1r, W1n, b1, W2r, W2n, b2, Wfc, bfc):
    del mixture_sizes
    E = edge_index.shape[1]
    src = edge_index[0].astype(jnp.int32)
    dst = edge_index[1].astype(jnp.int32)
    pad = jnp.full((EP - E,), N, jnp.int32)
    src_p = jnp.concatenate([src, pad]).reshape(NW * RW, CW)
    dst_p = jnp.concatenate([dst, pad]).reshape(NW * RW, CW)
    x_p = jnp.concatenate([x, jnp.zeros((NP - N, D), f32)])
    batch_p = jnp.concatenate(
        [batch.astype(jnp.int32), jnp.full((NP - N,), G, jnp.int32)]
    ).reshape(NBLK, 1, BLK)
    b1_2 = b1.reshape(1, D)
    b2_2 = b2.reshape(1, D)
    fr_b = jnp.broadcast_to(fracs[:, None], (G, D))
    wfc_p = jnp.pad(Wfc, ((0, 0), (0, D - Wfc.shape[1])))
    bfc_b = jnp.broadcast_to(bfc[None, :1], (1, D))

    dpart = _sc("deg")(dst_p)
    p1 = _sc("agg")(x_p, src_p, dst_p)
    h1 = _tc_layer(p1, dpart, x_p, W1n, W1r, b1_2)
    p2 = _sc("agg")(h1, src_p, dst_p)
    h2 = _tc_layer(p2, dpart, h1, W2n, W2r, b2_2)
    p3 = _sc("agg")(h2, src_p, dst_p)
    pooled, cnt = _tc_layer3(p3, dpart, h2, W2n, W2r, b2_2, batch_p)
    out = _tc_head(pooled, cnt, fr_b, wfc_p, bfc_b)
    return out[:, :1]

# --- scband reference (transcript-rebuilt; emitter-appended) ---
"""Pipeline reference for scband-gcn-64974265253907 (READ-ONLY COPY).

The authoritative reference and input builder live on the scoring server;
editing this copy changes nothing except your own understanding.
"""

import jax, jax.numpy as jnp
import numpy as np

N = 10000   # nodes
E = 320000  # edges
G = 512     # graphs in batch
M = 512     # mixtures
D = 128     # in_dim
H = 128     # hidden_size
NUM_LAYERS = 2


def _sage(x, src, dst, Wr, Wn, b, n):
    # PyG SAGEConv with mean aggregation: lin_l(mean_j x_j) + lin_r(x_i) + bias
    msg = jnp.take(x, src, axis=0)
    agg = jax.ops.segment_sum(msg, dst, num_segments=n)
    deg = jax.ops.segment_sum(jnp.ones((msg.shape[0],), x.dtype), dst, num_segments=n)
    mean = agg / jnp.clip(deg, 1.0)[:, None]
    return mean @ Wn + x @ Wr + b


def setup_inputs(seed: int = 0) -> dict:
    key = jax.random.key(seed)
    ks = jax.random.split(key, 13)
    x = jax.random.normal(ks[0], (N, D), dtype=jnp.float32)
    edge_index = jax.random.randint(ks[1], (2, E), 0, N)
    batch = jnp.sort(jax.random.randint(ks[2], (N,), 0, G))
    mixture_sizes = jnp.ones((M,), dtype=jnp.int32)
    fracs = jax.random.uniform(ks[3], (G,), dtype=jnp.float32)
    s1 = 1.0 / np.sqrt(D)
    s2 = 1.0 / np.sqrt(H)
    W1r = jax.random.normal(ks[4], (D, H), dtype=jnp.float32) * s1
    W1n = jax.random.normal(ks[5], (D, H), dtype=jnp.float32) * s1
    b1 = jnp.zeros((H,), dtype=jnp.float32)
    W2r = jax.random.normal(ks[6], (H, H), dtype=jnp.float32) * s2
    W2n = jax.random.normal(ks[7], (H, H), dtype=jnp.float32) * s2
    b2 = jnp.zeros((H,), dtype=jnp.float32)
    Wfc = jax.random.normal(ks[8], (H, 1), dtype=jnp.float32) * s2
    bfc = jnp.zeros((1,), dtype=jnp.float32)
    return {"x": x, "edge_index": edge_index, "batch": batch,
            "mixture_sizes": mixture_sizes, "fracs": fracs,
            "W1r": W1r, "W1n": W1n, "b1": b1,
            "W2r": W2r, "W2n": W2n, "b2": b2,
            "Wfc": Wfc, "bfc": bfc}


def reference(x, edge_index, batch, mixture_sizes, fracs,
              W1r, W1n, b1, W2r, W2n, b2, Wfc, bfc):
    src = edge_index[0]
    dst = edge_index[1]
    h = jax.nn.relu(_sage(x, src, dst, W1r, W1n, b1, N))
    for _ in range(NUM_LAYERS):
        h = jax.nn.relu(_sage(h, src, dst, W2r, W2n, b2, N))
        # dropout is identity in eval mode
    # global_mean_pool over graph batch ids
    cnt = jax.ops.segment_sum(jnp.ones((N,), h.dtype), batch, num_segments=G)
    pooled = jax.ops.segment_sum(h, batch, num_segments=G) / jnp.clip(cnt, 1.0)[:, None]
    # mixture weighting (num_mols != 1 path)
    mixture_ids = jnp.repeat(jnp.arange(M), mixture_sizes, total_repeat_length=G)
    csum = jnp.zeros((M,), h.dtype).at[mixture_ids].add(fracs)
    nf = fracs / csum[mixture_ids]
    weighted = pooled * nf[:, None]
    memb = jnp.zeros((M, pooled.shape[1]), h.dtype).at[mixture_ids].add(weighted)
    return memb @ Wfc + bfc

if __name__ == "__main__":
    import jax
    _d = setup_inputs()
    print(jax.jit(kernel)(*tuple(_d.values())))

</pallas_src>

<mosaic_0001>
#map = affine_map<(d0, d1) -> (0, 0)>
#map1 = affine_map<(d0, d1) -> (0, 0, 0)>
module attributes {stable_mosaic.version = 14 : i64} {
  func.func @body(%arg0: i32, %arg1: i32, %arg2: memref<10240x128xf32, #tpu.memory_space<hbm>>, %arg3: memref<2560x128xi32, #tpu.memory_space<hbm>>, %arg4: memref<2560x128xi32, #tpu.memory_space<hbm>>, %arg5: memref<2x10240x128xf32, #tpu.memory_space<hbm>>, %arg6: memref<10240x128xf32, #tpu.memory_space<vmem_shared>>, %arg7: memref<8x128xi32, #tpu.memory_space<vmem>>, %arg8: memref<8x128xi32, #tpu.memory_space<vmem>>, %arg9: memref<128x128xf32, #tpu.memory_space<vmem>>, %arg10: memref<128x128xf32, #tpu.memory_space<vmem>>, %arg11: memref<!tpu.dma_semaphore, #tpu.memory_space<semaphore_mem>>, %arg12: memref<!tpu.dma_semaphore, #tpu.memory_space<semaphore_mem>>, %arg13: memref<!tpu.dma_semaphore, #tpu.memory_space<semaphore_mem>>, %arg14: memref<!tpu.dma_semaphore, #tpu.memory_space<semaphore_mem>>) attributes {dimension_semantics = [#tpu.dimension_semantics<core_parallel>, #tpu.dimension_semantics<subcore_parallel>], iteration_bounds = array<i64: 2, 16>, scalar_prefetch = 0 : i64, scratch_operands = 9 : i64, tpu.core_type = #tpu.core_type<sc_vector_subcore>, window_params = [{transform_indices = #map}, {transform_indices = #map}, {transform_indices = #map}, {transform_indices = #map1}]} {
    %mul3A = arith.constant 16 : i32
    %mul3A_0 = arith.muli %arg0, %mul3A : i32
    %add3A = arith.addi %mul3A_0, %arg1 : i32
    %broadcast_in_dim3A = arith.constant 0.000000e+00 : f32
    %broadcast_in_dim3A_1 = vector.broadcast %broadcast_in_dim3A : f32 to vector<16xf32>
    %scan3A = arith.constant 0 : i32
    %scan3A_2 = arith.constant 0 : i32
    %scan3A_3 = arith.constant 128 : i32
    %scan3A_4 = arith.addi %scan3A_2, %scan3A_3 : i32
    %scan3A_5 = arith.constant 1 : i32
    %scan3A_6 = scf.for %scan3A_40 = %scan3A_2 to %scan3A_4 step %scan3A_5 iter_args(%scan3A_41 = %scan3A) -> (i32)  : i32 {
      %swap3A = arith.index_cast %scan3A_40 : i32 to index
      %swap3A_42 = arith.constant 0 : index
      %swap3A_43 = tpu.vector_load %arg9[%swap3A, %swap3A_42] {strides = array<i32>} : memref<128x128xf32, #tpu.memory_space<vmem>>, vector<1x16xf32>,
      %swap3A_44 = vector.shape_cast %swap3A_43 : vector<1x16xf32> to vector<16xf32>
      %swap3A_45 = vector.shape_cast %broadcast_in_dim3A_1 : vector<16xf32> to vector<1x16xf32>
      tpu.vector_store %arg9[%swap3A, %swap3A_42], %swap3A_45 {strides = array<i32>} : memref<128x128xf32, #tpu.memory_space<vmem>>, vector<1x16xf32>,
      %swap3A_46 = arith.index_cast %scan3A_40 : i32 to index
      %swap3A_47 = arith.constant 16 : index
      %swap3A_48 = tpu.vector_load %arg9[%swap3A_46, %swap3A_47] {strides = array<i32>} : memref<128x128xf32, #tpu.memory_space<vmem>>, vector<1x16xf32>,
      %swap3A_49 = vector.shape_cast %swap3A_48 : vector<1x16xf32> to vector<16xf32>
      %swap3A_50 = vector.shape_cast %broadcast_in_dim3A_1 : vector<16xf32> to vector<1x16xf32>
      tpu.vector_store %arg9[%swap3A_46, %swap3A_47], %swap3A_50 {strides = array<i32>} : memref<128x128xf32, #tpu.memory_space<vmem>>, vector<1x16xf32>,
      %swap3A_51 = arith.index_cast %scan3A_40 : i32 to index
      %swap3A_52 = arith.constant 32 : index
      %swap3A_53 = tpu.vector_load %arg9[%swap3A_51, %swap3A_52] {strides = array<i32>} : memref<128x128xf32, #tpu.memory_space<vmem>>, vector<1x16xf32>,
      %swap3A_54 = vector.shape_cast %swap3A_53 : vector<1x16xf32> to vector<16xf32>
      %swap3A_55 = vector.shape_cast %broadcast_in_dim3A_1 : vector<16xf32> to vector<1x16xf32>
      tpu.vector_store %arg9[%swap3A_51, %swap3A_52], %swap3A_55 {strides = array<i32>} : memref<128x128xf32, #tpu.memory_space<vmem>>, vector<1x16xf32>,
      %swap3A_56 = arith.index_cast %scan3A_40 : i32 to index
      %swap3A_57 = arith.constant 48 : index
      %swap3A_58 = tpu.vector_load %arg9[%swap3A_56, %swap3A_57] {strides = array<i32>} : memref<128x128xf32, #tpu.memory_space<vmem>>, vector<1x16xf32>,
      %swap3A_59 = vector.shape_cast %swap3A_58 : vector<1x16xf32> to vector<16xf32>
      %swap3A_60 = vector.shape_cast %broadcast_in_dim3A_1 : vector<16xf32> to vector<1x16xf32>
      tpu.vector_store %arg9[%swap3A_56, %swap3A_57], %swap3A_60 {strides = array<i32>} : memref<128x128xf32, #tpu.memory_space<vmem>>, vector<1x16xf32>,
      %swap3A_61 = arith.index_cast %scan3A_40 : i32 to index
      %swap3A_62 = arith.constant 64 : index
      %swap3A_63 = tpu.vector_load %arg9[%swap3A_61, %swap3A_62] {strides = array<i32>} : memref<128x128xf32, #tpu.memory_space<vmem>>, vector<1x16xf32>,
      %swap3A_64 = vector.shape_cast %swap3A_63 : vector<1x16xf32> to vector<16xf32>
      %swap3A_65 = vector.shape_cast %broadcast_in_dim3A_1 : vector<16xf32> to vector<1x16xf32>
      tpu.vector_store %arg9[%swap3A_61, %swap3A_62], %swap3A_65 {strides = array<i32>} : memref<128x128xf32, #tpu.memory_space<vmem>>, vector<1x16xf32>,
      %swap3A_66 = arith.index_cast %scan3A_40 : i32 to index
      %swap3A_67 = arith.constant 80 : index
      %swap3A_68 = tpu.vector_load %arg9[%swap3A_66, %swap3A_67] {strides = array<i32>} : memref<128x128xf32, #tpu.memory_space<vmem>>, vector<1x16xf32>,
      %swap3A_69 = vector.shape_cast %swap3A_68 : vector<1x16xf32> to vector<16xf32>
      %swap3A_70 = vector.shape_cast %broadcast_in_dim3A_1 : vector<16xf32> to vector<1x16xf32>
      tpu.vector_store %arg9[%swap3A_66, %swap3A_67], %swap3A_70 {strides = array<i32>} : memref<128x128xf32, #tpu.memory_space<vmem>>, vector<1x16xf32>,
      %swap3A_71 = arith.index_cast %scan3A_40 : i32 to index
      %swap3A_72 = arith.constant 96 : index
      %swap3A_73 = tpu.vector_load %arg9[%swap3A_71, %swap3A_72] {strides = array<i32>} : memref<128x128xf32, #tpu.memory_space<vmem>>, vector<1x16xf32>,
      %swap3A_74 = vector.shape_cast %swap3A_73 : vector<1x16xf32> to vector<16xf32>
      %swap3A_75 = vector.shape_cast %broadcast_in_dim3A_1 : vector<16xf32> to vector<1x16xf32>
      tpu.vector_store %arg9[%swap3A_71, %swap3A_72], %swap3A_75 {strides = array<i32>} : memref<128x128xf32, #tpu.memory_space<vmem>>, vector<1x16xf32>,
      %swap3A_76 = arith.index_cast %scan3A_40 : i32 to index
      %swap3A_77 = arith.constant 112 : index
      %swap3A_78 = tpu.vector_load %arg9[%swap3A_76, %swap3A_77] {strides = array<i32>} : memref<128x128xf32, #tpu.memory_space<vmem>>, vector<1x16xf32>,
      %swap3A_79 = vector.shape_cast %swap3A_78 : vector<1x16xf32> to vector<16xf32>
      %swap3A_80 = vector.shape_cast %broadcast_in_dim3A_1 : vector<16xf32> to vector<1x16xf32>
      tpu.vector_store %arg9[%swap3A_76, %swap3A_77], %swap3A_80 {strides = array<i32>} : memref<128x128xf32, #tpu.memory_space<vmem>>, vector<1x16xf32>,
      %scan3A_81 = arith.constant 0 : i32
      scf.yield %scan3A_81 : i32
    }
    %scan3A_7 = arith.constant 128 : i32
    %mul3A_8 = arith.constant 640 : i32
    %mul3A_9 = arith.muli %arg1, %mul3A_8 : i32
    %add3A_10 = arith.constant 0 : i32
    %add3A_11 = arith.addi %mul3A_9, %add3A_10 : i32
    "tpu.region"() ({
      %run_scoped3A = tpu.sem_alloc : memref<!tpu.dma_semaphore, #tpu.memory_space<semaphore_mem>>
      %dma_start3A = arith.constant 0 : i32
      %dma_start3A_40 = tpu.memref_slice %arg6[%add3A_11, %dma_start3A] : memref<10240x128xf32, #tpu.memory_space<vmem_shared>> -> memref<128x128xf32, #tpu.memory_space<vmem_shared>>
      %dma_start3A_41 = arith.constant 0 : i32
      %dma_start3A_42 = tpu.memref_slice %arg6[%add3A_11, %dma_start3A_41] : memref<10240x128xf32, #tpu.memory_space<vmem_shared>> -> memref<128x128xf32, #tpu.memory_space<vmem_shared>>
      tpu.enqueue_dma source(%arg9 : memref<128x128xf32, #tpu.memory_space<vmem>>) target(%dma_start3A_42 : memref<128x128xf32, #tpu.memory_space<vmem_shared>>) target_semaphore(%run_scoped3A : memref<!tpu.dma_semaphore, #tpu.memory_space<semaphore_mem>>)
      %dma_wait3A = arith.constant 0 : i32
      %dma_wait3A_43 = tpu.memref_slice %arg6[%add3A_11, %dma_wait3A] : memref<10240x128xf32, #tpu.memory_space<vmem_shared>> -> memref<128x128xf32, #tpu.memory_space<vmem_shared>>
      %dma_wait3A_44 = arith.constant 0 : i32
      %dma_wait3A_45 = tpu.memref_slice %arg6[%add3A_11, %dma_wait3A_44] : memref<10240x128xf32, #tpu.memory_space<vmem_shared>> -> memref<128x128xf32, #tpu.memory_space<vmem_shared>>
      tpu.wait_dma2 semaphore(%run_scoped3A : memref<!tpu.dma_semaphore, #tpu.memory_space<semaphore_mem>>) src(%arg9 : memref<128x128xf32, #tpu.memory_space<vmem>>) dst(%dma_wait3A_45 : memref<128x128xf32, #tpu.memory_space<vmem_shared>>)
      tpu.yield
    }) : () -> ()
    %mul3A_12 = arith.constant 640 : i32
    %mul3A_13 = arith.muli %arg1, %mul3A_12 : i32
    %add3A_14 = arith.constant 128 : i32
    %add3A_15 = arith.addi %mul3A_13, %add3A_14 : i32
    "tpu.region"() ({
      %run_scoped3A = tpu.sem_alloc : memref<!tpu.dma_semaphore, #tpu.memory_space<semaphore_mem>>
      %dma_start3A = arith.constant 0 : i32
      %dma_start3A_40 = tpu.memref_slice %arg6[%add3A_15, %dma_start3A] : memref<10240x128xf32, #tpu.memory_space<vmem_shared>> -> memref<128x128xf32, #tpu.memory_space<vmem_shared>>
      %dma_start3A_41 = arith.constant 0 : i32
      %dma_start3A_42 = tpu.memref_slice %arg6[%add3A_15, %dma_start3A_41] : memref<10240x128xf32, #tpu.memory_space<vmem_shared>> -> memref<128x128xf32, #tpu.memory_space<vmem_shared>>
      tpu.enqueue_dma source(%arg9 : memref<128x128xf32, #tpu.memory_space<vmem>>) target(%dma_start3A_42 : memref<128x128xf32, #tpu.memory_space<vmem_shared>>) target_semaphore(%run_scoped3A : memref<!tpu.dma_semaphore, #tpu.memory_space<semaphore_mem>>)
      %dma_wait3A = arith.constant 0 : i32
      %dma_wait3A_43 = tpu.memref_slice %arg6[%add3A_15, %dma_wait3A] : memref<10240x128xf32, #tpu.memory_space<vmem_shared>> -> memref<128x128xf32, #tpu.memory_space<vmem_shared>>
      %dma_wait3A_44 = arith.constant 0 : i32
      %dma_wait3A_45 = tpu.memref_slice %arg6[%add3A_15, %dma_wait3A_44] : memref<10240x128xf32, #tpu.memory_space<vmem_shared>> -> memref<128x128xf32, #tpu.memory_space<vmem_shared>>
      tpu.wait_dma2 semaphore(%run_scoped3A : memref<!tpu.dma_semaphore, #tpu.memory_space<semaphore_mem>>) src(%arg9 : memref<128x128xf32, #tpu.memory_space<vmem>>) dst(%dma_wait3A_45 : memref<128x128xf32, #tpu.memory_space<vmem_shared>>)
      tpu.yield
    }) : () -> ()
    %mul3A_16 = arith.constant 640 : i32
    %mul3A_17 = arith.muli %arg1, %mul3A_16 : i32
    %add3A_18 = arith.constant 256 : i32
    %add3A_19 = arith.addi %mul3A_17, %add3A_18 : i32
    "tpu.region"() ({
      %run_scoped3A = tpu.sem_alloc : memref<!tpu.dma_semaphore, #tpu.memory_space<semaphore_mem>>
      %dma_start3A = arith.constant 0 : i32
      %dma_start3A_40 = tpu.memref_slice %arg6[%add3A_19, %dma_start3A] : memref<10240x128xf32, #tpu.memory_space<vmem_shared>> -> memref<128x128xf32, #tpu.memory_space<vmem_shared>>
      %dma_start3A_41 = arith.constant 0 : i32
      %dma_start3A_42 = tpu.memref_slice %arg6[%add3A_19, %dma_start3A_41] : memref<10240x128xf32, #tpu.memory_space<vmem_shared>> -> memref<128x128xf32, #tpu.memory_space<vmem_shared>>
      tpu.enqueue_dma source(%arg9 : memref<128x128xf32, #tpu.memory_space<vmem>>) target(%dma_start3A_42 : memref<128x128xf32, #tpu.memory_space<vmem_shared>>) target_semaphore(%run_scoped3A : memref<!tpu.dma_semaphore, #tpu.memory_space<semaphore_mem>>)
      %dma_wait3A = arith.constant 0 : i32
      %dma_wait3A_43 = tpu.memref_slice %arg6[%add3A_19, %dma_wait3A] : memref<10240x128xf32, #tpu.memory_space<vmem_shared>> -> memref<128x128xf32, #tpu.memory_space<vmem_shared>>
      %dma_wait3A_44 = arith.constant 0 : i32
      %dma_wait3A_45 = tpu.memref_slice %arg6[%add3A_19, %dma_wait3A_44] : memref<10240x128xf32, #tpu.memory_space<vmem_shared>> -> memref<128x128xf32, #tpu.memory_space<vmem_shared>>
      tpu.wait_dma2 semaphore(%run_scoped3A : memref<!tpu.dma_semaphore, #tpu.memory_space<semaphore_mem>>) src(%arg9 : memref<128x128xf32, #tpu.memory_space<vmem>>) dst(%dma_wait3A_45 : memref<128x128xf32, #tpu.memory_space<vmem_shared>>)
      tpu.yield
    }) : () -> ()
    %mul3A_20 = arith.constant 640 : i32
    %mul3A_21 = arith.muli %arg1, %mul3A_20 : i32
    %add3A_22 = arith.constant 384 : i32
    %add3A_23 = arith.addi %mul3A_21, %add3A_22 : i32
    "tpu.region"() ({
      %run_scoped3A = tpu.sem_alloc : memref<!tpu.dma_semaphore, #tpu.memory_space<semaphore_mem>>
      %dma_start3A = arith.constant 0 : i32
      %dma_start3A_40 = tpu.memref_slice %arg6[%add3A_23, %dma_start3A] : memref<10240x128xf32, #tpu.memory_space<vmem_shared>> -> memref<128x128xf32, #tpu.memory_space<vmem_shared>>
      %dma_start3A_41 = arith.constant 0 : i32
      %dma_start3A_42 = tpu.memref_slice %arg6[%add3A_23, %dma_start3A_41] : memref<10240x128xf32, #tpu.memory_space<vmem_shared>> -> memref<128x128xf32, #tpu.memory_space<vmem_shared>>
      tpu.enqueue_dma source(%arg9 : memref<128x128xf32, #tpu.memory_space<vmem>>) target(%dma_start3A_42 : memref<128x128xf32, #tpu.memory_space<vmem_shared>>) target_semaphore(%run_scoped3A : memref<!tpu.dma_semaphore, #tpu.memory_space<semaphore_mem>>)
      %dma_wait3A = arith.constant 0 : i32
      %dma_wait3A_43 = tpu.memref_slice %arg6[%add3A_23, %dma_wait3A] : memref<10240x128xf32, #tpu.memory_space<vmem_shared>> -> memref<128x128xf32, #tpu.memory_space<vmem_shared>>
      %dma_wait3A_44 = arith.constant 0 : i32
      %dma_wait3A_45 = tpu.memref_slice %arg6[%add3A_23, %dma_wait3A_44] : memref<10240x128xf32, #tpu.memory_space<vmem_shared>> -> memref<128x128xf32, #tpu.memory_space<vmem_shared>>
      tpu.wait_dma2 semaphore(%run_scoped3A : memref<!tpu.dma_semaphore, #tpu.memory_space<semaphore_mem>>) src(%arg9 : memref<128x128xf32, #tpu.memory_space<vmem>>) dst(%dma_wait3A_45 : memref<128x128xf32, #tpu.memory_space<vmem_shared>>)
      tpu.yield
    }) : () -> ()
    %mul3A_24 = arith.constant 640 : i32
    %mul3A_25 = arith.muli %arg1, %mul3A_24 : i32
    %add3A_26 = arith.constant 512 : i32
    %add3A_27 = arith.addi %mul3A_25, %add3A_26 : i32
    "tpu.region"() ({
      %run_scoped3A = tpu.sem_alloc : memref<!tpu.dma_semaphore, #tpu.memory_space<semaphore_mem>>
      %dma_start3A = arith.constant 0 : i32
      %dma_start3A_40 = tpu.memref_slice %arg6[%add3A_27, %dma_start3A] : memref<10240x128xf32, #tpu.memory_space<vmem_shared>> -> memref<128x128xf32, #tpu.memory_space<vmem_shared>>
      %dma_start3A_41 = arith.constant 0 : i32
      %dma_start3A_42 = tpu.memref_slice %arg6[%add3A_27, %dma_start3A_41] : memref<10240x128xf32, #tpu.memory_space<vmem_shared>> -> memref<128x128xf32, #tpu.memory_space<vmem_shared>>
      tpu.enqueue_dma source(%arg9 : memref<128x128xf32, #tpu.memory_space<vmem>>) target(%dma_start3A_42 : memref<128x128xf32, #tpu.memory_space<vmem_shared>>) target_semaphore(%run_scoped3A : memref<!tpu.dma_semaphore, #tpu.memory_space<semaphore_mem>>)
      %dma_wait3A = arith.constant 0 : i32
      %dma_wait3A_43 = tpu.memref_slice %arg6[%add3A_27, %dma_wait3A] : memref<10240x128xf32, #tpu.memory_space<vmem_shared>> -> memref<128x128xf32, #tpu.memory_space<vmem_shared>>
      %dma_wait3A_44 = arith.constant 0 : i32
      %dma_wait3A_45 = tpu.memref_slice %arg6[%add3A_27, %dma_wait3A_44] : memref<10240x128xf32, #tpu.memory_space<vmem_shared>> -> memref<128x128xf32, #tpu.memory_space<vmem_shared>>
      tpu.wait_dma2 semaphore(%run_scoped3A : memref<!tpu.dma_semaphore, #tpu.memory_space<semaphore_mem>>) src(%arg9 : memref<128x128xf32, #tpu.memory_space<vmem>>) dst(%dma_wait3A_45 : memref<128x128xf32, #tpu.memory_space<vmem_shared>>)
      tpu.yield
    }) : () -> ()
    %barrier3A = arith.constant 0 : index
    tpu.barrier barrier_id(%barrier3A)
    %scan3A_28 = arith.constant 0 : i32
    %scan3A_29 = arith.constant 0 : i32
    %scan3A_30 = arith.constant 10 : i32
    %scan3A_31 = arith.addi %scan3A_29, %scan3A_30 : i32
    %scan3A_32 = arith.constant 1 : i32
    %scan3A_33 = scf.for %scan3A_40 = %scan3A_29 to %scan3A_31 step %scan3A_32 iter_args(%scan3A_41 = %scan3A_28) -> (i32)  : i32 {
      %mul3A_42 = arith.constant 80 : i32
      %mul3A_43 = arith.muli %add3A, %mul3A_42 : i32
      %mul3A_44 = arith.constant 8 : i32
      %mul3A_45 = arith.muli %scan3A_40, %mul3A_44 : i32
      %add3A_46 = arith.addi %mul3A_43, %mul3A_45 : i32
      "tpu.region"() ({
        %run_scoped3A_378 = tpu.sem_alloc : memref<!tpu.dma_semaphore, #tpu.memory_space<semaphore_mem>>
        %dma_start3A_379 = arith.constant 0 : i32
        %dma_start3A_380 = tpu.memref_slice %arg3[%add3A_46, %dma_start3A_379] : memref<2560x128xi32, #tpu.memory_space<hbm>> -> memref<8x128xi32, #tpu.memory_space<hbm>>
        %dma_start3A_381 = arith.constant 0 : i32
        %dma_start3A_382 = tpu.memref_slice %arg3[%add3A_46, %dma_start3A_381] : memref<2560x128xi32, #tpu.memory_space<hbm>> -> memref<8x128xi32, #tpu.memory_space<hbm>>
        tpu.enqueue_dma source(%dma_start3A_382 : memref<8x128xi32, #tpu.memory_space<hbm>>) target(%arg7 : memref<8x128xi32, #tpu.memory_space<vmem>>) target_semaphore(%run_scoped3A_378 : memref<!tpu.dma_semaphore, #tpu.memory_space<semaphore_mem>>)
        %dma_wait3A_383 = arith.constant 0 : i32
        %dma_wait3A_384 = tpu.memref_slice %arg3[%add3A_46, %dma_wait3A_383] : memref<2560x128xi32, #tpu.memory_space<hbm>> -> memref<8x128xi32, #tpu.memory_space<hbm>>
        %dma_wait3A_385 = arith.constant 0 : i32
        %dma_wait3A_386 = tpu.memref_slice %arg3[%add3A_46, %dma_wait3A_385] : memref<2560x128xi32, #tpu.memory_space<hbm>> -> memref<8x128xi32, #tpu.memory_space<hbm>>
        tpu.wait_dma2 semaphore(%run_scoped3A_378 : memref<!tpu.dma_semaphore, #tpu.memory_space<semaphore_mem>>) src(%dma_wait3A_386 : memref<8x128xi32, #tpu.memory_space<hbm>>) dst(%arg7 : memref<8x128xi32, #tpu.memory_space<vmem>>)
        tpu.yield
      }) : () -> ()
      %mul3A_47 = arith.constant 80 : i32
      %mul3A_48 = arith.muli %add3A, %mul3A_47 : i32
      %mul3A_49 = arith.constant 8 : i32
      %mul3A_50 = arith.muli %scan3A_40, %mul3A_49 : i32
      %add3A_51 = arith.addi %mul3A_48, %mul3A_50 : i32
      "tpu.region"() ({
        %run_scoped3A_378 = tpu.sem_alloc : memref<!tpu.dma_semaphore, #tpu.memory_space<semaphore_mem>>
        %dma_start3A_379 = arith.constant 0 : i32
        %dma_start3A_380 = tpu.memref_slice %arg4[%add3A_51, %dma_start3A_379] : memref<2560x128xi32, #tpu.memory_space<hbm>> -> memref<8x128xi32, #tpu.memory_space<hbm>>
        %dma_start3A_381 = arith.constant 0 : i32
        %dma_start3A_382 = tpu.memref_slice %arg4[%add3A_51, %dma_start3A_381] : memref<2560x128xi32, #tpu.memory_space<hbm>> -> memref<8x128xi32, #tpu.memory_space<hbm>>
        tpu.enqueue_dma source(%dma_start3A_382 : memref<8x128xi32, #tpu.memory_space<hbm>>) target(%arg8 : memref<8x128xi32, #tpu.memory_space<vmem>>) target_semaphore(%run_scoped3A_378 : memref<!tpu.dma_semaphore, #tpu.memory_space<semaphore_mem>>)
        %dma_wait3A_383 = arith.constant 0 : i32
        %dma_wait3A_384 = tpu.memref_slice %arg4[%add3A_51, %dma_wait3A_383] : memref<2560x128xi32, #tpu.memory_space<hbm>> -> memref<8x128xi32, #tpu.memory_space<hbm>>
        %dma_wait3A_385 = arith.constant 0 : i32
        %dma_wait3A_386 = tpu.memref_slice %arg4[%add3A_51, %dma_wait3A_385] : memref<2560x128xi32, #tpu.memory_space<hbm>> -> memref<8x128xi32, #tpu.memory_space<hbm>>
        tpu.wait_dma2 semaphore(%run_scoped3A_378 : memref<!tpu.dma_semaphore, #tpu.memory_space<semaphore_mem>>) src(%dma_wait3A_386 : memref<8x128xi32, #tpu.memory_space<hbm>>) dst(%arg8 : memref<8x128xi32, #tpu.memory_space<vmem>>)
        tpu.yield
      }) : () -> ()
      %dma_start3A = arith.constant 0 : i32
      %dma_start3A_52 = arith.constant 0 : i32
      %dma_start3A_53 = arith.constant 0 : i32
      %dma_start3A_54 = tpu.memref_slice %arg9[%dma_start3A_52, %dma_start3A_53] : memref<128x128xf32, #tpu.memory_space<vmem>> -> memref<64x128xf32, #tpu.memory_space<vmem>>
      %dma_start3A_55 = arith.constant 0 : i32
      %dma_start3A_56 = tpu.memref_slice %arg7[%dma_start3A, %dma_start3A_55] : memref<8x128xi32, #tpu.memory_space<vmem>> -> memref<1x64xi32, #tpu.memory_space<vmem>>
      %dma_start3A_57 = tpu.memref_squeeze %dma_start3A_56 : memref<1x64xi32, #tpu.memory_space<vmem>> -> memref<64xi32, #tpu.memory_space<vmem>>
      %dma_start3A_58 = arith.constant 0 : i32
      %dma_start3A_59 = arith.constant 0 : i32
      %dma_start3A_60 = tpu.memref_slice %arg2[%dma_start3A_58, %dma_start3A_59] : memref<10240x128xf32, #tpu.memory_space<hbm>> -> memref<10240x128xf32, #tpu.memory_space<hbm>>
      tpu.enqueue_indirect_dma source(%dma_start3A_60 : memref<10240x128xf32, #tpu.memory_space<hbm>>) target(%dma_start3A_54 : memref<64x128xf32, #tpu.memory_space<vmem>>) offsets(%dma_start3A_57 : memref<64xi32, #tpu.memory_space<vmem>>) semaphore(%arg11 : memref<!tpu.dma_semaphore, #tpu.memory_space<semaphore_mem>>)
      %dma_start3A_61 = arith.constant 0 : i32
      %dma_start3A_62 = arith.constant 64 : i32
      %dma_start3A_63 = arith.constant 0 : i32
      %dma_start3A_64 = tpu.memref_slice %arg9[%dma_start3A_62, %dma_start3A_63] : memref<128x128xf32, #tpu.memory_space<vmem>> -> memref<64x128xf32, #tpu.memory_space<vmem>>
      %dma_start3A_65 = arith.constant 64 : i32
      %dma_start3A_66 = tpu.memref_slice %arg7[%dma_start3A_61, %dma_start3A_65] : memref<8x128xi32, #tpu.memory_space<vmem>> -> memref<1x64xi32, #tpu.memory_space<vmem>>
      %dma_start3A_67 = tpu.memref_squeeze %dma_start3A_66 : memref<1x64xi32, #tpu.memory_space<vmem>> -> memref<64xi32, #tpu.memory_space<vmem>>
      %dma_start3A_68 = arith.constant 0 : i32
      %dma_start3A_69 = arith.constant 0 : i32
      %dma_start3A_70 = tpu.memref_slice %arg2[%dma_start3A_68, %dma_start3A_69] : memref<10240x128xf32, #tpu.memory_space<hbm>> -> memref<10240x128xf32, #tpu.memory_space<hbm>>
      tpu.enqueue_indirect_dma source(%dma_start3A_70 : memref<10240x128xf32, #tpu.memory_space<hbm>>) target(%dma_start3A_64 : memref<64x128xf32, #tpu.memory_space<vmem>>) offsets(%dma_start3A_67 : memref<64xi32, #tpu.memory_space<vmem>>) semaphore(%arg12 : memref<!tpu.dma_semaphore, #tpu.memory_space<semaphore_mem>>)
      %dma_start3A_71 = arith.constant 1 : i32
      %dma_start3A_72 = arith.constant 0 : i32
      %dma_start3A_73 = arith.constant 0 : i32
      %dma_start3A_74 = tpu.memref_slice %arg10[%dma_start3A_72, %dma_start3A_73] : memref<128x128xf32, #tpu.memory_space<vmem>> -> memref<64x128xf32, #tpu.memory_space<vmem>>
      %dma_start3A_75 = arith.constant 0 : i32
      %dma_start3A_76 = tpu.memref_slice %arg7[%dma_start3A_71, %dma_start3A_75] : memref<8x128xi32, #tpu.memory_space<vmem>> -> memref<1x64xi32, #tpu.memory_space<vmem>>
      %dma_start3A_77 = tpu.memref_squeeze %dma_start3A_76 : memref<1x64xi32, #tpu.memory_space<vmem>> -> memref<64xi32, #tpu.memory_space<vmem>>
      %dma_start3A_78 = arith.constant 0 : i32
      %dma_start3A_79 = arith.constant 0 : i32
      %dma_start3A_80 = tpu.memref_slice %arg2[%dma_start3A_78, %dma_start3A_79] : memref<10240x128xf32, #tpu.memory_space<hbm>> -> memref<10240x128xf32, #tpu.memory_space<hbm>>
      tpu.enqueue_indirect_dma source(%dma_start3A_80 : memref<10240x128xf32, #tpu.memory_space<hbm>>) target(%dma_start3A_74 : memref<64x128xf32, #tpu.memory_space<vmem>>) offsets(%dma_start3A_77 : memref<64xi32, #tpu.memory_space<vmem>>) semaphore(%arg13 : memref<!tpu.dma_semaphore, #tpu.memory_space<semaphore_mem>>)
      %dma_start3A_81 = arith.constant 1 : i32
      %dma_start3A_82 = arith.constant 64 : i32
      %dma_start3A_83 = arith.constant 0 : i32
      %dma_start3A_84 = tpu.memref_slice %arg10[%dma_start3A_82, %dma_start3A_83] : memref<128x128xf32, #tpu.memory_space<vmem>> -> memref<64x128xf32, #tpu.memory_space<vmem>>
      %dma_start3A_85 = arith.constant 64 : i32
      %dma_start3A_86 = tpu.memref_slice %arg7[%dma_start3A_81, %dma_start3A_85] : memref<8x128xi32, #tpu.memory_space<vmem>> -> memref<1x64xi32, #tpu.memory_space<vmem>>
      %dma_start3A_87 = tpu.memref_squeeze %dma_start3A_86 : memref<1x64xi32, #tpu.memory_space<vmem>> -> memref<64xi32, #tpu.memory_space<vmem>>
      %dma_start3A_88 = arith.constant 0 : i32
      %dma_start3A_89 = arith.constant 0 : i32
      %dma_start3A_90 = tpu.memref_slice %arg2[%dma_start3A_88, %dma_start3A_89] : memref<10240x128xf32, #tpu.memory_space<hbm>> -> memref<10240x128xf32, #tpu.memory_space<hbm>>
      tpu.enqueue_indirect_dma source(%dma_start3A_90 : memref<10240x128xf32, #tpu.memory_space<hbm>>) target(%dma_start3A_84 : memref<64x128xf32, #tpu.memory_space<vmem>>) offsets(%dma_start3A_87 : memref<64xi32, #tpu.memory_space<vmem>>) semaphore(%arg14 : memref<!tpu.dma_semaphore, #tpu.memory_space<semaphore_mem>>)
      %dma_wait3A = arith.constant 0 : i32
      %dma_wait3A_91 = arith.constant 0 : i32
      %dma_wait3A_92 = arith.constant 0 : i32
      %dma_wait3A_93 = tpu.memref_slice %arg9[%dma_wait3A_91, %dma_wait3A_92] : memref<128x128xf32, #tpu.memory_space<vmem>> -> memref<64x128xf32, #tpu.memory_space<vmem>>
      %dma_wait3A_94 = arith.constant 0 : i32
      %dma_wait3A_95 = tpu.memref_slice %arg7[%dma_wait3A, %dma_wait3A_94] : memref<8x128xi32, #tpu.memory_space<vmem>> -> memref<1x64xi32, #tpu.memory_space<vmem>>
      %dma_wait3A_96 = tpu.memref_squeeze %dma_wait3A_95 : memref<1x64xi32, #tpu.memory_space<vmem>> -> memref<64xi32, #tpu.memory_space<vmem>>
      %dma_wait3A_97 = arith.constant 0 : i32
      %dma_wait3A_98 = arith.constant 0 : i32
      %dma_wait3A_99 = tpu.memref_slice %arg2[%dma_wait3A_97, %dma_wait3A_98] : memref<10240x128xf32, #tpu.memory_space<hbm>> -> memref<10240x128xf32, #tpu.memory_space<hbm>>
      tpu.wait_indirect_dma semaphore(%arg11 : memref<!tpu.dma_semaphore, #tpu.memory_space<semaphore_mem>>) src(%dma_wait3A_99 : memref<10240x128xf32, #tpu.memory_space<hbm>>) dst(%dma_wait3A_93 : memref<64x128xf32, #tpu.memory_space<vmem>>)
      %dma_wait3A_100 = arith.constant 0 : i32
      %dma_wait3A_101 = arith.constant 64 : i32
      %dma_wait3A_102 = arith.constant 0 : i32
      %dma_wait3A_103 = tpu.memref_slice %arg9[%dma_wait3A_101, %dma_wait3A_102] : memref<128x128xf32, #tpu.memory_space<vmem>> -> memref<64x128xf32, #tpu.memory_space<vmem>>
      %dma_wait3A_104 = arith.constant 64 : i32
      %dma_wait3A_105 = tpu.memref_slice %arg7[%dma_wait3A_100, %dma_wait3A_104] : memref<8x128xi32, #tpu.memory_space<vmem>> -> memref<1x64xi32, #tpu.memory_space<vmem>>
      %dma_wait3A_106 = tpu.memref_squeeze %dma_wait3A_105 : memref<1x64xi32, #tpu.memory_space<vmem>> -> memref<64xi32, #tpu.memory_space<vmem>>
      %dma_wait3A_107 = arith.constant 0 : i32
      %dma_wait3A_108 = arith.constant 0 : i32
      %dma_wait3A_109 = tpu.memref_slice %arg2[%dma_wait3A_107, %dma_wait3A_108] : memref<10240x128xf32, #tpu.memory_space<hbm>> -> memref<10240x128xf32, #tpu.memory_space<hbm>>
      tpu.wait_indirect_dma semaphore(%arg12 : memref<!tpu.dma_semaphore, #tpu.memory_space<semaphore_mem>>) src(%dma_wait3A_109 : memref<10240x128xf32, #tpu.memory_space<hbm>>) dst(%dma_wait3A_103 : memref<64x128xf32, #tpu.memory_space<vmem>>)
      %run_scoped3A = arith.constant 0 : i32
      "tpu.region"() ({
        %run_scoped3A_378 = tpu.sem_alloc : memref<!tpu.dma_semaphore, #tpu.memory_space<semaphore_mem>>
        %dma_start3A_379 = arith.constant 0 : i32
        %dma_start3A_380 = tpu.memref_slice %arg8[%run_scoped3A, %dma_start3A_379] : memref<8x128xi32, #tpu.memory_space<vmem>> -> memref<1x128xi32, #tpu.memory_space<vmem>>
        %dma_start3A_381 = tpu.memref_squeeze %dma_start3A_380 : memref<1x128xi32, #tpu.memory_space<vmem>> -> memref<128xi32, #tpu.memory_space<vmem>>
        %dma_start3A_382 = arith.constant 0 : i32
        %dma_start3A_383 = arith.constant 0 : i32
        %dma_start3A_384 = tpu.memref_slice %arg6[%dma_start3A_382, %dma_start3A_383] : memref<10240x128xf32, #tpu.memory_space<vmem_shared>> -> memref<10240x128xf32, #tpu.memory_space<vmem_shared>>
        tpu.enqueue_indirect_dma source(%arg9 : memref<128x128xf32, #tpu.memory_space<vmem>>) target(%dma_start3A_384 : memref<10240x128xf32, #tpu.memory_space<vmem_shared>>) offsets(%dma_start3A_381 : memref<128xi32, #tpu.memory_space<vmem>>) semaphore(%run_scoped3A_378 : memref<!tpu.dma_semaphore, #tpu.memory_space<semaphore_mem>>) {add = true}
        %dma_wait3A_385 = arith.constant 0 : i32
        %dma_wait3A_386 = tpu.memref_slice %arg8[%run_scoped3A, %dma_wait3A_385] : memref<8x128xi32, #tpu.memory_space<vmem>> -> memref<1x128xi32, #tpu.memory_space<vmem>>
        %dma_wait3A_387 = tpu.memref_squeeze %dma_wait3A_386 : memref<1x128xi32, #tpu.memory_space<vmem>> -> memref<128xi32, #tpu.memory_space<vmem>>
        %dma_wait3A_388 = arith.constant 0 : i32
        %dma_wait3A_389 = arith.constant 0 : i32
        %dma_wait3A_390 = tpu.memref_slice %arg6[%dma_wait3A_388, %dma_wait3A_389] : memref<10240x128xf32, #tpu.memory_space<vmem_shared>> -> memref<10240x128xf32, #tpu.memory_space<vmem_shared>>
        tpu.wait_indirect_dma semaphore(%run_scoped3A_378 : memref<!tpu.dma_semaphore, #tpu.memory_space<semaphore_mem>>) src(%arg9 : memref<128x128xf32, #tpu.memory_space<vmem>>) dst(%dma_wait3A_390 : memref<10240x128xf32, #tpu.memory_space<vmem_shared>>)
        tpu.yield
      }) : () -> ()
      %dma_start3A_110 = arith.constant 2 : i32
      %dma_start3A_111 = arith.constant 0 : i32
      %dma_start3A_112 = arith.constant 0 : i32
      %dma_start3A_113 = tpu.memref_slice %arg9[%dma_start3A_111, %dma_start3A_112] : memref<128x128xf32, #tpu.memory_space<vmem>> -> memref<64x128xf32, #tpu.memory_space<vmem>>
      %dma_start3A_114 = arith.constant 0 : i32
      %dma_start3A_115 = tpu.memref_slice %arg7[%dma_start3A_110, %dma_start3A_114] : memref<8x128xi32, #tpu.memory_space<vmem>> -> memref<1x64xi32, #tpu.memory_space<vmem>>
      %dma_start3A_116 = tpu.memref_squeeze %dma_start3A_115 : memref<1x64xi32, #tpu.memory_space<vmem>> -> memref<64xi32, #tpu.memory_space<vmem>>
      %dma_start3A_117 = arith.constant 0 : i32
      %dma_start3A_118 = arith.constant 0 : i32
      %dma_start3A_119 = tpu.memref_slice %arg2[%dma_start3A_117, %dma_start3A_118] : memref<10240x128xf32, #tpu.memory_space<hbm>> -> memref<10240x128xf32, #tpu.memory_space<hbm>>
      tpu.enqueue_indirect_dma source(%dma_start3A_119 : memref<10240x128xf32, #tpu.memory_space<hbm>>) target(%dma_start3A_113 : memref<64x128xf32, #tpu.memory_space<vmem>>) offsets(%dma_start3A_116 : memref<64xi32, #tpu.memory_space<vmem>>) semaphore(%arg11 : memref<!tpu.dma_semaphore, #tpu.memory_space<semaphore_mem>>)
      %dma_start3A_120 = arith.constant 2 : i32
      %dma_start3A_121 = arith.constant 64 : i32
      %dma_start3A_122 = arith.constant 0 : i32
      %dma_start3A_123 = tpu.memref_slice %arg9[%dma_start3A_121, %dma_start3A_122] : memref<128x128xf32, #tpu.memory_space<vmem>> -> memref<64x128xf32, #tpu.memory_space<vmem>>
      %dma_start3A_124 = arith.constant 64 : i32
      %dma_start3A_125 = tpu.memref_slice %arg7[%dma_start3A_120, %dma_start3A_124] : memref<8x128xi32, #tpu.memory_space<vmem>> -> memref<1x64xi32, #tpu.memory_space<vmem>>
      %dma_start3A_126 = tpu.memref_squeeze %dma_start3A_125 : memref<1x64xi32, #tpu.memory_space<vmem>> -> memref<64xi32, #tpu.memory_space<vmem>>
      %dma_start3A_127 = arith.constant 0 : i32
      %dma_start3A_128 = arith.constant 0 : i32
      %dma_start3A_129 = tpu.memref_slice %arg2[%dma_start3A_127, %dma_start3A_128] : memref<10240x128xf32, #tpu.memory_space<hbm>> -> memref<10240x128xf32, #tpu.memory_space<hbm>>
      tpu.enqueue_indirect_dma source(%dma_start3A_129 : memref<10240x128xf32, #tpu.memory_space<hbm>>) target(%dma_start3A_123 : memref<64x128xf32, #tpu.memory_space<vmem>>) offsets(%dma_start3A_126 : memref<64xi32, #tpu.memory_space<vmem>>) semaphore(%arg12 : memref<!tpu.dma_semaphore, #tpu.memory_space<semaphore_mem>>)
      %dma_wait3A_130 = arith.constant 1 : i32
      %dma_wait3A_131 = arith.constant 0 : i32
      %dma_wait3A_132 = arith.constant 0 : i32
      %dma_wait3A_133 = tpu.memref_slice %arg10[%dma_wait3A_131, %dma_wait3A_132] : memref<128x128xf32, #tpu.memory_space<vmem>> -> memref<64x128xf32, #tpu.memory_space<vmem>>
      %dma_wait3A_134 = arith.constant 0 : i32
      %dma_wait3A_135 = tpu.memref_slice %arg7[%dma_wait3A_130, %dma_wait3A_134] : memref<8x128xi32, #tpu.memory_space<vmem>> -> memref<1x64xi32, #tpu.memory_space<vmem>>
      %dma_wait3A_136 = tpu.memref_squeeze %dma_wait3A_135 : memref<1x64xi32, #tpu.memory_space<vmem>> -> memref<64xi32, #tpu.memory_space<vmem>>
      %dma_wait3A_137 = arith.constant 0 : i32
      %dma_wait3A_138 = arith.constant 0 : i32
      %dma_wait3A_139 = tpu.memref_slice %arg2[%dma_wait3A_137, %dma_wait3A_138] : memref<10240x128xf32, #tpu.memory_space<hbm>> -> memref<10240x128xf32, #tpu.memory_space<hbm>>
      tpu.wait_indirect_dma semaphore(%arg13 : memref<!tpu.dma_semaphore, #tpu.memory_space<semaphore_mem>>) src(%dma_wait3A_139 : memref<10240x128xf32, #tpu.memory_space<hbm>>) dst(%dma_wait3A_133 : memref<64x128xf32, #tpu.memory_space<vmem>>)
      %dma_wait3A_140 = arith.constant 1 : i32
      %dma_wait3A_141 = arith.constant 64 : i32
      %dma_wait3A_142 = arith.constant 0 : i32
      %dma_wait3A_143 = tpu.memref_slice %arg10[%dma_wait3A_141, %dma_wait3A_142] : memref<128x128xf32, #tpu.memory_space<vmem>> -> memref<64x128xf32, #tpu.memory_space<vmem>>
      %dma_wait3A_144 = arith.constant 64 : i32
      %dma_wait3A_145 = tpu.memref_slice %arg7[%dma_wait3A_140, %dma_wait3A_144] : memref<8x128xi32, #tpu.memory_space<vmem>> -> memref<1x64xi32, #tpu.memory_space<vmem>>
      %dma_wait3A_146 = tpu.memref_squeeze %dma_wait3A_145 : memref<1x64xi32, #tpu.memory_space<vmem>> -> memref<64xi32, #tpu.memory_space<vmem>>
      %dma_wait3A_147 = arith.constant 0 : i32
      %dma_wait3A_148 = arith.constant 0 : i32
      %dma_wait3A_149 = tpu.memref_slice %arg2[%dma_wait3A_147, %dma_wait3A_148] : memref<10240x128xf32, #tpu.memory_space<hbm>> -> memref<10240x128xf32, #tpu.memory_space<hbm>>
      tpu.wait_indirect_dma semaphore(%arg14 : memref<!tpu.dma_semaphore, #tpu.memory_space<semaphore_mem>>) src(%dma_wait3A_149 : memref<10240x128xf32, #tpu.memory_space<hbm>>) dst(%dma_wait3A_143 : memref<64x128xf32, #tpu.memory_space<vmem>>)
      %run_scoped3A_150 = arith.constant 1 : i32
      "tpu.region"() ({
        %run_scoped3A_378 = tpu.sem_alloc : memref<!tpu.dma_semaphore, #tpu.memory_space<semaphore_mem>>
        %dma_start3A_379 = arith.constant 0 : i32
        %dma_start3A_380 = tpu.memref_slice %arg8[%run_scoped3A_150, %dma_start3A_379] : memref<8x128xi32, #tpu.memory_space<vmem>> -> memref<1x128xi32, #tpu.memory_space<vmem>>
        %dma_start3A_381 = tpu.memref_squeeze %dma_start3A_380 : memref<1x128xi32, #tpu.memory_space<vmem>> -> memref<128xi32, #tpu.memory_space<vmem>>
        %dma_start3A_382 = arith.constant 0 : i32
        %dma_start3A_383 = arith.constant 0 : i32
        %dma_start3A_384 = tpu.memref_slice %arg6[%dma_start3A_382, %dma_start3A_383] : memref<10240x128xf32, #tpu.memory_space<vmem_shared>> -> memref<10240x128xf32, #tpu.memory_space<vmem_shared>>
        tpu.enqueue_indirect_dma source(%arg10 : memref<128x128xf32, #tpu.memory_space<vmem>>) target(%dma_start3A_384 : memref<10240x128xf32, #tpu.memory_space<vmem_shared>>) offsets(%dma_start3A_381 : memref<128xi32, #tpu.memory_space<vmem>>) semaphore(%run_scoped3A_378 : memref<!tpu.dma_semaphore, #tpu.memory_space<semaphore_mem>>) {add = true}
        %dma_wait3A_385 = arith.constant 0 : i32
        %dma_wait3A_386 = tpu.memref_slice %arg8[%run_scoped3A_150, %dma_wait3A_385] : memref<8x128xi32, #tpu.memory_space<vmem>> -> memref<1x128xi32, #tpu.memory_space<vmem>>
        %dma_wait3A_387 = tpu.memref_squeeze %dma_wait3A_386 : memref<1x128xi32, #tpu.memory_space<vmem>> -> memref<128xi32, #tpu.memory_space<vmem>>
        %dma_wait3A_388 = arith.constant 0 : i32
        %dma_wait3A_389 = arith.constant 0 : i32
        %dma_wait3A_390 = tpu.memref_slice %arg6[%dma_wait3A_388, %dma_wait3A_389] : memref<10240x128xf32, #tpu.memory_space<vmem_shared>> -> memref<10240x128xf32, #tpu.memory_space<vmem_shared>>
        tpu.wait_indirect_dma semaphore(%run_scoped3A_378 : memref<!tpu.dma_semaphore, #tpu.memory_space<semaphore_mem>>) src(%arg10 : memref<128x128xf32, #tpu.memory_space<vmem>>) dst(%dma_wait3A_390 : memref<10240x128xf32, #tpu.memory_space<vmem_shared>>)
        tpu.yield
      }) : () -> ()
      %dma_start3A_151 = arith.constant 3 : i32
      %dma_start3A_152 = arith.constant 0 : i32
      %dma_start3A_153 = arith.constant 0 : i32
      %dma_start3A_154 = tpu.memref_slice %arg10[%dma_start3A_152, %dma_start3A_153] : memref<128x128xf32, #tpu.memory_space<vmem>> -> memref<64x128xf32, #tpu.memory_space<vmem>>
      %dma_start3A_155 = arith.constant 0 : i32
      %dma_start3A_156 = tpu.memref_slice %arg7[%dma_start3A_151, %dma_start3A_155] : memref<8x128xi32, #tpu.memory_space<vmem>> -> memref<1x64xi32, #tpu.memory_space<vmem>>
      %dma_start3A_157 = tpu.memref_squeeze %dma_start3A_156 : memref<1x64xi32, #tpu.memory_space<vmem>> -> memref<64xi32, #tpu.memory_space<vmem>>
      %dma_start3A_158 = arith.constant 0 : i32
      %dma_start3A_159 = arith.constant 0 : i32
      %dma_start3A_160 = tpu.memref_slice %arg2[%dma_start3A_158, %dma_start3A_159] : memref<10240x128xf32, #tpu.memory_space<hbm>> -> memref<10240x128xf32, #tpu.memory_space<hbm>>
      tpu.enqueue_indirect_dma source(%dma_start3A_160 : memref<10240x128xf32, #tpu.memory_space<hbm>>) target(%dma_start3A_154 : memref<64x128xf32, #tpu.memory_space<vmem>>) offsets(%dma_start3A_157 : memref<64xi32, #tpu.memory_space<vmem>>) semaphore(%arg13 : memref<!tpu.dma_semaphore, #tpu.memory_space<semaphore_mem>>)
      %dma_start3A_161 = arith.constant 3 : i32
      %dma_start3A_162 = arith.constant 64 : i32
      %dma_start3A_163 = arith.constant 0 : i32
      %dma_start3A_164 = tpu.memref_slice %arg10[%dma_start3A_162, %dma_start3A_163] : memref<128x128xf32, #tpu.memory_space<vmem>> -> memref<64x128xf32, #tpu.memory_space<vmem>>
      %dma_start3A_165 = arith.constant 64 : i32
      %dma_start3A_166 = tpu.memref_slice %arg7[%dma_start3A_161, %dma_start3A_165] : memref<8x128xi32, #tpu.memory_space<vmem>> -> memref<1x64xi32, #tpu.memory_space<vmem>>
      %dma_start3A_167 = tpu.memref_squeeze %dma_start3A_166 : memref<1x64xi32, #tpu.memory_space<vmem>> -> memref<64xi32, #tpu.memory_space<vmem>>
      %dma_start3A_168 = arith.constant 0 : i32
      %dma_start3A_169 = arith.constant 0 : i32
      %dma_start3A_170 = tpu.memref_slice %arg2[%dma_start3A_168, %dma_start3A_169] : memref<10240x128xf32, #tpu.memory_space<hbm>> -> memref<10240x128xf32, #tpu.memory_space<hbm>>
      tpu.enqueue_indirect_dma source(%dma_start3A_170 : memref<10240x128xf32, #tpu.memory_space<hbm>>) target(%dma_start3A_164 : memref<64x128xf32, #tpu.memory_space<vmem>>) offsets(%dma_start3A_167 : memref<64xi32, #tpu.memory_space<vmem>>) semaphore(%arg14 : memref<!tpu.dma_semaphore, #tpu.memory_space<semaphore_mem>>)
      %dma_wait3A_171 = arith.constant 2 : i32
      %dma_wait3A_172 = arith.constant 0 : i32
      %dma_wait3A_173 = arith.constant 0 : i32
      %dma_wait3A_174 = tpu.memref_slice %arg9[%dma_wait3A_172, %dma_wait3A_173] : memref<128x128xf32, #tpu.memory_space<vmem>> -> memref<64x128xf32, #tpu.memory_space<vmem>>
      %dma_wait3A_175 = arith.constant 0 : i32
      %dma_wait3A_176 = tpu.memref_slice %arg7[%dma_wait3A_171, %dma_wait3A_175] : memref<8x128xi32, #tpu.memory_space<vmem>> -> memref<1x64xi32, #tpu.memory_space<vmem>>
      %dma_wait3A_177 = tpu.memref_squeeze %dma_wait3A_176 : memref<1x64xi32, #tpu.memory_space<vmem>> -> memref<64xi32, #tpu.memory_space<vmem>>
      %dma_wait3A_178 = arith.constant 0 : i32
      %dma_wait3A_179 = arith.constant 0 : i32
      %dma_wait3A_180 = tpu.memref_slice %arg2[%dma_wait3A_178, %dma_wait3A_179] : memref<10240x128xf32, #tpu.memory_space<hbm>> -> memref<10240x128xf32, #tpu.memory_space<hbm>>
      tpu.wait_indirect_dma semaphore(%arg11 : memref<!tpu.dma_semaphore, #tpu.memory_space<semaphore_mem>>) src(%dma_wait3A_180 : memref<10240x128xf32, #tpu.memory_space<hbm>>) dst(%dma_wait3A_174 : memref<64x128xf32, #tpu.memory_space<vmem>>)
      %dma_wait3A_181 = arith.constant 2 : i32
      %dma_wait3A_182 = arith.constant 64 : i32
      %dma_wait3A_183 = arith.constant 0 : i32
      %dma_wait3A_184 = tpu.memref_slice %arg9[%dma_wait3A_182, %dma_wait3A_183] : memref<128x128xf32, #tpu.memory_space<vmem>> -> memref<64x128xf32, #tpu.memory_space<vmem>>
      %dma_wait3A_185 = arith.constant 64 : i32
      %dma_wait3A_186 = tpu.memref_slice %arg7[%dma_wait3A_181, %dma_wait3A_185] : memref<8x128xi32, #tpu.memory_space<vmem>> -> memref<1x64xi32, #tpu.memory_space<vmem>>
      %dma_wait3A_187 = tpu.memref_squeeze %dma_wait3A_186 : memref<1x64xi32, #tpu.memory_space<vmem>> -> memref<64xi32, #tpu.memory_space<vmem>>
      %dma_wait3A_188 = arith.constant 0 : i32
      %dma_wait3A_189 = arith.constant 0 : i32
      %dma_wait3A_190 = tpu.memref_slice %arg2[%dma_wait3A_188, %dma_wait3A_189] : memref<10240x128xf32, #tpu.memory_space<hbm>> -> memref<10240x128xf32, #tpu.memory_space<hbm>>
      tpu.wait_indirect_dma semaphore(%arg12 : memref<!tpu.dma_semaphore, #tpu.memory_space<semaphore_mem>>) src(%dma_wait3A_190 : memref<10240x128xf32, #tpu.memory_space<hbm>>) dst(%dma_wait3A_184 : memref<64x128xf32, #tpu.memory_space<vmem>>)
      %run_scoped3A_191 = arith.constant 2 : i32
      "tpu.region"() ({
        %run_scoped3A_378 = tpu.sem_alloc : memref<!tpu.dma_semaphore, #tpu.memory_space<semaphore_mem>>
        %dma_start3A_379 = arith.constant 0 : i32
        %dma_start3A_380 = tpu.memref_slice %arg8[%run_scoped3A_191, %dma_start3A_379] : memref<8x128xi32, #tpu.memory_space<vmem>> -> memref<1x128xi32, #tpu.memory_space<vmem>>
        %dma_start3A_381 = tpu.memref_squeeze %dma_start3A_380 : memref<1x128xi32, #tpu.memory_space<vmem>> -> memref<128xi32, #tpu.memory_space<vmem>>
        %dma_start3A_382 = arith.constant 0 : i32
        %dma_start3A_383 = arith.constant 0 : i32
        %dma_start3A_384 = tpu.memref_slice %arg6[%dma_start3A_382, %dma_start3A_383] : memref<10240x128xf32, #tpu.memory_space<vmem_shared>> -> memref<10240x128xf32, #tpu.memory_space<vmem_shared>>
        tpu.enqueue_indirect_dma source(%arg9 : memref<128x128xf32, #tpu.memory_space<vmem>>) target(%dma_start3A_384 : memref<10240x128xf32, #tpu.memory_space<vmem_shared>>) offsets(%dma_start3A_381 : memref<128xi32, #tpu.memory_space<vmem>>) semaphore(%run_scoped3A_378 : memref<!tpu.dma_semaphore, #tpu.memory_space<semaphore_mem>>) {add = true}
        %dma_wait3A_385 = arith.constant 0 : i32
        %dma_wait3A_386 = tpu.memref_slice %arg8[%run_scoped3A_191, %dma_wait3A_385] : memref<8x128xi32, #tpu.memory_space<vmem>> -> memref<1x128xi32, #tpu.memory_space<vmem>>
        %dma_wait3A_387 = tpu.memref_squeeze %dma_wait3A_386 : memref<1x128xi32, #tpu.memory_space<vmem>> -> memref<128xi32, #tpu.memory_space<vmem>>
        %dma_wait3A_388 = arith.constant 0 : i32
        %dma_wait3A_389 = arith.constant 0 : i32
        %dma_wait3A_390 = tpu.memref_slice %arg6[%dma_wait3A_388, %dma_wait3A_389] : memref<10240x128xf32, #tpu.memory_space<vmem_shared>> -> memref<10240x128xf32, #tpu.memory_space<vmem_shared>>
        tpu.wait_indirect_dma semaphore(%run_scoped3A_378 : memref<!tpu.dma_semaphore, #tpu.memory_space<semaphore_mem>>) src(%arg9 : memref<128x128xf32, #tpu.memory_space<vmem>>) dst(%dma_wait3A_390 : memref<10240x128xf32, #tpu.memory_space<vmem_shared>>)
        tpu.yield
      }) : () -> ()
      %dma_start3A_192 = arith.constant 4 : i32
      %dma_start3A_193 = arith.constant 0 : i32
      %dma_start3A_194 = arith.constant 0 : i32
      %dma_start3A_195 = tpu.memref_slice %arg9[%dma_start3A_193, %dma_start3A_194] : memref<128x128xf32, #tpu.memory_space<vmem>> -> memref<64x128xf32, #tpu.memory_space<vmem>>
      %dma_start3A_196 = arith.constant 0 : i32
      %dma_start3A_197 = tpu.memref_slice %arg7[%dma_start3A_192, %dma_start3A_196] : memref<8x128xi32, #tpu.memory_space<vmem>> -> memref<1x64xi32, #tpu.memory_space<vmem>>
      %dma_start3A_198 = tpu.memref_squeeze %dma_start3A_197 : memref<1x64xi32, #tpu.memory_space<vmem>> -> memref<64xi32, #tpu.memory_space<vmem>>
      %dma_start3A_199 = arith.constant 0 : i32
      %dma_start3A_200 = arith.constant 0 : i32
      %dma_start3A_201 = tpu.memref_slice %arg2[%dma_start3A_199, %dma_start3A_200] : memref<10240x128xf32, #tpu.memory_space<hbm>> -> memref<10240x128xf32, #tpu.memory_space<hbm>>
      tpu.enqueue_indirect_dma source(%dma_start3A_201 : memref<10240x128xf32, #tpu.memory_space<hbm>>) target(%dma_start3A_195 : memref<64x128xf32, #tpu.memory_space<vmem>>) offsets(%dma_start3A_198 : memref<64xi32, #tpu.memory_space<vmem>>) semaphore(%arg11 : memref<!tpu.dma_semaphore, #tpu.memory_space<semaphore_mem>>)
      %dma_start3A_202 = arith.constant 4 : i32
      %dma_start3A_203 = arith.constant 64 : i32
      %dma_start3A_204 = arith.constant 0 : i32
      %dma_start3A_205 = tpu.memref_slice %arg9[%dma_start3A_203, %dma_start3A_204] : memref<128x128xf32, #tpu.memory_space<vmem>> -> memref<64x128xf32, #tpu.memory_space<vmem>>
      %dma_start3A_206 = arith.constant 64 : i32
      %dma_start3A_207 = tpu.memref_slice %arg7[%dma_start3A_202, %dma_start3A_206] : memref<8x128xi32, #tpu.memory_space<vmem>> -> memref<1x64xi32, #tpu.memory_space<vmem>>
      %dma_start3A_208 = tpu.memref_squeeze %dma_start3A_207 : memref<1x64xi32, #tpu.memory_space<vmem>> -> memref<64xi32, #tpu.memory_space<vmem>>
      %dma_start3A_209 = arith.constant 0 : i32
      %dma_start3A_210 = arith.constant 0 : i32
      %dma_start3A_211 = tpu.memref_slice %arg2[%dma_start3A_209, %dma_start3A_210] : memref<10240x128xf32, #tpu.memory_space<hbm>> -> memref<10240x128xf32, #tpu.memory_space<hbm>>
      tpu.enqueue_indirect_dma source(%dma_start3A_211 : memref<10240x128xf32, #tpu.memory_space<hbm>>) target(%dma_start3A_205 : memref<64x128xf32, #tpu.memory_space<vmem>>) offsets(%dma_start3A_208 : memref<64xi32, #tpu.memory_space<vmem>>) semaphore(%arg12 : memref<!tpu.dma_semaphore, #tpu.memory_space<semaphore_mem>>)
      %dma_wait3A_212 = arith.constant 3 : i32
      %dma_wait3A_213 = arith.constant 0 : i32
      %dma_wait3A_214 = arith.constant 0 : i32
      %dma_wait3A_215 = tpu.memref_slice %arg10[%dma_wait3A_213, %dma_wait3A_214] : memref<128x128xf32, #tpu.memory_space<vmem>> -> memref<64x128xf32, #tpu.memory_space<vmem>>
      %dma_wait3A_216 = arith.constant 0 : i32
      %dma_wait3A_217 = tpu.memref_slice %arg7[%dma_wait3A_212, %dma_wait3A_216] : memref<8x128xi32, #tpu.memory_space<vmem>> -> memref<1x64xi32, #tpu.memory_space<vmem>>
      %dma_wait3A_218 = tpu.memref_squeeze %dma_wait3A_217 : memref<1x64xi32, #tpu.memory_space<vmem>> -> memref<64xi32, #tpu.memory_space<vmem>>
      %dma_wait3A_219 = arith.constant 0 : i32
      %dma_wait3A_220 = arith.constant 0 : i32
      %dma_wait3A_221 = tpu.memref_slice %arg2[%dma_wait3A_219, %dma_wait3A_220] : memref<10240x128xf32, #tpu.memory_space<hbm>> -> memref<10240x128xf32, #tpu.memory_space<hbm>>
      tpu.wait_indirect_dma semaphore(%arg13 : memref<!tpu.dma_semaphore, #tpu.memory_space<semaphore_mem>>) src(%dma_wait3A_221 : memref<10240x128xf32, #tpu.memory_space<hbm>>) dst(%dma_wait3A_215 : memref<64x128xf32, #tpu.memory_space<vmem>>)
      %dma_wait3A_222 = arith.constant 3 : i32
      %dma_wait3A_223 = arith.constant 64 : i32
      %dma_wait3A_224 = arith.constant 0 : i32
      %dma_wait3A_225 = tpu.memref_slice %arg10[%dma_wait3A_223, %dma_wait3A_224] : memref<128x128xf32, #tpu.memory_space<vmem>> -> memref<64x128xf32, #tpu.memory_space<vmem>>
      %dma_wait3A_226 = arith.constant 64 : i32
      %dma_wait3A_227 = tpu.memref_slice %arg7[%dma_wait3A_222, %dma_wait3A_226] : memref<8x128xi32, #tpu.memory_space<vmem>> -> memref<1x64xi32, #tpu.memory_space<vmem>>
      %dma_wait3A_228 = tpu.memref_squeeze %dma_wait3A_227 : memref<1x64xi32, #tpu.memory_space<vmem>> -> memref<64xi32, #tpu.memory_space<vmem>>
      %dma_wait3A_229 = arith.constant 0 : i32
      %dma_wait3A_230 = arith.constant 0 : i32
      %dma_wait3A_231 = tpu.memref_slice %arg2[%dma_wait3A_229, %dma_wait3A_230] : memref<10240x128xf32, #tpu.memory_space<hbm>> -> memref<10240x128xf32, #tpu.memory_space<hbm>>
      tpu.wait_indirect_dma semaphore(%arg14 : memref<!tpu.dma_semaphore, #tpu.memory_space<semaphore_mem>>) src(%dma_wait3A_231 : memref<10240x128xf32, #tpu.memory_space<hbm>>) dst(%dma_wait3A_225 : memref<64x128xf32, #tpu.memory_space<vmem>>)
      %run_scoped3A_232 = arith.constant 3 : i32
      "tpu.region"() ({
        %run_scoped3A_378 = tpu.sem_alloc : memref<!tpu.dma_semaphore, #tpu.memory_space<semaphore_mem>>
        %dma_start3A_379 = arith.constant 0 : i32
        %dma_start3A_380 = tpu.memref_slice %arg8[%run_scoped3A_232, %dma_start3A_379] : memref<8x128xi32, #tpu.memory_space<vmem>> -> memref<1x128xi32, #tpu.memory_space<vmem>>
        %dma_start3A_381 = tpu.memref_squeeze %dma_start3A_380 : memref<1x128xi32, #tpu.memory_space<vmem>> -> memref<128xi32, #tpu.memory_space<vmem>>
        %dma_start3A_382 = arith.constant 0 : i32
        %dma_start3A_383 = arith.constant 0 : i32
        %dma_start3A_384 = tpu.memref_slice %arg6[%dma_start3A_382, %dma_start3A_383] : memref<10240x128xf32, #tpu.memory_space<vmem_shared>> -> memref<10240x128xf32, #tpu.memory_space<vmem_shared>>
        tpu.enqueue_indirect_dma source(%arg10 : memref<128x128xf32, #tpu.memory_space<vmem>>) target(%dma_start3A_384 : memref<10240x128xf32, #tpu.memory_space<vmem_shared>>) offsets(%dma_start3A_381 : memref<128xi32, #tpu.memory_space<vmem>>) semaphore(%run_scoped3A_378 : memref<!tpu.dma_semaphore, #tpu.memory_space<semaphore_mem>>) {add = true}
        %dma_wait3A_385 = arith.constant 0 : i32
        %dma_wait3A_386 = tpu.memref_slice %arg8[%run_scoped3A_232, %dma_wait3A_385] : memref<8x128xi32, #tpu.memory_space<vmem>> -> memref<1x128xi32, #tpu.memory_space<vmem>>
        %dma_wait3A_387 = tpu.memref_squeeze %dma_wait3A_386 : memref<1x128xi32, #tpu.memory_space<vmem>> -> memref<128xi32, #tpu.memory_space<vmem>>
        %dma_wait3A_388 = arith.constant 0 : i32
        %dma_wait3A_389 = arith.constant 0 : i32
        %dma_wait3A_390 = tpu.memref_slice %arg6[%dma_wait3A_388, %dma_wait3A_389] : memref<10240x128xf32, #tpu.memory_space<vmem_shared>> -> memref<10240x128xf32, #tpu.memory_space<vmem_shared>>
        tpu.wait_indirect_dma semaphore(%run_scoped3A_378 : memref<!tpu.dma_semaphore, #tpu.memory_space<semaphore_mem>>) src(%arg10 : memref<128x128xf32, #tpu.memory_space<vmem>>) dst(%dma_wait3A_390 : memref<10240x128xf32, #tpu.memory_space<vmem_shared>>)
        tpu.yield
      }) : () -> ()
      %dma_start3A_233 = arith.constant 5 : i32
      %dma_start3A_234 = arith.constant 0 : i32
      %dma_start3A_235 = arith.constant 0 : i32
      %dma_start3A_236 = tpu.memref_slice %arg10[%dma_start3A_234, %dma_start3A_235] : memref<128x128xf32, #tpu.memory_space<vmem>> -> memref<64x128xf32, #tpu.memory_space<vmem>>
      %dma_start3A_237 = arith.constant 0 : i32
      %dma_start3A_238 = tpu.memref_slice %arg7[%dma_start3A_233, %dma_start3A_237] : memref<8x128xi32, #tpu.memory_space<vmem>> -> memref<1x64xi32, #tpu.memory_space<vmem>>
      %dma_start3A_239 = tpu.memref_squeeze %dma_start3A_238 : memref<1x64xi32, #tpu.memory_space<vmem>> -> memref<64xi32, #tpu.memory_space<vmem>>
      %dma_start3A_240 = arith.constant 0 : i32
      %dma_start3A_241 = arith.constant 0 : i32
      %dma_start3A_242 = tpu.memref_slice %arg2[%dma_start3A_240, %dma_start3A_241] : memref<10240x128xf32, #tpu.memory_space<hbm>> -> memref<10240x128xf32, #tpu.memory_space<hbm>>
      tpu.enqueue_indirect_dma source(%dma_start3A_242 : memref<10240x128xf32, #tpu.memory_space<hbm>>) target(%dma_start3A_236 : memref<64x128xf32, #tpu.memory_space<vmem>>) offsets(%dma_start3A_239 : memref<64xi32, #tpu.memory_space<vmem>>) semaphore(%arg13 : memref<!tpu.dma_semaphore, #tpu.memory_space<semaphore_mem>>)
      %dma_start3A_243 = arith.constant 5 : i32
      %dma_start3A_244 = arith.constant 64 : i32
      %dma_start3A_245 = arith.constant 0 : i32
      %dma_start3A_246 = tpu.memref_slice %arg10[%dma_start3A_244, %dma_start3A_245] : memref<128x128xf32, #tpu.memory_space<vmem>> -> memref<64x128xf32, #tpu.memory_space<vmem>>
      %dma_start3A_247 = arith.constant 64 : i32
      %dma_start3A_248 = tpu.memref_slice %arg7[%dma_start3A_243, %dma_start3A_247] : memref<8x128xi32, #tpu.memory_space<vmem>> -> memref<1x64xi32, #tpu.memory_space<vmem>>
      %dma_start3A_249 = tpu.memref_squeeze %dma_start3A_248 : memref<1x64xi32, #tpu.memory_space<vmem>> -> memref<64xi32, #tpu.memory_space<vmem>>
      %dma_start3A_250 = arith.constant 0 : i32
      %dma_start3A_251 = arith.constant 0 : i32
      %dma_start3A_252 = tpu.memref_slice %arg2[%dma_start3A_250, %dma_start3A_251] : memref<10240x128xf32, #tpu.memory_space<hbm>> -> memref<10240x128xf32, #tpu.memory_space<hbm>>
      tpu.enqueue_indirect_dma source(%dma_start3A_252 : memref<10240x128xf32, #tpu.memory_space<hbm>>) target(%dma_start3A_246 : memref<64x128xf32, #tpu.memory_space<vmem>>) offsets(%dma_start3A_249 : memref<64xi32, #tpu.memory_space<vmem>>) semaphore(%arg14 : memref<!tpu.dma_semaphore, #tpu.memory_space<semaphore_mem>>)
      %dma_wait3A_253 = arith.constant 4 : i32
      %dma_wait3A_254 = arith.constant 0 : i32
      %dma_wait3A_255 = arith.constant 0 : i32
      %dma_wait3A_256 = tpu.memref_slice %arg9[%dma_wait3A_254, %dma_wait3A_255] : memref<128x128xf32, #tpu.memory_space<vmem>> -> memref<64x128xf32, #tpu.memory_space<vmem>>
      %dma_wait3A_257 = arith.constant 0 : i32
      %dma_wait3A_258 = tpu.memref_slice %arg7[%dma_wait3A_253, %dma_wait3A_257] : memref<8x128xi32, #tpu.memory_space<vmem>> -> memref<1x64xi32, #tpu.memory_space<vmem>>
      %dma_wait3A_259 = tpu.memref_squeeze %dma_wait3A_258 : memref<1x64xi32, #tpu.memory_space<vmem>> -> memref<64xi32, #tpu.memory_space<vmem>>
      %dma_wait3A_260 = arith.constant 0 : i32
      %dma_wait3A_261 = arith.constant 0 : i32
      %dma_wait3A_262 = tpu.memref_slice %arg2[%dma_wait3A_260, %dma_wait3A_261] : memref<10240x128xf32, #tpu.memory_space<hbm>> -> memref<10240x128xf32, #tpu.memory_space<hbm>>
      tpu.wait_indirect_dma semaphore(%arg11 : memref<!tpu.dma_semaphore, #tpu.memory_space<semaphore_mem>>) src(%dma_wait3A_262 : memref<10240x128xf32, #tpu.memory_space<hbm>>) dst(%dma_wait3A_256 : memref<64x128xf32, #tpu.memory_space<vmem>>)
      %dma_wait3A_263 = arith.constant 4 : i32
      %dma_wait3A_264 = arith.constant 64 : i32
      %dma_wait3A_265 = arith.constant 0 : i32
      %dma_wait3A_266 = tpu.memref_slice %arg9[%dma_wait3A_264, %dma_wait3A_265] : memref<128x128xf32, #tpu.memory_space<vmem>> -> memref<64x128xf32, #tpu.memory_space<vmem>>
      %dma_wait3A_267 = arith.constant 64 : i32
      %dma_wait3A_268 = tpu.memref_slice %arg7[%dma_wait3A_263, %dma_wait3A_267] : memref<8x128xi32, #tpu.memory_space<vmem>> -> memref<1x64xi32, #tpu.memory_space<vmem>>
      %dma_wait3A_269 = tpu.memref_squeeze %dma_wait3A_268 : memref<1x64xi32, #tpu.memory_space<vmem>> -> memref<64xi32, #tpu.memory_space<vmem>>
      %dma_wait3A_270 = arith.constant 0 : i32
      %dma_wait3A_271 = arith.constant 0 : i32
      %dma_wait3A_272 = tpu.memref_slice %arg2[%dma_wait3A_270, %dma_wait3A_271] : memref<10240x128xf32, #tpu.memory_space<hbm>> -> memref<10240x128xf32, #tpu.memory_space<hbm>>
      tpu.wait_indirect_dma semaphore(%arg12 : memref<!tpu.dma_semaphore, #tpu.memory_space<semaphore_mem>>) src(%dma_wait3A_272 : memref<10240x128xf32, #tpu.memory_space<hbm>>) dst(%dma_wait3A_266 : memref<64x128xf32, #tpu.memory_space<vmem>>)
      %run_scoped3A_273 = arith.constant 4 : i32
      "tpu.region"() ({
        %run_scoped3A_378 = tpu.sem_alloc : memref<!tpu.dma_semaphore, #tpu.memory_space<semaphore_mem>>
        %dma_start3A_379 = arith.constant 0 : i32
        %dma_start3A_380 = tpu.memref_slice %arg8[%run_scoped3A_273, %dma_start3A_379] : memref<8x128xi32, #tpu.memory_space<vmem>> -> memref<1x128xi32, #tpu.memory_space<vmem>>
        %dma_start3A_381 = tpu.memref_squeeze %dma_start3A_380 : memref<1x128xi32, #tpu.memory_space<vmem>> -> memref<128xi32, #tpu.memory_space<vmem>>
        %dma_start3A_382 = arith.constant 0 : i32
        %dma_start3A_383 = arith.constant 0 : i32
        %dma_start3A_384 = tpu.memref_slice %arg6[%dma_start3A_382, %dma_start3A_383] : memref<10240x128xf32, #tpu.memory_space<vmem_shared>> -> memref<10240x128xf32, #tpu.memory_space<vmem_shared>>
        tpu.enqueue_indirect_dma source(%arg9 : memref<128x128xf32, #tpu.memory_space<vmem>>) target(%dma_start3A_384 : memref<10240x128xf32, #tpu.memory_space<vmem_shared>>) offsets(%dma_start3A_381 : memref<128xi32, #tpu.memory_space<vmem>>) semaphore(%run_scoped3A_378 : memref<!tpu.dma_semaphore, #tpu.memory_space<semaphore_mem>>) {add = true}
        %dma_wait3A_385 = arith.constant 0 : i32
        %dma_wait3A_386 = tpu.memref_slice %arg8[%run_scoped3A_273, %dma_wait3A_385] : memref<8x128xi32, #tpu.memory_space<vmem>> -> memref<1x128xi32, #tpu.memory_space<vmem>>
        %dma_wait3A_387 = tpu.memref_squeeze %dma_wait3A_386 : memref<1x128xi32, #tpu.memory_space<vmem>> -> memref<128xi32, #tpu.memory_space<vmem>>
        %dma_wait3A_388 = arith.constant 0 : i32
        %dma_wait3A_389 = arith.constant 0 : i32
        %dma_wait3A_390 = tpu.memref_slice %arg6[%dma_wait3A_388, %dma_wait3A_389] : memref<10240x128xf32, #tpu.memory_space<vmem_shared>> -> memref<10240x128xf32, #tpu.memory_space<vmem_shared>>
        tpu.wait_indirect_dma semaphore(%run_scoped3A_378 : memref<!tpu.dma_semaphore, #tpu.memory_space<semaphore_mem>>) src(%arg9 : memref<128x128xf32, #tpu.memory_space<vmem>>) dst(%dma_wait3A_390 : memref<10240x128xf32, #tpu.memory_space<vmem_shared>>)
        tpu.yield
      }) : () -> ()
      %dma_start3A_274 = arith.constant 6 : i32
      %dma_start3A_275 = arith.constant 0 : i32
      %dma_start3A_276 = arith.constant 0 : i32
      %dma_start3A_277 = tpu.memref_slice %arg9[%dma_start3A_275, %dma_start3A_276] : memref<128x128xf32, #tpu.memory_space<vmem>> -> memref<64x128xf32, #tpu.memory_space<vmem>>
      %dma_start3A_278 = arith.constant 0 : i32
      %dma_start3A_279 = tpu.memref_slice %arg7[%dma_start3A_274, %dma_start3A_278] : memref<8x128xi32, #tpu.memory_space<vmem>> -> memref<1x64xi32, #tpu.memory_space<vmem>>
      %dma_start3A_280 = tpu.memref_squeeze %dma_start3A_279 : memref<1x64xi32, #tpu.memory_space<vmem>> -> memref<64xi32, #tpu.memory_space<vmem>>
      %dma_start3A_281 = arith.constant 0 : i32
      %dma_start3A_282 = arith.constant 0 : i32
      %dma_start3A_283 = tpu.memref_slice %arg2[%dma_start3A_281, %dma_start3A_282] : memref<10240x128xf32, #tpu.memory_space<hbm>> -> memref<10240x128xf32, #tpu.memory_space<hbm>>
      tpu.enqueue_indirect_dma source(%dma_start3A_283 : memref<10240x128xf32, #tpu.memory_space<hbm>>) target(%dma_start3A_277 : memref<64x128xf32, #tpu.memory_space<vmem>>) offsets(%dma_start3A_280 : memref<64xi32, #tpu.memory_space<vmem>>) semaphore(%arg11 : memref<!tpu.dma_semaphore, #tpu.memory_space<semaphore_mem>>)
      %dma_start3A_284 = arith.constant 6 : i32
      %dma_start3A_285 = arith.constant 64 : i32
      %dma_start3A_286 = arith.constant 0 : i32
      %dma_start3A_287 = tpu.memref_slice %arg9[%dma_start3A_285, %dma_start3A_286] : memref<128x128xf32, #tpu.memory_space<vmem>> -> memref<64x128xf32, #tpu.memory_space<vmem>>
      %dma_start3A_288 = arith.constant 64 : i32
      %dma_start3A_289 = tpu.memref_slice %arg7[%dma_start3A_284, %dma_start3A_288] : memref<8x128xi32, #tpu.memory_space<vmem>> -> memref<1x64xi32, #tpu.memory_space<vmem>>
      %dma_start3A_290 = tpu.memref_squeeze %dma_start3A_289 : memref<1x64xi32, #tpu.memory_space<vmem>> -> memref<64xi32, #tpu.memory_space<vmem>>
      %dma_start3A_291 = arith.constant 0 : i32
      %dma_start3A_292 = arith.constant 0 : i32
      %dma_start3A_293 = tpu.memref_slice %arg2[%dma_start3A_291, %dma_start3A_292] : memref<10240x128xf32, #tpu.memory_space<hbm>> -> memref<10240x128xf32, #tpu.memory_space<hbm>>
      tpu.enqueue_indirect_dma source(%dma_start3A_293 : memref<10240x128xf32, #tpu.memory_space<hbm>>) target(%dma_start3A_287 : memref<64x128xf32, #tpu.memory_space<vmem>>) offsets(%dma_start3A_290 : memref<64xi32, #tpu.memory_space<vmem>>) semaphore(%arg12 : memref<!tpu.dma_semaphore, #tpu.memory_space<semaphore_mem>>)
      %dma_wait3A_294 = arith.constant 5 : i32
      %dma_wait3A_295 = arith.constant 0 : i32
      %dma_wait3A_296 = arith.constant 0 : i32
      %dma_wait3A_297 = tpu.memref_slice %arg10[%dma_wait3A_295, %dma_wait3A_296] : memref<128x128xf32, #tpu.memory_space<vmem>> -> memref<64x128xf32, #tpu.memory_space<vmem>>
      %dma_wait3A_298 = arith.constant 0 : i32
      %dma_wait3A_299 = tpu.memref_slice %arg7[%dma_wait3A_294, %dma_wait3A_298] : memref<8x128xi32, #tpu.memory_space<vmem>> -> memref<1x64xi32, #tpu.memory_space<vmem>>
      %dma_wait3A_300 = tpu.memref_squeeze %dma_wait3A_299 : memref<1x64xi32, #tpu.memory_space<vmem>> -> memref<64xi32, #tpu.memory_space<vmem>>
      %dma_wait3A_301 = arith.constant 0 : i32
      %dma_wait3A_302 = arith.constant 0 : i32
      %dma_wait3A_303 = tpu.memref_slice %arg2[%dma_wait3A_301, %dma_wait3A_302] : memref<10240x128xf32, #tpu.memory_space<hbm>> -> memref<10240x128xf32, #tpu.memory_space<hbm>>
      tpu.wait_indirect_dma semaphore(%arg13 : memref<!tpu.dma_semaphore, #tpu.memory_space<semaphore_mem>>) src(%dma_wait3A_303 : memref<10240x128xf32, #tpu.memory_space<hbm>>) dst(%dma_wait3A_297 : memref<64x128xf32, #tpu.memory_space<vmem>>)
      %dma_wait3A_304 = arith.constant 5 : i32
      %dma_wait3A_305 = arith.constant 64 : i32
      %dma_wait3A_306 = arith.constant 0 : i32
      %dma_wait3A_307 = tpu.memref_slice %arg10[%dma_wait3A_305, %dma_wait3A_306] : memref<128x128xf32, #tpu.memory_space<vmem>> -> memref<64x128xf32, #tpu.memory_space<vmem>>
      %dma_wait3A_308 = arith.constant 64 : i32
      %dma_wait3A_309 = tpu.memref_slice %arg7[%dma_wait3A_304, %dma_wait3A_308] : memref<8x128xi32, #tpu.memory_space<vmem>> -> memref<1x64xi32, #tpu.memory_space<vmem>>
      %dma_wait3A_310 = tpu.memref_squeeze %dma_wait3A_309 : memref<1x64xi32, #tpu.memory_space<vmem>> -> memref<64xi32, #tpu.memory_space<vmem>>
      %dma_wait3A_311 = arith.constant 0 : i32
      %dma_wait3A_312 = arith.constant 0 : i32
      %dma_wait3A_313 = tpu.memref_slice %arg2[%dma_wait3A_311, %dma_wait3A_312] : memref<10240x128xf32, #tpu.memory_space<hbm>> -> memref<10240x128xf32, #tpu.memory_space<hbm>>
      tpu.wait_indirect_dma semaphore(%arg14 : memref<!tpu.dma_semaphore, #tpu.memory_space<semaphore_mem>>) src(%dma_wait3A_313 : memref<10240x128xf32, #tpu.memory_space<hbm>>) dst(%dma_wait3A_307 : memref<64x128xf32, #tpu.memory_space<vmem>>)
      %run_scoped3A_314 = arith.constant 5 : i32
      "tpu.region"() ({
        %run_scoped3A_378 = tpu.sem_alloc : memref<!tpu.dma_semaphore, #tpu.memory_space<semaphore_mem>>
        %dma_start3A_379 = arith.constant 0 : i32
        %dma_start3A_380 = tpu.memref_slice %arg8[%run_scoped3A_314, %dma_start3A_379] : memref<8x128xi32, #tpu.memory_space<vmem>> -> memref<1x128xi32, #tpu.memory_space<vmem>>
        %dma_start3A_381 = tpu.memref_squeeze %dma_start3A_380 : memref<1x128xi32, #tpu.memory_space<vmem>> -> memref<128xi32, #tpu.memory_space<vmem>>
        %dma_start3A_382 = arith.constant 0 : i32
        %dma_start3A_383 = arith.constant 0 : i32
        %dma_start3A_384 = tpu.memref_slice %arg6[%dma_start3A_382, %dma_start3A_383] : memref<10240x128xf32, #tpu.memory_space<vmem_shared>> -> memref<10240x128xf32, #tpu.memory_space<vmem_shared>>
        tpu.enqueue_indirect_dma source(%arg10 : memref<128x128xf32, #tpu.memory_space<vmem>>) target(%dma_start3A_384 : memref<10240x128xf32, #tpu.memory_space<vmem_shared>>) offsets(%dma_start3A_381 : memref<128xi32, #tpu.memory_space<vmem>>) semaphore(%run_scoped3A_378 : memref<!tpu.dma_semaphore, #tpu.memory_space<semaphore_mem>>) {add = true}
        %dma_wait3A_385 = arith.constant 0 : i32
        %dma_wait3A_386 = tpu.memref_slice %arg8[%run_scoped3A_314, %dma_wait3A_385] : memref<8x128xi32, #tpu.memory_space<vmem>> -> memref<1x128xi32, #tpu.memory_space<vmem>>
        %dma_wait3A_387 = tpu.memref_squeeze %dma_wait3A_386 : memref<1x128xi32, #tpu.memory_space<vmem>> -> memref<128xi32, #tpu.memory_space<vmem>>
        %dma_wait3A_388 = arith.constant 0 : i32
        %dma_wait3A_389 = arith.constant 0 : i32
        %dma_wait3A_390 = tpu.memref_slice %arg6[%dma_wait3A_388, %dma_wait3A_389] : memref<10240x128xf32, #tpu.memory_space<vmem_shared>> -> memref<10240x128xf32, #tpu.memory_space<vmem_shared>>
        tpu.wait_indirect_dma semaphore(%run_scoped3A_378 : memref<!tpu.dma_semaphore, #tpu.memory_space<semaphore_mem>>) src(%arg10 : memref<128x128xf32, #tpu.memory_space<vmem>>) dst(%dma_wait3A_390 : memref<10240x128xf32, #tpu.memory_space<vmem_shared>>)
        tpu.yield
      }) : () -> ()
      %dma_start3A_315 = arith.constant 7 : i32
      %dma_start3A_316 = arith.constant 0 : i32
      %dma_start3A_317 = arith.constant 0 : i32
      %dma_start3A_318 = tpu.memref_slice %arg10[%dma_start3A_316, %dma_start3A_317] : memref<128x128xf32, #tpu.memory_space<vmem>> -> memref<64x128xf32, #tpu.memory_space<vmem>>
      %dma_start3A_319 = arith.constant 0 : i32
      %dma_start3A_320 = tpu.memref_slice %arg7[%dma_start3A_315, %dma_start3A_319] : memref<8x128xi32, #tpu.memory_space<vmem>> -> memref<1x64xi32, #tpu.memory_space<vmem>>
      %dma_start3A_321 = tpu.memref_squeeze %dma_start3A_320 : memref<1x64xi32, #tpu.memory_space<vmem>> -> memref<64xi32, #tpu.memory_space<vmem>>
      %dma_start3A_322 = arith.constant 0 : i32
      %dma_start3A_323 = arith.constant 0 : i32
      %dma_start3A_324 = tpu.memref_slice %arg2[%dma_start3A_322, %dma_start3A_323] : memref<10240x128xf32, #tpu.memory_space<hbm>> -> memref<10240x128xf32, #tpu.memory_space<hbm>>
      tpu.enqueue_indirect_dma source(%dma_start3A_324 : memref<10240x128xf32, #tpu.memory_space<hbm>>) target(%dma_start3A_318 : memref<64x128xf32, #tpu.memory_space<vmem>>) offsets(%dma_start3A_321 : memref<64xi32, #tpu.memory_space<vmem>>) semaphore(%arg13 : memref<!tpu.dma_semaphore, #tpu.memory_space<semaphore_mem>>)
      %dma_start3A_325 = arith.constant 7 : i32
      %dma_start3A_326 = arith.constant 64 : i32
      %dma_start3A_327 = arith.constant 0 : i32
      %dma_start3A_328 = tpu.memref_slice %arg10[%dma_start3A_326, %dma_start3A_327] : memref<128x128xf32, #tpu.memory_space<vmem>> -> memref<64x128xf32, #tpu.memory_space<vmem>>
      %dma_start3A_329 = arith.constant 64 : i32
      %dma_start3A_330 = tpu.memref_slice %arg7[%dma_start3A_325, %dma_start3A_329] : memref<8x128xi32, #tpu.memory_space<vmem>> -> memref<1x64xi32, #tpu.memory_space<vmem>>
      %dma_start3A_331 = tpu.memref_squeeze %dma_start3A_330 : memref<1x64xi32, #tpu.memory_space<vmem>> -> memref<64xi32, #tpu.memory_space<vmem>>
      %dma_start3A_332 = arith.constant 0 : i32
      %dma_start3A_333 = arith.constant 0 : i32
      %dma_start3A_334 = tpu.memref_slice %arg2[%dma_start3A_332, %dma_start3A_333] : memref<10240x128xf32, #tpu.memory_space<hbm>> -> memref<10240x128xf32, #tpu.memory_space<hbm>>
      tpu.enqueue_indirect_dma source(%dma_start3A_334 : memref<10240x128xf32, #tpu.memory_space<hbm>>) target(%dma_start3A_328 : memref<64x128xf32, #tpu.memory_space<vmem>>) offsets(%dma_start3A_331 : memref<64xi32, #tpu.memory_space<vmem>>) semaphore(%arg14 : memref<!tpu.dma_semaphore, #tpu.memory_space<semaphore_mem>>)
      %dma_wait3A_335 = arith.constant 6 : i32
      %dma_wait3A_336 = arith.constant 0 : i32
      %dma_wait3A_337 = arith.constant 0 : i32
      %dma_wait3A_338 = tpu.memref_slice %arg9[%dma_wait3A_336, %dma_wait3A_337] : memref<128x128xf32, #tpu.memory_space<vmem>> -> memref<64x128xf32, #tpu.memory_space<vmem>>
      %dma_wait3A_339 = arith.constant 0 : i32
      %dma_wait3A_340 = tpu.memref_slice %arg7[%dma_wait3A_335, %dma_wait3A_339] : memref<8x128xi32, #tpu.memory_space<vmem>> -> memref<1x64xi32, #tpu.memory_space<vmem>>
      %dma_wait3A_341 = tpu.memref_squeeze %dma_wait3A_340 : memref<1x64xi32, #tpu.memory_space<vmem>> -> memref<64xi32, #tpu.memory_space<vmem>>
      %dma_wait3A_342 = arith.constant 0 : i32
      %dma_wait3A_343 = arith.constant 0 : i32
      %dma_wait3A_344 = tpu.memref_slice %arg2[%dma_wait3A_342, %dma_wait3A_343] : memref<10240x128xf32, #tpu.memory_space<hbm>> -> memref<10240x128xf32, #tpu.memory_space<hbm>>
      tpu.wait_indirect_dma semaphore(%arg11 : memref<!tpu.dma_semaphore, #tpu.memory_space<semaphore_mem>>) src(%dma_wait3A_344 : memref<10240x128xf32, #tpu.memory_space<hbm>>) dst(%dma_wait3A_338 : memref<64x128xf32, #tpu.memory_space<vmem>>)
      %dma_wait3A_345 = arith.constant 6 : i32
      %dma_wait3A_346 = arith.constant 64 : i32
      %dma_wait3A_347 = arith.constant 0 : i32
      %dma_wait3A_348 = tpu.memref_slice %arg9[%dma_wait3A_346, %dma_wait3A_347] : memref<128x128xf32, #tpu.memory_space<vmem>> -> memref<64x128xf32, #tpu.memory_space<vmem>>
      %dma_wait3A_349 = arith.constant 64 : i32
      %dma_wait3A_350 = tpu.memref_slice %arg7[%dma_wait3A_345, %dma_wait3A_349] : memref<8x128xi32, #tpu.memory_space<vmem>> -> memref<1x64xi32, #tpu.memory_space<vmem>>
      %dma_wait3A_351 = tpu.memref_squeeze %dma_wait3A_350 : memref<1x64xi32, #tpu.memory_space<vmem>> -> memref<64xi32, #tpu.memory_space<vmem>>
      %dma_wait3A_352 = arith.constant 0 : i32
      %dma_wait3A_353 = arith.constant 0 : i32
      %dma_wait3A_354 = tpu.memref_slice %arg2[%dma_wait3A_352, %dma_wait3A_353] : memref<10240x128xf32, #tpu.memory_space<hbm>> -> memref<10240x128xf32, #tpu.memory_space<hbm>>
      tpu.wait_indirect_dma semaphore(%arg12 : memref<!tpu.dma_semaphore, #tpu.memory_space<semaphore_mem>>) src(%dma_wait3A_354 : memref<10240x128xf32, #tpu.memory_space<hbm>>) dst(%dma_wait3A_348 : memref<64x128xf32, #tpu.memory_space<vmem>>)
      %run_scoped3A_355 = arith.constant 6 : i32
      "tpu.region"() ({
        %run_scoped3A_378 = tpu.sem_alloc : memref<!tpu.dma_semaphore, #tpu.memory_space<semaphore_mem>>
        %dma_start3A_379 = arith.constant 0 : i32
        %dma_start3A_380 = tpu.memref_slice %arg8[%run_scoped3A_355, %dma_start3A_379] : memref<8x128xi32, #tpu.memory_space<vmem>> -> memref<1x128xi32, #tpu.memory_space<vmem>>
        %dma_start3A_381 = tpu.memref_squeeze %dma_start3A_380 : memref<1x128xi32, #tpu.memory_space<vmem>> -> memref<128xi32, #tpu.memory_space<vmem>>
        %dma_start3A_382 = arith.constant 0 : i32
        %dma_start3A_383 = arith.constant 0 : i32
        %dma_start3A_384 = tpu.memref_slice %arg6[%dma_start3A_382, %dma_start3A_383] : memref<10240x128xf32, #tpu.memory_space<vmem_shared>> -> memref<10240x128xf32, #tpu.memory_space<vmem_shared>>
        tpu.enqueue_indirect_dma source(%arg9 : memref<128x128xf32, #tpu.memory_space<vmem>>) target(%dma_start3A_384 : memref<10240x128xf32, #tpu.memory_space<vmem_shared>>) offsets(%dma_start3A_381 : memref<128xi32, #tpu.memory_space<vmem>>) semaphore(%run_scoped3A_378 : memref<!tpu.dma_semaphore, #tpu.memory_space<semaphore_mem>>) {add = true}
        %dma_wait3A_385 = arith.constant 0 : i32
        %dma_wait3A_386 = tpu.memref_slice %arg8[%run_scoped3A_355, %dma_wait3A_385] : memref<8x128xi32, #tpu.memory_space<vmem>> -> memref<1x128xi32, #tpu.memory_space<vmem>>
        %dma_wait3A_387 = tpu.memref_squeeze %dma_wait3A_386 : memref<1x128xi32, #tpu.memory_space<vmem>> -> memref<128xi32, #tpu.memory_space<vmem>>
        %dma_wait3A_388 = arith.constant 0 : i32
        %dma_wait3A_389 = arith.constant 0 : i32
        %dma_wait3A_390 = tpu.memref_slice %arg6[%dma_wait3A_388, %dma_wait3A_389] : memref<10240x128xf32, #tpu.memory_space<vmem_shared>> -> memref<10240x128xf32, #tpu.memory_space<vmem_shared>>
        tpu.wait_indirect_dma semaphore(%run_scoped3A_378 : memref<!tpu.dma_semaphore, #tpu.memory_space<semaphore_mem>>) src(%arg9 : memref<128x128xf32, #tpu.memory_space<vmem>>) dst(%dma_wait3A_390 : memref<10240x128xf32, #tpu.memory_space<vmem_shared>>)
        tpu.yield
      }) : () -> ()
      %dma_wait3A_356 = arith.constant 7 : i32
      %dma_wait3A_357 = arith.constant 0 : i32
      %dma_wait3A_358 = arith.constant 0 : i32
      %dma_wait3A_359 = tpu.memref_slice %arg10[%dma_wait3A_357, %dma_wait3A_358] : memref<128x128xf32, #tpu.memory_space<vmem>> -> memref<64x128xf32, #tpu.memory_space<vmem>>
      %dma_wait3A_360 = arith.constant 0 : i32
      %dma_wait3A_361 = tpu.memref_slice %arg7[%dma_wait3A_356, %dma_wait3A_360] : memref<8x128xi32, #tpu.memory_space<vmem>> -> memref<1x64xi32, #tpu.memory_space<vmem>>
      %dma_wait3A_362 = tpu.memref_squeeze %dma_wait3A_361 : memref<1x64xi32, #tpu.memory_space<vmem>> -> memref<64xi32, #tpu.memory_space<vmem>>
      %dma_wait3A_363 = arith.constant 0 : i32
      %dma_wait3A_364 = arith.constant 0 : i32
      %dma_wait3A_365 = tpu.memref_slice %arg2[%dma_wait3A_363, %dma_wait3A_364] : memref<10240x128xf32, #tpu.memory_space<hbm>> -> memref<10240x128xf32, #tpu.memory_space<hbm>>
      tpu.wait_indirect_dma semaphore(%arg13 : memref<!tpu.dma_semaphore, #tpu.memory_space<semaphore_mem>>) src(%dma_wait3A_365 : memref<10240x128xf32, #tpu.memory_space<hbm>>) dst(%dma_wait3A_359 : memref<64x128xf32, #tpu.memory_space<vmem>>)
      %dma_wait3A_366 = arith.constant 7 : i32
      %dma_wait3A_367 = arith.constant 64 : i32
      %dma_wait3A_368 = arith.constant 0 : i32
      %dma_wait3A_369 = tpu.memref_slice %arg10[%dma_wait3A_367, %dma_wait3A_368] : memref<128x128xf32, #tpu.memory_space<vmem>> -> memref<64x128xf32, #tpu.memory_space<vmem>>
      %dma_wait3A_370 = arith.constant 64 : i32
      %dma_wait3A_371 = tpu.memref_slice %arg7[%dma_wait3A_366, %dma_wait3A_370] : memref<8x128xi32, #tpu.memory_space<vmem>> -> memref<1x64xi32, #tpu.memory_space<vmem>>
      %dma_wait3A_372 = tpu.memref_squeeze %dma_wait3A_371 : memref<1x64xi32, #tpu.memory_space<vmem>> -> memref<64xi32, #tpu.memory_space<vmem>>
      %dma_wait3A_373 = arith.constant 0 : i32
      %dma_wait3A_374 = arith.constant 0 : i32
      %dma_wait3A_375 = tpu.memref_slice %arg2[%dma_wait3A_373, %dma_wait3A_374] : memref<10240x128xf32, #tpu.memory_space<hbm>> -> memref<10240x128xf32, #tpu.memory_space<hbm>>
      tpu.wait_indirect_dma semaphore(%arg14 : memref<!tpu.dma_semaphore, #tpu.memory_space<semaphore_mem>>) src(%dma_wait3A_375 : memref<10240x128xf32, #tpu.memory_space<hbm>>) dst(%dma_wait3A_369 : memref<64x128xf32, #tpu.memory_space<vmem>>)
      %run_scoped3A_376 = arith.constant 7 : i32
      "tpu.region"() ({
        %run_scoped3A_378 = tpu.sem_alloc : memref<!tpu.dma_semaphore, #tpu.memory_space<semaphore_mem>>
        %dma_start3A_379 = arith.constant 0 : i32
        %dma_start3A_380 = tpu.memref_slice %arg8[%run_scoped3A_376, %dma_start3A_379] : memref<8x128xi32, #tpu.memory_space<vmem>> -> memref<1x128xi32, #tpu.memory_space<vmem>>
        %dma_start3A_381 = tpu.memref_squeeze %dma_start3A_380 : memref<1x128xi32, #tpu.memory_space<vmem>> -> memref<128xi32, #tpu.memory_space<vmem>>
        %dma_start3A_382 = arith.constant 0 : i32
        %dma_start3A_383 = arith.constant 0 : i32
        %dma_start3A_384 = tpu.memref_slice %arg6[%dma_start3A_382, %dma_start3A_383] : memref<10240x128xf32, #tpu.memory_space<vmem_shared>> -> memref<10240x128xf32, #tpu.memory_space<vmem_shared>>
        tpu.enqueue_indirect_dma source(%arg10 : memref<128x128xf32, #tpu.memory_space<vmem>>) target(%dma_start3A_384 : memref<10240x128xf32, #tpu.memory_space<vmem_shared>>) offsets(%dma_start3A_381 : memref<128xi32, #tpu.memory_space<vmem>>) semaphore(%run_scoped3A_378 : memref<!tpu.dma_semaphore, #tpu.memory_space<semaphore_mem>>) {add = true}
        %dma_wait3A_385 = arith.constant 0 : i32
        %dma_wait3A_386 = tpu.memref_slice %arg8[%run_scoped3A_376, %dma_wait3A_385] : memref<8x128xi32, #tpu.memory_space<vmem>> -> memref<1x128xi32, #tpu.memory_space<vmem>>
        %dma_wait3A_387 = tpu.memref_squeeze %dma_wait3A_386 : memref<1x128xi32, #tpu.memory_space<vmem>> -> memref<128xi32, #tpu.memory_space<vmem>>
        %dma_wait3A_388 = arith.constant 0 : i32
        %dma_wait3A_389 = arith.constant 0 : i32
        %dma_wait3A_390 = tpu.memref_slice %arg6[%dma_wait3A_388, %dma_wait3A_389] : memref<10240x128xf32, #tpu.memory_space<vmem_shared>> -> memref<10240x128xf32, #tpu.memory_space<vmem_shared>>
        tpu.wait_indirect_dma semaphore(%run_scoped3A_378 : memref<!tpu.dma_semaphore, #tpu.memory_space<semaphore_mem>>) src(%arg10 : memref<128x128xf32, #tpu.memory_space<vmem>>) dst(%dma_wait3A_390 : memref<10240x128xf32, #tpu.memory_space<vmem_shared>>)
        tpu.yield
      }) : () -> ()
      %scan3A_377 = arith.constant 0 : i32
      scf.yield %scan3A_377 : i32
    }
    %scan3A_34 = arith.constant 10 : i32
    %barrier3A_35 = arith.constant 0 : index
    tpu.barrier barrier_id(%barrier3A_35)
    %mul3A_36 = arith.constant 640 : i32
    %mul3A_37 = arith.muli %arg1, %mul3A_36 : i32
    %mul3A_38 = arith.constant 640 : i32
    %mul3A_39 = arith.muli %arg1, %mul3A_38 : i32
    "tpu.region"() ({
      %run_scoped3A = tpu.sem_alloc : memref<!tpu.dma_semaphore, #tpu.memory_space<semaphore_mem>>
      %dma_start3A = arith.constant 0 : i32
      %dma_start3A_40 = tpu.memref_slice %arg5[%arg0, %mul3A_39, %dma_start3A] : memref<2x10240x128xf32, #tpu.memory_space<hbm>> -> memref<1x640x128xf32, #tpu.memory_space<hbm>>
      %dma_start3A_41 = tpu.memref_squeeze %dma_start3A_40 : memref<1x640x128xf32, #tpu.memory_space<hbm>> -> memref<640x128xf32, #tpu.memory_space<hbm>>
      %dma_start3A_42 = arith.constant 0 : i32
      %dma_start3A_43 = tpu.memref_slice %arg6[%mul3A_37, %dma_start3A_42] : memref<10240x128xf32, #tpu.memory_space<vmem_shared>> -> memref<640x128xf32, #tpu.memory_space<vmem_shared>>
      tpu.enqueue_dma source(%dma_start3A_43 : memref<640x128xf32, #tpu.memory_space<vmem_shared>>) target(%dma_start3A_41 : memref<640x128xf32, #tpu.memory_space<hbm>>) target_semaphore(%run_scoped3A : memref<!tpu.dma_semaphore, #tpu.memory_space<semaphore_mem>>)
      %dma_wait3A = arith.constant 0 : i32
      %dma_wait3A_44 = tpu.memref_slice %arg5[%arg0, %mul3A_39, %dma_wait3A] : memref<2x10240x128xf32, #tpu.memory_space<hbm>> -> memref<1x640x128xf32, #tpu.memory_space<hbm>>
      %dma_wait3A_45 = tpu.memref_squeeze %dma_wait3A_44 : memref<1x640x128xf32, #tpu.memory_space<hbm>> -> memref<640x128xf32, #tpu.memory_space<hbm>>
      %dma_wait3A_46 = arith.constant 0 : i32
      %dma_wait3A_47 = tpu.memref_slice %arg6[%mul3A_37, %dma_wait3A_46] : memref<10240x128xf32, #tpu.memory_space<vmem_shared>> -> memref<640x128xf32, #tpu.memory_space<vmem_shared>>
      tpu.wait_dma2 semaphore(%run_scoped3A : memref<!tpu.dma_semaphore, #tpu.memory_space<semaphore_mem>>) src(%dma_wait3A_47 : memref<640x128xf32, #tpu.memory_space<vmem_shared>>) dst(%dma_wait3A_45 : memref<640x128xf32, #tpu.memory_space<hbm>>)
      tpu.yield
    }) : () -> ()
    return
  }
}

#map = affine_map<(d0, d1) -> (0, 0)>
#map1 = affine_map<(d0, d1) -> (0, 0, 0)>
module attributes {stable_mosaic.version = 14 : i64} {
  func.func @body(%arg0: i32, %arg1: i32, %arg2: memref<10240x128xf32, #tpu.memory_space<hbm>>, %arg3: memref<2560x128xi32, #tpu.memory_space<hbm>>, %arg4: memref<2560x128xi32, #tpu.memory_space<hbm>>, %arg5: memref<2x10240x128xf32, #tpu.memory_space<hbm>>, %arg6: memref<10240x128xf32, #tpu.memory_space<vmem_shared>>, %arg7: memref<8x128xi32, #tpu.memory_space<vmem>>, %arg8: memref<8x128xi32, #tpu.memory_space<vmem>>, %arg9: memref<128x128xf32, #tpu.memory_space<vmem>>, %arg10: memref<128x128xf32, #tpu.memory_space<vmem>>, %arg11: memref<!tpu.dma_semaphore, #tpu.memory_space<semaphore_mem>>, %arg12: memref<!tpu.dma_semaphore, #tpu.memory_space<semaphore_mem>>, %arg13: memref<!tpu.dma_semaphore, #tpu.memory_space<semaphore_mem>>, %arg14: memref<!tpu.dma_semaphore, #tpu.memory_space<semaphore_mem>>) attributes {dimension_semantics = [#tpu.dimension_semantics<core_parallel>, #tpu.dimension_semantics<subcore_parallel>], iteration_bounds = array<i64: 2, 16>, scalar_prefetch = 0 : i64, scratch_operands = 9 : i64, tpu.core_type = #tpu.core_type<sc_vector_subcore>, window_params = [{transform_indices = #map}, {transform_indices = #map}, {transform_indices = #map}, {transform_indices = #map1}]} {
    %mul3A = arith.constant 16 : i32
    %mul3A_0 = arith.muli %arg0, %mul3A : i32
    %add3A = arith.addi %mul3A_0, %arg1 : i32
    %broadcast_in_dim3A = arith.constant 0.000000e+00 : f32
    %broadcast_in_dim3A_1 = vector.broadcast %broadcast_in_dim3A : f32 to vector<16xf32>
    %scan3A = arith.constant 0 : i32
    %scan3A_2 = arith.constant 0 : i32
    %scan3A_3 = arith.constant 128 : i32
    %scan3A_4 = arith.addi %scan3A_2, %scan3A_3 : i32
    %scan3A_5 = arith.constant 1 : i32
    %scan3A_6 = scf.for %scan3A_40 = %scan3A_2 to %scan3A_4 step %scan3A_5 iter_args(%scan3A_41 = %scan3A) -> (i32)  : i32 {
      %swap3A = arith.index_cast %scan3A_40 : i32 to index
      %swap3A_42 = arith.constant 0 : index
      %swap3A_43 = tpu.vector_load %arg9[%swap3A, %swap3A_42] {strides = array<i32>} : memref<128x128xf32, #tpu.memory_space<vmem>>, vector<1x16xf32>,
      %swap3A_44 = vector.shape_cast %swap3A_43 : vector<1x16xf32> to vector<16xf32>
      %swap3A_45 = vector.shape_cast %broadcast_in_dim3A_1 : vector<16xf32> to vector<1x16xf32>
      tpu.vector_store %arg9[%swap3A, %swap3A_42], %swap3A_45 {strides = array<i32>} : memref<128x128xf32, #tpu.memory_space<vmem>>, vector<1x16xf32>,
      %swap3A_46 = arith.index_cast %scan3A_40 : i32 to index
      %swap3A_47 = arith.constant 16 : index
      %swap3A_48 = tpu.vector_load %arg9[%swap3A_46, %swap3A_47] {strides = array<i32>} : memref<128x128xf32, #tpu.memory_space<vmem>>, vector<1x16xf32>,
      %swap3A_49 = vector.shape_cast %swap3A_48 : vector<1x16xf32> to vector<16xf32>
      %swap3A_50 = vector.shape_cast %broadcast_in_dim3A_1 : vector<16xf32> to vector<1x16xf32>
      tpu.vector_store %arg9[%swap3A_46, %swap3A_47], %swap3A_50 {strides = array<i32>} : memref<128x128xf32, #tpu.memory_space<vmem>>, vector<1x16xf32>,
      %swap3A_51 = arith.index_cast %scan3A_40 : i32 to index
      %swap3A_52 = arith.constant 32 : index
      %swap3A_53 = tpu.vector_load %arg9[%swap3A_51, %swap3A_52] {strides = array<i32>} : memref<128x128xf32, #tpu.memory_space<vmem>>, vector<1x16xf32>,
      %swap3A_54 = vector.shape_cast %swap3A_53 : vector<1x16xf32> to vector<16xf32>
      %swap3A_55 = vector.shape_cast %broadcast_in_dim3A_1 : vector<16xf32> to vector<1x16xf32>
      tpu.vector_store %arg9[%swap3A_51, %swap3A_52], %swap3A_55 {strides = array<i32>} : memref<128x128xf32, #tpu.memory_space<vmem>>, vector<1x16xf32>,
      %swap3A_56 = arith.index_cast %scan3A_40 : i32 to index
      %swap3A_57 = arith.constant 48 : index
      %swap3A_58 = tpu.vector_load %arg9[%swap3A_56, %swap3A_57] {strides = array<i32>} : memref<128x128xf32, #tpu.memory_space<vmem>>, vector<1x16xf32>,
      %swap3A_59 = vector.shape_cast %swap3A_58 : vector<1x16xf32> to vector<16xf32>
      %swap3A_60 = vector.shape_cast %broadcast_in_dim3A_1 : vector<16xf32> to vector<1x16xf32>
      tpu.vector_store %arg9[%swap3A_56, %swap3A_57], %swap3A_60 {strides = array<i32>} : memref<128x128xf32, #tpu.memory_space<vmem>>, vector<1x16xf32>,
      %swap3A_61 = arith.index_cast %scan3A_40 : i32 to index
      %swap3A_62 = arith.constant 64 : index
      %swap3A_63 = tpu.vector_load %arg9[%swap3A_61, %swap3A_62] {strides = array<i32>} : memref<128x128xf32, #tpu.memory_space<vmem>>, vector<1x16xf32>,
      %swap3A_64 = vector.shape_cast %swap3A_63 : vector<1x16xf32> to vector<16xf32>
      %swap3A_65 = vector.shape_cast %broadcast_in_dim3A_1 : vector<16xf32> to vector<1x16xf32>
      tpu.vector_store %arg9[%swap3A_61, %swap3A_62], %swap3A_65 {strides = array<i32>} : memref<128x128xf32, #tpu.memory_space<vmem>>, vector<1x16xf32>,
      %swap3A_66 = arith.index_cast %scan3A_40 : i32 to index
      %swap3A_67 = arith.constant 80 : index
      %swap3A_68 = tpu.vector_load %arg9[%swap3A_66, %swap3A_67] {strides = array<i32>} : memref<128x128xf32, #tpu.memory_space<vmem>>, vector<1x16xf32>,
      %swap3A_69 = vector.shape_cast %swap3A_68 : vector<1x16xf32> to vector<16xf32>
      %swap3A_70 = vector.shape_cast %broadcast_in_dim3A_1 : vector<16xf32> to vector<1x16xf32>
      tpu.vector_store %arg9[%swap3A_66, %swap3A_67], %swap3A_70 {strides = array<i32>} : memref<128x128xf32, #tpu.memory_space<vmem>>, vector<1x16xf32>,
      %swap3A_71 = arith.index_cast %scan3A_40 : i32 to index
      %swap3A_72 = arith.constant 96 : index
      %swap3A_73 = tpu.vector_load %arg9[%swap3A_71, %swap3A_72] {strides = array<i32>} : memref<128x128xf32, #tpu.memory_space<vmem>>, vector<1x16xf32>,
      %swap3A_74 = vector.shape_cast %swap3A_73 : vector<1x16xf32> to vector<16xf32>
      %swap3A_75 = vector.shape_cast %broadcast_in_dim3A_1 : vector<16xf32> to vector<1x16xf32>
      tpu.vector_store %arg9[%swap3A_71, %swap3A_72], %swap3A_75 {strides = array<i32>} : memref<128x128xf32, #tpu.memory_space<vmem>>, vector<1x16xf32>,
      %swap3A_76 = arith.index_cast %scan3A_40 : i32 to index
      %swap3A_77 = arith.constant 112 : index
      %swap3A_78 = tpu.vector_load %arg9[%swap3A_76, %swap3A_77] {strides = array<i32>} : memref<128x128xf32, #tpu.memory_space<vmem>>, vector<1x16xf32>,
      %swap3A_79 = vector.shape_cast %swap3A_78 : vector<1x16xf32> to vector<16xf32>
      %swap3A_80 = vector.shape_cast %broadcast_in_dim3A_1 : vector<16xf32> to vector<1x16xf32>
      tpu.vector_store %arg9[%swap3A_76, %swap3A_77], %swap3A_80 {strides = array<i32>} : memref<128x128xf32, #tpu.memory_space<vmem>>, vector<1x16xf32>,
      %scan3A_81 = arith.constant 0 : i32
      scf.yield %scan3A_81 : i32
    }
    %scan3A_7 = arith.constant 128 : i32
    %mul3A_8 = arith.constant 640 : i32
    %mul3A_9 = arith.muli %arg1, %mul3A_8 : i32
    %add3A_10 = arith.constant 0 : i32
    %add3A_11 = arith.addi %mul3A_9, %add3A_10 : i32
    "tpu.region"() ({
      %run_scoped3A = tpu.sem_alloc : memref<!tpu.dma_semaphore, #tpu.memory_space<semaphore_mem>>
      %dma_start3A = arith.constant 0 : i32
      %dma_start3A_40 = tpu.memref_slice %arg6[%add3A_11, %dma_start3A] : memref<10240x128xf32, #tpu.memory_space<vmem_shared>> -> memref<128x128xf32, #tpu.memory_space<vmem_shared>>
      %dma_start3A_41 = arith.constant 0 : i32
      %dma_start3A_42 = tpu.memref_slice %arg6[%add3A_11, %dma_start3A_41] : memref<10240x128xf32, #tpu.memory_space<vmem_shared>> -> memref<128x128xf32, #tpu.memory_space<vmem_shared>>
      tpu.enqueue_dma source(%arg9 : memref<128x128xf32, #tpu.memory_space<vmem>>) target(%dma_start3A_42 : memref<128x128xf32, #tpu.memory_space<vmem_shared>>) target_semaphore(%run_scoped3A : memref<!tpu.dma_semaphore, #tpu.memory_space<semaphore_mem>>)
      %dma_wait3A = arith.constant 0 : i32
      %dma_wait3A_43 = tpu.memref_slice %arg6[%add3A_11, %dma_wait3A] : memref<10240x128xf32, #tpu.memory_space<vmem_shared>> -> memref<128x128xf32, #tpu.memory_space<vmem_shared>>
      %dma_wait3A_44 = arith.constant 0 : i32
      %dma_wait3A_45 = tpu.memref_slice %arg6[%add3A_11, %dma_wait3A_44] : memref<10240x128xf32, #tpu.memory_space<vmem_shared>> -> memref<128x128xf32, #tpu.memory_space<vmem_shared>>
      tpu.wait_dma2 semaphore(%run_scoped3A : memref<!tpu.dma_semaphore, #tpu.memory_space<semaphore_mem>>) src(%arg9 : memref<128x128xf32, #tpu.memory_space<vmem>>) dst(%dma_wait3A_45 : memref<128x128xf32, #tpu.memory_space<vmem_shared>>)
      tpu.yield
    }) : () -> ()
    %mul3A_12 = arith.constant 640 : i32
    %mul3A_13 = arith.muli %arg1, %mul3A_12 : i32
    %add3A_14 = arith.constant 128 : i32
    %add3A_15 = arith.addi %mul3A_13, %add3A_14 : i32
    "tpu.region"() ({
      %run_scoped3A = tpu.sem_alloc : memref<!tpu.dma_semaphore, #tpu.memory_space<semaphore_mem>>
      %dma_start3A = arith.constant 0 : i32
      %dma_start3A_40 = tpu.memref_slice %arg6[%add3A_15, %dma_start3A] : memref<10240x128xf32, #tpu.memory_space<vmem_shared>> -> memref<128x128xf32, #tpu.memory_space<vmem_shared>>
      %dma_start3A_41 = arith.constant 0 : i32
      %dma_start3A_42 = tpu.memref_slice %arg6[%add3A_15, %dma_start3A_41] : memref<10240x128xf32, #tpu.memory_space<vmem_shared>> -> memref<128x128xf32, #tpu.memory_space<vmem_shared>>
      tpu.enqueue_dma source(%arg9 : memref<128x128xf32, #tpu.memory_space<vmem>>) target(%dma_start3A_42 : memref<128x128xf32, #tpu.memory_space<vmem_shared>>) target_semaphore(%run_scoped3A : memref<!tpu.dma_semaphore, #tpu.memory_space<semaphore_mem>>)
      %dma_wait3A = arith.constant 0 : i32
      %dma_wait3A_43 = tpu.memref_slice %arg6[%add3A_15, %dma_wait3A] : memref<10240x128xf32, #tpu.memory_space<vmem_shared>> -> memref<128x128xf32, #tpu.memory_space<vmem_shared>>
      %dma_wait3A_44 = arith.constant 0 : i32
      %dma_wait3A_45 = tpu.memref_slice %arg6[%add3A_15, %dma_wait3A_44] : memref<10240x128xf32, #tpu.memory_space<vmem_shared>> -> memref<128x128xf32, #tpu.memory_space<vmem_shared>>
      tpu.wait_dma2 semaphore(%run_scoped3A : memref<!tpu.dma_semaphore, #tpu.memory_space<semaphore_mem>>) src(%arg9 : memref<128x128xf32, #tpu.memory_space<vmem>>) dst(%dma_wait3A_45 : memref<128x128xf32, #tpu.memory_space<vmem_shared>>)
      tpu.yield
    }) : () -> ()
    %mul3A_16 = arith.constant 640 : i32
    %mul3A_17 = arith.muli %arg1, %mul3A_16 : i32
    %add3A_18 = arith.constant 256 : i32
    %add3A_19 = arith.addi %mul3A_17, %add3A_18 : i32
    "tpu.region"() ({
      %run_scoped3A = tpu.sem_alloc : memref<!tpu.dma_semaphore, #tpu.memory_space<semaphore_mem>>
      %dma_start3A = arith.constant 0 : i32
      %dma_start3A_40 = tpu.memref_slice %arg6[%add3A_19, %dma_start3A] : memref<10240x128xf32, #tpu.memory_space<vmem_shared>> -> memref<128x128xf32, #tpu.memory_space<vmem_shared>>
      %dma_start3A_41 = arith.constant 0 : i32
      %dma_start3A_42 = tpu.memref_slice %arg6[%add3A_19, %dma_start3A_41] : memref<10240x128xf32, #tpu.memory_space<vmem_shared>> -> memref<128x128xf32, #tpu.memory_space<vmem_shared>>
      tpu.enqueue_dma source(%arg9 : memref<128x128xf32, #tpu.memory_space<vmem>>) target(%dma_start3A_42 : memref<128x128xf32, #tpu.memory_space<vmem_shared>>) target_semaphore(%run_scoped3A : memref<!tpu.dma_semaphore, #tpu.memory_space<semaphore_mem>>)
      %dma_wait3A = arith.constant 0 : i32
      %dma_wait3A_43 = tpu.memref_slice %arg6[%add3A_19, %dma_wait3A] : memref<10240x128xf32, #tpu.memory_space<vmem_shared>> -> memref<128x128xf32, #tpu.memory_space<vmem_shared>>
      %dma_wait3A_44 = arith.constant 0 : i32
      %dma_wait3A_45 = tpu.memref_slice %arg6[%add3A_19, %dma_wait3A_44] : memref<10240x128xf32, #tpu.memory_space<vmem_shared>> -> memref<128x128xf32, #tpu.memory_space<vmem_shared>>
      tpu.wait_dma2 semaphore(%run_scoped3A : memref<!tpu.dma_semaphore, #tpu.memory_space<semaphore_mem>>) src(%arg9 : memref<128x128xf32, #tpu.memory_space<vmem>>) dst(%dma_wait3A_45 : memref<128x128xf32, #tpu.memory_space<vmem_shared>>)
      tpu.yield
    }) : () -> ()
    %mul3A_20 = arith.constant 640 : i32
    %mul3A_21 = arith.muli %arg1, %mul3A_20 : i32
    %add3A_22 = arith.constant 384 : i32
    %add3A_23 = arith.addi %mul3A_21, %add3A_22 : i32
    "tpu.region"() ({
      %run_scoped3A = tpu.sem_alloc : memref<!tpu.dma_semaphore, #tpu.memory_space<semaphore_mem>>
      %dma_start3A = arith.constant 0 : i32
      %dma_start3A_40 = tpu.memref_slice %arg6[%add3A_23, %dma_start3A] : memref<10240x128xf32, #tpu.memory_space<vmem_shared>> -> memref<128x128xf32, #tpu.memory_space<vmem_shared>>
      %dma_start3A_41 = arith.constant 0 : i32
      %dma_start3A_42 = tpu.memref_slice %arg6[%add3A_23, %dma_start3A_41] : memref<10240x128xf32, #tpu.memory_space<vmem_shared>> -> memref<128x128xf32, #tpu.memory_space<vmem_shared>>
      tpu.enqueue_dma source(%arg9 : memref<128x128xf32, #tpu.memory_space<vmem>>) target(%dma_start3A_42 : memref<128x128xf32, #tpu.memory_space<vmem_shared>>) target_semaphore(%run_scoped3A : memref<!tpu.dma_semaphore, #tpu.memory_space<semaphore_mem>>)
      %dma_wait3A = arith.constant 0 : i32
      %dma_wait3A_43 = tpu.memref_slice %arg6[%add3A_23, %dma_wait3A] : memref<10240x128xf32, #tpu.memory_space<vmem_shared>> -> memref<128x128xf32, #tpu.memory_space<vmem_shared>>
      %dma_wait3A_44 = arith.constant 0 : i32
      %dma_wait3A_45 = tpu.memref_slice %arg6[%add3A_23, %dma_wait3A_44] : memref<10240x128xf32, #tpu.memory_space<vmem_shared>> -> memref<128x128xf32, #tpu.memory_space<vmem_shared>>
      tpu.wait_dma2 semaphore(%run_scoped3A : memref<!tpu.dma_semaphore, #tpu.memory_space<semaphore_mem>>) src(%arg9 : memref<128x128xf32, #tpu.memory_space<vmem>>) dst(%dma_wait3A_45 : memref<128x128xf32, #tpu.memory_space<vmem_shared>>)
      tpu.yield
    }) : () -> ()
    %mul3A_24 = arith.constant 640 : i32
    %mul3A_25 = arith.muli %arg1, %mul3A_24 : i32
    %add3A_26 = arith.constant 512 : i32
    %add3A_27 = arith.addi %mul3A_25, %add3A_26 : i32
    "tpu.region"() ({
      %run_scoped3A = tpu.sem_alloc : memref<!tpu.dma_semaphore, #tpu.memory_space<semaphore_mem>>
      %dma_start3A = arith.constant 0 : i32
      %dma_start3A_40 = tpu.memref_slice %arg6[%add3A_27, %dma_start3A] : memref<10240x128xf32, #tpu.memory_space<vmem_shared>> -> memref<128x128xf32, #tpu.memory_space<vmem_shared>>
      %dma_start3A_41 = arith.constant 0 : i32
      %dma_start3A_42 = tpu.memref_slice %arg6[%add3A_27, %dma_start3A_41] : memref<10240x128xf32, #tpu.memory_space<vmem_shared>> -> memref<128x128xf32, #tpu.memory_space<vmem_shared>>
      tpu.enqueue_dma source(%arg9 : memref<128x128xf32, #tpu.memory_space<vmem>>) target(%dma_start3A_42 : memref<128x128xf32, #tpu.memory_space<vmem_shared>>) target_semaphore(%run_scoped3A : memref<!tpu.dma_semaphore, #tpu.memory_space<semaphore_mem>>)
      %dma_wait3A = arith.constant 0 : i32
      %dma_wait3A_43 = tpu.memref_slice %arg6[%add3A_27, %dma_wait3A] : memref<10240x128xf32, #tpu.memory_space<vmem_shared>> -> memref<128x128xf32, #tpu.memory_space<vmem_shared>>
      %dma_wait3A_44 = arith.constant 0 : i32
      %dma_wait3A_45 = tpu.memref_slice %arg6[%add3A_27, %dma_wait3A_44] : memref<10240x128xf32, #tpu.memory_space<vmem_shared>> -> memref<128x128xf32, #tpu.memory_space<vmem_shared>>
      tpu.wait_dma2 semaphore(%run_scoped3A : memref<!tpu.dma_semaphore, #tpu.memory_space<semaphore_mem>>) src(%arg9 : memref<128x128xf32, #tpu.memory_space<vmem>>) dst(%dma_wait3A_45 : memref<128x128xf32, #tpu.memory_space<vmem_shared>>)
      tpu.yield
    }) : () -> ()
    %barrier3A = arith.constant 0 : index
    tpu.barrier barrier_id(%barrier3A)
    %scan3A_28 = arith.constant 0 : i32
    %scan3A_29 = arith.constant 0 : i32
    %scan3A_30 = arith.constant 10 : i32
    %scan3A_31 = arith.addi %scan3A_29, %scan3A_30 : i32
    %scan3A_32 = arith.constant 1 : i32
    %scan3A_33 = scf.for %scan3A_40 = %scan3A_29 to %scan3A_31 step %scan3A_32 iter_args(%scan3A_41 = %scan3A_28) -> (i32)  : i32 {
      %mul3A_42 = arith.constant 80 : i32
      %mul3A_43 = arith.muli %add3A, %mul3A_42 : i32
      %mul3A_44 = arith.constant 8 : i32
      %mul3A_45 = arith.muli %scan3A_40, %mul3A_44 : i32
      %add3A_46 = arith.addi %mul3A_43, %mul3A_45 : i32
      "tpu.region"() ({
        %run_scoped3A_378 = tpu.sem_alloc : memref<!tpu.dma_semaphore, #tpu.memory_space<semaphore_mem>>
        %dma_start3A_379 = arith.constant 0 : i32
        %dma_start3A_380 = tpu.memref_slice %arg3[%add3A_46, %dma_start3A_379] : memref<2560x128xi32, #tpu.memory_space<hbm>> -> memref<8x128xi32, #tpu.memory_space<hbm>>
        %dma_start3A_381 = arith.constant 0 : i32
        %dma_start3A_382 = tpu.memref_slice %arg3[%add3A_46, %dma_start3A_381] : memref<2560x128xi32, #tpu.memory_space<hbm>> -> memref<8x128xi32, #tpu.memory_space<hbm>>
        tpu.enqueue_dma source(%dma_start3A_382 : memref<8x128xi32, #tpu.memory_space<hbm>>) target(%arg7 : memref<8x128xi32, #tpu.memory_space<vmem>>) target_semaphore(%run_scoped3A_378 : memref<!tpu.dma_semaphore, #tpu.memory_space<semaphore_mem>>)
        %dma_wait3A_383 = arith.constant 0 : i32
        %dma_wait3A_384 = tpu.memref_slice %arg3[%add3A_46, %dma_wait3A_383] : memref<2560x128xi32, #tpu.memory_space<hbm>> -> memref<8x128xi32, #tpu.memory_space<hbm>>
        %dma_wait3A_385 = arith.constant 0 : i32
        %dma_wait3A_386 = tpu.memref_slice %arg3[%add3A_46, %dma_wait3A_385] : memref<2560x128xi32, #tpu.memory_space<hbm>> -> memref<8x128xi32, #tpu.memory_space<hbm>>
        tpu.wait_dma2 semaphore(%run_scoped3A_378 : memref<!tpu.dma_semaphore, #tpu.memory_space<semaphore_mem>>) src(%dma_wait3A_386 : memref<8x128xi32, #tpu.memory_space<hbm>>) dst(%arg7 : memref<8x128xi32, #tpu.memory_space<vmem>>)
        tpu.yield
      }) : () -> ()
      %mul3A_47 = arith.constant 80 : i32
      %mul3A_48 = arith.muli %add3A, %mul3A_47 : i32
      %mul3A_49 = arith.constant 8 : i32
      %mul3A_50 = arith.muli %scan3A_40, %mul3A_49 : i32
      %add3A_51 = arith.addi %mul3A_48, %mul3A_50 : i32
      "tpu.region"() ({
        %run_scoped3A_378 = tpu.sem_alloc : memref<!tpu.dma_semaphore, #tpu.memory_space<semaphore_mem>>
        %dma_start3A_379 = arith.constant 0 : i32
        %dma_start3A_380 = tpu.memref_slice %arg4[%add3A_51, %dma_start3A_379] : memref<2560x128xi32, #tpu.memory_space<hbm>> -> memref<8x128xi32, #tpu.memory_space<hbm>>
        %dma_start3A_381 = arith.constant 0 : i32
        %dma_start3A_382 = tpu.memref_slice %arg4[%add3A_51, %dma_start3A_381] : memref<2560x128xi32, #tpu.memory_space<hbm>> -> memref<8x128xi32, #tpu.memory_space<hbm>>
        tpu.enqueue_dma source(%dma_start3A_382 : memref<8x128xi32, #tpu.memory_space<hbm>>) target(%arg8 : memref<8x128xi32, #tpu.memory_space<vmem>>) target_semaphore(%run_scoped3A_378 : memref<!tpu.dma_semaphore, #tpu.memory_space<semaphore_mem>>)
        %dma_wait3A_383 = arith.constant 0 : i32
        %dma_wait3A_384 = tpu.memref_slice %arg4[%add3A_51, %dma_wait3A_383] : memref<2560x128xi32, #tpu.memory_space<hbm>> -> memref<8x128xi32, #tpu.memory_space<hbm>>
        %dma_wait3A_385 = arith.constant 0 : i32
        %dma_wait3A_386 = tpu.memref_slice %arg4[%add3A_51, %dma_wait3A_385] : memref<2560x128xi32, #tpu.memory_space<hbm>> -> memref<8x128xi32, #tpu.memory_space<hbm>>
        tpu.wait_dma2 semaphore(%run_scoped3A_378 : memref<!tpu.dma_semaphore, #tpu.memory_space<semaphore_mem>>) src(%dma_wait3A_386 : memref<8x128xi32, #tpu.memory_space<hbm>>) dst(%arg8 : memref<8x128xi32, #tpu.memory_space<vmem>>)
        tpu.yield
      }) : () -> ()
      %dma_start3A = arith.constant 0 : i32
      %dma_start3A_52 = arith.constant 0 : i32
      %dma_start3A_53 = arith.constant 0 : i32
      %dma_start3A_54 = tpu.memref_slice %arg9[%dma_start3A_52, %dma_start3A_53] : memref<128x128xf32, #tpu.memory_space<vmem>> -> memref<64x128xf32, #tpu.memory_space<vmem>>
      %dma_start3A_55 = arith.constant 0 : i32
      %dma_start3A_56 = tpu.memref_slice %arg7[%dma_start3A, %dma_start3A_55] : memref<8x128xi32, #tpu.memory_space<vmem>> -> memref<1x64xi32, #tpu.memory_space<vmem>>
      %dma_start3A_57 = tpu.memref_squeeze %dma_start3A_56 : memref<1x64xi32, #tpu.memory_space<vmem>> -> memref<64xi32, #tpu.memory_space<vmem>>
      %dma_start3A_58 = arith.constant 0 : i32
      %dma_start3A_59 = arith.constant 0 : i32
      %dma_start3A_60 = tpu.memref_slice %arg2[%dma_start3A_58, %dma_start3A_59] : memref<10240x128xf32, #tpu.memory_space<hbm>> -> memref<10240x128xf32, #tpu.memory_space<hbm>>
      tpu.enqueue_indirect_dma source(%dma_start3A_60 : memref<10240x128xf32, #tpu.memory_space<hbm>>) target(%dma_start3A_54 : memref<64x128xf32, #tpu.memory_space<vmem>>) offsets(%dma_start3A_57 : memref<64xi32, #tpu.memory_space<vmem>>) semaphore(%arg11 : memref<!tpu.dma_semaphore, #tpu.memory_space<semaphore_mem>>)
      %dma_start3A_61 = arith.constant 0 : i32
      %dma_start3A_62 = arith.constant 64 : i32
      %dma_start3A_63 = arith.constant 0 : i32
      %dma_start3A_64 = tpu.memref_slice %arg9[%dma_start3A_62, %dma_start3A_63] : memref<128x128xf32, #tpu.memory_space<vmem>> -> memref<64x128xf32, #tpu.memory_space<vmem>>
      %dma_start3A_65 = arith.constant 64 : i32
      %dma_start3A_66 = tpu.memref_slice %arg7[%dma_start3A_61, %dma_start3A_65] : memref<8x128xi32, #tpu.memory_space<vmem>> -> memref<1x64xi32, #tpu.memory_space<vmem>>
      %dma_start3A_67 = tpu.memref_squeeze %dma_start3A_66 : memref<1x64xi32, #tpu.memory_space<vmem>> -> memref<64xi32, #tpu.memory_space<vmem>>
      %dma_start3A_68 = arith.constant 0 : i32
      %dma_start3A_69 = arith.constant 0 : i32
      %dma_start3A_70 = tpu.memref_slice %arg2[%dma_start3A_68, %dma_start3A_69] : memref<10240x128xf32, #tpu.memory_space<hbm>> -> memref<10240x128xf32, #tpu.memory_space<hbm>>
      tpu.enqueue_indirect_dma source(%dma_start3A_70 : memref<10240x128xf32, #tpu.memory_space<hbm>>) target(%dma_start3A_64 : memref<64x128xf32, #tpu.memory_space<vmem>>) offsets(%dma_start3A_67 : memref<64xi32, #tpu.memory_space<vmem>>) semaphore(%arg12 : memref<!tpu.dma_semaphore, #tpu.memory_space<semaphore_mem>>)
      %dma_start3A_71 = arith.constant 1 : i32
      %dma_start3A_72 = arith.constant 0 : i32
      %dma_start3A_73 = arith.constant 0 : i32
      %dma_start3A_74 = tpu.memref_slice %arg10[%dma_start3A_72, %dma_start3A_73] : memref<128x128xf32, #tpu.memory_space<vmem>> -> memref<64x128xf32, #tpu.memory_space<vmem>>
      %dma_start3A_75 = arith.constant 0 : i32
      %dma_start3A_76 = tpu.memref_slice %arg7[%dma_start3A_71, %dma_start3A_75] : memref<8x128xi32, #tpu.memory_space<vmem>> -> memref<1x64xi32, #tpu.memory_space<vmem>>
      %dma_start3A_77 = tpu.memref_squeeze %dma_start3A_76 : memref<1x64xi32, #tpu.memory_space<vmem>> -> memref<64xi32, #tpu.memory_space<vmem>>
      %dma_start3A_78 = arith.constant 0 : i32
      %dma_start3A_79 = arith.constant 0 : i32
      %dma_start3A_80 = tpu.memref_slice %arg2[%dma_start3A_78, %dma_start3A_79] : memref<10240x128xf32, #tpu.memory_space<hbm>> -> memref<10240x128xf32, #tpu.memory_space<hbm>>
      tpu.enqueue_indirect_dma source(%dma_start3A_80 : memref<10240x128xf32, #tpu.memory_space<hbm>>) target(%dma_start3A_74 : memref<64x128xf32, #tpu.memory_space<vmem>>) offsets(%dma_start3A_77 : memref<64xi32, #tpu.memory_space<vmem>>) semaphore(%arg13 : memref<!tpu.dma_semaphore, #tpu.memory_space<semaphore_mem>>)
      %dma_start3A_81 = arith.constant 1 : i32
      %dma_start3A_82 = arith.constant 64 : i32
      %dma_start3A_83 = arith.constant 0 : i32
      %dma_start3A_84 = tpu.memref_slice %arg10[%dma_start3A_82, %dma_start3A_83] : memref<128x128xf32, #tpu.memory_space<vmem>> -> memref<64x128xf32, #tpu.memory_space<vmem>>
      %dma_start3A_85 = arith.constant 64 : i32
      %dma_start3A_86 = tpu.memref_slice %arg7[%dma_start3A_81, %dma_start3A_85] : memref<8x128xi32, #tpu.memory_space<vmem>> -> memref<1x64xi32, #tpu.memory_space<vmem>>
      %dma_start3A_87 = tpu.memref_squeeze %dma_start3A_86 : memref<1x64xi32, #tpu.memory_space<vmem>> -> memref<64xi32, #tpu.memory_space<vmem>>
      %dma_start3A_88 = arith.constant 0 : i32
      %dma_start3A_89 = arith.constant 0 : i32
      %dma_start3A_90 = tpu.memref_slice %arg2[%dma_start3A_88, %dma_start3A_89] : memref<10240x128xf32, #tpu.memory_space<hbm>> -> memref<10240x128xf32, #tpu.memory_space<hbm>>
      tpu.enqueue_indirect_dma source(%dma_start3A_90 : memref<10240x128xf32, #tpu.memory_space<hbm>>) target(%dma_start3A_84 : memref<64x128xf32, #tpu.memory_space<vmem>>) offsets(%dma_start3A_87 : memref<64xi32, #tpu.memory_space<vmem>>) semaphore(%arg14 : memref<!tpu.dma_semaphore, #tpu.memory_space<semaphore_mem>>)
      %dma_wait3A = arith.constant 0 : i32
      %dma_wait3A_91 = arith.constant 0 : i32
      %dma_wait3A_92 = arith.constant 0 : i32
      %dma_wait3A_93 = tpu.memref_slice %arg9[%dma_wait3A_91, %dma_wait3A_92] : memref<128x128xf32, #tpu.memory_space<vmem>> -> memref<64x128xf32, #tpu.memory_space<vmem>>
      %dma_wait3A_94 = arith.constant 0 : i32
      %dma_wait3A_95 = tpu.memref_slice %arg7[%dma_wait3A, %dma_wait3A_94] : memref<8x128xi32, #tpu.memory_space<vmem>> -> memref<1x64xi32, #tpu.memory_space<vmem>>
      %dma_wait3A_96 = tpu.memref_squeeze %dma_wait3A_95 : memref<1x64xi32, #tpu.memory_space<vmem>> -> memref<64xi32, #tpu.memory_space<vmem>>
      %dma_wait3A_97 = arith.constant 0 : i32
      %dma_wait3A_98 = arith.constant 0 : i32
      %dma_wait3A_99 = tpu.memref_slice %arg2[%dma_wait3A_97, %dma_wait3A_98] : memref<10240x128xf32, #tpu.memory_space<hbm>> -> memref<10240x128xf32, #tpu.memory_space<hbm>>
      tpu.wait_indirect_dma semaphore(%arg11 : memref<!tpu.dma_semaphore, #tpu.memory_space<semaphore_mem>>) src(%dma_wait3A_99 : memref<10240x128xf32, #tpu.memory_space<hbm>>) dst(%dma_wait3A_93 : memref<64x128xf32, #tpu.memory_space<vmem>>)
      %dma_wait3A_100 = arith.constant 0 : i32
      %dma_wait3A_101 = arith.constant 64 : i32
      %dma_wait3A_102 = arith.constant 0 : i32
      %dma_wait3A_103 = tpu.memref_slice %arg9[%dma_wait3A_101, %dma_wait3A_102] : memref<128x128xf32, #tpu.memory_space<vmem>> -> memref<64x128xf32, #tpu.memory_space<vmem>>
      %dma_wait3A_104 = arith.constant 64 : i32
      %dma_wait3A_105 = tpu.memref_slice %arg7[%dma_wait3A_100, %dma_wait3A_104] : memref<8x128xi32, #tpu.memory_space<vmem>> -> memref<1x64xi32, #tpu.memory_space<vmem>>
      %dma_wait3A_106 = tpu.memref_squeeze %dma_wait3A_105 : memref<1x64xi32, #tpu.memory_space<vmem>> -> memref<64xi32, #tpu.memory_space<vmem>>
      %dma_wait3A_107 = arith.constant 0 : i32
      %dma_wait3A_108 = arith.constant 0 : i32
      %dma_wait3A_109 = tpu.memref_slice %arg2[%dma_wait3A_107, %dma_wait3A_108] : memref<10240x128xf32, #tpu.memory_space<hbm>> -> memref<10240x128xf32, #tpu.memory_space<hbm>>
      tpu.wait_indirect_dma semaphore(%arg12 : memref<!tpu.dma_semaphore, #tpu.memory_space<semaphore_mem>>) src(%dma_wait3A_109 : memref<10240x128xf32, #tpu.memory_space<hbm>>) dst(%dma_wait3A_103 : memref<64x128xf32, #tpu.memory_space<vmem>>)
      %run_scoped3A = arith.constant 0 : i32
      "tpu.region"() ({
        %run_scoped3A_378 = tpu.sem_alloc : memref<!tpu.dma_semaphore, #tpu.memory_space<semaphore_mem>>
        %dma_start3A_379 = arith.constant 0 : i32
        %dma_start3A_380 = tpu.memref_slice %arg8[%run_scoped3A, %dma_start3A_379] : memref<8x128xi32, #tpu.memory_space<vmem>> -> memref<1x128xi32, #tpu.memory_space<vmem>>
        %dma_start3A_381 = tpu.memref_squeeze %dma_start3A_380 : memref<1x128xi32, #tpu.memory_space<vmem>> -> memref<128xi32, #tpu.memory_space<vmem>>
        %dma_start3A_382 = arith.constant 0 : i32
        %dma_start3A_383 = arith.constant 0 : i32
        %dma_start3A_384 = tpu.memref_slice %arg6[%dma_start3A_382, %dma_start3A_383] : memref<10240x128xf32, #tpu.memory_space<vmem_shared>> -> memref<10240x128xf32, #tpu.memory_space<vmem_shared>>
        tpu.enqueue_indirect_dma source(%arg9 : memref<128x128xf32, #tpu.memory_space<vmem>>) target(%dma_start3A_384 : memref<10240x128xf32, #tpu.memory_space<vmem_shared>>) offsets(%dma_start3A_381 : memref<128xi32, #tpu.memory_space<vmem>>) semaphore(%run_scoped3A_378 : memref<!tpu.dma_semaphore, #tpu.memory_space<semaphore_mem>>) {add = true}
        %dma_wait3A_385 = arith.constant 0 : i32
        %dma_wait3A_386 = tpu.memref_slice %arg8[%run_scoped3A, %dma_wait3A_385] : memref<8x128xi32, #tpu.memory_space<vmem>> -> memref<1x128xi32, #tpu.memory_space<vmem>>
        %dma_wait3A_387 = tpu.memref_squeeze %dma_wait3A_386 : memref<1x128xi32, #tpu.memory_space<vmem>> -> memref<128xi32, #tpu.memory_space<vmem>>
        %dma_wait3A_388 = arith.constant 0 : i32
        %dma_wait3A_389 = arith.constant 0 : i32
        %dma_wait3A_390 = tpu.memref_slice %arg6[%dma_wait3A_388, %dma_wait3A_389] : memref<10240x128xf32, #tpu.memory_space<vmem_shared>> -> memref<10240x128xf32, #tpu.memory_space<vmem_shared>>
        tpu.wait_indirect_dma semaphore(%run_scoped3A_378 : memref<!tpu.dma_semaphore, #tpu.memory_space<semaphore_mem>>) src(%arg9 : memref<128x128xf32, #tpu.memory_space<vmem>>) dst(%dma_wait3A_390 : memref<10240x128xf32, #tpu.memory_space<vmem_shared>>)
        tpu.yield
      }) : () -> ()
      %dma_start3A_110 = arith.constant 2 : i32
      %dma_start3A_111 = arith.constant 0 : i32
      %dma_start3A_112 = arith.constant 0 : i32
      %dma_start3A_113 = tpu.memref_slice %arg9[%dma_start3A_111, %dma_start3A_112] : memref<128x128xf32, #tpu.memory_space<vmem>> -> memref<64x128xf32, #tpu.memory_space<vmem>>
      %dma_start3A_114 = arith.constant 0 : i32
      %dma_start3A_115 = tpu.memref_slice %arg7[%dma_start3A_110, %dma_start3A_114] : memref<8x128xi32, #tpu.memory_space<vmem>> -> memref<1x64xi32, #tpu.memory_space<vmem>>
      %dma_start3A_116 = tpu.memref_squeeze %dma_start3A_115 : memref<1x64xi32, #tpu.memory_space<vmem>> -> memref<64xi32, #tpu.memory_space<vmem>>
      %dma_start3A_117 = arith.constant 0 : i32
      %dma_start3A_118 = arith.constant 0 : i32
      %dma_start3A_119 = tpu.memref_slice %arg2[%dma_start3A_117, %dma_start3A_118] : memref<10240x128xf32, #tpu.memory_space<hbm>> -> memref<10240x128xf32, #tpu.memory_space<hbm>>
      tpu.enqueue_indirect_dma source(%dma_start3A_119 : memref<10240x128xf32, #tpu.memory_space<hbm>>) target(%dma_start3A_113 : memref<64x128xf32, #tpu.memory_space<vmem>>) offsets(%dma_start3A_116 : memref<64xi32, #tpu.memory_space<vmem>>) semaphore(%arg11 : memref<!tpu.dma_semaphore, #tpu.memory_space<semaphore_mem>>)
      %dma_start3A_120 = arith.constant 2 : i32
      %dma_start3A_121 = arith.constant 64 : i32
      %dma_start3A_122 = arith.constant 0 : i32
      %dma_start3A_123 = tpu.memref_slice %arg9[%dma_start3A_121, %dma_start3A_122] : memref<128x128xf32, #tpu.memory_space<vmem>> -> memref<64x128xf32, #tpu.memory_space<vmem>>
      %dma_start3A_124 = arith.constant 64 : i32
      %dma_start3A_125 = tpu.memref_slice %arg7[%dma_start3A_120, %dma_start3A_124] : memref<8x128xi32, #tpu.memory_space<vmem>> -> memref<1x64xi32, #tpu.memory_space<vmem>>
      %dma_start3A_126 = tpu.memref_squeeze %dma_start3A_125 : memref<1x64xi32, #tpu.memory_space<vmem>> -> memref<64xi32, #tpu.memory_space<vmem>>
      %dma_start3A_127 = arith.constant 0 : i32
      %dma_start3A_128 = arith.constant 0 : i32
      %dma_start3A_129 = tpu.memref_slice %arg2[%dma_start3A_127, %dma_start3A_128] : memref<10240x128xf32, #tpu.memory_space<hbm>> -> memref<10240x128xf32, #tpu.memory_space<hbm>>
      tpu.enqueue_indirect_dma source(%dma_start3A_129 : memref<10240x128xf32, #tpu.memory_space<hbm>>) target(%dma_start3A_123 : memref<64x128xf32, #tpu.memory_space<vmem>>) offsets(%dma_start3A_126 : memref<64xi32, #tpu.memory_space<vmem>>) semaphore(%arg12 : memref<!tpu.dma_semaphore, #tpu.memory_space<semaphore_mem>>)
      %dma_wait3A_130 = arith.constant 1 : i32
      %dma_wait3A_131 = arith.constant 0 : i32
      %dma_wait3A_132 = arith.constant 0 : i32
      %dma_wait3A_133 = tpu.memref_slice %arg10[%dma_wait3A_131, %dma_wait3A_132] : memref<128x128xf32, #tpu.memory_space<vmem>> -> memref<64x128xf32, #tpu.memory_space<vmem>>
      %dma_wait3A_134 = arith.constant 0 : i32
      %dma_wait3A_135 = tpu.memref_slice %arg7[%dma_wait3A_130, %dma_wait3A_134] : memref<8x128xi32, #tpu.memory_space<vmem>> -> memref<1x64xi32, #tpu.memory_space<vmem>>
      %dma_wait3A_136 = tpu.memref_squeeze %dma_wait3A_135 : memref<1x64xi32, #tpu.memory_space<vmem>> -> memref<64xi32, #tpu.memory_space<vmem>>
      %dma_wait3A_137 = arith.constant 0 : i32
      %dma_wait3A_138 = arith.constant 0 : i32
      %dma_wait3A_139 = tpu.memref_slice %arg2[%dma_wait3A_137, %dma_wait3A_138] : memref<10240x128xf32, #tpu.memory_space<hbm>> -> memref<10240x128xf32, #tpu.memory_space<hbm>>
      tpu.wait_indirect_dma semaphore(%arg13 : memref<!tpu.dma_semaphore, #tpu.memory_space<semaphore_mem>>) src(%dma_wait3A_139 : memref<10240x128xf32, #tpu.memory_space<hbm>>) dst(%dma_wait3A_133 : memref<64x128xf32, #tpu.memory_space<vmem>>)
      %dma_wait3A_140 = arith.constant 1 : i32
      %dma_wait3A_141 = arith.constant 64 : i32
      %dma_wait3A_142 = arith.constant 0 : i32
      %dma_wait3A_143 = tpu.memref_slice %arg10[%dma_wait3A_141, %dma_wait3A_142] : memref<128x128xf32, #tpu.memory_space<vmem>> -> memref<64x128xf32, #tpu.memory_space<vmem>>
      %dma_wait3A_144 = arith.constant 64 : i32
      %dma_wait3A_145 = tpu.memref_slice %arg7[%dma_wait3A_140, %dma_wait3A_144] : memref<8x128xi32, #tpu.memory_space<vmem>> -> memref<1x64xi32, #tpu.memory_space<vmem>>
      %dma_wait3A_146 = tpu.memref_squeeze %dma_wait3A_145 : memref<1x64xi32, #tpu.memory_space<vmem>> -> memref<64xi32, #tpu.memory_space<vmem>>
      %dma_wait3A_147 = arith.constant 0 : i32
      %dma_wait3A_148 = arith.constant 0 : i32
      %dma_wait3A_149 = tpu.memref_slice %arg2[%dma_wait3A_147, %dma_wait3A_148] : memref<10240x128xf32, #tpu.memory_space<hbm>> -> memref<10240x128xf32, #tpu.memory_space<hbm>>
      tpu.wait_indirect_dma semaphore(%arg14 : memref<!tpu.dma_semaphore, #tpu.memory_space<semaphore_mem>>) src(%dma_wait3A_149 : memref<10240x128xf32, #tpu.memory_space<hbm>>) dst(%dma_wait3A_143 : memref<64x128xf32, #tpu.memory_space<vmem>>)
      %run_scoped3A_150 = arith.constant 1 : i32
      "tpu.region"() ({
        %run_scoped3A_378 = tpu.sem_alloc : memref<!tpu.dma_semaphore, #tpu.memory_space<semaphore_mem>>
        %dma_start3A_379 = arith.constant 0 : i32
        %dma_start3A_380 = tpu.memref_slice %arg8[%run_scoped3A_150, %dma_start3A_379] : memref<8x128xi32, #tpu.memory_space<vmem>> -> memref<1x128xi32, #tpu.memory_space<vmem>>
        %dma_start3A_381 = tpu.memref_squeeze %dma_start3A_380 : memref<1x128xi32, #tpu.memory_space<vmem>> -> memref<128xi32, #tpu.memory_space<vmem>>
        %dma_start3A_382 = arith.constant 0 : i32
        %dma_start3A_383 = arith.constant 0 : i32
        %dma_start3A_384 = tpu.memref_slice %arg6[%dma_start3A_382, %dma_start3A_383] : memref<10240x128xf32, #tpu.memory_space<vmem_shared>> -> memref<10240x128xf32, #tpu.memory_space<vmem_shared>>
        tpu.enqueue_indirect_dma source(%arg10 : memref<128x128xf32, #tpu.memory_space<vmem>>) target(%dma_start3A_384 : memref<10240x128xf32, #tpu.memory_space<vmem_shared>>) offsets(%dma_start3A_381 : memref<128xi32, #tpu.memory_space<vmem>>) semaphore(%run_scoped3A_378 : memref<!tpu.dma_semaphore, #tpu.memory_space<semaphore_mem>>) {add = true}
        %dma_wait3A_385 = arith.constant 0 : i32
        %dma_wait3A_386 = tpu.memref_slice %arg8[%run_scoped3A_150, %dma_wait3A_385] : memref<8x128xi32, #tpu.memory_space<vmem>> -> memref<1x128xi32, #tpu.memory_space<vmem>>
        %dma_wait3A_387 = tpu.memref_squeeze %dma_wait3A_386 : memref<1x128xi32, #tpu.memory_space<vmem>> -> memref<128xi32, #tpu.memory_space<vmem>>
        %dma_wait3A_388 = arith.constant 0 : i32
        %dma_wait3A_389 = arith.constant 0 : i32
        %dma_wait3A_390 = tpu.memref_slice %arg6[%dma_wait3A_388, %dma_wait3A_389] : memref<10240x128xf32, #tpu.memory_space<vmem_shared>> -> memref<10240x128xf32, #tpu.memory_space<vmem_shared>>
        tpu.wait_indirect_dma semaphore(%run_scoped3A_378 : memref<!tpu.dma_semaphore, #tpu.memory_space<semaphore_mem>>) src(%arg10 : memref<128x128xf32, #tpu.memory_space<vmem>>) dst(%dma_wait3A_390 : memref<10240x128xf32, #tpu.memory_space<vmem_shared>>)
        tpu.yield
      }) : () -> ()
      %dma_start3A_151 = arith.constant 3 : i32
      %dma_start3A_152 = arith.constant 0 : i32
      %dma_start3A_153 = arith.constant 0 : i32
      %dma_start3A_154 = tpu.memref_slice %arg10[%dma_start3A_152, %dma_start3A_153] : memref<128x128xf32, #tpu.memory_space<vmem>> -> memref<64x128xf32, #tpu.memory_space<vmem>>
      %dma_start3A_155 = arith.constant 0 : i32
      %dma_start3A_156 = tpu.memref_slice %arg7[%dma_start3A_151, %dma_start3A_155] : memref<8x128xi32, #tpu.memory_space<vmem>> -> memref<1x64xi32, #tpu.memory_space<vmem>>
      %dma_start3A_157 = tpu.memref_squeeze %dma_start3A_156 : memref<1x64xi32, #tpu.memory_space<vmem>> -> memref<64xi32, #tpu.memory_space<vmem>>
      %dma_start3A_158 = arith.constant 0 : i32
      %dma_start3A_159 = arith.constant 0 : i32
      %dma_start3A_160 = tpu.memref_slice %arg2[%dma_start3A_158, %dma_start3A_159] : memref<10240x128xf32, #tpu.memory_space<hbm>> -> memref<10240x128xf32, #tpu.memory_space<hbm>>
      tpu.enqueue_indirect_dma source(%dma_start3A_160 : memref<10240x128xf32, #tpu.memory_space<hbm>>) target(%dma_start3A_154 : memref<64x128xf32, #tpu.memory_space<vmem>>) offsets(%dma_start3A_157 : memref<64xi32, #tpu.memory_space<vmem>>) semaphore(%arg13 : memref<!tpu.dma_semaphore, #tpu.memory_space<semaphore_mem>>)
      %dma_start3A_161 = arith.constant 3 : i32
      %dma_start3A_162 = arith.constant 64 : i32
      %dma_start3A_163 = arith.constant 0 : i32
      %dma_start3A_164 = tpu.memref_slice %arg10[%dma_start3A_162, %dma_start3A_163] : memref<128x128xf32, #tpu.memory_space<vmem>> -> memref<64x128xf32, #tpu.memory_space<vmem>>
      %dma_start3A_165 = arith.constant 64 : i32
      %dma_start3A_166 = tpu.memref_slice %arg7[%dma_start3A_161, %dma_start3A_165] : memref<8x128xi32, #tpu.memory_space<vmem>> -> memref<1x64xi32, #tpu.memory_space<vmem>>
      %dma_start3A_167 = tpu.memref_squeeze %dma_start3A_166 : memref<1x64xi32, #tpu.memory_space<vmem>> -> memref<64xi32, #tpu.memory_space<vmem>>
      %dma_start3A_168 = arith.constant 0 : i32
      %dma_start3A_169 = arith.constant 0 : i32
      %dma_start3A_170 = tpu.memref_slice %arg2[%dma_start3A_168, %dma_start3A_169] : memref<10240x128xf32, #tpu.memory_space<hbm>> -> memref<10240x128xf32, #tpu.memory_space<hbm>>
      tpu.enqueue_indirect_dma source(%dma_start3A_170 : memref<10240x128xf32, #tpu.memory_space<hbm>>) target(%dma_start3A_164 : memref<64x128xf32, #tpu.memory_space<vmem>>) offsets(%dma_start3A_167 : memref<64xi32, #tpu.memory_space<vmem>>) semaphore(%arg14 : memref<!tpu.dma_semaphore, #tpu.memory_space<semaphore_mem>>)
      %dma_wait3A_171 = arith.constant 2 : i32
      %dma_wait3A_172 = arith.constant 0 : i32
      %dma_wait3A_173 = arith.constant 0 : i32
      %dma_wait3A_174 = tpu.memref_slice %arg9[%dma_wait3A_172, %dma_wait3A_173] : memref<128x128xf32, #tpu.memory_space<vmem>> -> memref<64x128xf32, #tpu.memory_space<vmem>>
      %dma_wait3A_175 = arith.constant 0 : i32
      %dma_wait3A_176 = tpu.memref_slice %arg7[%dma_wait3A_171, %dma_wait3A_175] : memref<8x128xi32, #tpu.memory_space<vmem>> -> memref<1x64xi32, #tpu.memory_space<vmem>>
      %dma_wait3A_177 = tpu.memref_squeeze %dma_wait3A_176 : memref<1x64xi32, #tpu.memory_space<vmem>> -> memref<64xi32, #tpu.memory_space<vmem>>
      %dma_wait3A_178 = arith.constant 0 : i32
      %dma_wait3A_179 = arith.constant 0 : i32
      %dma_wait3A_180 = tpu.memref_slice %arg2[%dma_wait3A_178, %dma_wait3A_179] : memref<10240x128xf32, #tpu.memory_space<hbm>> -> memref<10240x128xf32, #tpu.memory_space<hbm>>
      tpu.wait_indirect_dma semaphore(%arg11 : memref<!tpu.dma_semaphore, #tpu.memory_space<semaphore_mem>>) src(%dma_wait3A_180 : memref<10240x128xf32, #tpu.memory_space<hbm>>) dst(%dma_wait3A_174 : memref<64x128xf32, #tpu.memory_space<vmem>>)
      %dma_wait3A_181 = arith.constant 2 : i32
      %dma_wait3A_182 = arith.constant 64 : i32
      %dma_wait3A_183 = arith.constant 0 : i32
      %dma_wait3A_184 = tpu.memref_slice %arg9[%dma_wait3A_182, %dma_wait3A_183] : memref<128x128xf32, #tpu.memory_space<vmem>> -> memref<64x128xf32, #tpu.memory_space<vmem>>
      %dma_wait3A_185 = arith.constant 64 : i32
      %dma_wait3A_186 = tpu.memref_slice %arg7[%dma_wait3A_181, %dma_wait3A_185] : memref<8x128xi32, #tpu.memory_space<vmem>> -> memref<1x64xi32, #tpu.memory_space<vmem>>
      %dma_wait3A_187 = tpu.memref_squeeze %dma_wait3A_186 : memref<1x64xi32, #tpu.memory_space<vmem>> -> memref<64xi32, #tpu.memory_space<vmem>>
      %dma_wait3A_188 = arith.constant 0 : i32
      %dma_wait3A_189 = arith.constant 0 : i32
      %dma_wait3A_190 = tpu.memref_slice %arg2[%dma_wait3A_188, %dma_wait3A_189] : memref<10240x128xf32, #tpu.memory_space<hbm>> -> memref<10240x128xf32, #tpu.memory_space<hbm>>
      tpu.wait_indirect_dma semaphore(%arg12 : memref<!tpu.dma_semaphore, #tpu.memory_space<semaphore_mem>>) src(%dma_wait3A_190 : memref<10240x128xf32, #tpu.memory_space<hbm>>) dst(%dma_wait3A_184 : memref<64x128xf32, #tpu.memory_space<vmem>>)
      %run_scoped3A_191 = arith.constant 2 : i32
      "tpu.region"() ({
        %run_scoped3A_378 = tpu.sem_alloc : memref<!tpu.dma_semaphore, #tpu.memory_space<semaphore_mem>>
        %dma_start3A_379 = arith.constant 0 : i32
        %dma_start3A_380 = tpu.memref_slice %arg8[%run_scoped3A_191, %dma_start3A_379] : memref<8x128xi32, #tpu.memory_space<vmem>> -> memref<1x128xi32, #tpu.memory_space<vmem>>
        %dma_start3A_381 = tpu.memref_squeeze %dma_start3A_380 : memref<1x128xi32, #tpu.memory_space<vmem>> -> memref<128xi32, #tpu.memory_space<vmem>>
        %dma_start3A_382 = arith.constant 0 : i32
        %dma_start3A_383 = arith.constant 0 : i32
        %dma_start3A_384 = tpu.memref_slice %arg6[%dma_start3A_382, %dma_start3A_383] : memref<10240x128xf32, #tpu.memory_space<vmem_shared>> -> memref<10240x128xf32, #tpu.memory_space<vmem_shared>>
        tpu.enqueue_indirect_dma source(%arg9 : memref<128x128xf32, #tpu.memory_space<vmem>>) target(%dma_start3A_384 : memref<10240x128xf32, #tpu.memory_space<vmem_shared>>) offsets(%dma_start3A_381 : memref<128xi32, #tpu.memory_space<vmem>>) semaphore(%run_scoped3A_378 : memref<!tpu.dma_semaphore, #tpu.memory_space<semaphore_mem>>) {add = true}
        %dma_wait3A_385 = arith.constant 0 : i32
        %dma_wait3A_386 = tpu.memref_slice %arg8[%run_scoped3A_191, %dma_wait3A_385] : memref<8x128xi32, #tpu.memory_space<vmem>> -> memref<1x128xi32, #tpu.memory_space<vmem>>
        %dma_wait3A_387 = tpu.memref_squeeze %dma_wait3A_386 : memref<1x128xi32, #tpu.memory_space<vmem>> -> memref<128xi32, #tpu.memory_space<vmem>>
        %dma_wait3A_388 = arith.constant 0 : i32
        %dma_wait3A_389 = arith.constant 0 : i32
        %dma_wait3A_390 = tpu.memref_slice %arg6[%dma_wait3A_388, %dma_wait3A_389] : memref<10240x128xf32, #tpu.memory_space<vmem_shared>> -> memref<10240x128xf32, #tpu.memory_space<vmem_shared>>
        tpu.wait_indirect_dma semaphore(%run_scoped3A_378 : memref<!tpu.dma_semaphore, #tpu.memory_space<semaphore_mem>>) src(%arg9 : memref<128x128xf32, #tpu.memory_space<vmem>>) dst(%dma_wait3A_390 : memref<10240x128xf32, #tpu.memory_space<vmem_shared>>)
        tpu.yield
      }) : () -> ()
      %dma_start3A_192 = arith.constant 4 : i32
      %dma_start3A_193 = arith.constant 0 : i32
      %dma_start3A_194 = arith.constant 0 : i32
      %dma_start3A_195 = tpu.memref_slice %arg9[%dma_start3A_193, %dma_start3A_194] : memref<128x128xf32, #tpu.memory_space<vmem>> -> memref<64x128xf32, #tpu.memory_space<vmem>>
      %dma_start3A_196 = arith.constant 0 : i32
      %dma_start3A_197 = tpu.memref_slice %arg7[%dma_start3A_192, %dma_start3A_196] : memref<8x128xi32, #tpu.memory_space<vmem>> -> memref<1x64xi32, #tpu.memory_space<vmem>>
      %dma_start3A_198 = tpu.memref_squeeze %dma_start3A_197 : memref<1x64xi32, #tpu.memory_space<vmem>> -> memref<64xi32, #tpu.memory_space<vmem>>
      %dma_start3A_199 = arith.constant 0 : i32
      %dma_start3A_200 = arith.constant 0 : i32
      %dma_start3A_201 = tpu.memref_slice %arg2[%dma_start3A_199, %dma_start3A_200] : memref<10240x128xf32, #tpu.memory_space<hbm>> -> memref<10240x128xf32, #tpu.memory_space<hbm>>
      tpu.enqueue_indirect_dma source(%dma_start3A_201 : memref<10240x128xf32, #tpu.memory_space<hbm>>) target(%dma_start3A_195 : memref<64x128xf32, #tpu.memory_space<vmem>>) offsets(%dma_start3A_198 : memref<64xi32, #tpu.memory_space<vmem>>) semaphore(%arg11 : memref<!tpu.dma_semaphore, #tpu.memory_space<semaphore_mem>>)
      %dma_start3A_202 = arith.constant 4 : i32
      %dma_start3A_203 = arith.constant 64 : i32
      %dma_start3A_204 = arith.constant 0 : i32
      %dma_start3A_205 = tpu.memref_slice %arg9[%dma_start3A_203, %dma_start3A_204] : memref<128x128xf32, #tpu.memory_space<vmem>> -> memref<64x128xf32, #tpu.memory_space<vmem>>
      %dma_start3A_206 = arith.constant 64 : i32
      %dma_start3A_207 = tpu.memref_slice %arg7[%dma_start3A_202, %dma_start3A_206] : memref<8x128xi32, #tpu.memory_space<vmem>> -> memref<1x64xi32, #tpu.memory_space<vmem>>
      %dma_start3A_208 = tpu.memref_squeeze %dma_start3A_207 : memref<1x64xi32, #tpu.memory_space<vmem>> -> memref<64xi32, #tpu.memory_space<vmem>>
      %dma_start3A_209 = arith.constant 0 : i32
      %dma_start3A_210 = arith.constant 0 : i32
      %dma_start3A_211 = tpu.memref_slice %arg2[%dma_start3A_209, %dma_start3A_210] : memref<10240x128xf32, #tpu.memory_space<hbm>> -> memref<10240x128xf32, #tpu.memory_space<hbm>>
      tpu.enqueue_indirect_dma source(%dma_start3A_211 : memref<10240x128xf32, #tpu.memory_space<hbm>>) target(%dma_start3A_205 : memref<64x128xf32, #tpu.memory_space<vmem>>) offsets(%dma_start3A_208 : memref<64xi32, #tpu.memory_space<vmem>>) semaphore(%arg12 : memref<!tpu.dma_semaphore, #tpu.memory_space<semaphore_mem>>)
      %dma_wait3A_212 = arith.constant 3 : i32
      %dma_wait3A_213 = arith.constant 0 : i32
      %dma_wait3A_214 = arith.constant 0 : i32
      %dma_wait3A_215 = tpu.memref_slice %arg10[%dma_wait3A_213, %dma_wait3A_214] : memref<128x128xf32, #tpu.memory_space<vmem>> -> memref<64x128xf32, #tpu.memory_space<vmem>>
      %dma_wait3A_216 = arith.constant 0 : i32
      %dma_wait3A_217 = tpu.memref_slice %arg7[%dma_wait3A_212, %dma_wait3A_216] : memref<8x128xi32, #tpu.memory_space<vmem>> -> memref<1x64xi32, #tpu.memory_space<vmem>>
      %dma_wait3A_218 = tpu.memref_squeeze %dma_wait3A_217 : memref<1x64xi32, #tpu.memory_space<vmem>> -> memref<64xi32, #tpu.memory_space<vmem>>
      %dma_wait3A_219 = arith.constant 0 : i32
      %dma_wait3A_220 = arith.constant 0 : i32
      %dma_wait3A_221 = tpu.memref_slice %arg2[%dma_wait3A_219, %dma_wait3A_220] : memref<10240x128xf32, #tpu.memory_space<hbm>> -> memref<10240x128xf32, #tpu.memory_space<hbm>>
      tpu.wait_indirect_dma semaphore(%arg13 : memref<!tpu.dma_semaphore, #tpu.memory_space<semaphore_mem>>) src(%dma_wait3A_221 : memref<10240x128xf32, #tpu.memory_space<hbm>>) dst(%dma_wait3A_215 : memref<64x128xf32, #tpu.memory_space<vmem>>)
      %dma_wait3A_222 = arith.constant 3 : i32
      %dma_wait3A_223 = arith.constant 64 : i32
      %dma_wait3A_224 = arith.constant 0 : i32
      %dma_wait3A_225 = tpu.memref_slice %arg10[%dma_wait3A_223, %dma_wait3A_224] : memref<128x128xf32, #tpu.memory_space<vmem>> -> memref<64x128xf32, #tpu.memory_space<vmem>>
      %dma_wait3A_226 = arith.constant 64 : i32
      %dma_wait3A_227 = tpu.memref_slice %arg7[%dma_wait3A_222, %dma_wait3A_226] : memref<8x128xi32, #tpu.memory_space<vmem>> -> memref<1x64xi32, #tpu.memory_space<vmem>>
      %dma_wait3A_228 = tpu.memref_squeeze %dma_wait3A_227 : memref<1x64xi32, #tpu.memory_space<vmem>> -> memref<64xi32, #tpu.memory_space<vmem>>
      %dma_wait3A_229 = arith.constant 0 : i32
      %dma_wait3A_230 = arith.constant 0 : i32
      %dma_wait3A_231 = tpu.memref_slice %arg2[%dma_wait3A_229, %dma_wait3A_230] : memref<10240x128xf32, #tpu.memory_space<hbm>> -> memref<10240x128xf32, #tpu.memory_space<hbm>>
      tpu.wait_indirect_dma semaphore(%arg14 : memref<!tpu.dma_semaphore, #tpu.memory_space<semaphore_mem>>) src(%dma_wait3A_231 : memref<10240x128xf32, #tpu.memory_space<hbm>>) dst(%dma_wait3A_225 : memref<64x128xf32, #tpu.memory_space<vmem>>)
      %run_scoped3A_232 = arith.constant 3 : i32
      "tpu.region"() ({
        %run_scoped3A_378 = tpu.sem_alloc : memref<!tpu.dma_semaphore, #tpu.memory_space<semaphore_mem>>
        %dma_start3A_379 = arith.constant 0 : i32
        %dma_start3A_380 = tpu.memref_slice %arg8[%run_scoped3A_232, %dma_start3A_379] : memref<8x128xi32, #tpu.memory_space<vmem>> -> memref<1x128xi32, #tpu.memory_space<vmem>>
        %dma_start3A_381 = tpu.memref_squeeze %dma_start3A_380 : memref<1x128xi32, #tpu.memory_space<vmem>> -> memref<128xi32, #tpu.memory_space<vmem>>
        %dma_start3A_382 = arith.constant 0 : i32
        %dma_start3A_383 = arith.constant 0 : i32
        %dma_start3A_384 = tpu.memref_slice %arg6[%dma_start3A_382, %dma_start3A_383] : memref<10240x128xf32, #tpu.memory_space<vmem_shared>> -> memref<10240x128xf32, #tpu.memory_space<vmem_shared>>
        tpu.enqueue_indirect_dma source(%arg10 : memref<128x128xf32, #tpu.memory_space<vmem>>) target(%dma_start3A_384 : memref<10240x128xf32, #tpu.memory_space<vmem_shared>>) offsets(%dma_start3A_381 : memref<128xi32, #tpu.memory_space<vmem>>) semaphore(%run_scoped3A_378 : memref<!tpu.dma_semaphore, #tpu.memory_space<semaphore_mem>>) {add = true}
        %dma_wait3A_385 = arith.constant 0 : i32
        %dma_wait3A_386 = tpu.memref_slice %arg8[%run_scoped3A_232, %dma_wait3A_385] : memref<8x128xi32, #tpu.memory_space<vmem>> -> memref<1x128xi32, #tpu.memory_space<vmem>>
        %dma_wait3A_387 = tpu.memref_squeeze %dma_wait3A_386 : memref<1x128xi32, #tpu.memory_space<vmem>> -> memref<128xi32, #tpu.memory_space<vmem>>
        %dma_wait3A_388 = arith.constant 0 : i32
        %dma_wait3A_389 = arith.constant 0 : i32
        %dma_wait3A_390 = tpu.memref_slice %arg6[%dma_wait3A_388, %dma_wait3A_389] : memref<10240x128xf32, #tpu.memory_space<vmem_shared>> -> memref<10240x128xf32, #tpu.memory_space<vmem_shared>>
        tpu.wait_indirect_dma semaphore(%run_scoped3A_378 : memref<!tpu.dma_semaphore, #tpu.memory_space<semaphore_mem>>) src(%arg10 : memref<128x128xf32, #tpu.memory_space<vmem>>) dst(%dma_wait3A_390 : memref<10240x128xf32, #tpu.memory_space<vmem_shared>>)
        tpu.yield
      }) : () -> ()
      %dma_start3A_233 = arith.constant 5 : i32
      %dma_start3A_234 = arith.constant 0 : i32
      %dma_start3A_235 = arith.constant 0 : i32
      %dma_start3A_236 = tpu.memref_slice %arg10[%dma_start3A_234, %dma_start3A_235] : memref<128x128xf32, #tpu.memory_space<vmem>> -> memref<64x128xf32, #tpu.memory_space<vmem>>
      %dma_start3A_237 = arith.constant 0 : i32
      %dma_start3A_238 = tpu.memref_slice %arg7[%dma_start3A_233, %dma_start3A_237] : memref<8x128xi32, #tpu.memory_space<vmem>> -> memref<1x64xi32, #tpu.memory_space<vmem>>
      %dma_start3A_239 = tpu.memref_squeeze %dma_start3A_238 : memref<1x64xi32, #tpu.memory_space<vmem>> -> memref<64xi32, #tpu.memory_space<vmem>>
      %dma_start3A_240 = arith.constant 0 : i32
      %dma_start3A_241 = arith.constant 0 : i32
      %dma_start3A_242 = tpu.memref_slice %arg2[%dma_start3A_240, %dma_start3A_241] : memref<10240x128xf32, #tpu.memory_space<hbm>> -> memref<10240x128xf32, #tpu.memory_space<hbm>>
      tpu.enqueue_indirect_dma source(%dma_start3A_242 : memref<10240x128xf32, #tpu.memory_space<hbm>>) target(%dma_start3A_236 : memref<64x128xf32, #tpu.memory_space<vmem>>) offsets(%dma_start3A_239 : memref<64xi32, #tpu.memory_space<vmem>>) semaphore(%arg13 : memref<!tpu.dma_semaphore, #tpu.memory_space<semaphore_mem>>)
      %dma_start3A_243 = arith.constant 5 : i32
      %dma_start3A_244 = arith.constant 64 : i32
      %dma_start3A_245 = arith.constant 0 : i32
      %dma_start3A_246 = tpu.memref_slice %arg10[%dma_start3A_244, %dma_start3A_245] : memref<128x128xf32, #tpu.memory_space<vmem>> -> memref<64x128xf32, #tpu.memory_space<vmem>>
      %dma_start3A_247 = arith.constant 64 : i32
      %dma_start3A_248 = tpu.memref_slice %arg7[%dma_start3A_243, %dma_start3A_247] : memref<8x128xi32, #tpu.memory_space<vmem>> -> memref<1x64xi32, #tpu.memory_space<vmem>>
      %dma_start3A_249 = tpu.memref_squeeze %dma_start3A_248 : memref<1x64xi32, #tpu.memory_space<vmem>> -> memref<64xi32, #tpu.memory_space<vmem>>
      %dma_start3A_250 = arith.constant 0 : i32
      %dma_start3A_251 = arith.constant 0 : i32
      %dma_start3A_252 = tpu.memref_slice %arg2[%dma_start3A_250, %dma_start3A_251] : memref<10240x128xf32, #tpu.memory_space<hbm>> -> memref<10240x128xf32, #tpu.memory_space<hbm>>
      tpu.enqueue_indirect_dma source(%dma_start3A_252 : memref<10240x128xf32, #tpu.memory_space<hbm>>) target(%dma_start3A_246 : memref<64x128xf32, #tpu.memory_space<vmem>>) offsets(%dma_start3A_249 : memref<64xi32, #tpu.memory_space<vmem>>) semaphore(%arg14 : memref<!tpu.dma_semaphore, #tpu.memory_space<semaphore_mem>>)
      %dma_wait3A_253 = arith.constant 4 : i32
      %dma_wait3A_254 = arith.constant 0 : i32
      %dma_wait3A_255 = arith.constant 0 : i32
      %dma_wait3A_256 = tpu.memref_slice %arg9[%dma_wait3A_254, %dma_wait3A_255] : memref<128x128xf32, #tpu.memory_space<vmem>> -> memref<64x128xf32, #tpu.memory_space<vmem>>
      %dma_wait3A_257 = arith.constant 0 : i32
      %dma_wait3A_258 = tpu.memref_slice %arg7[%dma_wait3A_253, %dma_wait3A_257] : memref<8x128xi32, #tpu.memory_space<vmem>> -> memref<1x64xi32, #tpu.memory_space<vmem>>
      %dma_wait3A_259 = tpu.memref_squeeze %dma_wait3A_258 : memref<1x64xi32, #tpu.memory_space<vmem>> -> memref<64xi32, #tpu.memory_space<vmem>>
      %dma_wait3A_260 = arith.constant 0 : i32
      %dma_wait3A_261 = arith.constant 0 : i32
      %dma_wait3A_262 = tpu.memref_slice %arg2[%dma_wait3A_260, %dma_wait3A_261] : memref<10240x128xf32, #tpu.memory_space<hbm>> -> memref<10240x128xf32, #tpu.memory_space<hbm>>
      tpu.wait_indirect_dma semaphore(%arg11 : memref<!tpu.dma_semaphore, #tpu.memory_space<semaphore_mem>>) src(%dma_wait3A_262 : memref<10240x128xf32, #tpu.memory_space<hbm>>) dst(%dma_wait3A_256 : memref<64x128xf32, #tpu.memory_space<vmem>>)
      %dma_wait3A_263 = arith.constant 4 : i32
      %dma_wait3A_264 = arith.constant 64 : i32
      %dma_wait3A_265 = arith.constant 0 : i32
      %dma_wait3A_266 = tpu.memref_slice %arg9[%dma_wait3A_264, %dma_wait3A_265] : memref<128x128xf32, #tpu.memory_space<vmem>> -> memref<64x128xf32, #tpu.memory_space<vmem>>
      %dma_wait3A_267 = arith.constant 64 : i32
      %dma_wait3A_268 = tpu.memref_slice %arg7[%dma_wait3A_263, %dma_wait3A_267] : memref<8x128xi32, #tpu.memory_space<vmem>> -> memref<1x64xi32, #tpu.memory_space<vmem>>
      %dma_wait3A_269 = tpu.memref_squeeze %dma_wait3A_268 : memref<1x64xi32, #tpu.memory_space<vmem>> -> memref<64xi32, #tpu.memory_space<vmem>>
      %dma_wait3A_270 = arith.constant 0 : i32
      %dma_wait3A_271 = arith.constant 0 : i32
      %dma_wait3A_272 = tpu.memref_slice %arg2[%dma_wait3A_270, %dma_wait3A_271] : memref<10240x128xf32, #tpu.memory_space<hbm>> -> memref<10240x128xf32, #tpu.memory_space<hbm>>
      tpu.wait_indirect_dma semaphore(%arg12 : memref<!tpu.dma_semaphore, #tpu.memory_space<semaphore_mem>>) src(%dma_wait3A_272 : memref<10240x128xf32, #tpu.memory_space<hbm>>) dst(%dma_wait3A_266 : memref<64x128xf32, #tpu.memory_space<vmem>>)
      %run_scoped3A_273 = arith.constant 4 : i32
      "tpu.region"() ({
        %run_scoped3A_378 = tpu.sem_alloc : memref<!tpu.dma_semaphore, #tpu.memory_space<semaphore_mem>>
        %dma_start3A_379 = arith.constant 0 : i32
        %dma_start3A_380 = tpu.memref_slice %arg8[%run_scoped3A_273, %dma_start3A_379] : memref<8x128xi32, #tpu.memory_space<vmem>> -> memref<1x128xi32, #tpu.memory_space<vmem>>
        %dma_start3A_381 = tpu.memref_squeeze %dma_start3A_380 : memref<1x128xi32, #tpu.memory_space<vmem>> -> memref<128xi32, #tpu.memory_space<vmem>>
        %dma_start3A_382 = arith.constant 0 : i32
        %dma_start3A_383 = arith.constant 0 : i32
        %dma_start3A_384 = tpu.memref_slice %arg6[%dma_start3A_382, %dma_start3A_383] : memref<10240x128xf32, #tpu.memory_space<vmem_shared>> -> memref<10240x128xf32, #tpu.memory_space<vmem_shared>>
        tpu.enqueue_indirect_dma source(%arg9 : memref<128x128xf32, #tpu.memory_space<vmem>>) target(%dma_start3A_384 : memref<10240x128xf32, #tpu.memory_space<vmem_shared>>) offsets(%dma_start3A_381 : memref<128xi32, #tpu.memory_space<vmem>>) semaphore(%run_scoped3A_378 : memref<!tpu.dma_semaphore, #tpu.memory_space<semaphore_mem>>) {add = true}
        %dma_wait3A_385 = arith.constant 0 : i32
        %dma_wait3A_386 = tpu.memref_slice %arg8[%run_scoped3A_273, %dma_wait3A_385] : memref<8x128xi32, #tpu.memory_space<vmem>> -> memref<1x128xi32, #tpu.memory_space<vmem>>
        %dma_wait3A_387 = tpu.memref_squeeze %dma_wait3A_386 : memref<1x128xi32, #tpu.memory_space<vmem>> -> memref<128xi32, #tpu.memory_space<vmem>>
        %dma_wait3A_388 = arith.constant 0 : i32
        %dma_wait3A_389 = arith.constant 0 : i32
        %dma_wait3A_390 = tpu.memref_slice %arg6[%dma_wait3A_388, %dma_wait3A_389] : memref<10240x128xf32, #tpu.memory_space<vmem_shared>> -> memref<10240x128xf32, #tpu.memory_space<vmem_shared>>
        tpu.wait_indirect_dma semaphore(%run_scoped3A_378 : memref<!tpu.dma_semaphore, #tpu.memory_space<semaphore_mem>>) src(%arg9 : memref<128x128xf32, #tpu.memory_space<vmem>>) dst(%dma_wait3A_390 : memref<10240x128xf32, #tpu.memory_space<vmem_shared>>)
        tpu.yield
      }) : () -> ()
      %dma_start3A_274 = arith.constant 6 : i32
      %dma_start3A_275 = arith.constant 0 : i32
      %dma_start3A_276 = arith.constant 0 : i32
      %dma_start3A_277 = tpu.memref_slice %arg9[%dma_start3A_275, %dma_start3A_276] : memref<128x128xf32, #tpu.memory_space<vmem>> -> memref<64x128xf32, #tpu.memory_space<vmem>>
      %dma_start3A_278 = arith.constant 0 : i32
      %dma_start3A_279 = tpu.memref_slice %arg7[%dma_start3A_274, %dma_start3A_278] : memref<8x128xi32, #tpu.memory_space<vmem>> -> memref<1x64xi32, #tpu.memory_space<vmem>>
      %dma_start3A_280 = tpu.memref_squeeze %dma_start3A_279 : memref<1x64xi32, #tpu.memory_space<vmem>> -> memref<64xi32, #tpu.memory_space<vmem>>
      %dma_start3A_281 = arith.constant 0 : i32
      %dma_start3A_282 = arith.constant 0 : i32
      %dma_start3A_283 = tpu.memref_slice %arg2[%dma_start3A_281, %dma_start3A_282] : memref<10240x128xf32, #tpu.memory_space<hbm>> -> memref<10240x128xf32, #tpu.memory_space<hbm>>
      tpu.enqueue_indirect_dma source(%dma_start3A_283 : memref<10240x128xf32, #tpu.memory_space<hbm>>) target(%dma_start3A_277 : memref<64x128xf32, #tpu.memory_space<vmem>>) offsets(%dma_start3A_280 : memref<64xi32, #tpu.memory_space<vmem>>) semaphore(%arg11 : memref<!tpu.dma_semaphore, #tpu.memory_space<semaphore_mem>>)
      %dma_start3A_284 = arith.constant 6 : i32
      %dma_start3A_285 = arith.constant 64 : i32
      %dma_start3A_286 = arith.constant 0 : i32
      %dma_start3A_287 = tpu.memref_slice %arg9[%dma_start3A_285, %dma_start3A_286] : memref<128x128xf32, #tpu.memory_space<vmem>> -> memref<64x128xf32, #tpu.memory_space<vmem>>
      %dma_start3A_288 = arith.constant 64 : i32
      %dma_start3A_289 = tpu.memref_slice %arg7[%dma_start3A_284, %dma_start3A_288] : memref<8x128xi32, #tpu.memory_space<vmem>> -> memref<1x64xi32, #tpu.memory_space<vmem>>
      %dma_start3A_290 = tpu.memref_squeeze %dma_start3A_289 : memref<1x64xi32, #tpu.memory_space<vmem>> -> memref<64xi32, #tpu.memory_space<vmem>>
      %dma_start3A_291 = arith.constant 0 : i32
      %dma_start3A_292 = arith.constant 0 : i32
      %dma_start3A_293 = tpu.memref_slice %arg2[%dma_start3A_291, %dma_start3A_292] : memref<10240x128xf32, #tpu.memory_space<hbm>> -> memref<10240x128xf32, #tpu.memory_space<hbm>>
      tpu.enqueue_indirect_dma source(%dma_start3A_293 : memref<10240x128xf32, #tpu.memory_space<hbm>>) target(%dma_start3A_287 : memref<64x128xf32, #tpu.memory_space<vmem>>) offsets(%dma_start3A_290 : memref<64xi32, #tpu.memory_space<vmem>>) semaphore(%arg12 : memref<!tpu.dma_semaphore, #tpu.memory_space<semaphore_mem>>)
      %dma_wait3A_294 = arith.constant 5 : i32
      %dma_wait3A_295 = arith.constant 0 : i32
      %dma_wait3A_296 = arith.constant 0 : i32
      %dma_wait3A_297 = tpu.memref_slice %arg10[%dma_wait3A_295, %dma_wait3A_296] : memref<128x128xf32, #tpu.memory_space<vmem>> -> memref<64x128xf32, #tpu.memory_space<vmem>>
      %dma_wait3A_298 = arith.constant 0 : i32
      %dma_wait3A_299 = tpu.memref_slice %arg7[%dma_wait3A_294, %dma_wait3A_298] : memref<8x128xi32, #tpu.memory_space<vmem>> -> memref<1x64xi32, #tpu.memory_space<vmem>>
      %dma_wait3A_300 = tpu.memref_squeeze %dma_wait3A_299 : memref<1x64xi32, #tpu.memory_space<vmem>> -> memref<64xi32, #tpu.memory_space<vmem>>
      %dma_wait3A_301 = arith.constant 0 : i32
      %dma_wait3A_302 = arith.constant 0 : i32
      %dma_wait3A_303 = tpu.memref_slice %arg2[%dma_wait3A_301, %dma_wait3A_302] : memref<10240x128xf32, #tpu.memory_space<hbm>> -> memref<10240x128xf32, #tpu.memory_space<hbm>>
      tpu.wait_indirect_dma semaphore(%arg13 : memref<!tpu.dma_semaphore, #tpu.memory_space<semaphore_mem>>) src(%dma_wait3A_303 : memref<10240x128xf32, #tpu.memory_space<hbm>>) dst(%dma_wait3A_297 : memref<64x128xf32, #tpu.memory_space<vmem>>)
      %dma_wait3A_304 = arith.constant 5 : i32
      %dma_wait3A_305 = arith.constant 64 : i32
      %dma_wait3A_306 = arith.constant 0 : i32
      %dma_wait3A_307 = tpu.memref_slice %arg10[%dma_wait3A_305, %dma_wait3A_306] : memref<128x128xf32, #tpu.memory_space<vmem>> -> memref<64x128xf32, #tpu.memory_space<vmem>>
      %dma_wait3A_308 = arith.constant 64 : i32
      %dma_wait3A_309 = tpu.memref_slice %arg7[%dma_wait3A_304, %dma_wait3A_308] : memref<8x128xi32, #tpu.memory_space<vmem>> -> memref<1x64xi32, #tpu.memory_space<vmem>>
      %dma_wait3A_310 = tpu.memref_squeeze %dma_wait3A_309 : memref<1x64xi32, #tpu.memory_space<vmem>> -> memref<64xi32, #tpu.memory_space<vmem>>
      %dma_wait3A_311 = arith.constant 0 : i32
      %dma_wait3A_312 = arith.constant 0 : i32
      %dma_wait3A_313 = tpu.memref_slice %arg2[%dma_wait3A_311, %dma_wait3A_312] : memref<10240x128xf32, #tpu.memory_space<hbm>> -> memref<10240x128xf32, #tpu.memory_space<hbm>>
      tpu.wait_indirect_dma semaphore(%arg14 : memref<!tpu.dma_semaphore, #tpu.memory_space<semaphore_mem>>) src(%dma_wait3A_313 : memref<10240x128xf32, #tpu.memory_space<hbm>>) dst(%dma_wait3A_307 : memref<64x128xf32, #tpu.memory_space<vmem>>)
      %run_scoped3A_314 = arith.constant 5 : i32
      "tpu.region"() ({
        %run_scoped3A_378 = tpu.sem_alloc : memref<!tpu.dma_semaphore, #tpu.memory_space<semaphore_mem>>
        %dma_start3A_379 = arith.constant 0 : i32
        %dma_start3A_380 = tpu.memref_slice %arg8[%run_scoped3A_314, %dma_start3A_379] : memref<8x128xi32, #tpu.memory_space<vmem>> -> memref<1x128xi32, #tpu.memory_space<vmem>>
        %dma_start3A_381 = tpu.memref_squeeze %dma_start3A_380 : memref<1x128xi32, #tpu.memory_space<vmem>> -> memref<128xi32, #tpu.memory_space<vmem>>
        %dma_start3A_382 = arith.constant 0 : i32
        %dma_start3A_383 = arith.constant 0 : i32
        %dma_start3A_384 = tpu.memref_slice %arg6[%dma_start3A_382, %dma_start3A_383] : memref<10240x128xf32, #tpu.memory_space<vmem_shared>> -> memref<10240x128xf32, #tpu.memory_space<vmem_shared>>
        tpu.enqueue_indirect_dma source(%arg10 : memref<128x128xf32, #tpu.memory_space<vmem>>) target(%dma_start3A_384 : memref<10240x128xf32, #tpu.memory_space<vmem_shared>>) offsets(%dma_start3A_381 : memref<128xi32, #tpu.memory_space<vmem>>) semaphore(%run_scoped3A_378 : memref<!tpu.dma_semaphore, #tpu.memory_space<semaphore_mem>>) {add = true}
        %dma_wait3A_385 = arith.constant 0 : i32
        %dma_wait3A_386 = tpu.memref_slice %arg8[%run_scoped3A_314, %dma_wait3A_385] : memref<8x128xi32, #tpu.memory_space<vmem>> -> memref<1x128xi32, #tpu.memory_space<vmem>>
        %dma_wait3A_387 = tpu.memref_squeeze %dma_wait3A_386 : memref<1x128xi32, #tpu.memory_space<vmem>> -> memref<128xi32, #tpu.memory_space<vmem>>
        %dma_wait3A_388 = arith.constant 0 : i32
        %dma_wait3A_389 = arith.constant 0 : i32
        %dma_wait3A_390 = tpu.memref_slice %arg6[%dma_wait3A_388, %dma_wait3A_389] : memref<10240x128xf32, #tpu.memory_space<vmem_shared>> -> memref<10240x128xf32, #tpu.memory_space<vmem_shared>>
        tpu.wait_indirect_dma semaphore(%run_scoped3A_378 : memref<!tpu.dma_semaphore, #tpu.memory_space<semaphore_mem>>) src(%arg10 : memref<128x128xf32, #tpu.memory_space<vmem>>) dst(%dma_wait3A_390 : memref<10240x128xf32, #tpu.memory_space<vmem_shared>>)
        tpu.yield
      }) : () -> ()
      %dma_start3A_315 = arith.constant 7 : i32
      %dma_start3A_316 = arith.constant 0 : i32
      %dma_start3A_317 = arith.constant 0 : i32
      %dma_start3A_318 = tpu.memref_slice %arg10[%dma_start3A_316, %dma_start3A_317] : memref<128x128xf32, #tpu.memory_space<vmem>> -> memref<64x128xf32, #tpu.memory_space<vmem>>
      %dma_start3A_319 = arith.constant 0 : i32
      %dma_start3A_320 = tpu.memref_slice %arg7[%dma_start3A_315, %dma_start3A_319] : memref<8x128xi32, #tpu.memory_space<vmem>> -> memref<1x64xi32, #tpu.memory_space<vmem>>
      %dma_start3A_321 = tpu.memref_squeeze %dma_start3A_320 : memref<1x64xi32, #tpu.memory_space<vmem>> -> memref<64xi32, #tpu.memory_space<vmem>>
      %dma_start3A_322 = arith.constant 0 : i32
      %dma_start3A_323 = arith.constant 0 : i32
      %dma_start3A_324 = tpu.memref_slice %arg2[%dma_start3A_322, %dma_start3A_323] : memref<10240x128xf32, #tpu.memory_space<hbm>> -> memref<10240x128xf32, #tpu.memory_space<hbm>>
      tpu.enqueue_indirect_dma source(%dma_start3A_324 : memref<10240x128xf32, #tpu.memory_space<hbm>>) target(%dma_start3A_318 : memref<64x128xf32, #tpu.memory_space<vmem>>) offsets(%dma_start3A_321 : memref<64xi32, #tpu.memory_space<vmem>>) semaphore(%arg13 : memref<!tpu.dma_semaphore, #tpu.memory_space<semaphore_mem>>)
      %dma_start3A_325 = arith.constant 7 : i32
      %dma_start3A_326 = arith.constant 64 : i32
      %dma_start3A_327 = arith.constant 0 : i32
      %dma_start3A_328 = tpu.memref_slice %arg10[%dma_start3A_326, %dma_start3A_327] : memref<128x128xf32, #tpu.memory_space<vmem>> -> memref<64x128xf32, #tpu.memory_space<vmem>>
      %dma_start3A_329 = arith.constant 64 : i32
      %dma_start3A_330 = tpu.memref_slice %arg7[%dma_start3A_325, %dma_start3A_329] : memref<8x128xi32, #tpu.memory_space<vmem>> -> memref<1x64xi32, #tpu.memory_space<vmem>>
      %dma_start3A_331 = tpu.memref_squeeze %dma_start3A_330 : memref<1x64xi32, #tpu.memory_space<vmem>> -> memref<64xi32, #tpu.memory_space<vmem>>
      %dma_start3A_332 = arith.constant 0 : i32
      %dma_start3A_333 = arith.constant 0 : i32
      %dma_start3A_334 = tpu.memref_slice %arg2[%dma_start3A_332, %dma_start3A_333] : memref<10240x128xf32, #tpu.memory_space<hbm>> -> memref<10240x128xf32, #tpu.memory_space<hbm>>
      tpu.enqueue_indirect_dma source(%dma_start3A_334 : memref<10240x128xf32, #tpu.memory_space<hbm>>) target(%dma_start3A_328 : memref<64x128xf32, #tpu.memory_space<vmem>>) offsets(%dma_start3A_331 : memref<64xi32, #tpu.memory_space<vmem>>) semaphore(%arg14 : memref<!tpu.dma_semaphore, #tpu.memory_space<semaphore_mem>>)
      %dma_wait3A_335 = arith.constant 6 : i32
      %dma_wait3A_336 = arith.constant 0 : i32
      %dma_wait3A_337 = arith.constant 0 : i32
      %dma_wait3A_338 = tpu.memref_slice %arg9[%dma_wait3A_336, %dma_wait3A_337] : memref<128x128xf32, #tpu.memory_space<vmem>> -> memref<64x128xf32, #tpu.memory_space<vmem>>
      %dma_wait3A_339 = arith.constant 0 : i32
      %dma_wait3A_340 = tpu.memref_slice %arg7[%dma_wait3A_335, %dma_wait3A_339] : memref<8x128xi32, #tpu.memory_space<vmem>> -> memref<1x64xi32, #tpu.memory_space<vmem>>
      %dma_wait3A_341 = tpu.memref_squeeze %dma_wait3A_340 : memref<1x64xi32, #tpu.memory_space<vmem>> -> memref<64xi32, #tpu.memory_space<vmem>>
      %dma_wait3A_342 = arith.constant 0 : i32
      %dma_wait3A_343 = arith.constant 0 : i32
      %dma_wait3A_344 = tpu.memref_slice %arg2[%dma_wait3A_342, %dma_wait3A_343] : memref<10240x128xf32, #tpu.memory_space<hbm>> -> memref<10240x128xf32, #tpu.memory_space<hbm>>
      tpu.wait_indirect_dma semaphore(%arg11 : memref<!tpu.dma_semaphore, #tpu.memory_space<semaphore_mem>>) src(%dma_wait3A_344 : memref<10240x128xf32, #tpu.memory_space<hbm>>) dst(%dma_wait3A_338 : memref<64x128xf32, #tpu.memory_space<vmem>>)
      %dma_wait3A_345 = arith.constant 6 : i32
      %dma_wait3A_346 = arith.constant 64 : i32
      %dma_wait3A_347 = arith.constant 0 : i32
      %dma_wait3A_348 = tpu.memref_slice %arg9[%dma_wait3A_346, %dma_wait3A_347] : memref<128x128xf32, #tpu.memory_space<vmem>> -> memref<64x128xf32, #tpu.memory_space<vmem>>
      %dma_wait3A_349 = arith.constant 64 : i32
      %dma_wait3A_350 = tpu.memref_slice %arg7[%dma_wait3A_345, %dma_wait3A_349] : memref<8x128xi32, #tpu.memory_space<vmem>> -> memref<1x64xi32, #tpu.memory_space<vmem>>
      %dma_wait3A_351 = tpu.memref_squeeze %dma_wait3A_350 : memref<1x64xi32, #tpu.memory_space<vmem>> -> memref<64xi32, #tpu.memory_space<vmem>>
      %dma_wait3A_352 = arith.constant 0 : i32
      %dma_wait3A_353 = arith.constant 0 : i32
      %dma_wait3A_354 = tpu.memref_slice %arg2[%dma_wait3A_352, %dma_wait3A_353] : memref<10240x128xf32, #tpu.memory_space<hbm>> -> memref<10240x128xf32, #tpu.memory_space<hbm>>
      tpu.wait_indirect_dma semaphore(%arg12 : memref<!tpu.dma_semaphore, #tpu.memory_space<semaphore_mem>>) src(%dma_wait3A_354 : memref<10240x128xf32, #tpu.memory_space<hbm>>) dst(%dma_wait3A_348 : memref<64x128xf32, #tpu.memory_space<vmem>>)
      %run_scoped3A_355 = arith.constant 6 : i32
      "tpu.region"() ({
        %run_scoped3A_378 = tpu.sem_alloc : memref<!tpu.dma_semaphore, #tpu.memory_space<semaphore_mem>>
        %dma_start3A_379 = arith.constant 0 : i32
        %dma_start3A_380 = tpu.memref_slice %arg8[%run_scoped3A_355, %dma_start3A_379] : memref<8x128xi32, #tpu.memory_space<vmem>> -> memref<1x128xi32, #tpu.memory_space<vmem>>
        %dma_start3A_381 = tpu.memref_squeeze %dma_start3A_380 : memref<1x128xi32, #tpu.memory_space<vmem>> -> memref<128xi32, #tpu.memory_space<vmem>>
        %dma_start3A_382 = arith.constant 0 : i32
        %dma_start3A_383 = arith.constant 0 : i32
        %dma_start3A_384 = tpu.memref_slice %arg6[%dma_start3A_382, %dma_start3A_383] : memref<10240x128xf32, #tpu.memory_space<vmem_shared>> -> memref<10240x128xf32, #tpu.memory_space<vmem_shared>>
        tpu.enqueue_indirect_dma source(%arg9 : memref<128x128xf32, #tpu.memory_space<vmem>>) target(%dma_start3A_384 : memref<10240x128xf32, #tpu.memory_space<vmem_shared>>) offsets(%dma_start3A_381 : memref<128xi32, #tpu.memory_space<vmem>>) semaphore(%run_scoped3A_378 : memref<!tpu.dma_semaphore, #tpu.memory_space<semaphore_mem>>) {add = true}
        %dma_wait3A_385 = arith.constant 0 : i32
        %dma_wait3A_386 = tpu.memref_slice %arg8[%run_scoped3A_355, %dma_wait3A_385] : memref<8x128xi32, #tpu.memory_space<vmem>> -> memref<1x128xi32, #tpu.memory_space<vmem>>
        %dma_wait3A_387 = tpu.memref_squeeze %dma_wait3A_386 : memref<1x128xi32, #tpu.memory_space<vmem>> -> memref<128xi32, #tpu.memory_space<vmem>>
        %dma_wait3A_388 = arith.constant 0 : i32
        %dma_wait3A_389 = arith.constant 0 : i32
        %dma_wait3A_390 = tpu.memref_slice %arg6[%dma_wait3A_388, %dma_wait3A_389] : memref<10240x128xf32, #tpu.memory_space<vmem_shared>> -> memref<10240x128xf32, #tpu.memory_space<vmem_shared>>
        tpu.wait_indirect_dma semaphore(%run_scoped3A_378 : memref<!tpu.dma_semaphore, #tpu.memory_space<semaphore_mem>>) src(%arg9 : memref<128x128xf32, #tpu.memory_space<vmem>>) dst(%dma_wait3A_390 : memref<10240x128xf32, #tpu.memory_space<vmem_shared>>)
        tpu.yield
      }) : () -> ()
      %dma_wait3A_356 = arith.constant 7 : i32
      %dma_wait3A_357 = arith.constant 0 : i32
      %dma_wait3A_358 = arith.constant 0 : i32
      %dma_wait3A_359 = tpu.memref_slice %arg10[%dma_wait3A_357, %dma_wait3A_358] : memref<128x128xf32, #tpu.memory_space<vmem>> -> memref<64x128xf32, #tpu.memory_space<vmem>>
      %dma_wait3A_360 = arith.constant 0 : i32
      %dma_wait3A_361 = tpu.memref_slice %arg7[%dma_wait3A_356, %dma_wait3A_360] : memref<8x128xi32, #tpu.memory_space<vmem>> -> memref<1x64xi32, #tpu.memory_space<vmem>>
      %dma_wait3A_362 = tpu.memref_squeeze %dma_wait3A_361 : memref<1x64xi32, #tpu.memory_space<vmem>> -> memref<64xi32, #tpu.memory_space<vmem>>
      %dma_wait3A_363 = arith.constant 0 : i32
      %dma_wait3A_364 = arith.constant 0 : i32
      %dma_wait3A_365 = tpu.memref_slice %arg2[%dma_wait3A_363, %dma_wait3A_364] : memref<10240x128xf32, #tpu.memory_space<hbm>> -> memref<10240x128xf32, #tpu.memory_space<hbm>>
      tpu.wait_indirect_dma semaphore(%arg13 : memref<!tpu.dma_semaphore, #tpu.memory_space<semaphore_mem>>) src(%dma_wait3A_365 : memref<10240x128xf32, #tpu.memory_space<hbm>>) dst(%dma_wait3A_359 : memref<64x128xf32, #tpu.memory_space<vmem>>)
      %dma_wait3A_366 = arith.constant 7 : i32
      %dma_wait3A_367 = arith.constant 64 : i32
      %dma_wait3A_368 = arith.constant 0 : i32
      %dma_wait3A_369 = tpu.memref_slice %arg10[%dma_wait3A_367, %dma_wait3A_368] : memref<128x128xf32, #tpu.memory_space<vmem>> -> memref<64x128xf32, #tpu.memory_space<vmem>>
      %dma_wait3A_370 = arith.constant 64 : i32
      %dma_wait3A_371 = tpu.memref_slice %arg7[%dma_wait3A_366, %dma_wait3A_370] : memref<8x128xi32, #tpu.memory_space<vmem>> -> memref<1x64xi32, #tpu.memory_space<vmem>>
      %dma_wait3A_372 = tpu.memref_squeeze %dma_wait3A_371 : memref<1x64xi32, #tpu.memory_space<vmem>> -> memref<64xi32, #tpu.memory_space<vmem>>
      %dma_wait3A_373 = arith.constant 0 : i32
      %dma_wait3A_374 = arith.constant 0 : i32
      %dma_wait3A_375 = tpu.memref_slice %arg2[%dma_wait3A_373, %dma_wait3A_374] : memref<10240x128xf32, #tpu.memory_space<hbm>> -> memref<10240x128xf32, #tpu.memory_space<hbm>>
      tpu.wait_indirect_dma semaphore(%arg14 : memref<!tpu.dma_semaphore, #tpu.memory_space<semaphore_mem>>) src(%dma_wait3A_375 : memref<10240x128xf32, #tpu.memory_space<hbm>>) dst(%dma_wait3A_369 : memref<64x128xf32, #tpu.memory_space<vmem>>)
      %run_scoped3A_376 = arith.constant 7 : i32
      "tpu.region"() ({
        %run_scoped3A_378 = tpu.sem_alloc : memref<!tpu.dma_semaphore, #tpu.memory_space<semaphore_mem>>
        %dma_start3A_379 = arith.constant 0 : i32
        %dma_start3A_380 = tpu.memref_slice %arg8[%run_scoped3A_376, %dma_start3A_379] : memref<8x128xi32, #tpu.memory_space<vmem>> -> memref<1x128xi32, #tpu.memory_space<vmem>>
        %dma_start3A_381 = tpu.memref_squeeze %dma_start3A_380 : memref<1x128xi32, #tpu.memory_space<vmem>> -> memref<128xi32, #tpu.memory_space<vmem>>
        %dma_start3A_382 = arith.constant 0 : i32
        %dma_start3A_383 = arith.constant 0 : i32
        %dma_start3A_384 = tpu.memref_slice %arg6[%dma_start3A_382, %dma_start3A_383] : memref<10240x128xf32, #tpu.memory_space<vmem_shared>> -> memref<10240x128xf32, #tpu.memory_space<vmem_shared>>
        tpu.enqueue_indirect_dma source(%arg10 : memref<128x128xf32, #tpu.memory_space<vmem>>) target(%dma_start3A_384 : memref<10240x128xf32, #tpu.memory_space<vmem_shared>>) offsets(%dma_start3A_381 : memref<128xi32, #tpu.memory_space<vmem>>) semaphore(%run_scoped3A_378 : memref<!tpu.dma_semaphore, #tpu.memory_space<semaphore_mem>>) {add = true}
        %dma_wait3A_385 = arith.constant 0 : i32
        %dma_wait3A_386 = tpu.memref_slice %arg8[%run_scoped3A_376, %dma_wait3A_385] : memref<8x128xi32, #tpu.memory_space<vmem>> -> memref<1x128xi32, #tpu.memory_space<vmem>>
        %dma_wait3A_387 = tpu.memref_squeeze %dma_wait3A_386 : memref<1x128xi32, #tpu.memory_space<vmem>> -> memref<128xi32, #tpu.memory_space<vmem>>
        %dma_wait3A_388 = arith.constant 0 : i32
        %dma_wait3A_389 = arith.constant 0 : i32
        %dma_wait3A_390 = tpu.memref_slice %arg6[%dma_wait3A_388, %dma_wait3A_389] : memref<10240x128xf32, #tpu.memory_space<vmem_shared>> -> memref<10240x128xf32, #tpu.memory_space<vmem_shared>>
        tpu.wait_indirect_dma semaphore(%run_scoped3A_378 : memref<!tpu.dma_semaphore, #tpu.memory_space<semaphore_mem>>) src(%arg10 : memref<128x128xf32, #tpu.memory_space<vmem>>) dst(%dma_wait3A_390 : memref<10240x128xf32, #tpu.memory_space<vmem_shared>>)
        tpu.yield
      }) : () -> ()
      %scan3A_377 = arith.constant 0 : i32
      scf.yield %scan3A_377 : i32
    }
    %scan3A_34 = arith.constant 10 : i32
    %barrier3A_35 = arith.constant 0 : index
    tpu.barrier barrier_id(%barrier3A_35)
    %mul3A_36 = arith.constant 640 : i32
    %mul3A_37 = arith.muli %arg1, %mul3A_36 : i32
    %mul3A_38 = arith.constant 640 : i32
    %mul3A_39 = arith.muli %arg1, %mul3A_38 : i32
    "tpu.region"() ({
      %run_scoped3A = tpu.sem_alloc : memref<!tpu.dma_semaphore, #tpu.memory_space<semaphore_mem>>
      %dma_start3A = arith.constant 0 : i32
      %dma_start3A_40 = tpu.memref_slice %arg5[%arg0, %mul3A_39, %dma_start3A] : memref<2x10240x128xf32, #tpu.memory_space<hbm>> -> memref<1x640x128xf32, #tpu.memory_space<hbm>>
      %dma_start3A_41 = tpu.memref_squeeze %dma_start3A_40 : memref<1x640x128xf32, #tpu.memory_space<hbm>> -> memref<640x128xf32, #tpu.memory_space<hbm>>
      %dma_start3A_42 = arith.constant 0 : i32
      %dma_start3A_43 = tpu.memref_slice %arg6[%mul3A_37, %dma_start3A_42] : memref<10240x128xf32, #tpu.memory_space<vmem_shared>> -> memref<640x128xf32, #tpu.memory_space<vmem_shared>>
      tpu.enqueue_dma source(%dma_start3A_43 : memref<640x128xf32, #tpu.memory_space<vmem_shared>>) target(%dma_start3A_41 : memref<640x128xf32, #tpu.memory_space<hbm>>) target_semaphore(%run_scoped3A : memref<!tpu.dma_semaphore, #tpu.memory_space<semaphore_mem>>)
      %dma_wait3A = arith.constant 0 : i32
      %dma_wait3A_44 = tpu.memref_slice %arg5[%arg0, %mul3A_39, %dma_wait3A] : memref<2x10240x128xf32, #tpu.memory_space<hbm>> -> memref<1x640x128xf32, #tpu.memory_space<hbm>>
      %dma_wait3A_45 = tpu.memref_squeeze %dma_wait3A_44 : memref<1x640x128xf32, #tpu.memory_space<hbm>> -> memref<640x128xf32, #tpu.memory_space<hbm>>
      %dma_wait3A_46 = arith.constant 0 : i32
      %dma_wait3A_47 = tpu.memref_slice %arg6[%mul3A_37, %dma_wait3A_46] : memref<10240x128xf32, #tpu.memory_space<vmem_shared>> -> memref<640x128xf32, #tpu.memory_space<vmem_shared>>
      tpu.wait_dma2 semaphore(%run_scoped3A : memref<!tpu.dma_semaphore, #tpu.memory_space<semaphore_mem>>) src(%dma_wait3A_47 : memref<640x128xf32, #tpu.memory_space<vmem_shared>>) dst(%dma_wait3A_45 : memref<640x128xf32, #tpu.memory_space<hbm>>)
      tpu.yield
    }) : () -> ()
    return
  }
}

#map = affine_map<(d0, d1) -> (0, 0)>
#map1 = affine_map<(d0, d1) -> (0, 0, 0)>
module attributes {stable_mosaic.version = 14 : i64} {
  func.func @body(%arg0: i32, %arg1: i32, %arg2: memref<2560x128xi32, #tpu.memory_space<hbm>>, %arg3: memref<2x10240x128xf32, #tpu.memory_space<hbm>>, %arg4: memref<10240x128xf32, #tpu.memory_space<vmem_shared>>, %arg5: memref<8x128xi32, #tpu.memory_space<vmem>>, %arg6: memref<128x128xf32, #tpu.memory_space<vmem>>, %arg7: memref<64x128xf32, #tpu.memory_space<vmem>>) attributes {dimension_semantics = [#tpu.dimension_semantics<core_parallel>, #tpu.dimension_semantics<subcore_parallel>], iteration_bounds = array<i64: 2, 16>, scalar_prefetch = 0 : i64, scratch_operands = 4 : i64, tpu.core_type = #tpu.core_type<sc_vector_subcore>, window_params = [{transform_indices = #map}, {transform_indices = #map1}]} {
    %mul3A = arith.constant 16 : i32
    %mul3A_0 = arith.muli %arg0, %mul3A : i32
    %add3A = arith.addi %mul3A_0, %arg1 : i32
    %broadcast_in_dim3A = arith.constant 0.000000e+00 : f32
    %broadcast_in_dim3A_1 = vector.broadcast %broadcast_in_dim3A : f32 to vector<16xf32>
    %broadcast_in_dim3A_2 = arith.constant 1.000000e+00 : f32
    %broadcast_in_dim3A_3 = vector.broadcast %broadcast_in_dim3A_2 : f32 to vector<16xf32>
    %scan3A = arith.constant 0 : i32
    %scan3A_4 = arith.constant 0 : i32
    %scan3A_5 = arith.constant 128 : i32
    %scan3A_6 = arith.addi %scan3A_4, %scan3A_5 : i32
    %scan3A_7 = arith.constant 1 : i32
    %scan3A_8 = scf.for %scan3A_69 = %scan3A_4 to %scan3A_6 step %scan3A_7 iter_args(%scan3A_70 = %scan3A) -> (i32)  : i32 {
      %swap3A = arith.index_cast %scan3A_69 : i32 to index
      %swap3A_71 = arith.constant 0 : index
      %swap3A_72 = tpu.vector_load %arg6[%swap3A, %swap3A_71] {strides = array<i32>} : memref<128x128xf32, #tpu.memory_space<vmem>>, vector<1x16xf32>,
      %swap3A_73 = vector.shape_cast %swap3A_72 : vector<1x16xf32> to vector<16xf32>
      %swap3A_74 = vector.shape_cast %broadcast_in_dim3A_3 : vector<16xf32> to vector<1x16xf32>
      tpu.vector_store %arg6[%swap3A, %swap3A_71], %swap3A_74 {strides = array<i32>} : memref<128x128xf32, #tpu.memory_space<vmem>>, vector<1x16xf32>,
      %swap3A_75 = arith.index_cast %scan3A_69 : i32 to index
      %swap3A_76 = arith.constant 16 : index
      %swap3A_77 = tpu.vector_load %arg6[%swap3A_75, %swap3A_76] {strides = array<i32>} : memref<128x128xf32, #tpu.memory_space<vmem>>, vector<1x16xf32>,
      %swap3A_78 = vector.shape_cast %swap3A_77 : vector<1x16xf32> to vector<16xf32>
      %swap3A_79 = vector.shape_cast %broadcast_in_dim3A_3 : vector<16xf32> to vector<1x16xf32>
      tpu.vector_store %arg6[%swap3A_75, %swap3A_76], %swap3A_79 {strides = array<i32>} : memref<128x128xf32, #tpu.memory_space<vmem>>, vector<1x16xf32>,
      %swap3A_80 = arith.index_cast %scan3A_69 : i32 to index
      %swap3A_81 = arith.constant 32 : index
      %swap3A_82 = tpu.vector_load %arg6[%swap3A_80, %swap3A_81] {strides = array<i32>} : memref<128x128xf32, #tpu.memory_space<vmem>>, vector<1x16xf32>,
      %swap3A_83 = vector.shape_cast %swap3A_82 : vector<1x16xf32> to vector<16xf32>
      %swap3A_84 = vector.shape_cast %broadcast_in_dim3A_3 : vector<16xf32> to vector<1x16xf32>
      tpu.vector_store %arg6[%swap3A_80, %swap3A_81], %swap3A_84 {strides = array<i32>} : memref<128x128xf32, #tpu.memory_space<vmem>>, vector<1x16xf32>,
      %swap3A_85 = arith.index_cast %scan3A_69 : i32 to index
      %swap3A_86 = arith.constant 48 : index
      %swap3A_87 = tpu.vector_load %arg6[%swap3A_85, %swap3A_86] {strides = array<i32>} : memref<128x128xf32, #tpu.memory_space<vmem>>, vector<1x16xf32>,
      %swap3A_88 = vector.shape_cast %swap3A_87 : vector<1x16xf32> to vector<16xf32>
      %swap3A_89 = vector.shape_cast %broadcast_in_dim3A_3 : vector<16xf32> to vector<1x16xf32>
      tpu.vector_store %arg6[%swap3A_85, %swap3A_86], %swap3A_89 {strides = array<i32>} : memref<128x128xf32, #tpu.memory_space<vmem>>, vector<1x16xf32>,
      %swap3A_90 = arith.index_cast %scan3A_69 : i32 to index
      %swap3A_91 = arith.constant 64 : index
      %swap3A_92 = tpu.vector_load %arg6[%swap3A_90, %swap3A_91] {strides = array<i32>} : memref<128x128xf32, #tpu.memory_space<vmem>>, vector<1x16xf32>,
      %swap3A_93 = vector.shape_cast %swap3A_92 : vector<1x16xf32> to vector<16xf32>
      %swap3A_94 = vector.shape_cast %broadcast_in_dim3A_3 : vector<16xf32> to vector<1x16xf32>
      tpu.vector_store %arg6[%swap3A_90, %swap3A_91], %swap3A_94 {strides = array<i32>} : memref<128x128xf32, #tpu.memory_space<vmem>>, vector<1x16xf32>,
      %swap3A_95 = arith.index_cast %scan3A_69 : i32 to index
      %swap3A_96 = arith.constant 80 : index
      %swap3A_97 = tpu.vector_load %arg6[%swap3A_95, %swap3A_96] {strides = array<i32>} : memref<128x128xf32, #tpu.memory_space<vmem>>, vector<1x16xf32>,
      %swap3A_98 = vector.shape_cast %swap3A_97 : vector<1x16xf32> to vector<16xf32>
      %swap3A_99 = vector.shape_cast %broadcast_in_dim3A_3 : vector<16xf32> to vector<1x16xf32>
      tpu.vector_store %arg6[%swap3A_95, %swap3A_96], %swap3A_99 {strides = array<i32>} : memref<128x128xf32, #tpu.memory_space<vmem>>, vector<1x16xf32>,
      %swap3A_100 = arith.index_cast %scan3A_69 : i32 to index
      %swap3A_101 = arith.constant 96 : index
      %swap3A_102 = tpu.vector_load %arg6[%swap3A_100, %swap3A_101] {strides = array<i32>} : memref<128x128xf32, #tpu.memory_space<vmem>>, vector<1x16xf32>,
      %swap3A_103 = vector.shape_cast %swap3A_102 : vector<1x16xf32> to vector<16xf32>
      %swap3A_104 = vector.shape_cast %broadcast_in_dim3A_3 : vector<16xf32> to vector<1x16xf32>
      tpu.vector_store %arg6[%swap3A_100, %swap3A_101], %swap3A_104 {strides = array<i32>} : memref<128x128xf32, #tpu.memory_space<vmem>>, vector<1x16xf32>,
      %swap3A_105 = arith.index_cast %scan3A_69 : i32 to index
      %swap3A_106 = arith.constant 112 : index
      %swap3A_107 = tpu.vector_load %arg6[%swap3A_105, %swap3A_106] {strides = array<i32>} : memref<128x128xf32, #tpu.memory_space<vmem>>, vector<1x16xf32>,
      %swap3A_108 = vector.shape_cast %swap3A_107 : vector<1x16xf32> to vector<16xf32>
      %swap3A_109 = vector.shape_cast %broadcast_in_dim3A_3 : vector<16xf32> to vector<1x16xf32>
      tpu.vector_store %arg6[%swap3A_105, %swap3A_106], %swap3A_109 {strides = array<i32>} : memref<128x128xf32, #tpu.memory_space<vmem>>, vector<1x16xf32>,
      %scan3A_110 = arith.constant 0 : i32
      scf.yield %scan3A_110 : i32
    }
    %scan3A_9 = arith.constant 128 : i32
    %scan3A_10 = arith.constant 0 : i32
    %scan3A_11 = arith.constant 0 : i32
    %scan3A_12 = arith.constant 64 : i32
    %scan3A_13 = arith.addi %scan3A_11, %scan3A_12 : i32
    %scan3A_14 = arith.constant 1 : i32
    %scan3A_15 = scf.for %scan3A_69 = %scan3A_11 to %scan3A_13 step %scan3A_14 iter_args(%scan3A_70 = %scan3A_10) -> (i32)  : i32 {
      %swap3A = arith.index_cast %scan3A_69 : i32 to index
      %swap3A_71 = arith.constant 0 : index
      %swap3A_72 = tpu.vector_load %arg7[%swap3A, %swap3A_71] {strides = array<i32>} : memref<64x128xf32, #tpu.memory_space<vmem>>, vector<1x16xf32>,
      %swap3A_73 = vector.shape_cast %swap3A_72 : vector<1x16xf32> to vector<16xf32>
      %swap3A_74 = vector.shape_cast %broadcast_in_dim3A_1 : vector<16xf32> to vector<1x16xf32>
      tpu.vector_store %arg7[%swap3A, %swap3A_71], %swap3A_74 {strides = array<i32>} : memref<64x128xf32, #tpu.memory_space<vmem>>, vector<1x16xf32>,
      %swap3A_75 = arith.index_cast %scan3A_69 : i32 to index
      %swap3A_76 = arith.constant 16 : index
      %swap3A_77 = tpu.vector_load %arg7[%swap3A_75, %swap3A_76] {strides = array<i32>} : memref<64x128xf32, #tpu.memory_space<vmem>>, vector<1x16xf32>,
      %swap3A_78 = vector.shape_cast %swap3A_77 : vector<1x16xf32> to vector<16xf32>
      %swap3A_79 = vector.shape_cast %broadcast_in_dim3A_1 : vector<16xf32> to vector<1x16xf32>
      tpu.vector_store %arg7[%swap3A_75, %swap3A_76], %swap3A_79 {strides = array<i32>} : memref<64x128xf32, #tpu.memory_space<vmem>>, vector<1x16xf32>,
      %swap3A_80 = arith.index_cast %scan3A_69 : i32 to index
      %swap3A_81 = arith.constant 32 : index
      %swap3A_82 = tpu.vector_load %arg7[%swap3A_80, %swap3A_81] {strides = array<i32>} : memref<64x128xf32, #tpu.memory_space<vmem>>, vector<1x16xf32>,
      %swap3A_83 = vector.shape_cast %swap3A_82 : vector<1x16xf32> to vector<16xf32>
      %swap3A_84 = vector.shape_cast %broadcast_in_dim3A_1 : vector<16xf32> to vector<1x16xf32>
      tpu.vector_store %arg7[%swap3A_80, %swap3A_81], %swap3A_84 {strides = array<i32>} : memref<64x128xf32, #tpu.memory_space<vmem>>, vector<1x16xf32>,
      %swap3A_85 = arith.index_cast %scan3A_69 : i32 to index
      %swap3A_86 = arith.constant 48 : index
      %swap3A_87 = tpu.vector_load %arg7[%swap3A_85, %swap3A_86] {strides = array<i32>} : memref<64x128xf32, #tpu.memory_space<vmem>>, vector<1x16xf32>,
      %swap3A_88 = vector.shape_cast %swap3A_87 : vector<1x16xf32> to vector<16xf32>
      %swap3A_89 = vector.shape_cast %broadcast_in_dim3A_1 : vector<16xf32> to vector<1x16xf32>
      tpu.vector_store %arg7[%swap3A_85, %swap3A_86], %swap3A_89 {strides = array<i32>} : memref<64x128xf32, #tpu.memory_space<vmem>>, vector<1x16xf32>,
      %swap3A_90 = arith.index_cast %scan3A_69 : i32 to index
      %swap3A_91 = arith.constant 64 : index
      %swap3A_92 = tpu.vector_load %arg7[%swap3A_90, %swap3A_91] {strides = array<i32>} : memref<64x128xf32, #tpu.memory_space<vmem>>, vector<1x16xf32>,
      %swap3A_93 = vector.shape_cast %swap3A_92 : vector<1x16xf32> to vector<16xf32>
      %swap3A_94 = vector.shape_cast %broadcast_in_dim3A_1 : vector<16xf32> to vector<1x16xf32>
      tpu.vector_store %arg7[%swap3A_90, %swap3A_91], %swap3A_94 {strides = array<i32>} : memref<64x128xf32, #tpu.memory_space<vmem>>, vector<1x16xf32>,
      %swap3A_95 = arith.index_cast %scan3A_69 : i32 to index
      %swap3A_96 = arith.constant 80 : index
      %swap3A_97 = tpu.vector_load %arg7[%swap3A_95, %swap3A_96] {strides = array<i32>} : memref<64x128xf32, #tpu.memory_space<vmem>>, vector<1x16xf32>,
      %swap3A_98 = vector.shape_cast %swap3A_97 : vector<1x16xf32> to vector<16xf32>
      %swap3A_99 = vector.shape_cast %broadcast_in_dim3A_1 : vector<16xf32> to vector<1x16xf32>
      tpu.vector_store %arg7[%swap3A_95, %swap3A_96], %swap3A_99 {strides = array<i32>} : memref<64x128xf32, #tpu.memory_space<vmem>>, vector<1x16xf32>,
      %swap3A_100 = arith.index_cast %scan3A_69 : i32 to index
      %swap3A_101 = arith.constant 96 : index
      %swap3A_102 = tpu.vector_load %arg7[%swap3A_100, %swap3A_101] {strides = array<i32>} : memref<64x128xf32, #tpu.memory_space<vmem>>, vector<1x16xf32>,
      %swap3A_103 = vector.shape_cast %swap3A_102 : vector<1x16xf32> to vector<16xf32>
      %swap3A_104 = vector.shape_cast %broadcast_in_dim3A_1 : vector<16xf32> to vector<1x16xf32>
      tpu.vector_store %arg7[%swap3A_100, %swap3A_101], %swap3A_104 {strides = array<i32>} : memref<64x128xf32, #tpu.memory_space<vmem>>, vector<1x16xf32>,
      %swap3A_105 = arith.index_cast %scan3A_69 : i32 to index
      %swap3A_106 = arith.constant 112 : index
      %swap3A_107 = tpu.vector_load %arg7[%swap3A_105, %swap3A_106] {strides = array<i32>} : memref<64x128xf32, #tpu.memory_space<vmem>>, vector<1x16xf32>,
      %swap3A_108 = vector.shape_cast %swap3A_107 : vector<1x16xf32> to vector<16xf32>
      %swap3A_109 = vector.shape_cast %broadcast_in_dim3A_1 : vector<16xf32> to vector<1x16xf32>
      tpu.vector_store %arg7[%swap3A_105, %swap3A_106], %swap3A_109 {strides = array<i32>} : memref<64x128xf32, #tpu.memory_space<vmem>>, vector<1x16xf32>,
      %scan3A_110 = arith.constant 0 : i32
      scf.yield %scan3A_110 : i32
    }
    %scan3A_16 = arith.constant 64 : i32
    %mul3A_17 = arith.constant 640 : i32
    %mul3A_18 = arith.muli %arg1, %mul3A_17 : i32
    %add3A_19 = arith.constant 0 : i32
    %add3A_20 = arith.addi %mul3A_18, %add3A_19 : i32
    "tpu.region"() ({
      %run_scoped3A = tpu.sem_alloc : memref<!tpu.dma_semaphore, #tpu.memory_space<semaphore_mem>>
      %dma_start3A = arith.constant 0 : i32
      %dma_start3A_69 = tpu.memref_slice %arg4[%add3A_20, %dma_start3A] : memref<10240x128xf32, #tpu.memory_space<vmem_shared>> -> memref<64x128xf32, #tpu.memory_space<vmem_shared>>
      %dma_start3A_70 = arith.constant 0 : i32
      %dma_start3A_71 = tpu.memref_slice %arg4[%add3A_20, %dma_start3A_70] : memref<10240x128xf32, #tpu.memory_space<vmem_shared>> -> memref<64x128xf32, #tpu.memory_space<vmem_shared>>
      tpu.enqueue_dma source(%arg7 : memref<64x128xf32, #tpu.memory_space<vmem>>) target(%dma_start3A_71 : memref<64x128xf32, #tpu.memory_space<vmem_shared>>) target_semaphore(%run_scoped3A : memref<!tpu.dma_semaphore, #tpu.memory_space<semaphore_mem>>)
      %dma_wait3A = arith.constant 0 : i32
      %dma_wait3A_72 = tpu.memref_slice %arg4[%add3A_20, %dma_wait3A] : memref<10240x128xf32, #tpu.memory_space<vmem_shared>> -> memref<64x128xf32, #tpu.memory_space<vmem_shared>>
      %dma_wait3A_73 = arith.constant 0 : i32
      %dma_wait3A_74 = tpu.memref_slice %arg4[%add3A_20, %dma_wait3A_73] : memref<10240x128xf32, #tpu.memory_space<vmem_shared>> -> memref<64x128xf32, #tpu.memory_space<vmem_shared>>
      tpu.wait_dma2 semaphore(%run_scoped3A : memref<!tpu.dma_semaphore, #tpu.memory_space<semaphore_mem>>) src(%arg7 : memref<64x128xf32, #tpu.memory_space<vmem>>) dst(%dma_wait3A_74 : memref<64x128xf32, #tpu.memory_space<vmem_shared>>)
      tpu.yield
    }) : () -> ()
    %mul3A_21 = arith.constant 640 : i32
    %mul3A_22 = arith.muli %arg1, %mul3A_21 : i32
    %add3A_23 = arith.constant 64 : i32
    %add3A_24 = arith.addi %mul3A_22, %add3A_23 : i32
    "tpu.region"() ({
      %run_scoped3A = tpu.sem_alloc : memref<!tpu.dma_semaphore, #tpu.memory_space<semaphore_mem>>
      %dma_start3A = arith.constant 0 : i32
      %dma_start3A_69 = tpu.memref_slice %arg4[%add3A_24, %dma_start3A] : memref<10240x128xf32, #tpu.memory_space<vmem_shared>> -> memref<64x128xf32, #tpu.memory_space<vmem_shared>>
      %dma_start3A_70 = arith.constant 0 : i32
      %dma_start3A_71 = tpu.memref_slice %arg4[%add3A_24, %dma_start3A_70] : memref<10240x128xf32, #tpu.memory_space<vmem_shared>> -> memref<64x128xf32, #tpu.memory_space<vmem_shared>>
      tpu.enqueue_dma source(%arg7 : memref<64x128xf32, #tpu.memory_space<vmem>>) target(%dma_start3A_71 : memref<64x128xf32, #tpu.memory_space<vmem_shared>>) target_semaphore(%run_scoped3A : memref<!tpu.dma_semaphore, #tpu.memory_space<semaphore_mem>>)
      %dma_wait3A = arith.constant 0 : i32
      %dma_wait3A_72 = tpu.memref_slice %arg4[%add3A_24, %dma_wait3A] : memref<10240x128xf32, #tpu.memory_space<vmem_shared>> -> memref<64x128xf32, #tpu.memory_space<vmem_shared>>
      %dma_wait3A_73 = arith.constant 0 : i32
      %dma_wait3A_74 = tpu.memref_slice %arg4[%add3A_24, %dma_wait3A_73] : memref<10240x128xf32, #tpu.memory_space<vmem_shared>> -> memref<64x128xf32, #tpu.memory_space<vmem_shared>>
      tpu.wait_dma2 semaphore(%run_scoped3A : memref<!tpu.dma_semaphore, #tpu.memory_space<semaphore_mem>>) src(%arg7 : memref<64x128xf32, #tpu.memory_space<vmem>>) dst(%dma_wait3A_74 : memref<64x128xf32, #tpu.memory_space<vmem_shared>>)
      tpu.yield
    }) : () -> ()
    %mul3A_25 = arith.constant 640 : i32
    %mul3A_26 = arith.muli %arg1, %mul3A_25 : i32
    %add3A_27 = arith.constant 128 : i32
    %add3A_28 = arith.addi %mul3A_26, %add3A_27 : i32
    "tpu.region"() ({
      %run_scoped3A = tpu.sem_alloc : memref<!tpu.dma_semaphore, #tpu.memory_space<semaphore_mem>>
      %dma_start3A = arith.constant 0 : i32
      %dma_start3A_69 = tpu.memref_slice %arg4[%add3A_28, %dma_start3A] : memref<10240x128xf32, #tpu.memory_space<vmem_shared>> -> memref<64x128xf32, #tpu.memory_space<vmem_shared>>
      %dma_start3A_70 = arith.constant 0 : i32
      %dma_start3A_71 = tpu.memref_slice %arg4[%add3A_28, %dma_start3A_70] : memref<10240x128xf32, #tpu.memory_space<vmem_shared>> -> memref<64x128xf32, #tpu.memory_space<vmem_shared>>
      tpu.enqueue_dma source(%arg7 : memref<64x128xf32, #tpu.memory_space<vmem>>) target(%dma_start3A_71 : memref<64x128xf32, #tpu.memory_space<vmem_shared>>) target_semaphore(%run_scoped3A : memref<!tpu.dma_semaphore, #tpu.memory_space<semaphore_mem>>)
      %dma_wait3A = arith.constant 0 : i32
      %dma_wait3A_72 = tpu.memref_slice %arg4[%add3A_28, %dma_wait3A] : memref<10240x128xf32, #tpu.memory_space<vmem_shared>> -> memref<64x128xf32, #tpu.memory_space<vmem_shared>>
      %dma_wait3A_73 = arith.constant 0 : i32
      %dma_wait3A_74 = tpu.memref_slice %arg4[%add3A_28, %dma_wait3A_73] : memref<10240x128xf32, #tpu.memory_space<vmem_shared>> -> memref<64x128xf32, #tpu.memory_space<vmem_shared>>
      tpu.wait_dma2 semaphore(%run_scoped3A : memref<!tpu.dma_semaphore, #tpu.memory_space<semaphore_mem>>) src(%arg7 : memref<64x128xf32, #tpu.memory_space<vmem>>) dst(%dma_wait3A_74 : memref<64x128xf32, #tpu.memory_space<vmem_shared>>)
      tpu.yield
    }) : () -> ()
    %mul3A_29 = arith.constant 640 : i32
    %mul3A_30 = arith.muli %arg1, %mul3A_29 : i32
    %add3A_31 = arith.constant 192 : i32
    %add3A_32 = arith.addi %mul3A_30, %add3A_31 : i32
    "tpu.region"() ({
      %run_scoped3A = tpu.sem_alloc : memref<!tpu.dma_semaphore, #tpu.memory_space<semaphore_mem>>
      %dma_start3A = arith.constant 0 : i32
      %dma_start3A_69 = tpu.memref_slice %arg4[%add3A_32, %dma_start3A] : memref<10240x128xf32, #tpu.memory_space<vmem_shared>> -> memref<64x128xf32, #tpu.memory_space<vmem_shared>>
      %dma_start3A_70 = arith.constant 0 : i32
      %dma_start3A_71 = tpu.memref_slice %arg4[%add3A_32, %dma_start3A_70] : memref<10240x128xf32, #tpu.memory_space<vmem_shared>> -> memref<64x128xf32, #tpu.memory_space<vmem_shared>>
      tpu.enqueue_dma source(%arg7 : memref<64x128xf32, #tpu.memory_space<vmem>>) target(%dma_start3A_71 : memref<64x128xf32, #tpu.memory_space<vmem_shared>>) target_semaphore(%run_scoped3A : memref<!tpu.dma_semaphore, #tpu.memory_space<semaphore_mem>>)
      %dma_wait3A = arith.constant 0 : i32
      %dma_wait3A_72 = tpu.memref_slice %arg4[%add3A_32, %dma_wait3A] : memref<10240x128xf32, #tpu.memory_space<vmem_shared>> -> memref<64x128xf32, #tpu.memory_space<vmem_shared>>
      %dma_wait3A_73 = arith.constant 0 : i32
      %dma_wait3A_74 = tpu.memref_slice %arg4[%add3A_32, %dma_wait3A_73] : memref<10240x128xf32, #tpu.memory_space<vmem_shared>> -> memref<64x128xf32, #tpu.memory_space<vmem_shared>>
      tpu.wait_dma2 semaphore(%run_scoped3A : memref<!tpu.dma_semaphore, #tpu.memory_space<semaphore_mem>>) src(%arg7 : memref<64x128xf32, #tpu.memory_space<vmem>>) dst(%dma_wait3A_74 : memref<64x128xf32, #tpu.memory_space<vmem_shared>>)
      tpu.yield
    }) : () -> ()
    %mul3A_33 = arith.constant 640 : i32
    %mul3A_34 = arith.muli %arg1, %mul3A_33 : i32
    %add3A_35 = arith.constant 256 : i32
    %add3A_36 = arith.addi %mul3A_34, %add3A_35 : i32
    "tpu.region"() ({
      %run_scoped3A = tpu.sem_alloc : memref<!tpu.dma_semaphore, #tpu.memory_space<semaphore_mem>>
      %dma_start3A = arith.constant 0 : i32
      %dma_start3A_69 = tpu.memref_slice %arg4[%add3A_36, %dma_start3A] : memref<10240x128xf32, #tpu.memory_space<vmem_shared>> -> memref<64x128xf32, #tpu.memory_space<vmem_shared>>
      %dma_start3A_70 = arith.constant 0 : i32
      %dma_start3A_71 = tpu.memref_slice %arg4[%add3A_36, %dma_start3A_70] : memref<10240x128xf32, #tpu.memory_space<vmem_shared>> -> memref<64x128xf32, #tpu.memory_space<vmem_shared>>
      tpu.enqueue_dma source(%arg7 : memref<64x128xf32, #tpu.memory_space<vmem>>) target(%dma_start3A_71 : memref<64x128xf32, #tpu.memory_space<vmem_shared>>) target_semaphore(%run_scoped3A : memref<!tpu.dma_semaphore, #tpu.memory_space<semaphore_mem>>)
      %dma_wait3A = arith.constant 0 : i32
      %dma_wait3A_72 = tpu.memref_slice %arg4[%add3A_36, %dma_wait3A] : memref<10240x128xf32, #tpu.memory_space<vmem_shared>> -> memref<64x128xf32, #tpu.memory_space<vmem_shared>>
      %dma_wait3A_73 = arith.constant 0 : i32
      %dma_wait3A_74 = tpu.memref_slice %arg4[%add3A_36, %dma_wait3A_73] : memref<10240x128xf32, #tpu.memory_space<vmem_shared>> -> memref<64x128xf32, #tpu.memory_space<vmem_shared>>
      tpu.wait_dma2 semaphore(%run_scoped3A : memref<!tpu.dma_semaphore, #tpu.memory_space<semaphore_mem>>) src(%arg7 : memref<64x128xf32, #tpu.memory_space<vmem>>) dst(%dma_wait3A_74 : memref<64x128xf32, #tpu.memory_space<vmem_shared>>)
      tpu.yield
    }) : () -> ()
    %mul3A_37 = arith.constant 640 : i32
    %mul3A_38 = arith.muli %arg1, %mul3A_37 : i32
    %add3A_39 = arith.constant 320 : i32
    %add3A_40 = arith.addi %mul3A_38, %add3A_39 : i32
    "tpu.region"() ({
      %run_scoped3A = tpu.sem_alloc : memref<!tpu.dma_semaphore, #tpu.memory_space<semaphore_mem>>
      %dma_start3A = arith.constant 0 : i32
      %dma_start3A_69 = tpu.memref_slice %arg4[%add3A_40, %dma_start3A] : memref<10240x128xf32, #tpu.memory_space<vmem_shared>> -> memref<64x128xf32, #tpu.memory_space<vmem_shared>>
      %dma_start3A_70 = arith.constant 0 : i32
      %dma_start3A_71 = tpu.memref_slice %arg4[%add3A_40, %dma_start3A_70] : memref<10240x128xf32, #tpu.memory_space<vmem_shared>> -> memref<64x128xf32, #tpu.memory_space<vmem_shared>>
      tpu.enqueue_dma source(%arg7 : memref<64x128xf32, #tpu.memory_space<vmem>>) target(%dma_start3A_71 : memref<64x128xf32, #tpu.memory_space<vmem_shared>>) target_semaphore(%run_scoped3A : memref<!tpu.dma_semaphore, #tpu.memory_space<semaphore_mem>>)
      %dma_wait3A = arith.constant 0 : i32
      %dma_wait3A_72 = tpu.memref_slice %arg4[%add3A_40, %dma_wait3A] : memref<10240x128xf32, #tpu.memory_space<vmem_shared>> -> memref<64x128xf32, #tpu.memory_space<vmem_shared>>
      %dma_wait3A_73 = arith.constant 0 : i32
      %dma_wait3A_74 = tpu.memref_slice %arg4[%add3A_40, %dma_wait3A_73] : memref<10240x128xf32, #tpu.memory_space<vmem_shared>> -> memref<64x128xf32, #tpu.memory_space<vmem_shared>>
      tpu.wait_dma2 semaphore(%run_scoped3A : memref<!tpu.dma_semaphore, #tpu.memory_space<semaphore_mem>>) src(%arg7 : memref<64x128xf32, #tpu.memory_space<vmem>>) dst(%dma_wait3A_74 : memref<64x128xf32, #tpu.memory_space<vmem_shared>>)
      tpu.yield
    }) : () -> ()
    %mul3A_41 = arith.constant 640 : i32
    %mul3A_42 = arith.muli %arg1, %mul3A_41 : i32
    %add3A_43 = arith.constant 384 : i32
    %add3A_44 = arith.addi %mul3A_42, %add3A_43 : i32
    "tpu.region"() ({
      %run_scoped3A = tpu.sem_alloc : memref<!tpu.dma_semaphore, #tpu.memory_space<semaphore_mem>>
      %dma_start3A = arith.constant 0 : i32
      %dma_start3A_69 = tpu.memref_slice %arg4[%add3A_44, %dma_start3A] : memref<10240x128xf32, #tpu.memory_space<vmem_shared>> -> memref<64x128xf32, #tpu.memory_space<vmem_shared>>
      %dma_start3A_70 = arith.constant 0 : i32
      %dma_start3A_71 = tpu.memref_slice %arg4[%add3A_44, %dma_start3A_70] : memref<10240x128xf32, #tpu.memory_space<vmem_shared>> -> memref<64x128xf32, #tpu.memory_space<vmem_shared>>
      tpu.enqueue_dma source(%arg7 : memref<64x128xf32, #tpu.memory_space<vmem>>) target(%dma_start3A_71 : memref<64x128xf32, #tpu.memory_space<vmem_shared>>) target_semaphore(%run_scoped3A : memref<!tpu.dma_semaphore, #tpu.memory_space<semaphore_mem>>)
      %dma_wait3A = arith.constant 0 : i32
      %dma_wait3A_72 = tpu.memref_slice %arg4[%add3A_44, %dma_wait3A] : memref<10240x128xf32, #tpu.memory_space<vmem_shared>> -> memref<64x128xf32, #tpu.memory_space<vmem_shared>>
      %dma_wait3A_73 = arith.constant 0 : i32
      %dma_wait3A_74 = tpu.memref_slice %arg4[%add3A_44, %dma_wait3A_73] : memref<10240x128xf32, #tpu.memory_space<vmem_shared>> -> memref<64x128xf32, #tpu.memory_space<vmem_shared>>
      tpu.wait_dma2 semaphore(%run_scoped3A : memref<!tpu.dma_semaphore, #tpu.memory_space<semaphore_mem>>) src(%arg7 : memref<64x128xf32, #tpu.memory_space<vmem>>) dst(%dma_wait3A_74 : memref<64x128xf32, #tpu.memory_space<vmem_shared>>)
      tpu.yield
    }) : () -> ()
    %mul3A_45 = arith.constant 640 : i32
    %mul3A_46 = arith.muli %arg1, %mul3A_45 : i32
    %add3A_47 = arith.constant 448 : i32
    %add3A_48 = arith.addi %mul3A_46, %add3A_47 : i32
    "tpu.region"() ({
      %run_scoped3A = tpu.sem_alloc : memref<!tpu.dma_semaphore, #tpu.memory_space<semaphore_mem>>
      %dma_start3A = arith.constant 0 : i32
      %dma_start3A_69 = tpu.memref_slice %arg4[%add3A_48, %dma_start3A] : memref<10240x128xf32, #tpu.memory_space<vmem_shared>> -> memref<64x128xf32, #tpu.memory_space<vmem_shared>>
      %dma_start3A_70 = arith.constant 0 : i32
      %dma_start3A_71 = tpu.memref_slice %arg4[%add3A_48, %dma_start3A_70] : memref<10240x128xf32, #tpu.memory_space<vmem_shared>> -> memref<64x128xf32, #tpu.memory_space<vmem_shared>>
      tpu.enqueue_dma source(%arg7 : memref<64x128xf32, #tpu.memory_space<vmem>>) target(%dma_start3A_71 : memref<64x128xf32, #tpu.memory_space<vmem_shared>>) target_semaphore(%run_scoped3A : memref<!tpu.dma_semaphore, #tpu.memory_space<semaphore_mem>>)
      %dma_wait3A = arith.constant 0 : i32
      %dma_wait3A_72 = tpu.memref_slice %arg4[%add3A_48, %dma_wait3A] : memref<10240x128xf32, #tpu.memory_space<vmem_shared>> -> memref<64x128xf32, #tpu.memory_space<vmem_shared>>
      %dma_wait3A_73 = arith.constant 0 : i32
      %dma_wait3A_74 = tpu.memref_slice %arg4[%add3A_48, %dma_wait3A_73] : memref<10240x128xf32, #tpu.memory_space<vmem_shared>> -> memref<64x128xf32, #tpu.memory_space<vmem_shared>>
      tpu.wait_dma2 semaphore(%run_scoped3A : memref<!tpu.dma_semaphore, #tpu.memory_space<semaphore_mem>>) src(%arg7 : memref<64x128xf32, #tpu.memory_space<vmem>>) dst(%dma_wait3A_74 : memref<64x128xf32, #tpu.memory_space<vmem_shared>>)
      tpu.yield
    }) : () -> ()
    %mul3A_49 = arith.constant 640 : i32
    %mul3A_50 = arith.muli %arg1, %mul3A_49 : i32
    %add3A_51 = arith.constant 512 : i32
    %add3A_52 = arith.addi %mul3A_50, %add3A_51 : i32
    "tpu.region"() ({
      %run_scoped3A = tpu.sem_alloc : memref<!tpu.dma_semaphore, #tpu.memory_space<semaphore_mem>>
      %dma_start3A = arith.constant 0 : i32
      %dma_start3A_69 = tpu.memref_slice %arg4[%add3A_52, %dma_start3A] : memref<10240x128xf32, #tpu.memory_space<vmem_shared>> -> memref<64x128xf32, #tpu.memory_space<vmem_shared>>
      %dma_start3A_70 = arith.constant 0 : i32
      %dma_start3A_71 = tpu.memref_slice %arg4[%add3A_52, %dma_start3A_70] : memref<10240x128xf32, #tpu.memory_space<vmem_shared>> -> memref<64x128xf32, #tpu.memory_space<vmem_shared>>
      tpu.enqueue_dma source(%arg7 : memref<64x128xf32, #tpu.memory_space<vmem>>) target(%dma_start3A_71 : memref<64x128xf32, #tpu.memory_space<vmem_shared>>) target_semaphore(%run_scoped3A : memref<!tpu.dma_semaphore, #tpu.memory_space<semaphore_mem>>)
      %dma_wait3A = arith.constant 0 : i32
      %dma_wait3A_72 = tpu.memref_slice %arg4[%add3A_52, %dma_wait3A] : memref<10240x128xf32, #tpu.memory_space<vmem_shared>> -> memref<64x128xf32, #tpu.memory_space<vmem_shared>>
      %dma_wait3A_73 = arith.constant 0 : i32
      %dma_wait3A_74 = tpu.memref_slice %arg4[%add3A_52, %dma_wait3A_73] : memref<10240x128xf32, #tpu.memory_space<vmem_shared>> -> memref<64x128xf32, #tpu.memory_space<vmem_shared>>
      tpu.wait_dma2 semaphore(%run_scoped3A : memref<!tpu.dma_semaphore, #tpu.memory_space<semaphore_mem>>) src(%arg7 : memref<64x128xf32, #tpu.memory_space<vmem>>) dst(%dma_wait3A_74 : memref<64x128xf32, #tpu.memory_space<vmem_shared>>)
      tpu.yield
    }) : () -> ()
    %mul3A_53 = arith.constant 640 : i32
    %mul3A_54 = arith.muli %arg1, %mul3A_53 : i32
    %add3A_55 = arith.constant 576 : i32
    %add3A_56 = arith.addi %mul3A_54, %add3A_55 : i32
    "tpu.region"() ({
      %run_scoped3A = tpu.sem_alloc : memref<!tpu.dma_semaphore, #tpu.memory_space<semaphore_mem>>
      %dma_start3A = arith.constant 0 : i32
      %dma_start3A_69 = tpu.memref_slice %arg4[%add3A_56, %dma_start3A] : memref<10240x128xf32, #tpu.memory_space<vmem_shared>> -> memref<64x128xf32, #tpu.memory_space<vmem_shared>>
      %dma_start3A_70 = arith.constant 0 : i32
      %dma_start3A_71 = tpu.memref_slice %arg4[%add3A_56, %dma_start3A_70] : memref<10240x128xf32, #tpu.memory_space<vmem_shared>> -> memref<64x128xf32, #tpu.memory_space<vmem_shared>>
      tpu.enqueue_dma source(%arg7 : memref<64x128xf32, #tpu.memory_space<vmem>>) target(%dma_start3A_71 : memref<64x128xf32, #tpu.memory_space<vmem_shared>>) target_semaphore(%run_scoped3A : memref<!tpu.dma_semaphore, #tpu.memory_space<semaphore_mem>>)
      %dma_wait3A = arith.constant 0 : i32
      %dma_wait3A_72 = tpu.memref_slice %arg4[%add3A_56, %dma_wait3A] : memref<10240x128xf32, #tpu.memory_space<vmem_shared>> -> memref<64x128xf32, #tpu.memory_space<vmem_shared>>
      %dma_wait3A_73 = arith.constant 0 : i32
      %dma_wait3A_74 = tpu.memref_slice %arg4[%add3A_56, %dma_wait3A_73] : memref<10240x128xf32, #tpu.memory_space<vmem_shared>> -> memref<64x128xf32, #tpu.memory_space<vmem_shared>>
      tpu.wait_dma2 semaphore(%run_scoped3A : memref<!tpu.dma_semaphore, #tpu.memory_space<semaphore_mem>>) src(%arg7 : memref<64x128xf32, #tpu.memory_space<vmem>>) dst(%dma_wait3A_74 : memref<64x128xf32, #tpu.memory_space<vmem_shared>>)
      tpu.yield
    }) : () -> ()
    %barrier3A = arith.constant 0 : index
    tpu.barrier barrier_id(%barrier3A)
    %scan3A_57 = arith.constant 0 : i32
    %scan3A_58 = arith.constant 0 : i32
    %scan3A_59 = arith.constant 10 : i32
    %scan3A_60 = arith.addi %scan3A_58, %scan3A_59 : i32
    %scan3A_61 = arith.constant 1 : i32
    %scan3A_62 = scf.for %scan3A_69 = %scan3A_58 to %scan3A_60 step %scan3A_61 iter_args(%scan3A_70 = %scan3A_57) -> (i32)  : i32 {
      %mul3A_71 = arith.constant 80 : i32
      %mul3A_72 = arith.muli %add3A, %mul3A_71 : i32
      %mul3A_73 = arith.constant 8 : i32
      %mul3A_74 = arith.muli %scan3A_69, %mul3A_73 : i32
      %add3A_75 = arith.addi %mul3A_72, %mul3A_74 : i32
      "tpu.region"() ({
        %run_scoped3A = tpu.sem_alloc : memref<!tpu.dma_semaphore, #tpu.memory_space<semaphore_mem>>
        %dma_start3A = arith.constant 0 : i32
        %dma_start3A_84 = tpu.memref_slice %arg2[%add3A_75, %dma_start3A] : memref<2560x128xi32, #tpu.memory_space<hbm>> -> memref<8x128xi32, #tpu.memory_space<hbm>>
        %dma_start3A_85 = arith.constant 0 : i32
        %dma_start3A_86 = tpu.memref_slice %arg2[%add3A_75, %dma_start3A_85] : memref<2560x128xi32, #tpu.memory_space<hbm>> -> memref<8x128xi32, #tpu.memory_space<hbm>>
        tpu.enqueue_dma source(%dma_start3A_86 : memref<8x128xi32, #tpu.memory_space<hbm>>) target(%arg5 : memref<8x128xi32, #tpu.memory_space<vmem>>) target_semaphore(%run_scoped3A : memref<!tpu.dma_semaphore, #tpu.memory_space<semaphore_mem>>)
        %dma_wait3A = arith.constant 0 : i32
        %dma_wait3A_87 = tpu.memref_slice %arg2[%add3A_75, %dma_wait3A] : memref<2560x128xi32, #tpu.memory_space<hbm>> -> memref<8x128xi32, #tpu.memory_space<hbm>>
        %dma_wait3A_88 = arith.constant 0 : i32
        %dma_wait3A_89 = tpu.memref_slice %arg2[%add3A_75, %dma_wait3A_88] : memref<2560x128xi32, #tpu.memory_space<hbm>> -> memref<8x128xi32, #tpu.memory_space<hbm>>
        tpu.wait_dma2 semaphore(%run_scoped3A : memref<!tpu.dma_semaphore, #tpu.memory_space<semaphore_mem>>) src(%dma_wait3A_89 : memref<8x128xi32, #tpu.memory_space<hbm>>) dst(%arg5 : memref<8x128xi32, #tpu.memory_space<vmem>>)
        tpu.yield
      }) : () -> ()
      %scan3A_76 = arith.constant 0 : i32
      %scan3A_77 = arith.constant 0 : i32
      %scan3A_78 = arith.constant 8 : i32
      %scan3A_79 = arith.addi %scan3A_77, %scan3A_78 : i32
      %scan3A_80 = arith.constant 1 : i32
      %scan3A_81 = scf.for %scan3A_84 = %scan3A_77 to %scan3A_79 step %scan3A_80 iter_args(%scan3A_85 = %scan3A_76) -> (i32)  : i32 {
        "tpu.region"() ({
          %run_scoped3A = tpu.sem_alloc : memref<!tpu.dma_semaphore, #tpu.memory_space<semaphore_mem>>
          %dma_start3A = arith.constant 0 : i32
          %dma_start3A_87 = tpu.memref_slice %arg5[%scan3A_84, %dma_start3A] : memref<8x128xi32, #tpu.memory_space<vmem>> -> memref<1x128xi32, #tpu.memory_space<vmem>>
          %dma_start3A_88 = tpu.memref_squeeze %dma_start3A_87 : memref<1x128xi32, #tpu.memory_space<vmem>> -> memref<128xi32, #tpu.memory_space<vmem>>
          %dma_start3A_89 = arith.constant 0 : i32
          %dma_start3A_90 = arith.constant 0 : i32
          %dma_start3A_91 = tpu.memref_slice %arg4[%dma_start3A_89, %dma_start3A_90] : memref<10240x128xf32, #tpu.memory_space<vmem_shared>> -> memref<10240x128xf32, #tpu.memory_space<vmem_shared>>
          tpu.enqueue_indirect_dma source(%arg6 : memref<128x128xf32, #tpu.memory_space<vmem>>) target(%dma_start3A_91 : memref<10240x128xf32, #tpu.memory_space<vmem_shared>>) offsets(%dma_start3A_88 : memref<128xi32, #tpu.memory_space<vmem>>) semaphore(%run_scoped3A : memref<!tpu.dma_semaphore, #tpu.memory_space<semaphore_mem>>) {add = true}
          %dma_wait3A = arith.constant 0 : i32
          %dma_wait3A_92 = tpu.memref_slice %arg5[%scan3A_84, %dma_wait3A] : memref<8x128xi32, #tpu.memory_space<vmem>> -> memref<1x128xi32, #tpu.memory_space<vmem>>
          %dma_wait3A_93 = tpu.memref_squeeze %dma_wait3A_92 : memref<1x128xi32, #tpu.memory_space<vmem>> -> memref<128xi32, #tpu.memory_space<vmem>>
          %dma_wait3A_94 = arith.constant 0 : i32
          %dma_wait3A_95 = arith.constant 0 : i32
          %dma_wait3A_96 = tpu.memref_slice %arg4[%dma_wait3A_94, %dma_wait3A_95] : memref<10240x128xf32, #tpu.memory_space<vmem_shared>> -> memref<10240x128xf32, #tpu.memory_space<vmem_shared>>
          tpu.wait_indirect_dma semaphore(%run_scoped3A : memref<!tpu.dma_semaphore, #tpu.memory_space<semaphore_mem>>) src(%arg6 : memref<128x128xf32, #tpu.memory_space<vmem>>) dst(%dma_wait3A_96 : memref<10240x128xf32, #tpu.memory_space<vmem_shared>>)
          tpu.yield
        }) : () -> ()
        %scan3A_86 = arith.constant 0 : i32
        scf.yield %scan3A_86 : i32
      }
      %scan3A_82 = arith.constant 8 : i32
      %scan3A_83 = arith.constant 0 : i32
      scf.yield %scan3A_83 : i32
    }
    %scan3A_63 = arith.constant 10 : i32
    %barrier3A_64 = arith.constant 0 : index
    tpu.barrier barrier_id(%barrier3A_64)
    %mul3A_65 = arith.constant 640 : i32
    %mul3A_66 = arith.muli %arg1, %mul3A_65 : i32
    %mul3A_67 = arith.constant 640 : i32
    %mul3A_68 = arith.muli %arg1, %mul3A_67 : i32
    "tpu.region"() ({
      %run_scoped3A = tpu.sem_alloc : memref<!tpu.dma_semaphore, #tpu.memory_space<semaphore_mem>>
      %dma_start3A = arith.constant 0 : i32
      %dma_start3A_69 = tpu.memref_slice %arg3[%arg0, %mul3A_68, %dma_start3A] : memref<2x10240x128xf32, #tpu.memory_space<hbm>> -> memref<1x640x128xf32, #tpu.memory_space<hbm>>
      %dma_start3A_70 = tpu.memref_squeeze %dma_start3A_69 : memref<1x640x128xf32, #tpu.memory_space<hbm>> -> memref<640x128xf32, #tpu.memory_space<hbm>>
      %dma_start3A_71 = arith.constant 0 : i32
      %dma_start3A_72 = tpu.memref_slice %arg4[%mul3A_66, %dma_start3A_71] : memref<10240x128xf32, #tpu.memory_space<vmem_shared>> -> memref<640x128xf32, #tpu.memory_space<vmem_shared>>
      tpu.enqueue_dma source(%dma_start3A_72 : memref<640x128xf32, #tpu.memory_space<vmem_shared>>) target(%dma_start3A_70 : memref<640x128xf32, #tpu.memory_space<hbm>>) target_semaphore(%run_scoped3A : memref<!tpu.dma_semaphore, #tpu.memory_space<semaphore_mem>>)
      %dma_wait3A = arith.constant 0 : i32
      %dma_wait3A_73 = tpu.memref_slice %arg3[%arg0, %mul3A_68, %dma_wait3A] : memref<2x10240x128xf32, #tpu.memory_space<hbm>> -> memref<1x640x128xf32, #tpu.memory_space<hbm>>
      %dma_wait3A_74 = tpu.memref_squeeze %dma_wait3A_73 : memref<1x640x128xf32, #tpu.memory_space<hbm>> -> memref<640x128xf32, #tpu.memory_space<hbm>>
      %dma_wait3A_75 = arith.constant 0 : i32
      %dma_wait3A_76 = tpu.memref_slice %arg4[%mul3A_66, %dma_wait3A_75] : memref<10240x128xf32, #tpu.memory_space<vmem_shared>> -> memref<640x128xf32, #tpu.memory_space<vmem_shared>>
      tpu.wait_dma2 semaphore(%run_scoped3A : memref<!tpu.dma_semaphore, #tpu.memory_space<semaphore_mem>>) src(%dma_wait3A_76 : memref<640x128xf32, #tpu.memory_space<vmem_shared>>) dst(%dma_wait3A_74 : memref<640x128xf32, #tpu.memory_space<hbm>>)
      tpu.yield
    }) : () -> ()
    return
  }
}

#map = affine_map<(d0, d1) -> (0, 0)>
#map1 = affine_map<(d0, d1) -> (0, 0, 0)>
module attributes {stable_mosaic.version = 14 : i64} {
  func.func @body(%arg0: i32, %arg1: i32, %arg2: memref<10240x128xf32, #tpu.memory_space<hbm>>, %arg3: memref<2560x128xi32, #tpu.memory_space<hbm>>, %arg4: memref<2560x128xi32, #tpu.memory_space<hbm>>, %arg5: memref<2x10240x128xf32, #tpu.memory_space<hbm>>, %arg6: memref<10240x128xf32, #tpu.memory_space<vmem_shared>>, %arg7: memref<8x128xi32, #tpu.memory_space<vmem>>, %arg8: memref<8x128xi32, #tpu.memory_space<vmem>>, %arg9: memref<128x128xf32, #tpu.memory_space<vmem>>, %arg10: memref<128x128xf32, #tpu.memory_space<vmem>>, %arg11: memref<!tpu.dma_semaphore, #tpu.memory_space<semaphore_mem>>, %arg12: memref<!tpu.dma_semaphore, #tpu.memory_space<semaphore_mem>>, %arg13: memref<!tpu.dma_semaphore, #tpu.memory_space<semaphore_mem>>, %arg14: memref<!tpu.dma_semaphore, #tpu.memory_space<semaphore_mem>>) attributes {dimension_semantics = [#tpu.dimension_semantics<core_parallel>, #tpu.dimension_semantics<subcore_parallel>], iteration_bounds = array<i64: 2, 16>, scalar_prefetch = 0 : i64, scratch_operands = 9 : i64, tpu.core_type = #tpu.core_type<sc_vector_subcore>, window_params = [{transform_indices = #map}, {transform_indices = #map}, {transform_indices = #map}, {transform_indices = #map1}]} {
    %mul3A = arith.constant 16 : i32
    %mul3A_0 = arith.muli %arg0, %mul3A : i32
    %add3A = arith.addi %mul3A_0, %arg1 : i32
    %broadcast_in_dim3A = arith.constant 0.000000e+00 : f32
    %broadcast_in_dim3A_1 = vector.broadcast %broadcast_in_dim3A : f32 to vector<16xf32>
    %scan3A = arith.constant 0 : i32
    %scan3A_2 = arith.constant 0 : i32
    %scan3A_3 = arith.constant 128 : i32
    %scan3A_4 = arith.addi %scan3A_2, %scan3A_3 : i32
    %scan3A_5 = arith.constant 1 : i32
    %scan3A_6 = scf.for %scan3A_40 = %scan3A_2 to %scan3A_4 step %scan3A_5 iter_args(%scan3A_41 = %scan3A) -> (i32)  : i32 {
      %swap3A = arith.index_cast %scan3A_40 : i32 to index
      %swap3A_42 = arith.constant 0 : index
      %swap3A_43 = tpu.vector_load %arg9[%swap3A, %swap3A_42] {strides = array<i32>} : memref<128x128xf32, #tpu.memory_space<vmem>>, vector<1x16xf32>,
      %swap3A_44 = vector.shape_cast %swap3A_43 : vector<1x16xf32> to vector<16xf32>
      %swap3A_45 = vector.shape_cast %broadcast_in_dim3A_1 : vector<16xf32> to vector<1x16xf32>
      tpu.vector_store %arg9[%swap3A, %swap3A_42], %swap3A_45 {strides = array<i32>} : memref<128x128xf32, #tpu.memory_space<vmem>>, vector<1x16xf32>,
      %swap3A_46 = arith.index_cast %scan3A_40 : i32 to index
      %swap3A_47 = arith.constant 16 : index
      %swap3A_48 = tpu.vector_load %arg9[%swap3A_46, %swap3A_47] {strides = array<i32>} : memref<128x128xf32, #tpu.memory_space<vmem>>, vector<1x16xf32>,
      %swap3A_49 = vector.shape_cast %swap3A_48 : vector<1x16xf32> to vector<16xf32>
      %swap3A_50 = vector.shape_cast %broadcast_in_dim3A_1 : vector<16xf32> to vector<1x16xf32>
      tpu.vector_store %arg9[%swap3A_46, %swap3A_47], %swap3A_50 {strides = array<i32>} : memref<128x128xf32, #tpu.memory_space<vmem>>, vector<1x16xf32>,
      %swap3A_51 = arith.index_cast %scan3A_40 : i32 to index
      %swap3A_52 = arith.constant 32 : index
      %swap3A_53 = tpu.vector_load %arg9[%swap3A_51, %swap3A_52] {strides = array<i32>} : memref<128x128xf32, #tpu.memory_space<vmem>>, vector<1x16xf32>,
      %swap3A_54 = vector.shape_cast %swap3A_53 : vector<1x16xf32> to vector<16xf32>
      %swap3A_55 = vector.shape_cast %broadcast_in_dim3A_1 : vector<16xf32> to vector<1x16xf32>
      tpu.vector_store %arg9[%swap3A_51, %swap3A_52], %swap3A_55 {strides = array<i32>} : memref<128x128xf32, #tpu.memory_space<vmem>>, vector<1x16xf32>,
      %swap3A_56 = arith.index_cast %scan3A_40 : i32 to index
      %swap3A_57 = arith.constant 48 : index
      %swap3A_58 = tpu.vector_load %arg9[%swap3A_56, %swap3A_57] {strides = array<i32>} : memref<128x128xf32, #tpu.memory_space<vmem>>, vector<1x16xf32>,
      %swap3A_59 = vector.shape_cast %swap3A_58 : vector<1x16xf32> to vector<16xf32>
      %swap3A_60 = vector.shape_cast %broadcast_in_dim3A_1 : vector<16xf32> to vector<1x16xf32>
      tpu.vector_store %arg9[%swap3A_56, %swap3A_57], %swap3A_60 {strides = array<i32>} : memref<128x128xf32, #tpu.memory_space<vmem>>, vector<1x16xf32>,
      %swap3A_61 = arith.index_cast %scan3A_40 : i32 to index
      %swap3A_62 = arith.constant 64 : index
      %swap3A_63 = tpu.vector_load %arg9[%swap3A_61, %swap3A_62] {strides = array<i32>} : memref<128x128xf32, #tpu.memory_space<vmem>>, vector<1x16xf32>,
      %swap3A_64 = vector.shape_cast %swap3A_63 : vector<1x16xf32> to vector<16xf32>
      %swap3A_65 = vector.shape_cast %broadcast_in_dim3A_1 : vector<16xf32> to vector<1x16xf32>
      tpu.vector_store %arg9[%swap3A_61, %swap3A_62], %swap3A_65 {strides = array<i32>} : memref<128x128xf32, #tpu.memory_space<vmem>>, vector<1x16xf32>,
      %swap3A_66 = arith.index_cast %scan3A_40 : i32 to index
      %swap3A_67 = arith.constant 80 : index
      %swap3A_68 = tpu.vector_load %arg9[%swap3A_66, %swap3A_67] {strides = array<i32>} : memref<128x128xf32, #tpu.memory_space<vmem>>, vector<1x16xf32>,
      %swap3A_69 = vector.shape_cast %swap3A_68 : vector<1x16xf32> to vector<16xf32>
      %swap3A_70 = vector.shape_cast %broadcast_in_dim3A_1 : vector<16xf32> to vector<1x16xf32>
      tpu.vector_store %arg9[%swap3A_66, %swap3A_67], %swap3A_70 {strides = array<i32>} : memref<128x128xf32, #tpu.memory_space<vmem>>, vector<1x16xf32>,
      %swap3A_71 = arith.index_cast %scan3A_40 : i32 to index
      %swap3A_72 = arith.constant 96 : index
      %swap3A_73 = tpu.vector_load %arg9[%swap3A_71, %swap3A_72] {strides = array<i32>} : memref<128x128xf32, #tpu.memory_space<vmem>>, vector<1x16xf32>,
      %swap3A_74 = vector.shape_cast %swap3A_73 : vector<1x16xf32> to vector<16xf32>
      %swap3A_75 = vector.shape_cast %broadcast_in_dim3A_1 : vector<16xf32> to vector<1x16xf32>
      tpu.vector_store %arg9[%swap3A_71, %swap3A_72], %swap3A_75 {strides = array<i32>} : memref<128x128xf32, #tpu.memory_space<vmem>>, vector<1x16xf32>,
      %swap3A_76 = arith.index_cast %scan3A_40 : i32 to index
      %swap3A_77 = arith.constant 112 : index
      %swap3A_78 = tpu.vector_load %arg9[%swap3A_76, %swap3A_77] {strides = array<i32>} : memref<128x128xf32, #tpu.memory_space<vmem>>, vector<1x16xf32>,
      %swap3A_79 = vector.shape_cast %swap3A_78 : vector<1x16xf32> to vector<16xf32>
      %swap3A_80 = vector.shape_cast %broadcast_in_dim3A_1 : vector<16xf32> to vector<1x16xf32>
      tpu.vector_store %arg9[%swap3A_76, %swap3A_77], %swap3A_80 {strides = array<i32>} : memref<128x128xf32, #tpu.memory_space<vmem>>, vector<1x16xf32>,
      %scan3A_81 = arith.constant 0 : i32
      scf.yield %scan3A_81 : i32
    }
    %scan3A_7 = arith.constant 128 : i32
    %mul3A_8 = arith.constant 640 : i32
    %mul3A_9 = arith.muli %arg1, %mul3A_8 : i32
    %add3A_10 = arith.constant 0 : i32
    %add3A_11 = arith.addi %mul3A_9, %add3A_10 : i32
    "tpu.region"() ({
      %run_scoped3A = tpu.sem_alloc : memref<!tpu.dma_semaphore, #tpu.memory_space<semaphore_mem>>
      %dma_start3A = arith.constant 0 : i32
      %dma_start3A_40 = tpu.memref_slice %arg6[%add3A_11, %dma_start3A] : memref<10240x128xf32, #tpu.memory_space<vmem_shared>> -> memref<128x128xf32, #tpu.memory_space<vmem_shared>>
      %dma_start3A_41 = arith.constant 0 : i32
      %dma_start3A_42 = tpu.memref_slice %arg6[%add3A_11, %dma_start3A_41] : memref<10240x128xf32, #tpu.memory_space<vmem_shared>> -> memref<128x128xf32, #tpu.memory_space<vmem_shared>>
      tpu.enqueue_dma source(%arg9 : memref<128x128xf32, #tpu.memory_space<vmem>>) target(%dma_start3A_42 : memref<128x128xf32, #tpu.memory_space<vmem_shared>>) target_semaphore(%run_scoped3A : memref<!tpu.dma_semaphore, #tpu.memory_space<semaphore_mem>>)
      %dma_wait3A = arith.constant 0 : i32
      %dma_wait3A_43 = tpu.memref_slice %arg6[%add3A_11, %dma_wait3A] : memref<10240x128xf32, #tpu.memory_space<vmem_shared>> -> memref<128x128xf32, #tpu.memory_space<vmem_shared>>
      %dma_wait3A_44 = arith.constant 0 : i32
      %dma_wait3A_45 = tpu.memref_slice %arg6[%add3A_11, %dma_wait3A_44] : memref<10240x128xf32, #tpu.memory_space<vmem_shared>> -> memref<128x128xf32, #tpu.memory_space<vmem_shared>>
      tpu.wait_dma2 semaphore(%run_scoped3A : memref<!tpu.dma_semaphore, #tpu.memory_space<semaphore_mem>>) src(%arg9 : memref<128x128xf32, #tpu.memory_space<vmem>>) dst(%dma_wait3A_45 : memref<128x128xf32, #tpu.memory_space<vmem_shared>>)
      tpu.yield
    }) : () -> ()
    %mul3A_12 = arith.constant 640 : i32
    %mul3A_13 = arith.muli %arg1, %mul3A_12 : i32
    %add3A_14 = arith.constant 128 : i32
    %add3A_15 = arith.addi %mul3A_13, %add3A_14 : i32
    "tpu.region"() ({
      %run_scoped3A = tpu.sem_alloc : memref<!tpu.dma_semaphore, #tpu.memory_space<semaphore_mem>>
      %dma_start3A = arith.constant 0 : i32
      %dma_start3A_40 = tpu.memref_slice %arg6[%add3A_15, %dma_start3A] : memref<10240x128xf32, #tpu.memory_space<vmem_shared>> -> memref<128x128xf32, #tpu.memory_space<vmem_shared>>
      %dma_start3A_41 = arith.constant 0 : i32
      %dma_start3A_42 = tpu.memref_slice %arg6[%add3A_15, %dma_start3A_41] : memref<10240x128xf32, #tpu.memory_space<vmem_shared>> -> memref<128x128xf32, #tpu.memory_space<vmem_shared>>
      tpu.enqueue_dma source(%arg9 : memref<128x128xf32, #tpu.memory_space<vmem>>) target(%dma_start3A_42 : memref<128x128xf32, #tpu.memory_space<vmem_shared>>) target_semaphore(%run_scoped3A : memref<!tpu.dma_semaphore, #tpu.memory_space<semaphore_mem>>)
      %dma_wait3A = arith.constant 0 : i32
      %dma_wait3A_43 = tpu.memref_slice %arg6[%add3A_15, %dma_wait3A] : memref<10240x128xf32, #tpu.memory_space<vmem_shared>> -> memref<128x128xf32, #tpu.memory_space<vmem_shared>>
      %dma_wait3A_44 = arith.constant 0 : i32
      %dma_wait3A_45 = tpu.memref_slice %arg6[%add3A_15, %dma_wait3A_44] : memref<10240x128xf32, #tpu.memory_space<vmem_shared>> -> memref<128x128xf32, #tpu.memory_space<vmem_shared>>
      tpu.wait_dma2 semaphore(%run_scoped3A : memref<!tpu.dma_semaphore, #tpu.memory_space<semaphore_mem>>) src(%arg9 : memref<128x128xf32, #tpu.memory_space<vmem>>) dst(%dma_wait3A_45 : memref<128x128xf32, #tpu.memory_space<vmem_shared>>)
      tpu.yield
    }) : () -> ()
    %mul3A_16 = arith.constant 640 : i32
    %mul3A_17 = arith.muli %arg1, %mul3A_16 : i32
    %add3A_18 = arith.constant 256 : i32
    %add3A_19 = arith.addi %mul3A_17, %add3A_18 : i32
    "tpu.region"() ({
      %run_scoped3A = tpu.sem_alloc : memref<!tpu.dma_semaphore, #tpu.memory_space<semaphore_mem>>
      %dma_start3A = arith.constant 0 : i32
      %dma_start3A_40 = tpu.memref_slice %arg6[%add3A_19, %dma_start3A] : memref<10240x128xf32, #tpu.memory_space<vmem_shared>> -> memref<128x128xf32, #tpu.memory_space<vmem_shared>>
      %dma_start3A_41 = arith.constant 0 : i32
      %dma_start3A_42 = tpu.memref_slice %arg6[%add3A_19, %dma_start3A_41] : memref<10240x128xf32, #tpu.memory_space<vmem_shared>> -> memref<128x128xf32, #tpu.memory_space<vmem_shared>>
      tpu.enqueue_dma source(%arg9 : memref<128x128xf32, #tpu.memory_space<vmem>>) target(%dma_start3A_42 : memref<128x128xf32, #tpu.memory_space<vmem_shared>>) target_semaphore(%run_scoped3A : memref<!tpu.dma_semaphore, #tpu.memory_space<semaphore_mem>>)
      %dma_wait3A = arith.constant 0 : i32
      %dma_wait3A_43 = tpu.memref_slice %arg6[%add3A_19, %dma_wait3A] : memref<10240x128xf32, #tpu.memory_space<vmem_shared>> -> memref<128x128xf32, #tpu.memory_space<vmem_shared>>
      %dma_wait3A_44 = arith.constant 0 : i32
      %dma_wait3A_45 = tpu.memref_slice %arg6[%add3A_19, %dma_wait3A_44] : memref<10240x128xf32, #tpu.memory_space<vmem_shared>> -> memref<128x128xf32, #tpu.memory_space<vmem_shared>>
      tpu.wait_dma2 semaphore(%run_scoped3A : memref<!tpu.dma_semaphore, #tpu.memory_space<semaphore_mem>>) src(%arg9 : memref<128x128xf32, #tpu.memory_space<vmem>>) dst(%dma_wait3A_45 : memref<128x128xf32, #tpu.memory_space<vmem_shared>>)
      tpu.yield
    }) : () -> ()
    %mul3A_20 = arith.constant 640 : i32
    %mul3A_21 = arith.muli %arg1, %mul3A_20 : i32
    %add3A_22 = arith.constant 384 : i32
    %add3A_23 = arith.addi %mul3A_21, %add3A_22 : i32
    "tpu.region"() ({
      %run_scoped3A = tpu.sem_alloc : memref<!tpu.dma_semaphore, #tpu.memory_space<semaphore_mem>>
      %dma_start3A = arith.constant 0 : i32
      %dma_start3A_40 = tpu.memref_slice %arg6[%add3A_23, %dma_start3A] : memref<10240x128xf32, #tpu.memory_space<vmem_shared>> -> memref<128x128xf32, #tpu.memory_space<vmem_shared>>
      %dma_start3A_41 = arith.constant 0 : i32
      %dma_start3A_42 = tpu.memref_slice %arg6[%add3A_23, %dma_start3A_41] : memref<10240x128xf32, #tpu.memory_space<vmem_shared>> -> memref<128x128xf32, #tpu.memory_space<vmem_shared>>
      tpu.enqueue_dma source(%arg9 : memref<128x128xf32, #tpu.memory_space<vmem>>) target(%dma_start3A_42 : memref<128x128xf32, #tpu.memory_space<vmem_shared>>) target_semaphore(%run_scoped3A : memref<!tpu.dma_semaphore, #tpu.memory_space<semaphore_mem>>)
      %dma_wait3A = arith.constant 0 : i32
      %dma_wait3A_43 = tpu.memref_slice %arg6[%add3A_23, %dma_wait3A] : memref<10240x128xf32, #tpu.memory_space<vmem_shared>> -> memref<128x128xf32, #tpu.memory_space<vmem_shared>>
      %dma_wait3A_44 = arith.constant 0 : i32
      %dma_wait3A_45 = tpu.memref_slice %arg6[%add3A_23, %dma_wait3A_44] : memref<10240x128xf32, #tpu.memory_space<vmem_shared>> -> memref<128x128xf32, #tpu.memory_space<vmem_shared>>
      tpu.wait_dma2 semaphore(%run_scoped3A : memref<!tpu.dma_semaphore, #tpu.memory_space<semaphore_mem>>) src(%arg9 : memref<128x128xf32, #tpu.memory_space<vmem>>) dst(%dma_wait3A_45 : memref<128x128xf32, #tpu.memory_space<vmem_shared>>)
      tpu.yield
    }) : () -> ()
    %mul3A_24 = arith.constant 640 : i32
    %mul3A_25 = arith.muli %arg1, %mul3A_24 : i32
    %add3A_26 = arith.constant 512 : i32
    %add3A_27 = arith.addi %mul3A_25, %add3A_26 : i32
    "tpu.region"() ({
      %run_scoped3A = tpu.sem_alloc : memref<!tpu.dma_semaphore, #tpu.memory_space<semaphore_mem>>
      %dma_start3A = arith.constant 0 : i32
      %dma_start3A_40 = tpu.memref_slice %arg6[%add3A_27, %dma_start3A] : memref<10240x128xf32, #tpu.memory_space<vmem_shared>> -> memref<128x128xf32, #tpu.memory_space<vmem_shared>>
      %dma_start3A_41 = arith.constant 0 : i32
      %dma_start3A_42 = tpu.memref_slice %arg6[%add3A_27, %dma_start3A_41] : memref<10240x128xf32, #tpu.memory_space<vmem_shared>> -> memref<128x128xf32, #tpu.memory_space<vmem_shared>>
      tpu.enqueue_dma source(%arg9 : memref<128x128xf32, #tpu.memory_space<vmem>>) target(%dma_start3A_42 : memref<128x128xf32, #tpu.memory_space<vmem_shared>>) target_semaphore(%run_scoped3A : memref<!tpu.dma_semaphore, #tpu.memory_space<semaphore_mem>>)
      %dma_wait3A = arith.constant 0 : i32
      %dma_wait3A_43 = tpu.memref_slice %arg6[%add3A_27, %dma_wait3A] : memref<10240x128xf32, #tpu.memory_space<vmem_shared>> -> memref<128x128xf32, #tpu.memory_space<vmem_shared>>
      %dma_wait3A_44 = arith.constant 0 : i32
      %dma_wait3A_45 = tpu.memref_slice %arg6[%add3A_27, %dma_wait3A_44] : memref<10240x128xf32, #tpu.memory_space<vmem_shared>> -> memref<128x128xf32, #tpu.memory_space<vmem_shared>>
      tpu.wait_dma2 semaphore(%run_scoped3A : memref<!tpu.dma_semaphore, #tpu.memory_space<semaphore_mem>>) src(%arg9 : memref<128x128xf32, #tpu.memory_space<vmem>>) dst(%dma_wait3A_45 : memref<128x128xf32, #tpu.memory_space<vmem_shared>>)
      tpu.yield
    }) : () -> ()
    %barrier3A = arith.constant 0 : index
    tpu.barrier barrier_id(%barrier3A)
    %scan3A_28 = arith.constant 0 : i32
    %scan3A_29 = arith.constant 0 : i32
    %scan3A_30 = arith.constant 10 : i32
    %scan3A_31 = arith.addi %scan3A_29, %scan3A_30 : i32
    %scan3A_32 = arith.constant 1 : i32
    %scan3A_33 = scf.for %scan3A_40 = %scan3A_29 to %scan3A_31 step %scan3A_32 iter_args(%scan3A_41 = %scan3A_28) -> (i32)  : i32 {
      %mul3A_42 = arith.constant 80 : i32
      %mul3A_43 = arith.muli %add3A, %mul3A_42 : i32
      %mul3A_44 = arith.constant 8 : i32
      %mul3A_45 = arith.muli %scan3A_40, %mul3A_44 : i32
      %add3A_46 = arith.addi %mul3A_43, %mul3A_45 : i32
      "tpu.region"() ({
        %run_scoped3A_378 = tpu.sem_alloc : memref<!tpu.dma_semaphore, #tpu.memory_space<semaphore_mem>>
        %dma_start3A_379 = arith.constant 0 : i32
        %dma_start3A_380 = tpu.memref_slice %arg3[%add3A_46, %dma_start3A_379] : memref<2560x128xi32, #tpu.memory_space<hbm>> -> memref<8x128xi32, #tpu.memory_space<hbm>>
        %dma_start3A_381 = arith.constant 0 : i32
        %dma_start3A_382 = tpu.memref_slice %arg3[%add3A_46, %dma_start3A_381] : memref<2560x128xi32, #tpu.memory_space<hbm>> -> memref<8x128xi32, #tpu.memory_space<hbm>>
        tpu.enqueue_dma source(%dma_start3A_382 : memref<8x128xi32, #tpu.memory_space<hbm>>) target(%arg7 : memref<8x128xi32, #tpu.memory_space<vmem>>) target_semaphore(%run_scoped3A_378 : memref<!tpu.dma_semaphore, #tpu.memory_space<semaphore_mem>>)
        %dma_wait3A_383 = arith.constant 0 : i32
        %dma_wait3A_384 = tpu.memref_slice %arg3[%add3A_46, %dma_wait3A_383] : memref<2560x128xi32, #tpu.memory_space<hbm>> -> memref<8x128xi32, #tpu.memory_space<hbm>>
        %dma_wait3A_385 = arith.constant 0 : i32
        %dma_wait3A_386 = tpu.memref_slice %arg3[%add3A_46, %dma_wait3A_385] : memref<2560x128xi32, #tpu.memory_space<hbm>> -> memref<8x128xi32, #tpu.memory_space<hbm>>
        tpu.wait_dma2 semaphore(%run_scoped3A_378 : memref<!tpu.dma_semaphore, #tpu.memory_space<semaphore_mem>>) src(%dma_wait3A_386 : memref<8x128xi32, #tpu.memory_space<hbm>>) dst(%arg7 : memref<8x128xi32, #tpu.memory_space<vmem>>)
        tpu.yield
      }) : () -> ()
      %mul3A_47 = arith.constant 80 : i32
      %mul3A_48 = arith.muli %add3A, %mul3A_47 : i32
      %mul3A_49 = arith.constant 8 : i32
      %mul3A_50 = arith.muli %scan3A_40, %mul3A_49 : i32
      %add3A_51 = arith.addi %mul3A_48, %mul3A_50 : i32
      "tpu.region"() ({
        %run_scoped3A_378 = tpu.sem_alloc : memref<!tpu.dma_semaphore, #tpu.memory_space<semaphore_mem>>
        %dma_start3A_379 = arith.constant 0 : i32
        %dma_start3A_380 = tpu.memref_slice %arg4[%add3A_51, %dma_start3A_379] : memref<2560x128xi32, #tpu.memory_space<hbm>> -> memref<8x128xi32, #tpu.memory_space<hbm>>
        %dma_start3A_381 = arith.constant 0 : i32
        %dma_start3A_382 = tpu.memref_slice %arg4[%add3A_51, %dma_start3A_381] : memref<2560x128xi32, #tpu.memory_space<hbm>> -> memref<8x128xi32, #tpu.memory_space<hbm>>
        tpu.enqueue_dma source(%dma_start3A_382 : memref<8x128xi32, #tpu.memory_space<hbm>>) target(%arg8 : memref<8x128xi32, #tpu.memory_space<vmem>>) target_semaphore(%run_scoped3A_378 : memref<!tpu.dma_semaphore, #tpu.memory_space<semaphore_mem>>)
        %dma_wait3A_383 = arith.constant 0 : i32
        %dma_wait3A_384 = tpu.memref_slice %arg4[%add3A_51, %dma_wait3A_383] : memref<2560x128xi32, #tpu.memory_space<hbm>> -> memref<8x128xi32, #tpu.memory_space<hbm>>
        %dma_wait3A_385 = arith.constant 0 : i32
        %dma_wait3A_386 = tpu.memref_slice %arg4[%add3A_51, %dma_wait3A_385] : memref<2560x128xi32, #tpu.memory_space<hbm>> -> memref<8x128xi32, #tpu.memory_space<hbm>>
        tpu.wait_dma2 semaphore(%run_scoped3A_378 : memref<!tpu.dma_semaphore, #tpu.memory_space<semaphore_mem>>) src(%dma_wait3A_386 : memref<8x128xi32, #tpu.memory_space<hbm>>) dst(%arg8 : memref<8x128xi32, #tpu.memory_space<vmem>>)
        tpu.yield
      }) : () -> ()
      %dma_start3A = arith.constant 0 : i32
      %dma_start3A_52 = arith.constant 0 : i32
      %dma_start3A_53 = arith.constant 0 : i32
      %dma_start3A_54 = tpu.memref_slice %arg9[%dma_start3A_52, %dma_start3A_53] : memref<128x128xf32, #tpu.memory_space<vmem>> -> memref<64x128xf32, #tpu.memory_space<vmem>>
      %dma_start3A_55 = arith.constant 0 : i32
      %dma_start3A_56 = tpu.memref_slice %arg7[%dma_start3A, %dma_start3A_55] : memref<8x128xi32, #tpu.memory_space<vmem>> -> memref<1x64xi32, #tpu.memory_space<vmem>>
      %dma_start3A_57 = tpu.memref_squeeze %dma_start3A_56 : memref<1x64xi32, #tpu.memory_space<vmem>> -> memref<64xi32, #tpu.memory_space<vmem>>
      %dma_start3A_58 = arith.constant 0 : i32
      %dma_start3A_59 = arith.constant 0 : i32
      %dma_start3A_60 = tpu.memref_slice %arg2[%dma_start3A_58, %dma_start3A_59] : memref<10240x128xf32, #tpu.memory_space<hbm>> -> memref<10240x128xf32, #tpu.memory_space<hbm>>
      tpu.enqueue_indirect_dma source(%dma_start3A_60 : memref<10240x128xf32, #tpu.memory_space<hbm>>) target(%dma_start3A_54 : memref<64x128xf32, #tpu.memory_space<vmem>>) offsets(%dma_start3A_57 : memref<64xi32, #tpu.memory_space<vmem>>) semaphore(%arg11 : memref<!tpu.dma_semaphore, #tpu.memory_space<semaphore_mem>>)
      %dma_start3A_61 = arith.constant 0 : i32
      %dma_start3A_62 = arith.constant 64 : i32
      %dma_start3A_63 = arith.constant 0 : i32
      %dma_start3A_64 = tpu.memref_slice %arg9[%dma_start3A_62, %dma_start3A_63] : memref<128x128xf32, #tpu.memory_space<vmem>> -> memref<64x128xf32, #tpu.memory_space<vmem>>
      %dma_start3A_65 = arith.constant 64 : i32
      %dma_start3A_66 = tpu.memref_slice %arg7[%dma_start3A_61, %dma_start3A_65] : memref<8x128xi32, #tpu.memory_space<vmem>> -> memref<1x64xi32, #tpu.memory_space<vmem>>
      %dma_start3A_67 = tpu.memref_squeeze %dma_start3A_66 : memref<1x64xi32, #tpu.memory_space<vmem>> -> memref<64xi32, #tpu.memory_space<vmem>>
      %dma_start3A_68 = arith.constant 0 : i32
      %dma_start3A_69 = arith.constant 0 : i32
      %dma_start3A_70 = tpu.memref_slice %arg2[%dma_start3A_68, %dma_start3A_69] : memref<10240x128xf32, #tpu.memory_space<hbm>> -> memref<10240x128xf32, #tpu.memory_space<hbm>>
      tpu.enqueue_indirect_dma source(%dma_start3A_70 : memref<10240x128xf32, #tpu.memory_space<hbm>>) target(%dma_start3A_64 : memref<64x128xf32, #tpu.memory_space<vmem>>) offsets(%dma_start3A_67 : memref<64xi32, #tpu.memory_space<vmem>>) semaphore(%arg12 : memref<!tpu.dma_semaphore, #tpu.memory_space<semaphore_mem>>)
      %dma_start3A_71 = arith.constant 1 : i32
      %dma_start3A_72 = arith.constant 0 : i32
      %dma_start3A_73 = arith.constant 0 : i32
      %dma_start3A_74 = tpu.memref_slice %arg10[%dma_start3A_72, %dma_start3A_73] : memref<128x128xf32, #tpu.memory_space<vmem>> -> memref<64x128xf32, #tpu.memory_space<vmem>>
      %dma_start3A_75 = arith.constant 0 : i32
      %dma_start3A_76 = tpu.memref_slice %arg7[%dma_start3A_71, %dma_start3A_75] : memref<8x128xi32, #tpu.memory_space<vmem>> -> memref<1x64xi32, #tpu.memory_space<vmem>>
      %dma_start3A_77 = tpu.memref_squeeze %dma_start3A_76 : memref<1x64xi32, #tpu.memory_space<vmem>> -> memref<64xi32, #tpu.memory_space<vmem>>
      %dma_start3A_78 = arith.constant 0 : i32
      %dma_start3A_79 = arith.constant 0 : i32
      %dma_start3A_80 = tpu.memref_slice %arg2[%dma_start3A_78, %dma_start3A_79] : memref<10240x128xf32, #tpu.memory_space<hbm>> -> memref<10240x128xf32, #tpu.memory_space<hbm>>
      tpu.enqueue_indirect_dma source(%dma_start3A_80 : memref<10240x128xf32, #tpu.memory_space<hbm>>) target(%dma_start3A_74 : memref<64x128xf32, #tpu.memory_space<vmem>>) offsets(%dma_start3A_77 : memref<64xi32, #tpu.memory_space<vmem>>) semaphore(%arg13 : memref<!tpu.dma_semaphore, #tpu.memory_space<semaphore_mem>>)
      %dma_start3A_81 = arith.constant 1 : i32
      %dma_start3A_82 = arith.constant 64 : i32
      %dma_start3A_83 = arith.constant 0 : i32
      %dma_start3A_84 = tpu.memref_slice %arg10[%dma_start3A_82, %dma_start3A_83] : memref<128x128xf32, #tpu.memory_space<vmem>> -> memref<64x128xf32, #tpu.memory_space<vmem>>
      %dma_start3A_85 = arith.constant 64 : i32
      %dma_start3A_86 = tpu.memref_slice %arg7[%dma_start3A_81, %dma_start3A_85] : memref<8x128xi32, #tpu.memory_space<vmem>> -> memref<1x64xi32, #tpu.memory_space<vmem>>
      %dma_start3A_87 = tpu.memref_squeeze %dma_start3A_86 : memref<1x64xi32, #tpu.memory_space<vmem>> -> memref<64xi32, #tpu.memory_space<vmem>>
      %dma_start3A_88 = arith.constant 0 : i32
      %dma_start3A_89 = arith.constant 0 : i32
      %dma_start3A_90 = tpu.memref_slice %arg2[%dma_start3A_88, %dma_start3A_89] : memref<10240x128xf32, #tpu.memory_space<hbm>> -> memref<10240x128xf32, #tpu.memory_space<hbm>>
      tpu.enqueue_indirect_dma source(%dma_start3A_90 : memref<10240x128xf32, #tpu.memory_space<hbm>>) target(%dma_start3A_84 : memref<64x128xf32, #tpu.memory_space<vmem>>) offsets(%dma_start3A_87 : memref<64xi32, #tpu.memory_space<vmem>>) semaphore(%arg14 : memref<!tpu.dma_semaphore, #tpu.memory_space<semaphore_mem>>)
      %dma_wait3A = arith.constant 0 : i32
      %dma_wait3A_91 = arith.constant 0 : i32
      %dma_wait3A_92 = arith.constant 0 : i32
      %dma_wait3A_93 = tpu.memref_slice %arg9[%dma_wait3A_91, %dma_wait3A_92] : memref<128x128xf32, #tpu.memory_space<vmem>> -> memref<64x128xf32, #tpu.memory_space<vmem>>
      %dma_wait3A_94 = arith.constant 0 : i32
      %dma_wait3A_95 = tpu.memref_slice %arg7[%dma_wait3A, %dma_wait3A_94] : memref<8x128xi32, #tpu.memory_space<vmem>> -> memref<1x64xi32, #tpu.memory_space<vmem>>
      %dma_wait3A_96 = tpu.memref_squeeze %dma_wait3A_95 : memref<1x64xi32, #tpu.memory_space<vmem>> -> memref<64xi32, #tpu.memory_space<vmem>>
      %dma_wait3A_97 = arith.constant 0 : i32
      %dma_wait3A_98 = arith.constant 0 : i32
      %dma_wait3A_99 = tpu.memref_slice %arg2[%dma_wait3A_97, %dma_wait3A_98] : memref<10240x128xf32, #tpu.memory_space<hbm>> -> memref<10240x128xf32, #tpu.memory_space<hbm>>
      tpu.wait_indirect_dma semaphore(%arg11 : memref<!tpu.dma_semaphore, #tpu.memory_space<semaphore_mem>>) src(%dma_wait3A_99 : memref<10240x128xf32, #tpu.memory_space<hbm>>) dst(%dma_wait3A_93 : memref<64x128xf32, #tpu.memory_space<vmem>>)
      %dma_wait3A_100 = arith.constant 0 : i32
      %dma_wait3A_101 = arith.constant 64 : i32
      %dma_wait3A_102 = arith.constant 0 : i32
      %dma_wait3A_103 = tpu.memref_slice %arg9[%dma_wait3A_101, %dma_wait3A_102] : memref<128x128xf32, #tpu.memory_space<vmem>> -> memref<64x128xf32, #tpu.memory_space<vmem>>
      %dma_wait3A_104 = arith.constant 64 : i32
      %dma_wait3A_105 = tpu.memref_slice %arg7[%dma_wait3A_100, %dma_wait3A_104] : memref<8x128xi32, #tpu.memory_space<vmem>> -> memref<1x64xi32, #tpu.memory_space<vmem>>
      %dma_wait3A_106 = tpu.memref_squeeze %dma_wait3A_105 : memref<1x64xi32, #tpu.memory_space<vmem>> -> memref<64xi32, #tpu.memory_space<vmem>>
      %dma_wait3A_107 = arith.constant 0 : i32
      %dma_wait3A_108 = arith.constant 0 : i32
      %dma_wait3A_109 = tpu.memref_slice %arg2[%dma_wait3A_107, %dma_wait3A_108] : memref<10240x128xf32, #tpu.memory_space<hbm>> -> memref<10240x128xf32, #tpu.memory_space<hbm>>
      tpu.wait_indirect_dma semaphore(%arg12 : memref<!tpu.dma_semaphore, #tpu.memory_space<semaphore_mem>>) src(%dma_wait3A_109 : memref<10240x128xf32, #tpu.memory_space<hbm>>) dst(%dma_wait3A_103 : memref<64x128xf32, #tpu.memory_space<vmem>>)
      %run_scoped3A = arith.constant 0 : i32
      "tpu.region"() ({
        %run_scoped3A_378 = tpu.sem_alloc : memref<!tpu.dma_semaphore, #tpu.memory_space<semaphore_mem>>
        %dma_start3A_379 = arith.constant 0 : i32
        %dma_start3A_380 = tpu.memref_slice %arg8[%run_scoped3A, %dma_start3A_379] : memref<8x128xi32, #tpu.memory_space<vmem>> -> memref<1x128xi32, #tpu.memory_space<vmem>>
        %dma_start3A_381 = tpu.memref_squeeze %dma_start3A_380 : memref<1x128xi32, #tpu.memory_space<vmem>> -> memref<128xi32, #tpu.memory_space<vmem>>
        %dma_start3A_382 = arith.constant 0 : i32
        %dma_start3A_383 = arith.constant 0 : i32
        %dma_start3A_384 = tpu.memref_slice %arg6[%dma_start3A_382, %dma_start3A_383] : memref<10240x128xf32, #tpu.memory_space<vmem_shared>> -> memref<10240x128xf32, #tpu.memory_space<vmem_shared>>
        tpu.enqueue_indirect_dma source(%arg9 : memref<128x128xf32, #tpu.memory_space<vmem>>) target(%dma_start3A_384 : memref<10240x128xf32, #tpu.memory_space<vmem_shared>>) offsets(%dma_start3A_381 : memref<128xi32, #tpu.memory_space<vmem>>) semaphore(%run_scoped3A_378 : memref<!tpu.dma_semaphore, #tpu.memory_space<semaphore_mem>>) {add = true}
        %dma_wait3A_385 = arith.constant 0 : i32
        %dma_wait3A_386 = tpu.memref_slice %arg8[%run_scoped3A, %dma_wait3A_385] : memref<8x128xi32, #tpu.memory_space<vmem>> -> memref<1x128xi32, #tpu.memory_space<vmem>>
        %dma_wait3A_387 = tpu.memref_squeeze %dma_wait3A_386 : memref<1x128xi32, #tpu.memory_space<vmem>> -> memref<128xi32, #tpu.memory_space<vmem>>
        %dma_wait3A_388 = arith.constant 0 : i32
        %dma_wait3A_389 = arith.constant 0 : i32
        %dma_wait3A_390 = tpu.memref_slice %arg6[%dma_wait3A_388, %dma_wait3A_389] : memref<10240x128xf32, #tpu.memory_space<vmem_shared>> -> memref<10240x128xf32, #tpu.memory_space<vmem_shared>>
        tpu.wait_indirect_dma semaphore(%run_scoped3A_378 : memref<!tpu.dma_semaphore, #tpu.memory_space<semaphore_mem>>) src(%arg9 : memref<128x128xf32, #tpu.memory_space<vmem>>) dst(%dma_wait3A_390 : memref<10240x128xf32, #tpu.memory_space<vmem_shared>>)
        tpu.yield
      }) : () -> ()
      %dma_start3A_110 = arith.constant 2 : i32
      %dma_start3A_111 = arith.constant 0 : i32
      %dma_start3A_112 = arith.constant 0 : i32
      %dma_start3A_113 = tpu.memref_slice %arg9[%dma_start3A_111, %dma_start3A_112] : memref<128x128xf32, #tpu.memory_space<vmem>> -> memref<64x128xf32, #tpu.memory_space<vmem>>
      %dma_start3A_114 = arith.constant 0 : i32
      %dma_start3A_115 = tpu.memref_slice %arg7[%dma_start3A_110, %dma_start3A_114] : memref<8x128xi32, #tpu.memory_space<vmem>> -> memref<1x64xi32, #tpu.memory_space<vmem>>
      %dma_start3A_116 = tpu.memref_squeeze %dma_start3A_115 : memref<1x64xi32, #tpu.memory_space<vmem>> -> memref<64xi32, #tpu.memory_space<vmem>>
      %dma_start3A_117 = arith.constant 0 : i32
      %dma_start3A_118 = arith.constant 0 : i32
      %dma_start3A_119 = tpu.memref_slice %arg2[%dma_start3A_117, %dma_start3A_118] : memref<10240x128xf32, #tpu.memory_space<hbm>> -> memref<10240x128xf32, #tpu.memory_space<hbm>>
      tpu.enqueue_indirect_dma source(%dma_start3A_119 : memref<10240x128xf32, #tpu.memory_space<hbm>>) target(%dma_start3A_113 : memref<64x128xf32, #tpu.memory_space<vmem>>) offsets(%dma_start3A_116 : memref<64xi32, #tpu.memory_space<vmem>>) semaphore(%arg11 : memref<!tpu.dma_semaphore, #tpu.memory_space<semaphore_mem>>)
      %dma_start3A_120 = arith.constant 2 : i32
      %dma_start3A_121 = arith.constant 64 : i32
      %dma_start3A_122 = arith.constant 0 : i32
      %dma_start3A_123 = tpu.memref_slice %arg9[%dma_start3A_121, %dma_start3A_122] : memref<128x128xf32, #tpu.memory_space<vmem>> -> memref<64x128xf32, #tpu.memory_space<vmem>>
      %dma_start3A_124 = arith.constant 64 : i32
      %dma_start3A_125 = tpu.memref_slice %arg7[%dma_start3A_120, %dma_start3A_124] : memref<8x128xi32, #tpu.memory_space<vmem>> -> memref<1x64xi32, #tpu.memory_space<vmem>>
      %dma_start3A_126 = tpu.memref_squeeze %dma_start3A_125 : memref<1x64xi32, #tpu.memory_space<vmem>> -> memref<64xi32, #tpu.memory_space<vmem>>
      %dma_start3A_127 = arith.constant 0 : i32
      %dma_start3A_128 = arith.constant 0 : i32
      %dma_start3A_129 = tpu.memref_slice %arg2[%dma_start3A_127, %dma_start3A_128] : memref<10240x128xf32, #tpu.memory_space<hbm>> -> memref<10240x128xf32, #tpu.memory_space<hbm>>
      tpu.enqueue_indirect_dma source(%dma_start3A_129 : memref<10240x128xf32, #tpu.memory_space<hbm>>) target(%dma_start3A_123 : memref<64x128xf32, #tpu.memory_space<vmem>>) offsets(%dma_start3A_126 : memref<64xi32, #tpu.memory_space<vmem>>) semaphore(%arg12 : memref<!tpu.dma_semaphore, #tpu.memory_space<semaphore_mem>>)
      %dma_wait3A_130 = arith.constant 1 : i32
      %dma_wait3A_131 = arith.constant 0 : i32
      %dma_wait3A_132 = arith.constant 0 : i32
      %dma_wait3A_133 = tpu.memref_slice %arg10[%dma_wait3A_131, %dma_wait3A_132] : memref<128x128xf32, #tpu.memory_space<vmem>> -> memref<64x128xf32, #tpu.memory_space<vmem>>
      %dma_wait3A_134 = arith.constant 0 : i32
      %dma_wait3A_135 = tpu.memref_slice %arg7[%dma_wait3A_130, %dma_wait3A_134] : memref<8x128xi32, #tpu.memory_space<vmem>> -> memref<1x64xi32, #tpu.memory_space<vmem>>
      %dma_wait3A_136 = tpu.memref_squeeze %dma_wait3A_135 : memref<1x64xi32, #tpu.memory_space<vmem>> -> memref<64xi32, #tpu.memory_space<vmem>>
      %dma_wait3A_137 = arith.constant 0 : i32
      %dma_wait3A_138 = arith.constant 0 : i32
      %dma_wait3A_139 = tpu.memref_slice %arg2[%dma_wait3A_137, %dma_wait3A_138] : memref<10240x128xf32, #tpu.memory_space<hbm>> -> memref<10240x128xf32, #tpu.memory_space<hbm>>
      tpu.wait_indirect_dma semaphore(%arg13 : memref<!tpu.dma_semaphore, #tpu.memory_space<semaphore_mem>>) src(%dma_wait3A_139 : memref<10240x128xf32, #tpu.memory_space<hbm>>) dst(%dma_wait3A_133 : memref<64x128xf32, #tpu.memory_space<vmem>>)
      %dma_wait3A_140 = arith.constant 1 : i32
      %dma_wait3A_141 = arith.constant 64 : i32
      %dma_wait3A_142 = arith.constant 0 : i32
      %dma_wait3A_143 = tpu.memref_slice %arg10[%dma_wait3A_141, %dma_wait3A_142] : memref<128x128xf32, #tpu.memory_space<vmem>> -> memref<64x128xf32, #tpu.memory_space<vmem>>
      %dma_wait3A_144 = arith.constant 64 : i32
      %dma_wait3A_145 = tpu.memref_slice %arg7[%dma_wait3A_140, %dma_wait3A_144] : memref<8x128xi32, #tpu.memory_space<vmem>> -> memref<1x64xi32, #tpu.memory_space<vmem>>
      %dma_wait3A_146 = tpu.memref_squeeze %dma_wait3A_145 : memref<1x64xi32, #tpu.memory_space<vmem>> -> memref<64xi32, #tpu.memory_space<vmem>>
      %dma_wait3A_147 = arith.constant 0 : i32
      %dma_wait3A_148 = arith.constant 0 : i32
      %dma_wait3A_149 = tpu.memref_slice %arg2[%dma_wait3A_147, %dma_wait3A_148] : memref<10240x128xf32, #tpu.memory_space<hbm>> -> memref<10240x128xf32, #tpu.memory_space<hbm>>
      tpu.wait_indirect_dma semaphore(%arg14 : memref<!tpu.dma_semaphore, #tpu.memory_space<semaphore_mem>>) src(%dma_wait3A_149 : memref<10240x128xf32, #tpu.memory_space<hbm>>) dst(%dma_wait3A_143 : memref<64x128xf32, #tpu.memory_space<vmem>>)
      %run_scoped3A_150 = arith.constant 1 : i32
      "tpu.region"() ({
        %run_scoped3A_378 = tpu.sem_alloc : memref<!tpu.dma_semaphore, #tpu.memory_space<semaphore_mem>>
        %dma_start3A_379 = arith.constant 0 : i32
        %dma_start3A_380 = tpu.memref_slice %arg8[%run_scoped3A_150, %dma_start3A_379] : memref<8x128xi32, #tpu.memory_space<vmem>> -> memref<1x128xi32, #tpu.memory_space<vmem>>
        %dma_start3A_381 = tpu.memref_squeeze %dma_start3A_380 : memref<1x128xi32, #tpu.memory_space<vmem>> -> memref<128xi32, #tpu.memory_space<vmem>>
        %dma_start3A_382 = arith.constant 0 : i32
        %dma_start3A_383 = arith.constant 0 : i32
        %dma_start3A_384 = tpu.memref_slice %arg6[%dma_start3A_382, %dma_start3A_383] : memref<10240x128xf32, #tpu.memory_space<vmem_shared>> -> memref<10240x128xf32, #tpu.memory_space<vmem_shared>>
        tpu.enqueue_indirect_dma source(%arg10 : memref<128x128xf32, #tpu.memory_space<vmem>>) target(%dma_start3A_384 : memref<10240x128xf32, #tpu.memory_space<vmem_shared>>) offsets(%dma_start3A_381 : memref<128xi32, #tpu.memory_space<vmem>>) semaphore(%run_scoped3A_378 : memref<!tpu.dma_semaphore, #tpu.memory_space<semaphore_mem>>) {add = true}
        %dma_wait3A_385 = arith.constant 0 : i32
        %dma_wait3A_386 = tpu.memref_slice %arg8[%run_scoped3A_150, %dma_wait3A_385] : memref<8x128xi32, #tpu.memory_space<vmem>> -> memref<1x128xi32, #tpu.memory_space<vmem>>
        %dma_wait3A_387 = tpu.memref_squeeze %dma_wait3A_386 : memref<1x128xi32, #tpu.memory_space<vmem>> -> memref<128xi32, #tpu.memory_space<vmem>>
        %dma_wait3A_388 = arith.constant 0 : i32
        %dma_wait3A_389 = arith.constant 0 : i32
        %dma_wait3A_390 = tpu.memref_slice %arg6[%dma_wait3A_388, %dma_wait3A_389] : memref<10240x128xf32, #tpu.memory_space<vmem_shared>> -> memref<10240x128xf32, #tpu.memory_space<vmem_shared>>
        tpu.wait_indirect_dma semaphore(%run_scoped3A_378 : memref<!tpu.dma_semaphore, #tpu.memory_space<semaphore_mem>>) src(%arg10 : memref<128x128xf32, #tpu.memory_space<vmem>>) dst(%dma_wait3A_390 : memref<10240x128xf32, #tpu.memory_space<vmem_shared>>)
        tpu.yield
      }) : () -> ()
      %dma_start3A_151 = arith.constant 3 : i32
      %dma_start3A_152 = arith.constant 0 : i32
      %dma_start3A_153 = arith.constant 0 : i32
      %dma_start3A_154 = tpu.memref_slice %arg10[%dma_start3A_152, %dma_start3A_153] : memref<128x128xf32, #tpu.memory_space<vmem>> -> memref<64x128xf32, #tpu.memory_space<vmem>>
      %dma_start3A_155 = arith.constant 0 : i32
      %dma_start3A_156 = tpu.memref_slice %arg7[%dma_start3A_151, %dma_start3A_155] : memref<8x128xi32, #tpu.memory_space<vmem>> -> memref<1x64xi32, #tpu.memory_space<vmem>>
      %dma_start3A_157 = tpu.memref_squeeze %dma_start3A_156 : memref<1x64xi32, #tpu.memory_space<vmem>> -> memref<64xi32, #tpu.memory_space<vmem>>
      %dma_start3A_158 = arith.constant 0 : i32
      %dma_start3A_159 = arith.constant 0 : i32
      %dma_start3A_160 = tpu.memref_slice %arg2[%dma_start3A_158, %dma_start3A_159] : memref<10240x128xf32, #tpu.memory_space<hbm>> -> memref<10240x128xf32, #tpu.memory_space<hbm>>
      tpu.enqueue_indirect_dma source(%dma_start3A_160 : memref<10240x128xf32, #tpu.memory_space<hbm>>) target(%dma_start3A_154 : memref<64x128xf32, #tpu.memory_space<vmem>>) offsets(%dma_start3A_157 : memref<64xi32, #tpu.memory_space<vmem>>) semaphore(%arg13 : memref<!tpu.dma_semaphore, #tpu.memory_space<semaphore_mem>>)
      %dma_start3A_161 = arith.constant 3 : i32
      %dma_start3A_162 = arith.constant 64 : i32
      %dma_start3A_163 = arith.constant 0 : i32
      %dma_start3A_164 = tpu.memref_slice %arg10[%dma_start3A_162, %dma_start3A_163] : memref<128x128xf32, #tpu.memory_space<vmem>> -> memref<64x128xf32, #tpu.memory_space<vmem>>
      %dma_start3A_165 = arith.constant 64 : i32
      %dma_start3A_166 = tpu.memref_slice %arg7[%dma_start3A_161, %dma_start3A_165] : memref<8x128xi32, #tpu.memory_space<vmem>> -> memref<1x64xi32, #tpu.memory_space<vmem>>
      %dma_start3A_167 = tpu.memref_squeeze %dma_start3A_166 : memref<1x64xi32, #tpu.memory_space<vmem>> -> memref<64xi32, #tpu.memory_space<vmem>>
      %dma_start3A_168 = arith.constant 0 : i32
      %dma_start3A_169 = arith.constant 0 : i32
      %dma_start3A_170 = tpu.memref_slice %arg2[%dma_start3A_168, %dma_start3A_169] : memref<10240x128xf32, #tpu.memory_space<hbm>> -> memref<10240x128xf32, #tpu.memory_space<hbm>>
      tpu.enqueue_indirect_dma source(%dma_start3A_170 : memref<10240x128xf32, #tpu.memory_space<hbm>>) target(%dma_start3A_164 : memref<64x128xf32, #tpu.memory_space<vmem>>) offsets(%dma_start3A_167 : memref<64xi32, #tpu.memory_space<vmem>>) semaphore(%arg14 : memref<!tpu.dma_semaphore, #tpu.memory_space<semaphore_mem>>)
      %dma_wait3A_171 = arith.constant 2 : i32
      %dma_wait3A_172 = arith.constant 0 : i32
      %dma_wait3A_173 = arith.constant 0 : i32
      %dma_wait3A_174 = tpu.memref_slice %arg9[%dma_wait3A_172, %dma_wait3A_173] : memref<128x128xf32, #tpu.memory_space<vmem>> -> memref<64x128xf32, #tpu.memory_space<vmem>>
      %dma_wait3A_175 = arith.constant 0 : i32
      %dma_wait3A_176 = tpu.memref_slice %arg7[%dma_wait3A_171, %dma_wait3A_175] : memref<8x128xi32, #tpu.memory_space<vmem>> -> memref<1x64xi32, #tpu.memory_space<vmem>>
      %dma_wait3A_177 = tpu.memref_squeeze %dma_wait3A_176 : memref<1x64xi32, #tpu.memory_space<vmem>> -> memref<64xi32, #tpu.memory_space<vmem>>
      %dma_wait3A_178 = arith.constant 0 : i32
      %dma_wait3A_179 = arith.constant 0 : i32
      %dma_wait3A_180 = tpu.memref_slice %arg2[%dma_wait3A_178, %dma_wait3A_179] : memref<10240x128xf32, #tpu.memory_space<hbm>> -> memref<10240x128xf32, #tpu.memory_space<hbm>>
      tpu.wait_indirect_dma semaphore(%arg11 : memref<!tpu.dma_semaphore, #tpu.memory_space<semaphore_mem>>) src(%dma_wait3A_180 : memref<10240x128xf32, #tpu.memory_space<hbm>>) dst(%dma_wait3A_174 : memref<64x128xf32, #tpu.memory_space<vmem>>)
      %dma_wait3A_181 = arith.constant 2 : i32
      %dma_wait3A_182 = arith.constant 64 : i32
      %dma_wait3A_183 = arith.constant 0 : i32
      %dma_wait3A_184 = tpu.memref_slice %arg9[%dma_wait3A_182, %dma_wait3A_183] : memref<128x128xf32, #tpu.memory_space<vmem>> -> memref<64x128xf32, #tpu.memory_space<vmem>>
      %dma_wait3A_185 = arith.constant 64 : i32
      %dma_wait3A_186 = tpu.memref_slice %arg7[%dma_wait3A_181, %dma_wait3A_185] : memref<8x128xi32, #tpu.memory_space<vmem>> -> memref<1x64xi32, #tpu.memory_space<vmem>>
      %dma_wait3A_187 = tpu.memref_squeeze %dma_wait3A_186 : memref<1x64xi32, #tpu.memory_space<vmem>> -> memref<64xi32, #tpu.memory_space<vmem>>
      %dma_wait3A_188 = arith.constant 0 : i32
      %dma_wait3A_189 = arith.constant 0 : i32
      %dma_wait3A_190 = tpu.memref_slice %arg2[%dma_wait3A_188, %dma_wait3A_189] : memref<10240x128xf32, #tpu.memory_space<hbm>> -> memref<10240x128xf32, #tpu.memory_space<hbm>>
      tpu.wait_indirect_dma semaphore(%arg12 : memref<!tpu.dma_semaphore, #tpu.memory_space<semaphore_mem>>) src(%dma_wait3A_190 : memref<10240x128xf32, #tpu.memory_space<hbm>>) dst(%dma_wait3A_184 : memref<64x128xf32, #tpu.memory_space<vmem>>)
      %run_scoped3A_191 = arith.constant 2 : i32
      "tpu.region"() ({
        %run_scoped3A_378 = tpu.sem_alloc : memref<!tpu.dma_semaphore, #tpu.memory_space<semaphore_mem>>
        %dma_start3A_379 = arith.constant 0 : i32
        %dma_start3A_380 = tpu.memref_slice %arg8[%run_scoped3A_191, %dma_start3A_379] : memref<8x128xi32, #tpu.memory_space<vmem>> -> memref<1x128xi32, #tpu.memory_space<vmem>>
        %dma_start3A_381 = tpu.memref_squeeze %dma_start3A_380 : memref<1x128xi32, #tpu.memory_space<vmem>> -> memref<128xi32, #tpu.memory_space<vmem>>
        %dma_start3A_382 = arith.constant 0 : i32
        %dma_start3A_383 = arith.constant 0 : i32
        %dma_start3A_384 = tpu.memref_slice %arg6[%dma_start3A_382, %dma_start3A_383] : memref<10240x128xf32, #tpu.memory_space<vmem_shared>> -> memref<10240x128xf32, #tpu.memory_space<vmem_shared>>
        tpu.enqueue_indirect_dma source(%arg9 : memref<128x128xf32, #tpu.memory_space<vmem>>) target(%dma_start3A_384 : memref<10240x128xf32, #tpu.memory_space<vmem_shared>>) offsets(%dma_start3A_381 : memref<128xi32, #tpu.memory_space<vmem>>) semaphore(%run_scoped3A_378 : memref<!tpu.dma_semaphore, #tpu.memory_space<semaphore_mem>>) {add = true}
        %dma_wait3A_385 = arith.constant 0 : i32
        %dma_wait3A_386 = tpu.memref_slice %arg8[%run_scoped3A_191, %dma_wait3A_385] : memref<8x128xi32, #tpu.memory_space<vmem>> -> memref<1x128xi32, #tpu.memory_space<vmem>>
        %dma_wait3A_387 = tpu.memref_squeeze %dma_wait3A_386 : memref<1x128xi32, #tpu.memory_space<vmem>> -> memref<128xi32, #tpu.memory_space<vmem>>
        %dma_wait3A_388 = arith.constant 0 : i32
        %dma_wait3A_389 = arith.constant 0 : i32
        %dma_wait3A_390 = tpu.memref_slice %arg6[%dma_wait3A_388, %dma_wait3A_389] : memref<10240x128xf32, #tpu.memory_space<vmem_shared>> -> memref<10240x128xf32, #tpu.memory_space<vmem_shared>>
        tpu.wait_indirect_dma semaphore(%run_scoped3A_378 : memref<!tpu.dma_semaphore, #tpu.memory_space<semaphore_mem>>) src(%arg9 : memref<128x128xf32, #tpu.memory_space<vmem>>) dst(%dma_wait3A_390 : memref<10240x128xf32, #tpu.memory_space<vmem_shared>>)
        tpu.yield
      }) : () -> ()
      %dma_start3A_192 = arith.constant 4 : i32
      %dma_start3A_193 = arith.constant 0 : i32
      %dma_start3A_194 = arith.constant 0 : i32
      %dma_start3A_195 = tpu.memref_slice %arg9[%dma_start3A_193, %dma_start3A_194] : memref<128x128xf32, #tpu.memory_space<vmem>> -> memref<64x128xf32, #tpu.memory_space<vmem>>
      %dma_start3A_196 = arith.constant 0 : i32
      %dma_start3A_197 = tpu.memref_slice %arg7[%dma_start3A_192, %dma_start3A_196] : memref<8x128xi32, #tpu.memory_space<vmem>> -> memref<1x64xi32, #tpu.memory_space<vmem>>
      %dma_start3A_198 = tpu.memref_squeeze %dma_start3A_197 : memref<1x64xi32, #tpu.memory_space<vmem>> -> memref<64xi32, #tpu.memory_space<vmem>>
      %dma_start3A_199 = arith.constant 0 : i32
      %dma_start3A_200 = arith.constant 0 : i32
      %dma_start3A_201 = tpu.memref_slice %arg2[%dma_start3A_199, %dma_start3A_200] : memref<10240x128xf32, #tpu.memory_space<hbm>> -> memref<10240x128xf32, #tpu.memory_space<hbm>>
      tpu.enqueue_indirect_dma source(%dma_start3A_201 : memref<10240x128xf32, #tpu.memory_space<hbm>>) target(%dma_start3A_195 : memref<64x128xf32, #tpu.memory_space<vmem>>) offsets(%dma_start3A_198 : memref<64xi32, #tpu.memory_space<vmem>>) semaphore(%arg11 : memref<!tpu.dma_semaphore, #tpu.memory_space<semaphore_mem>>)
      %dma_start3A_202 = arith.constant 4 : i32
      %dma_start3A_203 = arith.constant 64 : i32
      %dma_start3A_204 = arith.constant 0 : i32
      %dma_start3A_205 = tpu.memref_slice %arg9[%dma_start3A_203, %dma_start3A_204] : memref<128x128xf32, #tpu.memory_space<vmem>> -> memref<64x128xf32, #tpu.memory_space<vmem>>
      %dma_start3A_206 = arith.constant 64 : i32
      %dma_start3A_207 = tpu.memref_slice %arg7[%dma_start3A_202, %dma_start3A_206] : memref<8x128xi32, #tpu.memory_space<vmem>> -> memref<1x64xi32, #tpu.memory_space<vmem>>
      %dma_start3A_208 = tpu.memref_squeeze %dma_start3A_207 : memref<1x64xi32, #tpu.memory_space<vmem>> -> memref<64xi32, #tpu.memory_space<vmem>>
      %dma_start3A_209 = arith.constant 0 : i32
      %dma_start3A_210 = arith.constant 0 : i32
      %dma_start3A_211 = tpu.memref_slice %arg2[%dma_start3A_209, %dma_start3A_210] : memref<10240x128xf32, #tpu.memory_space<hbm>> -> memref<10240x128xf32, #tpu.memory_space<hbm>>
      tpu.enqueue_indirect_dma source(%dma_start3A_211 : memref<10240x128xf32, #tpu.memory_space<hbm>>) target(%dma_start3A_205 : memref<64x128xf32, #tpu.memory_space<vmem>>) offsets(%dma_start3A_208 : memref<64xi32, #tpu.memory_space<vmem>>) semaphore(%arg12 : memref<!tpu.dma_semaphore, #tpu.memory_space<semaphore_mem>>)
      %dma_wait3A_212 = arith.constant 3 : i32
      %dma_wait3A_213 = arith.constant 0 : i32
      %dma_wait3A_214 = arith.constant 0 : i32
      %dma_wait3A_215 = tpu.memref_slice %arg10[%dma_wait3A_213, %dma_wait3A_214] : memref<128x128xf32, #tpu.memory_space<vmem>> -> memref<64x128xf32, #tpu.memory_space<vmem>>
      %dma_wait3A_216 = arith.constant 0 : i32
      %dma_wait3A_217 = tpu.memref_slice %arg7[%dma_wait3A_212, %dma_wait3A_216] : memref<8x128xi32, #tpu.memory_space<vmem>> -> memref<1x64xi32, #tpu.memory_space<vmem>>
      %dma_wait3A_218 = tpu.memref_squeeze %dma_wait3A_217 : memref<1x64xi32, #tpu.memory_space<vmem>> -> memref<64xi32, #tpu.memory_space<vmem>>
      %dma_wait3A_219 = arith.constant 0 : i32
      %dma_wait3A_220 = arith.constant 0 : i32
      %dma_wait3A_221 = tpu.memref_slice %arg2[%dma_wait3A_219, %dma_wait3A_220] : memref<10240x128xf32, #tpu.memory_space<hbm>> -> memref<10240x128xf32, #tpu.memory_space<hbm>>
      tpu.wait_indirect_dma semaphore(%arg13 : memref<!tpu.dma_semaphore, #tpu.memory_space<semaphore_mem>>) src(%dma_wait3A_221 : memref<10240x128xf32, #tpu.memory_space<hbm>>) dst(%dma_wait3A_215 : memref<64x128xf32, #tpu.memory_space<vmem>>)
      %dma_wait3A_222 = arith.constant 3 : i32
      %dma_wait3A_223 = arith.constant 64 : i32
      %dma_wait3A_224 = arith.constant 0 : i32
      %dma_wait3A_225 = tpu.memref_slice %arg10[%dma_wait3A_223, %dma_wait3A_224] : memref<128x128xf32, #tpu.memory_space<vmem>> -> memref<64x128xf32, #tpu.memory_space<vmem>>
      %dma_wait3A_226 = arith.constant 64 : i32
      %dma_wait3A_227 = tpu.memref_slice %arg7[%dma_wait3A_222, %dma_wait3A_226] : memref<8x128xi32, #tpu.memory_space<vmem>> -> memref<1x64xi32, #tpu.memory_space<vmem>>
      %dma_wait3A_228 = tpu.memref_squeeze %dma_wait3A_227 : memref<1x64xi32, #tpu.memory_space<vmem>> -> memref<64xi32, #tpu.memory_space<vmem>>
      %dma_wait3A_229 = arith.constant 0 : i32
      %dma_wait3A_230 = arith.constant 0 : i32
      %dma_wait3A_231 = tpu.memref_slice %arg2[%dma_wait3A_229, %dma_wait3A_230] : memref<10240x128xf32, #tpu.memory_space<hbm>> -> memref<10240x128xf32, #tpu.memory_space<hbm>>
      tpu.wait_indirect_dma semaphore(%arg14 : memref<!tpu.dma_semaphore, #tpu.memory_space<semaphore_mem>>) src(%dma_wait3A_231 : memref<10240x128xf32, #tpu.memory_space<hbm>>) dst(%dma_wait3A_225 : memref<64x128xf32, #tpu.memory_space<vmem>>)
      %run_scoped3A_232 = arith.constant 3 : i32
      "tpu.region"() ({
        %run_scoped3A_378 = tpu.sem_alloc : memref<!tpu.dma_semaphore, #tpu.memory_space<semaphore_mem>>
        %dma_start3A_379 = arith.constant 0 : i32
        %dma_start3A_380 = tpu.memref_slice %arg8[%run_scoped3A_232, %dma_start3A_379] : memref<8x128xi32, #tpu.memory_space<vmem>> -> memref<1x128xi32, #tpu.memory_space<vmem>>
        %dma_start3A_381 = tpu.memref_squeeze %dma_start3A_380 : memref<1x128xi32, #tpu.memory_space<vmem>> -> memref<128xi32, #tpu.memory_space<vmem>>
        %dma_start3A_382 = arith.constant 0 : i32
        %dma_start3A_383 = arith.constant 0 : i32
        %dma_start3A_384 = tpu.memref_slice %arg6[%dma_start3A_382, %dma_start3A_383] : memref<10240x128xf32, #tpu.memory_space<vmem_shared>> -> memref<10240x128xf32, #tpu.memory_space<vmem_shared>>
        tpu.enqueue_indirect_dma source(%arg10 : memref<128x128xf32, #tpu.memory_space<vmem>>) target(%dma_start3A_384 : memref<10240x128xf32, #tpu.memory_space<vmem_shared>>) offsets(%dma_start3A_381 : memref<128xi32, #tpu.memory_space<vmem>>) semaphore(%run_scoped3A_378 : memref<!tpu.dma_semaphore, #tpu.memory_space<semaphore_mem>>) {add = true}
        %dma_wait3A_385 = arith.constant 0 : i32
        %dma_wait3A_386 = tpu.memref_slice %arg8[%run_scoped3A_232, %dma_wait3A_385] : memref<8x128xi32, #tpu.memory_space<vmem>> -> memref<1x128xi32, #tpu.memory_space<vmem>>
        %dma_wait3A_387 = tpu.memref_squeeze %dma_wait3A_386 : memref<1x128xi32, #tpu.memory_space<vmem>> -> memref<128xi32, #tpu.memory_space<vmem>>
        %dma_wait3A_388 = arith.constant 0 : i32
        %dma_wait3A_389 = arith.constant 0 : i32
        %dma_wait3A_390 = tpu.memref_slice %arg6[%dma_wait3A_388, %dma_wait3A_389] : memref<10240x128xf32, #tpu.memory_space<vmem_shared>> -> memref<10240x128xf32, #tpu.memory_space<vmem_shared>>
        tpu.wait_indirect_dma semaphore(%run_scoped3A_378 : memref<!tpu.dma_semaphore, #tpu.memory_space<semaphore_mem>>) src(%arg10 : memref<128x128xf32, #tpu.memory_space<vmem>>) dst(%dma_wait3A_390 : memref<10240x128xf32, #tpu.memory_space<vmem_shared>>)
        tpu.yield
      }) : () -> ()
      %dma_start3A_233 = arith.constant 5 : i32
      %dma_start3A_234 = arith.constant 0 : i32
      %dma_start3A_235 = arith.constant 0 : i32
      %dma_start3A_236 = tpu.memref_slice %arg10[%dma_start3A_234, %dma_start3A_235] : memref<128x128xf32, #tpu.memory_space<vmem>> -> memref<64x128xf32, #tpu.memory_space<vmem>>
      %dma_start3A_237 = arith.constant 0 : i32
      %dma_start3A_238 = tpu.memref_slice %arg7[%dma_start3A_233, %dma_start3A_237] : memref<8x128xi32, #tpu.memory_space<vmem>> -> memref<1x64xi32, #tpu.memory_space<vmem>>
      %dma_start3A_239 = tpu.memref_squeeze %dma_start3A_238 : memref<1x64xi32, #tpu.memory_space<vmem>> -> memref<64xi32, #tpu.memory_space<vmem>>
      %dma_start3A_240 = arith.constant 0 : i32
      %dma_start3A_241 = arith.constant 0 : i32
      %dma_start3A_242 = tpu.memref_slice %arg2[%dma_start3A_240, %dma_start3A_241] : memref<10240x128xf32, #tpu.memory_space<hbm>> -> memref<10240x128xf32, #tpu.memory_space<hbm>>
      tpu.enqueue_indirect_dma source(%dma_start3A_242 : memref<10240x128xf32, #tpu.memory_space<hbm>>) target(%dma_start3A_236 : memref<64x128xf32, #tpu.memory_space<vmem>>) offsets(%dma_start3A_239 : memref<64xi32, #tpu.memory_space<vmem>>) semaphore(%arg13 : memref<!tpu.dma_semaphore, #tpu.memory_space<semaphore_mem>>)
      %dma_start3A_243 = arith.constant 5 : i32
      %dma_start3A_244 = arith.constant 64 : i32
      %dma_start3A_245 = arith.constant 0 : i32
      %dma_start3A_246 = tpu.memref_slice %arg10[%dma_start3A_244, %dma_start3A_245] : memref<128x128xf32, #tpu.memory_space<vmem>> -> memref<64x128xf32, #tpu.memory_space<vmem>>
      %dma_start3A_247 = arith.constant 64 : i32
      %dma_start3A_248 = tpu.memref_slice %arg7[%dma_start3A_243, %dma_start3A_247] : memref<8x128xi32, #tpu.memory_space<vmem>> -> memref<1x64xi32, #tpu.memory_space<vmem>>
      %dma_start3A_249 = tpu.memref_squeeze %dma_start3A_248 : memref<1x64xi32, #tpu.memory_space<vmem>> -> memref<64xi32, #tpu.memory_space<vmem>>
      %dma_start3A_250 = arith.constant 0 : i32
      %dma_start3A_251 = arith.constant 0 : i32
      %dma_start3A_252 = tpu.memref_slice %arg2[%dma_start3A_250, %dma_start3A_251] : memref<10240x128xf32, #tpu.memory_space<hbm>> -> memref<10240x128xf32, #tpu.memory_space<hbm>>
      tpu.enqueue_indirect_dma source(%dma_start3A_252 : memref<10240x128xf32, #tpu.memory_space<hbm>>) target(%dma_start3A_246 : memref<64x128xf32, #tpu.memory_space<vmem>>) offsets(%dma_start3A_249 : memref<64xi32, #tpu.memory_space<vmem>>) semaphore(%arg14 : memref<!tpu.dma_semaphore, #tpu.memory_space<semaphore_mem>>)
      %dma_wait3A_253 = arith.constant 4 : i32
      %dma_wait3A_254 = arith.constant 0 : i32
      %dma_wait3A_255 = arith.constant 0 : i32
      %dma_wait3A_256 = tpu.memref_slice %arg9[%dma_wait3A_254, %dma_wait3A_255] : memref<128x128xf32, #tpu.memory_space<vmem>> -> memref<64x128xf32, #tpu.memory_space<vmem>>
      %dma_wait3A_257 = arith.constant 0 : i32
      %dma_wait3A_258 = tpu.memref_slice %arg7[%dma_wait3A_253, %dma_wait3A_257] : memref<8x128xi32, #tpu.memory_space<vmem>> -> memref<1x64xi32, #tpu.memory_space<vmem>>
      %dma_wait3A_259 = tpu.memref_squeeze %dma_wait3A_258 : memref<1x64xi32, #tpu.memory_space<vmem>> -> memref<64xi32, #tpu.memory_space<vmem>>
      %dma_wait3A_260 = arith.constant 0 : i32
      %dma_wait3A_261 = arith.constant 0 : i32
      %dma_wait3A_262 = tpu.memref_slice %arg2[%dma_wait3A_260, %dma_wait3A_261] : memref<10240x128xf32, #tpu.memory_space<hbm>> -> memref<10240x128xf32, #tpu.memory_space<hbm>>
      tpu.wait_indirect_dma semaphore(%arg11 : memref<!tpu.dma_semaphore, #tpu.memory_space<semaphore_mem>>) src(%dma_wait3A_262 : memref<10240x128xf32, #tpu.memory_space<hbm>>) dst(%dma_wait3A_256 : memref<64x128xf32, #tpu.memory_space<vmem>>)
      %dma_wait3A_263 = arith.constant 4 : i32
      %dma_wait3A_264 = arith.constant 64 : i32
      %dma_wait3A_265 = arith.constant 0 : i32
      %dma_wait3A_266 = tpu.memref_slice %arg9[%dma_wait3A_264, %dma_wait3A_265] : memref<128x128xf32, #tpu.memory_space<vmem>> -> memref<64x128xf32, #tpu.memory_space<vmem>>
      %dma_wait3A_267 = arith.constant 64 : i32
      %dma_wait3A_268 = tpu.memref_slice %arg7[%dma_wait3A_263, %dma_wait3A_267] : memref<8x128xi32, #tpu.memory_space<vmem>> -> memref<1x64xi32, #tpu.memory_space<vmem>>
      %dma_wait3A_269 = tpu.memref_squeeze %dma_wait3A_268 : memref<1x64xi32, #tpu.memory_space<vmem>> -> memref<64xi32, #tpu.memory_space<vmem>>
      %dma_wait3A_270 = arith.constant 0 : i32
      %dma_wait3A_271 = arith.constant 0 : i32
      %dma_wait3A_272 = tpu.memref_slice %arg2[%dma_wait3A_270, %dma_wait3A_271] : memref<10240x128xf32, #tpu.memory_space<hbm>> -> memref<10240x128xf32, #tpu.memory_space<hbm>>
      tpu.wait_indirect_dma semaphore(%arg12 : memref<!tpu.dma_semaphore, #tpu.memory_space<semaphore_mem>>) src(%dma_wait3A_272 : memref<10240x128xf32, #tpu.memory_space<hbm>>) dst(%dma_wait3A_266 : memref<64x128xf32, #tpu.memory_space<vmem>>)
      %run_scoped3A_273 = arith.constant 4 : i32
      "tpu.region"() ({
        %run_scoped3A_378 = tpu.sem_alloc : memref<!tpu.dma_semaphore, #tpu.memory_space<semaphore_mem>>
        %dma_start3A_379 = arith.constant 0 : i32
        %dma_start3A_380 = tpu.memref_slice %arg8[%run_scoped3A_273, %dma_start3A_379] : memref<8x128xi32, #tpu.memory_space<vmem>> -> memref<1x128xi32, #tpu.memory_space<vmem>>
        %dma_start3A_381 = tpu.memref_squeeze %dma_start3A_380 : memref<1x128xi32, #tpu.memory_space<vmem>> -> memref<128xi32, #tpu.memory_space<vmem>>
        %dma_start3A_382 = arith.constant 0 : i32
        %dma_start3A_383 = arith.constant 0 : i32
        %dma_start3A_384 = tpu.memref_slice %arg6[%dma_start3A_382, %dma_start3A_383] : memref<10240x128xf32, #tpu.memory_space<vmem_shared>> -> memref<10240x128xf32, #tpu.memory_space<vmem_shared>>
        tpu.enqueue_indirect_dma source(%arg9 : memref<128x128xf32, #tpu.memory_space<vmem>>) target(%dma_start3A_384 : memref<10240x128xf32, #tpu.memory_space<vmem_shared>>) offsets(%dma_start3A_381 : memref<128xi32, #tpu.memory_space<vmem>>) semaphore(%run_scoped3A_378 : memref<!tpu.dma_semaphore, #tpu.memory_space<semaphore_mem>>) {add = true}
        %dma_wait3A_385 = arith.constant 0 : i32
        %dma_wait3A_386 = tpu.memref_slice %arg8[%run_scoped3A_273, %dma_wait3A_385] : memref<8x128xi32, #tpu.memory_space<vmem>> -> memref<1x128xi32, #tpu.memory_space<vmem>>
        %dma_wait3A_387 = tpu.memref_squeeze %dma_wait3A_386 : memref<1x128xi32, #tpu.memory_space<vmem>> -> memref<128xi32, #tpu.memory_space<vmem>>
        %dma_wait3A_388 = arith.constant 0 : i32
        %dma_wait3A_389 = arith.constant 0 : i32
        %dma_wait3A_390 = tpu.memref_slice %arg6[%dma_wait3A_388, %dma_wait3A_389] : memref<10240x128xf32, #tpu.memory_space<vmem_shared>> -> memref<10240x128xf32, #tpu.memory_space<vmem_shared>>
        tpu.wait_indirect_dma semaphore(%run_scoped3A_378 : memref<!tpu.dma_semaphore, #tpu.memory_space<semaphore_mem>>) src(%arg9 : memref<128x128xf32, #tpu.memory_space<vmem>>) dst(%dma_wait3A_390 : memref<10240x128xf32, #tpu.memory_space<vmem_shared>>)
        tpu.yield
      }) : () -> ()
      %dma_start3A_274 = arith.constant 6 : i32
      %dma_start3A_275 = arith.constant 0 : i32
      %dma_start3A_276 = arith.constant 0 : i32
      %dma_start3A_277 = tpu.memref_slice %arg9[%dma_start3A_275, %dma_start3A_276] : memref<128x128xf32, #tpu.memory_space<vmem>> -> memref<64x128xf32, #tpu.memory_space<vmem>>
      %dma_start3A_278 = arith.constant 0 : i32
      %dma_start3A_279 = tpu.memref_slice %arg7[%dma_start3A_274, %dma_start3A_278] : memref<8x128xi32, #tpu.memory_space<vmem>> -> memref<1x64xi32, #tpu.memory_space<vmem>>
      %dma_start3A_280 = tpu.memref_squeeze %dma_start3A_279 : memref<1x64xi32, #tpu.memory_space<vmem>> -> memref<64xi32, #tpu.memory_space<vmem>>
      %dma_start3A_281 = arith.constant 0 : i32
      %dma_start3A_282 = arith.constant 0 : i32
      %dma_start3A_283 = tpu.memref_slice %arg2[%dma_start3A_281, %dma_start3A_282] : memref<10240x128xf32, #tpu.memory_space<hbm>> -> memref<10240x128xf32, #tpu.memory_space<hbm>>
      tpu.enqueue_indirect_dma source(%dma_start3A_283 : memref<10240x128xf32, #tpu.memory_space<hbm>>) target(%dma_start3A_277 : memref<64x128xf32, #tpu.memory_space<vmem>>) offsets(%dma_start3A_280 : memref<64xi32, #tpu.memory_space<vmem>>) semaphore(%arg11 : memref<!tpu.dma_semaphore, #tpu.memory_space<semaphore_mem>>)
      %dma_start3A_284 = arith.constant 6 : i32
      %dma_start3A_285 = arith.constant 64 : i32
      %dma_start3A_286 = arith.constant 0 : i32
      %dma_start3A_287 = tpu.memref_slice %arg9[%dma_start3A_285, %dma_start3A_286] : memref<128x128xf32, #tpu.memory_space<vmem>> -> memref<64x128xf32, #tpu.memory_space<vmem>>
      %dma_start3A_288 = arith.constant 64 : i32
      %dma_start3A_289 = tpu.memref_slice %arg7[%dma_start3A_284, %dma_start3A_288] : memref<8x128xi32, #tpu.memory_space<vmem>> -> memref<1x64xi32, #tpu.memory_space<vmem>>
      %dma_start3A_290 = tpu.memref_squeeze %dma_start3A_289 : memref<1x64xi32, #tpu.memory_space<vmem>> -> memref<64xi32, #tpu.memory_space<vmem>>
      %dma_start3A_291 = arith.constant 0 : i32
      %dma_start3A_292 = arith.constant 0 : i32
      %dma_start3A_293 = tpu.memref_slice %arg2[%dma_start3A_291, %dma_start3A_292] : memref<10240x128xf32, #tpu.memory_space<hbm>> -> memref<10240x128xf32, #tpu.memory_space<hbm>>
      tpu.enqueue_indirect_dma source(%dma_start3A_293 : memref<10240x128xf32, #tpu.memory_space<hbm>>) target(%dma_start3A_287 : memref<64x128xf32, #tpu.memory_space<vmem>>) offsets(%dma_start3A_290 : memref<64xi32, #tpu.memory_space<vmem>>) semaphore(%arg12 : memref<!tpu.dma_semaphore, #tpu.memory_space<semaphore_mem>>)
      %dma_wait3A_294 = arith.constant 5 : i32
      %dma_wait3A_295 = arith.constant 0 : i32
      %dma_wait3A_296 = arith.constant 0 : i32
      %dma_wait3A_297 = tpu.memref_slice %arg10[%dma_wait3A_295, %dma_wait3A_296] : memref<128x128xf32, #tpu.memory_space<vmem>> -> memref<64x128xf32, #tpu.memory_space<vmem>>
      %dma_wait3A_298 = arith.constant 0 : i32
      %dma_wait3A_299 = tpu.memref_slice %arg7[%dma_wait3A_294, %dma_wait3A_298] : memref<8x128xi32, #tpu.memory_space<vmem>> -> memref<1x64xi32, #tpu.memory_space<vmem>>
      %dma_wait3A_300 = tpu.memref_squeeze %dma_wait3A_299 : memref<1x64xi32, #tpu.memory_space<vmem>> -> memref<64xi32, #tpu.memory_space<vmem>>
      %dma_wait3A_301 = arith.constant 0 : i32
      %dma_wait3A_302 = arith.constant 0 : i32
      %dma_wait3A_303 = tpu.memref_slice %arg2[%dma_wait3A_301, %dma_wait3A_302] : memref<10240x128xf32, #tpu.memory_space<hbm>> -> memref<10240x128xf32, #tpu.memory_space<hbm>>
      tpu.wait_indirect_dma semaphore(%arg13 : memref<!tpu.dma_semaphore, #tpu.memory_space<semaphore_mem>>) src(%dma_wait3A_303 : memref<10240x128xf32, #tpu.memory_space<hbm>>) dst(%dma_wait3A_297 : memref<64x128xf32, #tpu.memory_space<vmem>>)
      %dma_wait3A_304 = arith.constant 5 : i32
      %dma_wait3A_305 = arith.constant 64 : i32
      %dma_wait3A_306 = arith.constant 0 : i32
      %dma_wait3A_307 = tpu.memref_slice %arg10[%dma_wait3A_305, %dma_wait3A_306] : memref<128x128xf32, #tpu.memory_space<vmem>> -> memref<64x128xf32, #tpu.memory_space<vmem>>
      %dma_wait3A_308 = arith.constant 64 : i32
      %dma_wait3A_309 = tpu.memref_slice %arg7[%dma_wait3A_304, %dma_wait3A_308] : memref<8x128xi32, #tpu.memory_space<vmem>> -> memref<1x64xi32, #tpu.memory_space<vmem>>
      %dma_wait3A_310 = tpu.memref_squeeze %dma_wait3A_309 : memref<1x64xi32, #tpu.memory_space<vmem>> -> memref<64xi32, #tpu.memory_space<vmem>>
      %dma_wait3A_311 = arith.constant 0 : i32
      %dma_wait3A_312 = arith.constant 0 : i32
      %dma_wait3A_313 = tpu.memref_slice %arg2[%dma_wait3A_311, %dma_wait3A_312] : memref<10240x128xf32, #tpu.memory_space<hbm>> -> memref<10240x128xf32, #tpu.memory_space<hbm>>
      tpu.wait_indirect_dma semaphore(%arg14 : memref<!tpu.dma_semaphore, #tpu.memory_space<semaphore_mem>>) src(%dma_wait3A_313 : memref<10240x128xf32, #tpu.memory_space<hbm>>) dst(%dma_wait3A_307 : memref<64x128xf32, #tpu.memory_space<vmem>>)
      %run_scoped3A_314 = arith.constant 5 : i32
      "tpu.region"() ({
        %run_scoped3A_378 = tpu.sem_alloc : memref<!tpu.dma_semaphore, #tpu.memory_space<semaphore_mem>>
        %dma_start3A_379 = arith.constant 0 : i32
        %dma_start3A_380 = tpu.memref_slice %arg8[%run_scoped3A_314, %dma_start3A_379] : memref<8x128xi32, #tpu.memory_space<vmem>> -> memref<1x128xi32, #tpu.memory_space<vmem>>
        %dma_start3A_381 = tpu.memref_squeeze %dma_start3A_380 : memref<1x128xi32, #tpu.memory_space<vmem>> -> memref<128xi32, #tpu.memory_space<vmem>>
        %dma_start3A_382 = arith.constant 0 : i32
        %dma_start3A_383 = arith.constant 0 : i32
        %dma_start3A_384 = tpu.memref_slice %arg6[%dma_start3A_382, %dma_start3A_383] : memref<10240x128xf32, #tpu.memory_space<vmem_shared>> -> memref<10240x128xf32, #tpu.memory_space<vmem_shared>>
        tpu.enqueue_indirect_dma source(%arg10 : memref<128x128xf32, #tpu.memory_space<vmem>>) target(%dma_start3A_384 : memref<10240x128xf32, #tpu.memory_space<vmem_shared>>) offsets(%dma_start3A_381 : memref<128xi32, #tpu.memory_space<vmem>>) semaphore(%run_scoped3A_378 : memref<!tpu.dma_semaphore, #tpu.memory_space<semaphore_mem>>) {add = true}
        %dma_wait3A_385 = arith.constant 0 : i32
        %dma_wait3A_386 = tpu.memref_slice %arg8[%run_scoped3A_314, %dma_wait3A_385] : memref<8x128xi32, #tpu.memory_space<vmem>> -> memref<1x128xi32, #tpu.memory_space<vmem>>
        %dma_wait3A_387 = tpu.memref_squeeze %dma_wait3A_386 : memref<1x128xi32, #tpu.memory_space<vmem>> -> memref<128xi32, #tpu.memory_space<vmem>>
        %dma_wait3A_388 = arith.constant 0 : i32
        %dma_wait3A_389 = arith.constant 0 : i32
        %dma_wait3A_390 = tpu.memref_slice %arg6[%dma_wait3A_388, %dma_wait3A_389] : memref<10240x128xf32, #tpu.memory_space<vmem_shared>> -> memref<10240x128xf32, #tpu.memory_space<vmem_shared>>
        tpu.wait_indirect_dma semaphore(%run_scoped3A_378 : memref<!tpu.dma_semaphore, #tpu.memory_space<semaphore_mem>>) src(%arg10 : memref<128x128xf32, #tpu.memory_space<vmem>>) dst(%dma_wait3A_390 : memref<10240x128xf32, #tpu.memory_space<vmem_shared>>)
        tpu.yield
      }) : () -> ()
      %dma_start3A_315 = arith.constant 7 : i32
      %dma_start3A_316 = arith.constant 0 : i32
      %dma_start3A_317 = arith.constant 0 : i32
      %dma_start3A_318 = tpu.memref_slice %arg10[%dma_start3A_316, %dma_start3A_317] : memref<128x128xf32, #tpu.memory_space<vmem>> -> memref<64x128xf32, #tpu.memory_space<vmem>>
      %dma_start3A_319 = arith.constant 0 : i32
      %dma_start3A_320 = tpu.memref_slice %arg7[%dma_start3A_315, %dma_start3A_319] : memref<8x128xi32, #tpu.memory_space<vmem>> -> memref<1x64xi32, #tpu.memory_space<vmem>>
      %dma_start3A_321 = tpu.memref_squeeze %dma_start3A_320 : memref<1x64xi32, #tpu.memory_space<vmem>> -> memref<64xi32, #tpu.memory_space<vmem>>
      %dma_start3A_322 = arith.constant 0 : i32
      %dma_start3A_323 = arith.constant 0 : i32
      %dma_start3A_324 = tpu.memref_slice %arg2[%dma_start3A_322, %dma_start3A_323] : memref<10240x128xf32, #tpu.memory_space<hbm>> -> memref<10240x128xf32, #tpu.memory_space<hbm>>
      tpu.enqueue_indirect_dma source(%dma_start3A_324 : memref<10240x128xf32, #tpu.memory_space<hbm>>) target(%dma_start3A_318 : memref<64x128xf32, #tpu.memory_space<vmem>>) offsets(%dma_start3A_321 : memref<64xi32, #tpu.memory_space<vmem>>) semaphore(%arg13 : memref<!tpu.dma_semaphore, #tpu.memory_space<semaphore_mem>>)
      %dma_start3A_325 = arith.constant 7 : i32
      %dma_start3A_326 = arith.constant 64 : i32
      %dma_start3A_327 = arith.constant 0 : i32
      %dma_start3A_328 = tpu.memref_slice %arg10[%dma_start3A_326, %dma_start3A_327] : memref<128x128xf32, #tpu.memory_space<vmem>> -> memref<64x128xf32, #tpu.memory_space<vmem>>
      %dma_start3A_329 = arith.constant 64 : i32
      %dma_start3A_330 = tpu.memref_slice %arg7[%dma_start3A_325, %dma_start3A_329] : memref<8x128xi32, #tpu.memory_space<vmem>> -> memref<1x64xi32, #tpu.memory_space<vmem>>
      %dma_start3A_331 = tpu.memref_squeeze %dma_start3A_330 : memref<1x64xi32, #tpu.memory_space<vmem>> -> memref<64xi32, #tpu.memory_space<vmem>>
      %dma_start3A_332 = arith.constant 0 : i32
      %dma_start3A_333 = arith.constant 0 : i32
      %dma_start3A_334 = tpu.memref_slice %arg2[%dma_start3A_332, %dma_start3A_333] : memref<10240x128xf32, #tpu.memory_space<hbm>> -> memref<10240x128xf32, #tpu.memory_space<hbm>>
      tpu.enqueue_indirect_dma source(%dma_start3A_334 : memref<10240x128xf32, #tpu.memory_space<hbm>>) target(%dma_start3A_328 : memref<64x128xf32, #tpu.memory_space<vmem>>) offsets(%dma_start3A_331 : memref<64xi32, #tpu.memory_space<vmem>>) semaphore(%arg14 : memref<!tpu.dma_semaphore, #tpu.memory_space<semaphore_mem>>)
      %dma_wait3A_335 = arith.constant 6 : i32
      %dma_wait3A_336 = arith.constant 0 : i32
      %dma_wait3A_337 = arith.constant 0 : i32
      %dma_wait3A_338 = tpu.memref_slice %arg9[%dma_wait3A_336, %dma_wait3A_337] : memref<128x128xf32, #tpu.memory_space<vmem>> -> memref<64x128xf32, #tpu.memory_space<vmem>>
      %dma_wait3A_339 = arith.constant 0 : i32
      %dma_wait3A_340 = tpu.memref_slice %arg7[%dma_wait3A_335, %dma_wait3A_339] : memref<8x128xi32, #tpu.memory_space<vmem>> -> memref<1x64xi32, #tpu.memory_space<vmem>>
      %dma_wait3A_341 = tpu.memref_squeeze %dma_wait3A_340 : memref<1x64xi32, #tpu.memory_space<vmem>> -> memref<64xi32, #tpu.memory_space<vmem>>
      %dma_wait3A_342 = arith.constant 0 : i32
      %dma_wait3A_343 = arith.constant 0 : i32
      %dma_wait3A_344 = tpu.memref_slice %arg2[%dma_wait3A_342, %dma_wait3A_343] : memref<10240x128xf32, #tpu.memory_space<hbm>> -> memref<10240x128xf32, #tpu.memory_space<hbm>>
      tpu.wait_indirect_dma semaphore(%arg11 : memref<!tpu.dma_semaphore, #tpu.memory_space<semaphore_mem>>) src(%dma_wait3A_344 : memref<10240x128xf32, #tpu.memory_space<hbm>>) dst(%dma_wait3A_338 : memref<64x128xf32, #tpu.memory_space<vmem>>)
      %dma_wait3A_345 = arith.constant 6 : i32
      %dma_wait3A_346 = arith.constant 64 : i32
      %dma_wait3A_347 = arith.constant 0 : i32
      %dma_wait3A_348 = tpu.memref_slice %arg9[%dma_wait3A_346, %dma_wait3A_347] : memref<128x128xf32, #tpu.memory_space<vmem>> -> memref<64x128xf32, #tpu.memory_space<vmem>>
      %dma_wait3A_349 = arith.constant 64 : i32
      %dma_wait3A_350 = tpu.memref_slice %arg7[%dma_wait3A_345, %dma_wait3A_349] : memref<8x128xi32, #tpu.memory_space<vmem>> -> memref<1x64xi32, #tpu.memory_space<vmem>>
      %dma_wait3A_351 = tpu.memref_squeeze %dma_wait3A_350 : memref<1x64xi32, #tpu.memory_space<vmem>> -> memref<64xi32, #tpu.memory_space<vmem>>
      %dma_wait3A_352 = arith.constant 0 : i32
      %dma_wait3A_353 = arith.constant 0 : i32
      %dma_wait3A_354 = tpu.memref_slice %arg2[%dma_wait3A_352, %dma_wait3A_353] : memref<10240x128xf32, #tpu.memory_space<hbm>> -> memref<10240x128xf32, #tpu.memory_space<hbm>>
      tpu.wait_indirect_dma semaphore(%arg12 : memref<!tpu.dma_semaphore, #tpu.memory_space<semaphore_mem>>) src(%dma_wait3A_354 : memref<10240x128xf32, #tpu.memory_space<hbm>>) dst(%dma_wait3A_348 : memref<64x128xf32, #tpu.memory_space<vmem>>)
      %run_scoped3A_355 = arith.constant 6 : i32
      "tpu.region"() ({
        %run_scoped3A_378 = tpu.sem_alloc : memref<!tpu.dma_semaphore, #tpu.memory_space<semaphore_mem>>
        %dma_start3A_379 = arith.constant 0 : i32
        %dma_start3A_380 = tpu.memref_slice %arg8[%run_scoped3A_355, %dma_start3A_379] : memref<8x128xi32, #tpu.memory_space<vmem>> -> memref<1x128xi32, #tpu.memory_space<vmem>>
        %dma_start3A_381 = tpu.memref_squeeze %dma_start3A_380 : memref<1x128xi32, #tpu.memory_space<vmem>> -> memref<128xi32, #tpu.memory_space<vmem>>
        %dma_start3A_382 = arith.constant 0 : i32
        %dma_start3A_383 = arith.constant 0 : i32
        %dma_start3A_384 = tpu.memref_slice %arg6[%dma_start3A_382, %dma_start3A_383] : memref<10240x128xf32, #tpu.memory_space<vmem_shared>> -> memref<10240x128xf32, #tpu.memory_space<vmem_shared>>
        tpu.enqueue_indirect_dma source(%arg9 : memref<128x128xf32, #tpu.memory_space<vmem>>) target(%dma_start3A_384 : memref<10240x128xf32, #tpu.memory_space<vmem_shared>>) offsets(%dma_start3A_381 : memref<128xi32, #tpu.memory_space<vmem>>) semaphore(%run_scoped3A_378 : memref<!tpu.dma_semaphore, #tpu.memory_space<semaphore_mem>>) {add = true}
        %dma_wait3A_385 = arith.constant 0 : i32
        %dma_wait3A_386 = tpu.memref_slice %arg8[%run_scoped3A_355, %dma_wait3A_385] : memref<8x128xi32, #tpu.memory_space<vmem>> -> memref<1x128xi32, #tpu.memory_space<vmem>>
        %dma_wait3A_387 = tpu.memref_squeeze %dma_wait3A_386 : memref<1x128xi32, #tpu.memory_space<vmem>> -> memref<128xi32, #tpu.memory_space<vmem>>
        %dma_wait3A_388 = arith.constant 0 : i32
        %dma_wait3A_389 = arith.constant 0 : i32
        %dma_wait3A_390 = tpu.memref_slice %arg6[%dma_wait3A_388, %dma_wait3A_389] : memref<10240x128xf32, #tpu.memory_space<vmem_shared>> -> memref<10240x128xf32, #tpu.memory_space<vmem_shared>>
        tpu.wait_indirect_dma semaphore(%run_scoped3A_378 : memref<!tpu.dma_semaphore, #tpu.memory_space<semaphore_mem>>) src(%arg9 : memref<128x128xf32, #tpu.memory_space<vmem>>) dst(%dma_wait3A_390 : memref<10240x128xf32, #tpu.memory_space<vmem_shared>>)
        tpu.yield
      }) : () -> ()
      %dma_wait3A_356 = arith.constant 7 : i32
      %dma_wait3A_357 = arith.constant 0 : i32
      %dma_wait3A_358 = arith.constant 0 : i32
      %dma_wait3A_359 = tpu.memref_slice %arg10[%dma_wait3A_357, %dma_wait3A_358] : memref<128x128xf32, #tpu.memory_space<vmem>> -> memref<64x128xf32, #tpu.memory_space<vmem>>
      %dma_wait3A_360 = arith.constant 0 : i32
      %dma_wait3A_361 = tpu.memref_slice %arg7[%dma_wait3A_356, %dma_wait3A_360] : memref<8x128xi32, #tpu.memory_space<vmem>> -> memref<1x64xi32, #tpu.memory_space<vmem>>
      %dma_wait3A_362 = tpu.memref_squeeze %dma_wait3A_361 : memref<1x64xi32, #tpu.memory_space<vmem>> -> memref<64xi32, #tpu.memory_space<vmem>>
      %dma_wait3A_363 = arith.constant 0 : i32
      %dma_wait3A_364 = arith.constant 0 : i32
      %dma_wait3A_365 = tpu.memref_slice %arg2[%dma_wait3A_363, %dma_wait3A_364] : memref<10240x128xf32, #tpu.memory_space<hbm>> -> memref<10240x128xf32, #tpu.memory_space<hbm>>
      tpu.wait_indirect_dma semaphore(%arg13 : memref<!tpu.dma_semaphore, #tpu.memory_space<semaphore_mem>>) src(%dma_wait3A_365 : memref<10240x128xf32, #tpu.memory_space<hbm>>) dst(%dma_wait3A_359 : memref<64x128xf32, #tpu.memory_space<vmem>>)
      %dma_wait3A_366 = arith.constant 7 : i32
      %dma_wait3A_367 = arith.constant 64 : i32
      %dma_wait3A_368 = arith.constant 0 : i32
      %dma_wait3A_369 = tpu.memref_slice %arg10[%dma_wait3A_367, %dma_wait3A_368] : memref<128x128xf32, #tpu.memory_space<vmem>> -> memref<64x128xf32, #tpu.memory_space<vmem>>
      %dma_wait3A_370 = arith.constant 64 : i32
      %dma_wait3A_371 = tpu.memref_slice %arg7[%dma_wait3A_366, %dma_wait3A_370] : memref<8x128xi32, #tpu.memory_space<vmem>> -> memref<1x64xi32, #tpu.memory_space<vmem>>
      %dma_wait3A_372 = tpu.memref_squeeze %dma_wait3A_371 : memref<1x64xi32, #tpu.memory_space<vmem>> -> memref<64xi32, #tpu.memory_space<vmem>>
      %dma_wait3A_373 = arith.constant 0 : i32
      %dma_wait3A_374 = arith.constant 0 : i32
      %dma_wait3A_375 = tpu.memref_slice %arg2[%dma_wait3A_373, %dma_wait3A_374] : memref<10240x128xf32, #tpu.memory_space<hbm>> -> memref<10240x128xf32, #tpu.memory_space<hbm>>
      tpu.wait_indirect_dma semaphore(%arg14 : memref<!tpu.dma_semaphore, #tpu.memory_space<semaphore_mem>>) src(%dma_wait3A_375 : memref<10240x128xf32, #tpu.memory_space<hbm>>) dst(%dma_wait3A_369 : memref<64x128xf32, #tpu.memory_space<vmem>>)
      %run_scoped3A_376 = arith.constant 7 : i32
      "tpu.region"() ({
        %run_scoped3A_378 = tpu.sem_alloc : memref<!tpu.dma_semaphore, #tpu.memory_space<semaphore_mem>>
        %dma_start3A_379 = arith.constant 0 : i32
        %dma_start3A_380 = tpu.memref_slice %arg8[%run_scoped3A_376, %dma_start3A_379] : memref<8x128xi32, #tpu.memory_space<vmem>> -> memref<1x128xi32, #tpu.memory_space<vmem>>
        %dma_start3A_381 = tpu.memref_squeeze %dma_start3A_380 : memref<1x128xi32, #tpu.memory_space<vmem>> -> memref<128xi32, #tpu.memory_space<vmem>>
        %dma_start3A_382 = arith.constant 0 : i32
        %dma_start3A_383 = arith.constant 0 : i32
        %dma_start3A_384 = tpu.memref_slice %arg6[%dma_start3A_382, %dma_start3A_383] : memref<10240x128xf32, #tpu.memory_space<vmem_shared>> -> memref<10240x128xf32, #tpu.memory_space<vmem_shared>>
        tpu.enqueue_indirect_dma source(%arg10 : memref<128x128xf32, #tpu.memory_space<vmem>>) target(%dma_start3A_384 : memref<10240x128xf32, #tpu.memory_space<vmem_shared>>) offsets(%dma_start3A_381 : memref<128xi32, #tpu.memory_space<vmem>>) semaphore(%run_scoped3A_378 : memref<!tpu.dma_semaphore, #tpu.memory_space<semaphore_mem>>) {add = true}
        %dma_wait3A_385 = arith.constant 0 : i32
        %dma_wait3A_386 = tpu.memref_slice %arg8[%run_scoped3A_376, %dma_wait3A_385] : memref<8x128xi32, #tpu.memory_space<vmem>> -> memref<1x128xi32, #tpu.memory_space<vmem>>
        %dma_wait3A_387 = tpu.memref_squeeze %dma_wait3A_386 : memref<1x128xi32, #tpu.memory_space<vmem>> -> memref<128xi32, #tpu.memory_space<vmem>>
        %dma_wait3A_388 = arith.constant 0 : i32
        %dma_wait3A_389 = arith.constant 0 : i32
        %dma_wait3A_390 = tpu.memref_slice %arg6[%dma_wait3A_388, %dma_wait3A_389] : memref<10240x128xf32, #tpu.memory_space<vmem_shared>> -> memref<10240x128xf32, #tpu.memory_space<vmem_shared>>
        tpu.wait_indirect_dma semaphore(%run_scoped3A_378 : memref<!tpu.dma_semaphore, #tpu.memory_space<semaphore_mem>>) src(%arg10 : memref<128x128xf32, #tpu.memory_space<vmem>>) dst(%dma_wait3A_390 : memref<10240x128xf32, #tpu.memory_space<vmem_shared>>)
        tpu.yield
      }) : () -> ()
      %scan3A_377 = arith.constant 0 : i32
      scf.yield %scan3A_377 : i32
    }
    %scan3A_34 = arith.constant 10 : i32
    %barrier3A_35 = arith.constant 0 : index
    tpu.barrier barrier_id(%barrier3A_35)
    %mul3A_36 = arith.constant 640 : i32
    %mul3A_37 = arith.muli %arg1, %mul3A_36 : i32
    %mul3A_38 = arith.constant 640 : i32
    %mul3A_39 = arith.muli %arg1, %mul3A_38 : i32
    "tpu.region"() ({
      %run_scoped3A = tpu.sem_alloc : memref<!tpu.dma_semaphore, #tpu.memory_space<semaphore_mem>>
      %dma_start3A = arith.constant 0 : i32
      %dma_start3A_40 = tpu.memref_slice %arg5[%arg0, %mul3A_39, %dma_start3A] : memref<2x10240x128xf32, #tpu.memory_space<hbm>> -> memref<1x640x128xf32, #tpu.memory_space<hbm>>
      %dma_start3A_41 = tpu.memref_squeeze %dma_start3A_40 : memref<1x640x128xf32, #tpu.memory_space<hbm>> -> memref<640x128xf32, #tpu.memory_space<hbm>>
      %dma_start3A_42 = arith.constant 0 : i32
      %dma_start3A_43 = tpu.memref_slice %arg6[%mul3A_37, %dma_start3A_42] : memref<10240x128xf32, #tpu.memory_space<vmem_shared>> -> memref<640x128xf32, #tpu.memory_space<vmem_shared>>
      tpu.enqueue_dma source(%dma_start3A_43 : memref<640x128xf32, #tpu.memory_space<vmem_shared>>) target(%dma_start3A_41 : memref<640x128xf32, #tpu.memory_space<hbm>>) target_semaphore(%run_scoped3A : memref<!tpu.dma_semaphore, #tpu.memory_space<semaphore_mem>>)
      %dma_wait3A = arith.constant 0 : i32
      %dma_wait3A_44 = tpu.memref_slice %arg5[%arg0, %mul3A_39, %dma_wait3A] : memref<2x10240x128xf32, #tpu.memory_space<hbm>> -> memref<1x640x128xf32, #tpu.memory_space<hbm>>
      %dma_wait3A_45 = tpu.memref_squeeze %dma_wait3A_44 : memref<1x640x128xf32, #tpu.memory_space<hbm>> -> memref<640x128xf32, #tpu.memory_space<hbm>>
      %dma_wait3A_46 = arith.constant 0 : i32
      %dma_wait3A_47 = tpu.memref_slice %arg6[%mul3A_37, %dma_wait3A_46] : memref<10240x128xf32, #tpu.memory_space<vmem_shared>> -> memref<640x128xf32, #tpu.memory_space<vmem_shared>>
      tpu.wait_dma2 semaphore(%run_scoped3A : memref<!tpu.dma_semaphore, #tpu.memory_space<semaphore_mem>>) src(%dma_wait3A_47 : memref<640x128xf32, #tpu.memory_space<vmem_shared>>) dst(%dma_wait3A_45 : memref<640x128xf32, #tpu.memory_space<hbm>>)
      tpu.yield
    }) : () -> ()
    return
  }
}

module attributes {stable_mosaic.version = 14 : i64} {
  func.func @_layer_body(%arg0: i32, %arg1: memref<2x512x128xf32, #tpu.memory_space<vmem>>, %arg2: memref<2x512x128xf32, #tpu.memory_space<vmem>>, %arg3: memref<512x128xf32, #tpu.memory_space<vmem>>, %arg4: memref<128x128xf32, #tpu.memory_space<vmem>>, %arg5: memref<128x128xf32, #tpu.memory_space<vmem>>, %arg6: memref<1x128xf32, #tpu.memory_space<vmem>>, %arg7: memref<512x128xf32, #tpu.memory_space<vmem>>) attributes {dimension_semantics = [#tpu.dimension_semantics<arbitrary>], iteration_bounds = array<i64: 20>, scalar_prefetch = 0 : i64, scratch_operands = 0 : i64, tpu.core_type = #tpu.core_type<tc>, window_params = [{transform_indices = @transform_0, window_bounds = array<i64: 2, 512, 128>}, {transform_indices = @transform_1, window_bounds = array<i64: 2, 512, 128>}, {transform_indices = @transform_2, window_bounds = array<i64: 512, 128>}, {pipeline_mode = #tpu.pipeline_mode<synchronous>, transform_indices = @transform_3, window_bounds = array<i64: 128, 128>}, {pipeline_mode = #tpu.pipeline_mode<synchronous>, transform_indices = @transform_4, window_bounds = array<i64: 128, 128>}, {pipeline_mode = #tpu.pipeline_mode<synchronous>, transform_indices = @transform_5, window_bounds = array<i64: 1, 128>}, {transform_indices = @transform_6, window_bounds = array<i64: 512, 128>}]} {
    %get3A = arith.constant 0 : index
    %get3A_0 = arith.constant 0 : index
    %get3A_1 = arith.constant 0 : index
    %get3A_2 = vector.load %arg1[%get3A, %get3A_0, %get3A_1] : memref<2x512x128xf32, #tpu.memory_space<vmem>>, vector<1x512x128xf32>
    %get3A_3 = vector.shape_cast %get3A_2 : vector<1x512x128xf32> to vector<512x128xf32>
    %get3A_4 = arith.constant 1 : index
    %get3A_5 = arith.constant 0 : index
    %get3A_6 = arith.constant 0 : index
    %get3A_7 = vector.load %arg1[%get3A_4, %get3A_5, %get3A_6] : memref<2x512x128xf32, #tpu.memory_space<vmem>>, vector<1x512x128xf32>
    %get3A_8 = vector.shape_cast %get3A_7 : vector<1x512x128xf32> to vector<512x128xf32>
    %add3A = arith.addf %get3A_3, %get3A_8 : vector<512x128xf32>
    %get3A_9 = arith.constant 0 : index
    %get3A_10 = arith.constant 0 : index
    %get3A_11 = arith.constant 0 : index
    %get3A_12 = vector.load %arg2[%get3A_9, %get3A_10, %get3A_11] : memref<2x512x128xf32, #tpu.memory_space<vmem>>, vector<1x512x128xf32>
    %get3A_13 = vector.shape_cast %get3A_12 : vector<1x512x128xf32> to vector<512x128xf32>
    %slice3A = vector.extract_strided_slice %get3A_13 {offsets = [0, 0], sizes = [512, 1], strides = [1, 1]} : vector<512x128xf32> to vector<512x1xf32>
    %get3A_14 = arith.constant 1 : index
    %get3A_15 = arith.constant 0 : index
    %get3A_16 = arith.constant 0 : index
    %get3A_17 = vector.load %arg2[%get3A_14, %get3A_15, %get3A_16] : memref<2x512x128xf32, #tpu.memory_space<vmem>>, vector<1x512x128xf32>
    %get3A_18 = vector.shape_cast %get3A_17 : vector<1x512x128xf32> to vector<512x128xf32>
    %slice3A_19 = vector.extract_strided_slice %get3A_18 {offsets = [0, 0], sizes = [512, 1], strides = [1, 1]} : vector<512x128xf32> to vector<512x1xf32>
    %add3A_20 = arith.addf %slice3A, %slice3A_19 : vector<512x1xf32>
    %max3A = arith.constant 1.000000e+00 : f32
    %max3A_21 = vector.broadcast %max3A : f32 to vector<512x1xf32>
    %max3A_22 = arith.maximumf %add3A_20, %max3A_21 : vector<512x1xf32>
    %div3A = vector.broadcast %max3A_22 : vector<512x1xf32> to vector<512x128xf32>
    %div3A_23 = arith.divf %add3A, %div3A : vector<512x128xf32>
    %get3A_24 = arith.constant 0 : index
    %get3A_25 = arith.constant 0 : index
    %get3A_26 = vector.load %arg4[%get3A_24, %get3A_25] : memref<128x128xf32, #tpu.memory_space<vmem>>, vector<128x128xf32>
    %dot_general3A = arith.constant dense<0.000000e+00> : vector<512x128xf32>
    %dot_general3A_27 = tpu.matmul %div3A_23, %get3A_26, %dot_general3A {dimension_numbers = #tpu.dot_dimension_numbers<[1], [0], [0], [1], [0, 0, 1, 1], [], []>, transpose_lhs_hint = false} : vector<512x128xf32>, vector<128x128xf32>, vector<512x128xf32> -> vector<512x128xf32>
    %get3A_28 = arith.constant 0 : index
    %get3A_29 = arith.constant 0 : index
    %get3A_30 = vector.load %arg3[%get3A_28, %get3A_29] : memref<512x128xf32, #tpu.memory_space<vmem>>, vector<512x128xf32>
    %get3A_31 = arith.constant 0 : index
    %get3A_32 = arith.constant 0 : index
    %get3A_33 = vector.load %arg5[%get3A_31, %get3A_32] : memref<128x128xf32, #tpu.memory_space<vmem>>, vector<128x128xf32>
    %dot_general3A_34 = arith.constant dense<0.000000e+00> : vector<512x128xf32>
    %dot_general3A_35 = tpu.matmul %get3A_30, %get3A_33, %dot_general3A_34 {dimension_numbers = #tpu.dot_dimension_numbers<[1], [0], [0], [1], [0, 0, 1, 1], [], []>, transpose_lhs_hint = false} : vector<512x128xf32>, vector<128x128xf32>, vector<512x128xf32> -> vector<512x128xf32>
    %add3A_36 = arith.addf %dot_general3A_27, %dot_general3A_35 : vector<512x128xf32>
    %get3A_37 = arith.constant 0 : index
    %get3A_38 = arith.constant 0 : index
    %get3A_39 = vector.load %arg6[%get3A_37, %get3A_38] : memref<1x128xf32, #tpu.memory_space<vmem>>, vector<1x128xf32>
    %add3A_40 = vector.broadcast %get3A_39 : vector<1x128xf32> to vector<512x128xf32>
    %add3A_41 = arith.addf %add3A_36, %add3A_40 : vector<512x128xf32>
    %max3A_42 = arith.constant 0.000000e+00 : f32
    %max3A_43 = vector.broadcast %max3A_42 : f32 to vector<512x128xf32>
    %max3A_44 = arith.maximumf %add3A_41, %max3A_43 : vector<512x128xf32>
    %mul3A = arith.constant 512 : i32
    %mul3A_45 = arith.muli %arg0, %mul3A : i32
    %iota3A = tpu.iota {dimensions = array<i32: 0>} : vector<512x128xi32>
    %add3A_46 = vector.broadcast %mul3A_45 : i32 to vector<512x128xi32>
    %add3A_47 = arith.addi %add3A_46, %iota3A : vector<512x128xi32>
    %lt3A = arith.constant 10000 : i32
    %lt3A_48 = vector.broadcast %lt3A : i32 to vector<512x128xi32>
    %lt3A_49 = arith.cmpi slt, %add3A_47, %lt3A_48 : vector<512x128xi32>
    %jit3A = arith.constant 0.000000e+00 : f32
    %broadcast_in_dim3A = vector.broadcast %jit3A : f32 to vector<512x128xf32>
    %select_n3A = arith.select %lt3A_49, %max3A_44, %broadcast_in_dim3A : vector<512x128xi1>, vector<512x128xf32>
    %swap3A = arith.constant 0 : index
    %swap3A_50 = arith.constant 0 : index
    %swap3A_51 = vector.load %arg7[%swap3A, %swap3A_50] : memref<512x128xf32, #tpu.memory_space<vmem>>, vector<512x128xf32>
    tpu.vector_store %arg7[%swap3A, %swap3A_50], %select_n3A {strides = array<i32>} : memref<512x128xf32, #tpu.memory_space<vmem>>, vector<512x128xf32>,
    return
  }
  func.func @transform_0(%arg0: i32) -> (i32, i32, i32) {
    %c0_i32 = arith.constant 0 : i32
    %c0_i32_0 = arith.constant 0 : i32
    %c0_i32_1 = arith.constant 0 : i32
    return %c0_i32, %arg0, %c0_i32_0 : i32, i32, i32
  }
  func.func @transform_1(%arg0: i32) -> (i32, i32, i32) {
    %c0_i32 = arith.constant 0 : i32
    %c0_i32_0 = arith.constant 0 : i32
    %c0_i32_1 = arith.constant 0 : i32
    return %c0_i32, %arg0, %c0_i32_0 : i32, i32, i32
  }
  func.func @transform_2(%arg0: i32) -> (i32, i32) {
    %c0_i32 = arith.constant 0 : i32
    %c0_i32_0 = arith.constant 0 : i32
    return %arg0, %c0_i32 : i32, i32
  }
  func.func @transform_3(%arg0: i32) -> (i32, i32) {
    %c0_i32 = arith.constant 0 : i32
    %c0_i32_0 = arith.constant 0 : i32
    %c0_i32_1 = arith.constant 0 : i32
    return %c0_i32, %c0_i32_0 : i32, i32
  }
  func.func @transform_4(%arg0: i32) -> (i32, i32) {
    %c0_i32 = arith.constant 0 : i32
    %c0_i32_0 = arith.constant 0 : i32
    %c0_i32_1 = arith.constant 0 : i32
    return %c0_i32, %c0_i32_0 : i32, i32
  }
  func.func @transform_5(%arg0: i32) -> (i32, i32) {
    %c0_i32 = arith.constant 0 : i32
    %c0_i32_0 = arith.constant 0 : i32
    %c0_i32_1 = arith.constant 0 : i32
    return %c0_i32, %c0_i32_0 : i32, i32
  }
  func.func @transform_6(%arg0: i32) -> (i32, i32) {
    %c0_i32 = arith.constant 0 : i32
    %c0_i32_0 = arith.constant 0 : i32
    return %arg0, %c0_i32 : i32, i32
  }
}

module attributes {stable_mosaic.version = 14 : i64} {
  func.func @_layer3_body(%arg0: i32, %arg1: memref<2x512x128xf32, #tpu.memory_space<vmem>>, %arg2: memref<2x512x128xf32, #tpu.memory_space<vmem>>, %arg3: memref<512x128xf32, #tpu.memory_space<vmem>>, %arg4: memref<128x128xf32, #tpu.memory_space<vmem>>, %arg5: memref<128x128xf32, #tpu.memory_space<vmem>>, %arg6: memref<1x128xf32, #tpu.memory_space<vmem>>, %arg7: memref<1x1x512xi32, #tpu.memory_space<vmem>>, %arg8: memref<512x128xf32, #tpu.memory_space<vmem>>, %arg9: memref<512x128xf32, #tpu.memory_space<vmem>>) attributes {dimension_semantics = [#tpu.dimension_semantics<arbitrary>], iteration_bounds = array<i64: 20>, scalar_prefetch = 0 : i64, scratch_operands = 0 : i64, tpu.core_type = #tpu.core_type<tc>, window_params = [{transform_indices = @transform_0, window_bounds = array<i64: 2, 512, 128>}, {transform_indices = @transform_1, window_bounds = array<i64: 2, 512, 128>}, {transform_indices = @transform_2, window_bounds = array<i64: 512, 128>}, {pipeline_mode = #tpu.pipeline_mode<synchronous>, transform_indices = @transform_3, window_bounds = array<i64: 128, 128>}, {pipeline_mode = #tpu.pipeline_mode<synchronous>, transform_indices = @transform_4, window_bounds = array<i64: 128, 128>}, {pipeline_mode = #tpu.pipeline_mode<synchronous>, transform_indices = @transform_5, window_bounds = array<i64: 1, 128>}, {transform_indices = @transform_6, window_bounds = array<i64: 1, 1, 512>}, {pipeline_mode = #tpu.pipeline_mode<synchronous>, transform_indices = @transform_7, window_bounds = array<i64: 512, 128>}, {pipeline_mode = #tpu.pipeline_mode<synchronous>, transform_indices = @transform_8, window_bounds = array<i64: 512, 128>}]} {
    %get3A = arith.constant 0 : index
    %get3A_0 = arith.constant 0 : index
    %get3A_1 = arith.constant 0 : index
    %get3A_2 = vector.load %arg1[%get3A, %get3A_0, %get3A_1] : memref<2x512x128xf32, #tpu.memory_space<vmem>>, vector<1x512x128xf32>
    %get3A_3 = vector.shape_cast %get3A_2 : vector<1x512x128xf32> to vector<512x128xf32>
    %get3A_4 = arith.constant 1 : index
    %get3A_5 = arith.constant 0 : index
    %get3A_6 = arith.constant 0 : index
    %get3A_7 = vector.load %arg1[%get3A_4, %get3A_5, %get3A_6] : memref<2x512x128xf32, #tpu.memory_space<vmem>>, vector<1x512x128xf32>
    %get3A_8 = vector.shape_cast %get3A_7 : vector<1x512x128xf32> to vector<512x128xf32>
    %add3A = arith.addf %get3A_3, %get3A_8 : vector<512x128xf32>
    %get3A_9 = arith.constant 0 : index
    %get3A_10 = arith.constant 0 : index
    %get3A_11 = arith.constant 0 : index
    %get3A_12 = vector.load %arg2[%get3A_9, %get3A_10, %get3A_11] : memref<2x512x128xf32, #tpu.memory_space<vmem>>, vector<1x512x128xf32>
    %get3A_13 = vector.shape_cast %get3A_12 : vector<1x512x128xf32> to vector<512x128xf32>
    %slice3A = vector.extract_strided_slice %get3A_13 {offsets = [0, 0], sizes = [512, 1], strides = [1, 1]} : vector<512x128xf32> to vector<512x1xf32>
    %get3A_14 = arith.constant 1 : index
    %get3A_15 = arith.constant 0 : index
    %get3A_16 = arith.constant 0 : index
    %get3A_17 = vector.load %arg2[%get3A_14, %get3A_15, %get3A_16] : memref<2x512x128xf32, #tpu.memory_space<vmem>>, vector<1x512x128xf32>
    %get3A_18 = vector.shape_cast %get3A_17 : vector<1x512x128xf32> to vector<512x128xf32>
    %slice3A_19 = vector.extract_strided_slice %get3A_18 {offsets = [0, 0], sizes = [512, 1], strides = [1, 1]} : vector<512x128xf32> to vector<512x1xf32>
    %add3A_20 = arith.addf %slice3A, %slice3A_19 : vector<512x1xf32>
    %max3A = arith.constant 1.000000e+00 : f32
    %max3A_21 = vector.broadcast %max3A : f32 to vector<512x1xf32>
    %max3A_22 = arith.maximumf %add3A_20, %max3A_21 : vector<512x1xf32>
    %div3A = vector.broadcast %max3A_22 : vector<512x1xf32> to vector<512x128xf32>
    %div3A_23 = arith.divf %add3A, %div3A : vector<512x128xf32>
    %get3A_24 = arith.constant 0 : index
    %get3A_25 = arith.constant 0 : index
    %get3A_26 = vector.load %arg4[%get3A_24, %get3A_25] : memref<128x128xf32, #tpu.memory_space<vmem>>, vector<128x128xf32>
    %dot_general3A = arith.constant dense<0.000000e+00> : vector<512x128xf32>
    %dot_general3A_27 = tpu.matmul %div3A_23, %get3A_26, %dot_general3A {dimension_numbers = #tpu.dot_dimension_numbers<[1], [0], [0], [1], [0, 0, 1, 1], [], []>, transpose_lhs_hint = false} : vector<512x128xf32>, vector<128x128xf32>, vector<512x128xf32> -> vector<512x128xf32>
    %get3A_28 = arith.constant 0 : index
    %get3A_29 = arith.constant 0 : index
    %get3A_30 = vector.load %arg3[%get3A_28, %get3A_29] : memref<512x128xf32, #tpu.memory_space<vmem>>, vector<512x128xf32>
    %get3A_31 = arith.constant 0 : index
    %get3A_32 = arith.constant 0 : index
    %get3A_33 = vector.load %arg5[%get3A_31, %get3A_32] : memref<128x128xf32, #tpu.memory_space<vmem>>, vector<128x128xf32>
    %dot_general3A_34 = arith.constant dense<0.000000e+00> : vector<512x128xf32>
    %dot_general3A_35 = tpu.matmul %get3A_30, %get3A_33, %dot_general3A_34 {dimension_numbers = #tpu.dot_dimension_numbers<[1], [0], [0], [1], [0, 0, 1, 1], [], []>, transpose_lhs_hint = false} : vector<512x128xf32>, vector<128x128xf32>, vector<512x128xf32> -> vector<512x128xf32>
    %add3A_36 = arith.addf %dot_general3A_27, %dot_general3A_35 : vector<512x128xf32>
    %get3A_37 = arith.constant 0 : index
    %get3A_38 = arith.constant 0 : index
    %get3A_39 = vector.load %arg6[%get3A_37, %get3A_38] : memref<1x128xf32, #tpu.memory_space<vmem>>, vector<1x128xf32>
    %add3A_40 = vector.broadcast %get3A_39 : vector<1x128xf32> to vector<512x128xf32>
    %add3A_41 = arith.addf %add3A_36, %add3A_40 : vector<512x128xf32>
    %max3A_42 = arith.constant 0.000000e+00 : f32
    %max3A_43 = vector.broadcast %max3A_42 : f32 to vector<512x128xf32>
    %max3A_44 = arith.maximumf %add3A_41, %max3A_43 : vector<512x128xf32>
    %mul3A = arith.constant 512 : i32
    %mul3A_45 = arith.muli %arg0, %mul3A : i32
    %iota3A = tpu.iota {dimensions = array<i32: 0>} : vector<512x128xi32>
    %add3A_46 = vector.broadcast %mul3A_45 : i32 to vector<512x128xi32>
    %add3A_47 = arith.addi %add3A_46, %iota3A : vector<512x128xi32>
    %lt3A = arith.constant 10000 : i32
    %lt3A_48 = vector.broadcast %lt3A : i32 to vector<512x128xi32>
    %lt3A_49 = arith.cmpi slt, %add3A_47, %lt3A_48 : vector<512x128xi32>
    %jit3A = arith.constant 0.000000e+00 : f32
    %broadcast_in_dim3A = vector.broadcast %jit3A : f32 to vector<512x128xf32>
    %select_n3A = arith.select %lt3A_49, %max3A_44, %broadcast_in_dim3A : vector<512x128xi1>, vector<512x128xf32>
    %get3A_50 = arith.constant 0 : index
    %get3A_51 = arith.constant 0 : index
    %get3A_52 = arith.constant 0 : index
    %get3A_53 = vector.load %arg7[%get3A_50, %get3A_51, %get3A_52] : memref<1x1x512xi32, #tpu.memory_space<vmem>>, vector<1x1x512xi32>
    %get3A_54 = vector.shape_cast %get3A_53 : vector<1x1x512xi32> to vector<1x512xi32>
    %iota3A_55 = tpu.iota {dimensions = array<i32: 0>} : vector<512x512xi32>
    %eq3A = vector.broadcast %get3A_54 : vector<1x512xi32> to vector<512x512xi32>
    %eq3A_56 = arith.cmpi eq, %iota3A_55, %eq3A : vector<512x512xi32>
    %convert_element_type3A = arith.extui %eq3A_56 : vector<512x512xi1> to vector<512x512xi32>
    %convert_element_type3A_57 = arith.sitofp %convert_element_type3A : vector<512x512xi32> to vector<512x512xf32>
    %dot_general3A_58 = arith.constant dense<0.000000e+00> : vector<512x128xf32>
    %dot_general3A_59 = tpu.matmul %convert_element_type3A_57, %select_n3A, %dot_general3A_58 {dimension_numbers = #tpu.dot_dimension_numbers<[1], [0], [0], [1], [0, 0, 1, 1], [], []>, precision = #tpu.contract_precision<fp32>, transpose_lhs_hint = false} : vector<512x512xf32>, vector<512x128xf32>, vector<512x128xf32> -> vector<512x128xf32>
    %broadcast_in_dim3A_60 = arith.constant 1.000000e+00 : f32
    %broadcast_in_dim3A_61 = vector.broadcast %broadcast_in_dim3A_60 : f32 to vector<512x128xf32>
    %dot_general3A_62 = arith.constant dense<0.000000e+00> : vector<512x128xf32>
    %dot_general3A_63 = tpu.matmul %convert_element_type3A_57, %broadcast_in_dim3A_61, %dot_general3A_62 {dimension_numbers = #tpu.dot_dimension_numbers<[1], [0], [0], [1], [0, 0, 1, 1], [], []>, precision = #tpu.contract_precision<fp32>, transpose_lhs_hint = false} : vector<512x512xf32>, vector<512x128xf32>, vector<512x128xf32> -> vector<512x128xf32>
    %eq3A_64 = arith.constant 0 : i32
    %eq3A_65 = arith.cmpi eq, %arg0, %eq3A_64 : i32
    %convert_element_type3A_66 = arith.extui %eq3A_65 : i1 to i32
    %cond3A = arith.constant 0 : i32
    %cond3A_67 = arith.cmpi ne, %convert_element_type3A_66, %cond3A : i32
    scf.if %cond3A_67 {
      %swap3A = arith.constant 0 : index
      %swap3A_72 = arith.constant 0 : index
      %swap3A_73 = vector.load %arg8[%swap3A, %swap3A_72] : memref<512x128xf32, #tpu.memory_space<vmem>>, vector<512x128xf32>
      tpu.vector_store %arg8[%swap3A, %swap3A_72], %dot_general3A_59 {strides = array<i32>} : memref<512x128xf32, #tpu.memory_space<vmem>>, vector<512x128xf32>,
      %swap3A_74 = arith.constant 0 : index
      %swap3A_75 = arith.constant 0 : index
      %swap3A_76 = vector.load %arg9[%swap3A_74, %swap3A_75] : memref<512x128xf32, #tpu.memory_space<vmem>>, vector<512x128xf32>
      tpu.vector_store %arg9[%swap3A_74, %swap3A_75], %dot_general3A_63 {strides = array<i32>} : memref<512x128xf32, #tpu.memory_space<vmem>>, vector<512x128xf32>,
    } else {
    }
    %ne3A = arith.constant 0 : i32
    %ne3A_68 = arith.cmpi ne, %arg0, %ne3A : i32
    %convert_element_type3A_69 = arith.extui %ne3A_68 : i1 to i32
    %cond3A_70 = arith.constant 0 : i32
    %cond3A_71 = arith.cmpi ne, %convert_element_type3A_69, %cond3A_70 : i32
    scf.if %cond3A_71 {
      %get3A_72 = arith.constant 0 : index
      %get3A_73 = arith.constant 0 : index
      %get3A_74 = vector.load %arg8[%get3A_72, %get3A_73] : memref<512x128xf32, #tpu.memory_space<vmem>>, vector<512x128xf32>
      %add3A_75 = arith.addf %get3A_74, %dot_general3A_59 : vector<512x128xf32>
      %swap3A = arith.constant 0 : index
      %swap3A_76 = arith.constant 0 : index
      %swap3A_77 = vector.load %arg8[%swap3A, %swap3A_76] : memref<512x128xf32, #tpu.memory_space<vmem>>, vector<512x128xf32>
      tpu.vector_store %arg8[%swap3A, %swap3A_76], %add3A_75 {strides = array<i32>} : memref<512x128xf32, #tpu.memory_space<vmem>>, vector<512x128xf32>,
      %get3A_78 = arith.constant 0 : index
      %get3A_79 = arith.constant 0 : index
      %get3A_80 = vector.load %arg9[%get3A_78, %get3A_79] : memref<512x128xf32, #tpu.memory_space<vmem>>, vector<512x128xf32>
      %add3A_81 = arith.addf %get3A_80, %dot_general3A_63 : vector<512x128xf32>
      %swap3A_82 = arith.constant 0 : index
      %swap3A_83 = arith.constant 0 : index
      %swap3A_84 = vector.load %arg9[%swap3A_82, %swap3A_83] : memref<512x128xf32, #tpu.memory_space<vmem>>, vector<512x128xf32>
      tpu.vector_store %arg9[%swap3A_82, %swap3A_83], %add3A_81 {strides = array<i32>} : memref<512x128xf32, #tpu.memory_space<vmem>>, vector<512x128xf32>,
    } else {
    }
    return
  }
  func.func @transform_0(%arg0: i32) -> (i32, i32, i32) {
    %c0_i32 = arith.constant 0 : i32
    %c0_i32_0 = arith.constant 0 : i32
    %c0_i32_1 = arith.constant 0 : i32
    return %c0_i32, %arg0, %c0_i32_0 : i32, i32, i32
  }
  func.func @transform_1(%arg0: i32) -> (i32, i32, i32) {
    %c0_i32 = arith.constant 0 : i32
    %c0_i32_0 = arith.constant 0 : i32
    %c0_i32_1 = arith.constant 0 : i32
    return %c0_i32, %arg0, %c0_i32_0 : i32, i32, i32
  }
  func.func @transform_2(%arg0: i32) -> (i32, i32) {
    %c0_i32 = arith.constant 0 : i32
    %c0_i32_0 = arith.constant 0 : i32
    return %arg0, %c0_i32 : i32, i32
  }
  func.func @transform_3(%arg0: i32) -> (i32, i32) {
    %c0_i32 = arith.constant 0 : i32
    %c0_i32_0 = arith.constant 0 : i32
    %c0_i32_1 = arith.constant 0 : i32
    return %c0_i32, %c0_i32_0 : i32, i32
  }
  func.func @transform_4(%arg0: i32) -> (i32, i32) {
    %c0_i32 = arith.constant 0 : i32
    %c0_i32_0 = arith.constant 0 : i32
    %c0_i32_1 = arith.constant 0 : i32
    return %c0_i32, %c0_i32_0 : i32, i32
  }
  func.func @transform_5(%arg0: i32) -> (i32, i32) {
    %c0_i32 = arith.constant 0 : i32
    %c0_i32_0 = arith.constant 0 : i32
    %c0_i32_1 = arith.constant 0 : i32
    return %c0_i32, %c0_i32_0 : i32, i32
  }
  func.func @transform_6(%arg0: i32) -> (i32, i32, i32) {
    %c0_i32 = arith.constant 0 : i32
    %c0_i32_0 = arith.constant 0 : i32
    %c0_i32_1 = arith.constant 0 : i32
    return %arg0, %c0_i32, %c0_i32_0 : i32, i32, i32
  }
  func.func @transform_7(%arg0: i32) -> (i32, i32) {
    %c0_i32 = arith.constant 0 : i32
    %c0_i32_0 = arith.constant 0 : i32
    %c0_i32_1 = arith.constant 0 : i32
    return %c0_i32, %c0_i32_0 : i32, i32
  }
  func.func @transform_8(%arg0: i32) -> (i32, i32) {
    %c0_i32 = arith.constant 0 : i32
    %c0_i32_0 = arith.constant 0 : i32
    %c0_i32_1 = arith.constant 0 : i32
    return %c0_i32, %c0_i32_0 : i32, i32
  }
}

module attributes {stable_mosaic.version = 14 : i64} {
  func.func @_head_body(%arg0: memref<512x128xf32, #tpu.memory_space<vmem>>, %arg1: memref<512x128xf32, #tpu.memory_space<vmem>>, %arg2: memref<512x128xf32, #tpu.memory_space<vmem>>, %arg3: memref<128x128xf32, #tpu.memory_space<vmem>>, %arg4: memref<1x128xf32, #tpu.memory_space<vmem>>, %arg5: memref<512x128xf32, #tpu.memory_space<vmem>>) attributes {dimension_semantics = [], scalar_prefetch = 0 : i64, scratch_operands = 0 : i64, tpu.core_type = #tpu.core_type<tc>} {
    %get3A = arith.constant 0 : index
    %get3A_0 = arith.constant 0 : index
    %get3A_1 = vector.load %arg0[%get3A, %get3A_0] : memref<512x128xf32, #tpu.memory_space<vmem>>, vector<512x128xf32>
    %get3A_2 = arith.constant 0 : index
    %get3A_3 = arith.constant 0 : index
    %get3A_4 = vector.load %arg1[%get3A_2, %get3A_3] : memref<512x128xf32, #tpu.memory_space<vmem>>, vector<512x128xf32>
    %max3A = arith.constant 1.000000e+00 : f32
    %max3A_5 = vector.broadcast %max3A : f32 to vector<512x128xf32>
    %max3A_6 = arith.maximumf %get3A_4, %max3A_5 : vector<512x128xf32>
    %div3A = arith.divf %get3A_1, %max3A_6 : vector<512x128xf32>
    %get3A_7 = arith.constant 0 : index
    %get3A_8 = arith.constant 0 : index
    %get3A_9 = vector.load %arg2[%get3A_7, %get3A_8] : memref<512x128xf32, #tpu.memory_space<vmem>>, vector<512x128xf32>
    %get3A_10 = arith.constant 0 : index
    %get3A_11 = arith.constant 0 : index
    %get3A_12 = vector.load %arg2[%get3A_10, %get3A_11] : memref<512x128xf32, #tpu.memory_space<vmem>>, vector<512x128xf32>
    %div3A_13 = arith.divf %get3A_9, %get3A_12 : vector<512x128xf32>
    %mul3A = arith.mulf %div3A, %div3A_13 : vector<512x128xf32>
    %get3A_14 = arith.constant 0 : index
    %get3A_15 = arith.constant 0 : index
    %get3A_16 = vector.load %arg3[%get3A_14, %get3A_15] : memref<128x128xf32, #tpu.memory_space<vmem>>, vector<128x128xf32>
    %dot_general3A = arith.constant dense<0.000000e+00> : vector<512x128xf32>
    %dot_general3A_17 = tpu.matmul %mul3A, %get3A_16, %dot_general3A {dimension_numbers = #tpu.dot_dimension_numbers<[1], [0], [0], [1], [0, 0, 1, 1], [], []>, transpose_lhs_hint = false} : vector<512x128xf32>, vector<128x128xf32>, vector<512x128xf32> -> vector<512x128xf32>
    %get3A_18 = arith.constant 0 : index
    %get3A_19 = arith.constant 0 : index
    %get3A_20 = vector.load %arg4[%get3A_18, %get3A_19] : memref<1x128xf32, #tpu.memory_space<vmem>>, vector<1x128xf32>
    %add3A = vector.broadcast %get3A_20 : vector<1x128xf32> to vector<512x128xf32>
    %add3A_21 = arith.addf %dot_general3A_17, %add3A : vector<512x128xf32>
    %swap3A = arith.constant 0 : index
    %swap3A_22 = arith.constant 0 : index
    %swap3A_23 = vector.load %arg5[%swap3A, %swap3A_22] : memref<512x128xf32, #tpu.memory_space<vmem>>, vector<512x128xf32>
    tpu.vector_store %arg5[%swap3A, %swap3A_22], %add3A_21 {strides = array<i32>} : memref<512x128xf32, #tpu.memory_space<vmem>>, vector<512x128xf32>,
    return
  }
}

</mosaic_0001>

<sc_bundles>
// kernel: kernel.10.cloned.1.call-start
scs
__scs_entry_jumppad:
0x0: {  	(pc) =	sbr.rel $0x88, $3  }
0x1: {  	(tag) =	ssettag $0x0;
	lr =	simm.s32 $0x1  }
0x2: {  	[smem:$0x3F95] =	sst lr;
	_ =	strace $0xD0000000  }
0x3: {  	_ = 	snop  }
0x4: {  	_ = 	snop  }
0x5: {  	_ = 	snop  }
0x6: {  	_ = 	snop  }
0x7: {  	_ = 	snop  }
__scs_overlays_trampoline_lowered:
0x8: {  	[smem:$0x3FA4] =	sst s0  }
0x9: {  	[smem:$0x3FA5] =	sst s1  }
0xa: {  	[smem:$0x3FA6] =	sst s2  }
0xb: {  	[smem:$0x3FA7] =	sst s3  }
0xc: {  	[smem:$0x3FA8] =	sst s4  }
0xd: {  	[smem:$0x3FA9] =	sst s5  }
0xe: {  	[smem:$0x3FAA] =	sst s6  }
0xf: {  	[smem:$0x3FAB] =	sst s7  }
0x10: {  	[smem:$0x3FAC] =	sst s8  }
0x11: {  	[smem:$0x3FAD] =	sst s9;
	s0 =	simm.s32 @!p0 $0x0  }
0x12: {  	s1 =	sld [smem:$0x3F93];
	s0 =	simm.s32 @p0 $0x1  }
0x13: {  	[smem:$0x3FAE] =	sst s0;
	s0 =	simm.s32 @!p1 $0x0  }
0x14: {  	s2 =	sld [smem:$0x3F92];
	s0 =	simm.s32 @p1 $0x1  }
0x15: {  	[smem:$0x3FAF] =	sst s0;
	s0 =	simm.s32 @!p2 $0x0  }
0x16: {  	s3 =	sld [smem:$0x3FDB];
	s0 =	simm.s32 @p2 $0x1  }
0x17: {  	s4 =	simm.s32 $0x1BF5;
	[smem:$0x3FB1] =	sst s0  }
0x18: {  	s0 =	sld [smem:$0x3F94];
	_ =	swait.ge [sflag:s4], $0x0  }
0x19: {  	s7 =	sld [smem:$0x3F95]  }
0x1a: {  	s8 =	sadd.s32 $0xFFFFE003, lr  }
0x1b: {  	s9 =	sadd.s32 $0xFFFFFEF7, lr;
	s5 =	simm.s32 $0xFFFFFFFF;
	p2 =	slt.u32 s8, $0xFFFFF086  }
0x1c: {  	p1 =	slt.u32 s9, $0xF7A;
	s5 =	simm.s32 @!p2 $0x0  }
0x1d: {  	s5 =	simm.s32 @p1 $0x1;
	p0 =	seq.s32 s7, s2  }
0x1e: {  	s7 =	smul.u32 @!p0 $0xF7A, s2;
	p2 =	seq.s32 @!p0 s5, $0x0  }
0x1f: {  	s9 =	smul.u32 $0xF7A, s1;
	s8 =	simm.s32 @!p0 $0x1BF5;
	p2 =	por !p2, p0  }
0x20: {  	[sflag:s8] =	ssyncset.s32 @!p0 $0xFFFFF086;
	s6 =	sadd.s32 @!p0 s3, s7;
	s7 =	simm.s32 @!p0 $0x108  }
0x21: {  	s3 =	sadd.s32 s3, s9;
	s6 =	sadd.s32 @!p0 $0x88, s6;
	s7 =	simm.s32 @p2 $0x1082  }
0x22: {  	[simem:s7], [sflag:s8] =	dma.local @!p0 [hbm:s6], $0xF7A  }
0x23: {  	s9 =	sor.u32 $0xD0000000, s2;
	s6 =	simm.s32 $0x108;
	_ =	swait.ge @!p0 [sflag:s8], $0x0  }
0x24: {  	s3 =	sadd.s32 $0x88, s3;
	s6 =	simm.s32 @!p1 $0x1082;
	[sflag:s4] =	ssyncset.s32 $0xFFFFF086  }
0x25: {  	[simem:s6], [sflag:s4] =	dma.local [hbm:s3], $0xF7A  }
0x26: {  	[smem:$0x3F95] =	sst s1;
	(tag) =	ssettag s2;
	_ =	strace s9  }
0x27: {  	s1 =	sld [smem:$0x3FA5]  }
0x28: {  	s2 =	sld [smem:$0x3FA6]  }
0x29: {  	s4 =	sld [smem:$0x3FA8]  }
0x2a: {  	p0 =	seq.s32 s5, $0x0;
	s5 =	sld [smem:$0x3FA9]  }
0x2b: {  	s6 =	sld [smem:$0x3FAA]  }
0x2c: {  	s7 =	sld [smem:$0x3FAB]  }
0x2d: {  	s3 =	simm.s32 $0x108;
	s8 =	sld [smem:$0x3FAC]  }
0x2e: {  	s3 =	simm.s32 @!p0 $0x1082;
	s9 =	sld [smem:$0x3FAD]  }
0x2f: {  	lr =	sadd.s32 s0, s3;
	s0 =	sld [smem:$0x3FA4]  }
0x30: {  	s3 =	sld [smem:$0x3FA7]  }
0x31: {  	[smem:$0x3FB0] =	sst s10  }
0x32: {  	s10 =	sld [smem:$0x3FAE];
	_ =	sdelay $0x3  }
0x33: {  	p0 =	seq.s32 s10, $0x1;
	s10 =	sld [smem:$0x3FB0];
	_ =	sdelay $0x3  }
0x34: {  	[smem:$0x3FB0] =	sst s10  }
0x35: {  	s10 =	sld [smem:$0x3FAF];
	_ =	sdelay $0x3  }
0x36: {  	p1 =	seq.s32 s10, $0x1;
	s10 =	sld [smem:$0x3FB0];
	_ =	sdelay $0x3  }
0x37: {  	[smem:$0x3FB0] =	sst s10  }
0x38: {  	s10 =	sld [smem:$0x3FB1]  }
0x39: {  	_ = 	snop;
	(pc) =	sbr.ind lr, $3  }
0x3a: {  	_ = 	snop  }
0x3b: {  	_ = 	snop  }
0x3c: {  	p2 =	seq.s32 s10, $0x1;
	s10 =	sld [smem:$0x3FB0]  }
0x3d: {  	_ =	shalt  }
0x3e: {  	_ =	shalt  }
0x3f: {  	_ =	shalt  }
0x40: {  	_ =	shalt  }
0x41: {  	_ =	shalt  }
0x42: {  	_ =	shalt  }
0x43: {  	_ =	shalt  }
0x44: {  	_ =	shalt  }
0x45: {  	_ =	shalt  }
0x46: {  	_ =	shalt  }
0x47: {  	_ =	shalt  }
0x48: {  	_ =	shalt  }
0x49: {  	_ =	shalt  }
0x4a: {  	_ =	shalt  }
0x4b: {  	_ =	shalt  }
0x4c: {  	_ =	shalt  }
0x4d: {  	_ =	shalt  }
0x4e: {  	_ =	shalt  }
0x4f: {  	_ =	shalt  }
0x50: {  	_ =	shalt  }
0x51: {  	_ =	shalt  }
0x52: {  	_ =	shalt  }
0x53: {  	_ =	shalt  }
0x54: {  	_ =	shalt  }
0x55: {  	_ =	shalt  }
0x56: {  	_ =	shalt  }
0x57: {  	_ =	shalt  }
0x58: {  	_ =	shalt  }
0x59: {  	_ =	shalt  }
0x5a: {  	_ =	shalt  }
0x5b: {  	_ =	shalt  }
0x5c: {  	_ =	shalt  }
0x5d: {  	_ =	shalt  }
0x5e: {  	_ =	shalt  }
0x5f: {  	_ =	shalt  }
0x60: {  	_ =	shalt  }
0x61: {  	_ =	shalt  }
0x62: {  	_ =	shalt  }
0x63: {  	_ =	shalt  }
0x64: {  	_ =	shalt  }
0x65: {  	_ =	shalt  }
0x66: {  	_ =	shalt  }
0x67: {  	_ =	shalt  }
0x68: {  	_ =	shalt  }
0x69: {  	_ =	shalt  }
0x6a: {  	_ =	shalt  }
0x6b: {  	_ =	shalt  }
0x6c: {  	_ =	shalt  }
0x6d: {  	_ =	shalt  }
0x6e: {  	_ =	shalt  }
0x6f: {  	_ =	shalt  }
0x70: {  	_ =	shalt  }
0x71: {  	_ =	shalt  }
0x72: {  	_ =	shalt  }
0x73: {  	_ =	shalt  }
0x74: {  	_ =	shalt  }
0x75: {  	_ =	shalt  }
0x76: {  	_ =	shalt  }
0x77: {  	_ =	shalt  }
0x78: {  	_ =	shalt  }
0x79: {  	_ =	shalt  }
0x7a: {  	_ =	shalt  }
0x7b: {  	_ =	shalt  }
0x7c: {  	_ =	shalt  }
0x7d: {  	_ =	shalt  }
0x7e: {  	_ =	shalt  }
0x7f: {  	_ =	shalt  }
0x80: {  	_ =	shalt  }
0x81: {  	_ =	shalt  }
0x82: {  	_ =	shalt  }
0x83: {  	_ =	shalt  }
0x84: {  	_ =	shalt  }
0x85: {  	_ =	shalt  }
0x86: {  	_ =	shalt  }
0x87: {  	_ =	shalt  }
.Lfunc_end0:
.L_simem_size_0:
called_computation_lowered:
.L_overlay_start_0:
0x88: {  	s2 =	sld [smem:$0x3FD9]  }
0x89: {  	s3 =	sld [smem:$0x3FFE];
	_ =	sdelay $0x1  }
0x8a: {  	s1 =	srdreg.scid  }
0x8b: {  	s0 =	sand.u32 $0x1, s1  }
0x8c: {  	s17 =	sshll.u32 s0, $0xA;
	s2 =	sadd.s32 s3, s2  }
0x8d: {  	s2 =	sadd.s32 s2, s17  }
0x8e: {  	[smem:$0x3FBC] =	sst s2  }
0x8f: {  	_ = 	snop  }
0x90: {  	(tm) =	ssettm $0x1  }
0x91: {  	s18 =	sld [smem:$0x3FFB];
	_ =	sdelay $0x3  }
0x92: {  	_ =	strace s18  }
0x93: {  	s2 =	sld [smem:$0x3FFC];
	_ =	sdelay $0x3  }
0x94: {  	_ =	strace s2  }
0x95: {  	s2 =	sld [smem:$0x3FFD];
	_ =	sdelay $0x3  }
0x96: {  	_ =	strace s2  }
0x97: {  	_ =	strace $0x8FFFFFFF  }
0x98: {  	s19 =	sld [smem:$0x3FDB];
	_ =	sdelay $0x1  }
0x99: {  	s20 =	simm.s32 $_scs_section_size  }
0x9a: {  	s4 =	simm.s32 $_size__tile_overlayer_lowered;
	s5 =	simm.s32 $_tile_overlayer_lowered  }
0x9b: {  	s6 =	simm.s32 $0x1BFF;
	s21 =	sshll.u32 s5, $0x1;
	s3 =	sadd.s32 s20, s19  }
0x9c: {  	s22 =	simm.s32 $0x0;
	s4 =	sshll.u32 s4, $0x1;
	s5 =	sadd.s32 s21, s3  }
0x9d: {  	[timem:s22], [sflag:s6] =	dma.local [hbm:s5], s4  }
0x9e: {  	_ =	swait.ge [sflag:s6], s4  }
0x9f: {  	s4 =	ssub.s32 $0x0, s4;
	[sflag:s6] =	ssyncset.done $0x0  }
0xa0: {  	[sflag:s6] =	ssyncadd.s32 s4;
	_ =	sdelay $0x1  }
0xa1: {  	s23 =	simm.s32 $0x1B8B  }
0xa2: {  	_ =	swait.ge [sflag:s23], $0x1  }
0xa3: {  	[sflag:s23] =	ssyncset.done $0x0  }
0xa4: {  	[sflag:s23] =	ssyncadd.s32 $0xFFFFFFFF  }
0xa5: {  	s4 =	sld [smem:$0x0]  }
0xa6: {  	s5 =	sand.u32 $0xFFFFFFFE, s1  }
0xa7: {  	p0 =	sne.s32 s1, s5  }
0xa8: {  	s5 =	sshll.u32 @p0 s5, $0xE  }
0xa9: {  	s5 =	sadd.s32 @p0 $0x11B8D, s5;
	s6 =	sshll.u32 @p0 s4, $0x11  }
0xaa: {  	s5 =	sor.u32 @p0 s6, s5  }
0xab: {  	[sflag:s5] =	ssyncadd.remote.s32 @p0 $0x1;
	_ =	sdelay $0x1  }
0xac: {  	s5 =	simm.s32 @p0 $0x1B8D  }
0xad: {  	_ =	swait.eq @p0 [sflag:s5], $0x1  }
0xae: {  	[sflag:s5] =	ssyncadd.s32 @p0 $0xFFFFFFFF  }
0xaf: {  	s6 =	sshll.u32 @!p0 s1, $0xE  }
0xb0: {  	s6 =	sor.u32 @!p0 $0x4000, s6;
	s5 =	simm.s32 @!p0 $0x1B8D  }
0xb1: {  	s4 =	sshll.u32 @!p0 s4, $0x11;
	s6 =	sadd.s32 @!p0 $0x11B8D, s6;
	_ =	swait.eq @!p0 [sflag:s5], $0x1  }
0xb2: {  	s4 =	sor.u32 @!p0 s4, s6;
	[sflag:s5] =	ssyncadd.s32 @!p0 $0xFFFFFFFF  }
0xb3: {  	s25 =	simm.s32 $0x1B8E;
	s24 =	sld [smem:$0x3FFE];
	[sflag:s4] =	ssyncadd.remote.s32 @!p0 $0x1  }
0xb4: {  	s26 =	simm.s32 $execute0_lowered;
	[smem:$0x3FD2] =	sst s25  }
0xb5: {  	s5 =	sshll.u32 s26, $0x1;
	_ =	strace $0x80000049;
	[dreg:$0x1] =	wrdreg $0xFFFFFFFF  }
0xb6: {  	s28 =	simm.s32 $_size_execute0_lowered;
	s3 =	sadd.s32 s3, s5;
	[dreg:$0x0] =	wrdreg $0x0  }
0xb7: {  	s5 =	sshll.u32 s28, $0x1;
	[dreg:$0x2] =	wrdreg s3  }
0xb8: {  	[dreg:$0x3] =	wrdreg s5  }
0xb9: {  	[dreg:$0x4] =	wrdreg $0xC0  }
0xba: {  	_ =	task [dreg:s22], $0x5FFFF  }
0xbb: {  	[dreg:$0x1] =	wrdreg $0xFFFFFFFF  }
0xbc: {  	[dreg:$0x0] =	wrdreg $0x60  }
0xbd: {  	[dreg:$0x2] =	wrdreg s24  }
0xbe: {  	[dreg:$0x3] =	wrdreg $0x0  }
0xbf: {  	[dreg:$0x4] =	wrdreg $0x9  }
0xc0: {  	_ =	task.clear_ibuf [dreg:s22], $0x5FFFF;
	_ =	strace $0x90000049  }
0xc1: {  	s29 =	simm.s32 $0x9;
	_ =	strace $0x8000004B  }
0xc2: {  	_ =	swait.ge [sflag:s29], $0x1  }
0xc3: {  	[sflag:s29] =	ssyncadd.s32 $0xFFFFFFFF  }
0xc4: {  	_ =	strace $0x9000004B  }
0xc5: {  	_ =	sfence  }
0xc6: {  	s30 =	sld [smem:$0x0];
	_ =	sdelay $0x2  }
0xc7: {  	s31 =	sshll.u32 s1, $0xD;
	s1 =	sshrl.u32 s1, $0x2  }
0xc8: {  	s4 =	sand.u32 $0x4000, s31;
	s1 =	sadd.s32 s1, s30  }
0xc9: {  	s0 =	sor.u32 s4, s0;
	s1 =	sshll.u32 s1, $0x11  }
0xca: {  	s0 =	sor.u32 s1, s0  }
0xcb: {  	s0 =	sadd.s32 $0x8F2B, s0  }
0xcc: {  	[sflag:s0] =	ssyncadd.remote.s32 $0x1  }
0xcd: {  	_ =	sfence.sel $0xFFFF  }
0xce: {  	[dreg:$0x0] =	wrdreg $0xFFFFFFFF;
	(pc) =	sbr.abs _section_cstart, $3  }
0xcf: {  	[dreg:$0x1] =	wrdreg $0xFFFFFFFF  }
0xd0: {  	_ =	task.clear_ibuf [dreg:s22], $0x2FFFF;
	_ =	strace $0x9FFFFFFF  }
0xd1: {  	(tm) =	ssettm $0x7FFFFFFF  }
tec
execute0_lowered:
.L_overlay_start_1:
0x0: {  	(tag) =	ssettag $0x1  }
0x1: {  	s0 =	rddreg [dreg:$0x0]  }
0x2: {  	s2 =	srdreg.scid;
	s1 =	rddreg [dreg:$0x1];
	s3 =	simm.s32 $0x0  }
0x3: {  	s10 =	stileid.u32;
	s17 =	simm.s32 $0x18400;
	s18 =	simm.s32 $0x1  }
0x4: {  	s19 =	simm.s32 $0x14000;
	s20 =	simm.s32 $0x80;
	s6 =	smul.u32 $0x14000, s10  }
0x5: {  	s21 =	simm.s32 $0x14400;
	s22 =	simm.s32 $0x14080;
	s7 =	smul.u32 $0x50000, s10  }
0x6: {  	s28 =	simm.s32 $0x14300;
	s2 =	sand.u32 $0x1, s2;
	s16 =	smul.u32 $0x500, s10  }
0x7: {  	s29 =	simm.s32 $0x14380;
	s30 =	simm.s32 $0x0;
	s4 =	smul.u32 $0x5000, s2  }
0x8: {  	[smem:$0x7FF] =	sst s3;
	s5 =	smul.u32 $0x140000, s2;
	s2 =	ssub.s32 $0x2, s2  }
0x9: {  	_ =	strace $0x8000004A;
	s24 =	sshrl.u32 s2, $0x1;
	s25 =	sshrl.u32 s7, $0x2  }
0xa: {  	s15 =	sadd.s32 s4, s0;
	s23 =	sadd.s32 s6, s5;
	s2 =	ssub.s32 s2, s24  }
0xb: {  	s24 =	simm.s32 $0x14180;
	s4 =	sshrl.u32 s23, $0x3;
	s31 =	sadd.s32 s16, s15  }
0xc: {  	s15 =	smax.u32 s2, $0x1;
	s23 =	simm.s32 $0x14100;
	s0 =	sadd.s32 s4, s0  }
0xd: {  	s4 =	sadd.s32 s25, s1;
	s16 =	sadd.s32 $0x3600, s31;
	s25 =	simm.s32 $0x14200  }
0xe: {  	s26 =	sadd.s32 $0x2000, s4;
	s6 =	sadd.s32 $0x4000, s4;
	s7 =	sadd.s32 $0x6000, s4  }
0xf: {  	s8 =	sadd.s32 $0x8000, s4;
	s9 =	sadd.s32 $0xA000, s4;
	s10 =	sadd.s32 $0xC000, s4  }
0x10: {  	s11 =	sadd.s32 $0xE000, s4;
	s12 =	sadd.s32 $0x10000, s4;
	s13 =	sadd.s32 $0x12000, s4  }
0x11: {  	v0 =	vimm.f32 $1.000000000e+00;
	v1 =	vimm.f32 $0.0e+00;
	s14 =	sadd.s32 $0x8F600, s0;
	[dreg:$0x3] =	wrdreg s26;
	s26 =	simm.s32 $0x14280  }
.LBB2_1:
0x12: {  	s0 =	simm.s32 $0x0;
	s31 =	simm.s32 $0x200  }
.LBB2_2:
0x13: {  	p0 =	sne.s32 s31, $0xFE00;
	[tilespmem:s0+$0x14470] =	vst v0  }
0x14: {  	[tilespmem:s0+$0x14400] =	vst v0  }
0x15: {  	[tilespmem:s0+$0x14410] =	vst v0  }
.Ltmp0:
0x16: {  	[tilespmem:s0+$0x14420] =	vst v0;
	(pc) =	sbr.rel @p0 .LBB2_2-.Ltmp0, $4  }
0x17: {  	[tilespmem:s0+$0x14430] =	vst v0  }
0x18: {  	[tilespmem:s0+$0x14440] =	vst v0  }
0x19: {  	[tilespmem:s0+$0x14450] =	vst v0  }
0x1a: {  	[tilespmem:s0+$0x14460] =	vst v0;
	s0 =	sshra.s32 s31, $0x2;
	s31 =	sadd.s32 $0x200, s31  }
0x1b: {  	[tilespmem:s0+$0x14470] =	vst v0  }
0x1c: {  	[tilespmem:s0+$0x14400] =	vst v0  }
0x1d: {  	[tilespmem:s0+$0x14410] =	vst v0  }
0x1e: {  	[tilespmem:s0+$0x14420] =	vst v0  }
0x1f: {  	[tilespmem:s0+$0x14430] =	vst v0  }
0x20: {  	[tilespmem:s0+$0x14440] =	vst v0  }
0x21: {  	[tilespmem:s0+$0x14450] =	vst v0  }
0x22: {  	[tilespmem:s0+$0x14460] =	vst v0;
	s0 =	simm.s32 $0x0;
	s31 =	simm.s32 $0x200  }
.LBB2_4:
0x23: {  	p0 =	sne.s32 s31, $0x7E00;
	[tilespmem:s0+$0x18470] =	vst v1  }
0x24: {  	[tilespmem:s0+$0x18400] =	vst v1  }
0x25: {  	[tilespmem:s0+$0x18410] =	vst v1  }
.Ltmp1:
0x26: {  	[tilespmem:s0+$0x18420] =	vst v1;
	(pc) =	sbr.rel @p0 .LBB2_4-.Ltmp1, $4  }
0x27: {  	[tilespmem:s0+$0x18430] =	vst v1  }
0x28: {  	[tilespmem:s0+$0x18440] =	vst v1  }
0x29: {  	[tilespmem:s0+$0x18450] =	vst v1  }
0x2a: {  	[tilespmem:s0+$0x18460] =	vst v1;
	s0 =	sshra.s32 s31, $0x2;
	s31 =	sadd.s32 $0x200, s31  }
0x2b: {  	[tilespmem:s0+$0x18470] =	vst v1  }
0x2c: {  	[tilespmem:s0+$0x18400] =	vst v1  }
0x2d: {  	[tilespmem:s0+$0x18410] =	vst v1  }
0x2e: {  	[tilespmem:s0+$0x18420] =	vst v1  }
0x2f: {  	[tilespmem:s0+$0x18430] =	vst v1  }
0x30: {  	[tilespmem:s0+$0x18440] =	vst v1  }
0x31: {  	[tilespmem:s0+$0x18450] =	vst v1  }
0x32: {  	[tilespmem:s0+$0x18460] =	vst v1  }
0x33: {  	[spmem:s4] =	stream.linear.scatter [tilespmem:s17], [sflag:$0x1], $0x2000, $0x38;
	[tilespmem:$0x1A400] =	vst v63  }
0x34: {  	_ =	swait.ge [sflag:s18], $0x2000  }
0x35: {  	[sflag:s18] =	ssyncset.done $0x0  }
0x36: {  	s2 =	rddreg [dreg:$0x3];
	[sflag:s18] =	ssyncadd.s32 $0xFFFFE000  }
0x37: {  	[spmem:s2] =	stream.linear.scatter [tilespmem:s17], [sflag:$0x1], $0x2000, $0x38;
	[tilespmem:$0x1A400] =	vst v63  }
0x38: {  	_ =	swait.ge [sflag:s18], $0x2000  }
0x39: {  	[sflag:s18] =	ssyncset.done $0x0  }
0x3a: {  	[sflag:s18] =	ssyncadd.s32 $0xFFFFE000  }
0x3b: {  	[spmem:s6] =	stream.linear.scatter [tilespmem:s17], [sflag:$0x1], $0x2000, $0x38;
	[tilespmem:$0x1A400] =	vst v63  }
0x3c: {  	_ =	swait.ge [sflag:s18], $0x2000  }
0x3d: {  	[sflag:s18] =	ssyncset.done $0x0  }
0x3e: {  	[sflag:s18] =	ssyncadd.s32 $0xFFFFE000  }
0x3f: {  	[spmem:s7] =	stream.linear.scatter [tilespmem:s17], [sflag:$0x1], $0x2000, $0x38;
	[tilespmem:$0x1A400] =	vst v63  }
0x40: {  	_ =	swait.ge [sflag:s18], $0x2000  }
0x41: {  	[sflag:s18] =	ssyncset.done $0x0  }
0x42: {  	[sflag:s18] =	ssyncadd.s32 $0xFFFFE000  }
0x43: {  	[spmem:s8] =	stream.linear.scatter [tilespmem:s17], [sflag:$0x1], $0x2000, $0x38;
	[tilespmem:$0x1A400] =	vst v63  }
0x44: {  	_ =	swait.ge [sflag:s18], $0x2000  }
0x45: {  	[sflag:s18] =	ssyncset.done $0x0  }
0x46: {  	[sflag:s18] =	ssyncadd.s32 $0xFFFFE000  }
0x47: {  	[spmem:s9] =	stream.linear.scatter [tilespmem:s17], [sflag:$0x1], $0x2000, $0x38;
	[tilespmem:$0x1A400] =	vst v63  }
0x48: {  	_ =	swait.ge [sflag:s18], $0x2000  }
0x49: {  	[sflag:s18] =	ssyncset.done $0x0  }
0x4a: {  	[sflag:s18] =	ssyncadd.s32 $0xFFFFE000  }
0x4b: {  	[spmem:s10] =	stream.linear.scatter [tilespmem:s17], [sflag:$0x1], $0x2000, $0x38;
	[tilespmem:$0x1A400] =	vst v63  }
0x4c: {  	_ =	swait.ge [sflag:s18], $0x2000  }
0x4d: {  	[sflag:s18] =	ssyncset.done $0x0  }
0x4e: {  	[sflag:s18] =	ssyncadd.s32 $0xFFFFE000  }
0x4f: {  	[spmem:s11] =	stream.linear.scatter [tilespmem:s17], [sflag:$0x1], $0x2000, $0x38;
	[tilespmem:$0x1A400] =	vst v63  }
0x50: {  	_ =	swait.ge [sflag:s18], $0x2000  }
0x51: {  	[sflag:s18] =	ssyncset.done $0x0  }
0x52: {  	[sflag:s18] =	ssyncadd.s32 $0xFFFFE000  }
0x53: {  	[spmem:s12] =	stream.linear.scatter [tilespmem:s17], [sflag:$0x1], $0x2000, $0x38;
	[tilespmem:$0x1A400] =	vst v63  }
0x54: {  	_ =	swait.ge [sflag:s18], $0x2000  }
0x55: {  	[sflag:s18] =	ssyncset.done $0x0  }
0x56: {  	[sflag:s18] =	ssyncadd.s32 $0xFFFFE000  }
0x57: {  	[spmem:s13] =	stream.linear.scatter [tilespmem:s17], [sflag:$0x1], $0x2000, $0x38;
	[tilespmem:$0x1A400] =	vst v63  }
0x58: {  	_ =	swait.ge [sflag:s18], $0x2000  }
0x59: {  	[sflag:s18] =	ssyncset.done $0x0  }
0x5a: {  	[sflag:s18] =	ssyncadd.s32 $0xFFFFE000  }
0x5b: {  	s5 =	sadd.s32 $0x0, s16;
	[bflag:$0x0] =	sbarrier.arrive $0xFFFF  }
0x5c: {  	[tilespmem:s19], [sflag:$0x1] =	stream.linear.gather [hbm4b:s5+s3], $0x400, $0x38;
	[tilespmem:$0x1A400] =	vst v63  }
0x5d: {  	_ =	swait.ge [sflag:s18], $0x400  }
0x5e: {  	[sflag:s18] =	ssyncset.done $0x0  }
0x5f: {  	[sflag:s18] =	ssyncadd.s32 $0xFFFFFC00  }
0x60: {  	[spmem:s1] =	stream.indirect.scatter.add.f32 [tilespmem:s21], [sflag:$0x1], $0x80, s19, s20, $0xb8;
	[tilespmem:$0x1A400] =	vst v63  }
0x61: {  	_ =	swait.ge [sflag:s18], $0x4000  }
0x62: {  	[sflag:s18] =	ssyncset.done $0x0  }
0x63: {  	[sflag:s18] =	ssyncadd.s32 $0xFFFFC000  }
0x64: {  	[spmem:s1] =	stream.indirect.scatter.add.f32 [tilespmem:s21], [sflag:$0x1], $0x80, s22, s20, $0xb8;
	[tilespmem:$0x1A400] =	vst v63  }
0x65: {  	_ =	swait.ge [sflag:s18], $0x4000  }
0x66: {  	[sflag:s18] =	ssyncset.done $0x0  }
0x67: {  	[sflag:s18] =	ssyncadd.s32 $0xFFFFC000  }
0x68: {  	[spmem:s1] =	stream.indirect.scatter.add.f32 [tilespmem:s21], [sflag:$0x1], $0x80, s23, s20, $0xb8;
	[tilespmem:$0x1A400] =	vst v63  }
0x69: {  	_ =	swait.ge [sflag:s18], $0x4000  }
0x6a: {  	[sflag:s18] =	ssyncset.done $0x0  }
0x6b: {  	[sflag:s18] =	ssyncadd.s32 $0xFFFFC000  }
0x6c: {  	[spmem:s1] =	stream.indirect.scatter.add.f32 [tilespmem:s21], [sflag:$0x1], $0x80, s24, s20, $0xb8;
	[tilespmem:$0x1A400] =	vst v63  }
0x6d: {  	_ =	swait.ge [sflag:s18], $0x4000  }
0x6e: {  	[sflag:s18] =	ssyncset.done $0x0  }
0x6f: {  	[sflag:s18] =	ssyncadd.s32 $0xFFFFC000  }
0x70: {  	[spmem:s1] =	stream.indirect.scatter.add.f32 [tilespmem:s21], [sflag:$0x1], $0x80, s25, s20, $0xb8;
	[tilespmem:$0x1A400] =	vst v63  }
0x71: {  	_ =	swait.ge [sflag:s18], $0x4000  }
0x72: {  	[sflag:s18] =	ssyncset.done $0x0  }
0x73: {  	[sflag:s18] =	ssyncadd.s32 $0xFFFFC000  }
0x74: {  	[spmem:s1] =	stream.indirect.scatter.add.f32 [tilespmem:s21], [sflag:$0x1], $0x80, s26, s20, $0xb8;
	[tilespmem:$0x1A400] =	vst v63  }
0x75: {  	_ =	swait.ge [sflag:s18], $0x4000  }
0x76: {  	[sflag:s18] =	ssyncset.done $0x0  }
0x77: {  	[sflag:s18] =	ssyncadd.s32 $0xFFFFC000  }
0x78: {  	[spmem:s1] =	stream.indirect.scatter.add.f32 [tilespmem:s21], [sflag:$0x1], $0x80, s28, s20, $0xb8;
	[tilespmem:$0x1A400] =	vst v63  }
0x79: {  	_ =	swait.ge [sflag:s18], $0x4000  }
0x7a: {  	[sflag:s18] =	ssyncset.done $0x0  }
0x7b: {  	[sflag:s18] =	ssyncadd.s32 $0xFFFFC000  }
0x7c: {  	[spmem:s1] =	stream.indirect.scatter.add.f32 [tilespmem:s21], [sflag:$0x1], $0x80, s29, s20, $0xb8;
	[tilespmem:$0x1A400] =	vst v63  }
0x7d: {  	_ =	swait.ge [sflag:s18], $0x4000  }
0x7e: {  	s31 =	simm.s32 $0x80;
	s0 =	simm.s32 $0x100;
	[sflag:s18] =	ssyncset.done $0x0  }
.LBB2_6:
0x7f: {  	s5 =	sadd.s32 s31, s16  }
0x80: {  	[sflag:s18] =	ssyncadd.s32 $0xFFFFC000;
	s31 =	smov.u32 s0;
	s2 =	sadd.s32 $0x80, s0  }
0x81: {  	[tilespmem:s19], [sflag:$0x1] =	stream.linear.gather [hbm4b:s5+s3], $0x400, $0x38;
	[tilespmem:$0x1A400] =	vst v63  }
0x82: {  	p0 =	sne.s32 s0, $0x480;
	_ =	swait.ge [sflag:s18], $0x400  }
0x83: {  	[sflag:s18] =	ssyncset.done $0x0  }
0x84: {  	[sflag:s18] =	ssyncadd.s32 $0xFFFFFC00  }
0x85: {  	[spmem:s1] =	stream.indirect.scatter.add.f32 [tilespmem:s21], [sflag:$0x1], $0x80, s19, s20, $0xb8;
	[tilespmem:$0x1A400] =	vst v63  }
0x86: {  	_ =	swait.ge [sflag:s18], $0x4000  }
0x87: {  	[sflag:s18] =	ssyncset.done $0x0  }
0x88: {  	[sflag:s18] =	ssyncadd.s32 $0xFFFFC000  }
0x89: {  	[spmem:s1] =	stream.indirect.scatter.add.f32 [tilespmem:s21], [sflag:$0x1], $0x80, s22, s20, $0xb8;
	[tilespmem:$0x1A400] =	vst v63  }
0x8a: {  	_ =	swait.ge [sflag:s18], $0x4000  }
0x8b: {  	[sflag:s18] =	ssyncset.done $0x0  }
0x8c: {  	[sflag:s18] =	ssyncadd.s32 $0xFFFFC000  }
0x8d: {  	[spmem:s1] =	stream.indirect.scatter.add.f32 [tilespmem:s21], [sflag:$0x1], $0x80, s23, s20, $0xb8;
	[tilespmem:$0x1A400] =	vst v63  }
0x8e: {  	_ =	swait.ge [sflag:s18], $0x4000  }
0x8f: {  	[sflag:s18] =	ssyncset.done $0x0  }
0x90: {  	[sflag:s18] =	ssyncadd.s32 $0xFFFFC000  }
0x91: {  	[spmem:s1] =	stream.indirect.scatter.add.f32 [tilespmem:s21], [sflag:$0x1], $0x80, s24, s20, $0xb8;
	[tilespmem:$0x1A400] =	vst v63  }
0x92: {  	_ =	swait.ge [sflag:s18], $0x4000  }
0x93: {  	[sflag:s18] =	ssyncset.done $0x0  }
0x94: {  	[sflag:s18] =	ssyncadd.s32 $0xFFFFC000  }
0x95: {  	[spmem:s1] =	stream.indirect.scatter.add.f32 [tilespmem:s21], [sflag:$0x1], $0x80, s25, s20, $0xb8;
	[tilespmem:$0x1A400] =	vst v63  }
0x96: {  	_ =	swait.ge [sflag:s18], $0x4000  }
0x97: {  	[sflag:s18] =	ssyncset.done $0x0  }
0x98: {  	[sflag:s18] =	ssyncadd.s32 $0xFFFFC000  }
0x99: {  	[spmem:s1] =	stream.indirect.scatter.add.f32 [tilespmem:s21], [sflag:$0x1], $0x80, s26, s20, $0xb8;
	[tilespmem:$0x1A400] =	vst v63  }
0x9a: {  	_ =	swait.ge [sflag:s18], $0x4000  }
0x9b: {  	[sflag:s18] =	ssyncset.done $0x0  }
0x9c: {  	[sflag:s18] =	ssyncadd.s32 $0xFFFFC000  }
0x9d: {  	[spmem:s1] =	stream.indirect.scatter.add.f32 [tilespmem:s21], [sflag:$0x1], $0x80, s28, s20, $0xb8;
	[tilespmem:$0x1A400] =	vst v63  }
0x9e: {  	_ =	swait.ge [sflag:s18], $0x4000  }
.Ltmp2:
0x9f: {  	[sflag:s18] =	ssyncset.done $0x0;
	(pc) =	sbr.rel @p0 .LBB2_6-.Ltmp2, $4  }
0xa0: {  	[sflag:s18] =	ssyncadd.s32 $0xFFFFC000  }
0xa1: {  	[spmem:s1] =	stream.indirect.scatter.add.f32 [tilespmem:s21], [sflag:$0x1], $0x80, s29, s20, $0xb8;
	[tilespmem:$0x1A400] =	vst v63  }
0xa2: {  	_ =	swait.ge [sflag:s18], $0x4000  }
0xa3: {  	s0 =	smov.u32 s2;
	[sflag:s18] =	ssyncset.done $0x0  }
0xa4: {  	s0 =	sadd.s32 s31, s16;
	[sflag:s18] =	ssyncadd.s32 $0xFFFFC000  }
0xa5: {  	[tilespmem:s19], [sflag:$0x1] =	stream.linear.gather [hbm4b:s0+s3], $0x400, $0x38;
	[tilespmem:$0x1A400] =	vst v63  }
0xa6: {  	_ =	swait.ge [sflag:s18], $0x400  }
0xa7: {  	[sflag:s18] =	ssyncset.done $0x0  }
0xa8: {  	[sflag:s18] =	ssyncadd.s32 $0xFFFFFC00  }
0xa9: {  	[spmem:s1] =	stream.indirect.scatter.add.f32 [tilespmem:s21], [sflag:$0x1], $0x80, s19, s20, $0xb8;
	[tilespmem:$0x1A400] =	vst v63  }
0xaa: {  	_ =	swait.ge [sflag:s18], $0x4000  }
0xab: {  	[sflag:s18] =	ssyncset.done $0x0  }
0xac: {  	[sflag:s18] =	ssyncadd.s32 $0xFFFFC000  }
0xad: {  	[spmem:s1] =	stream.indirect.scatter.add.f32 [tilespmem:s21], [sflag:$0x1], $0x80, s22, s20, $0xb8;
	[tilespmem:$0x1A400] =	vst v63  }
0xae: {  	_ =	swait.ge [sflag:s18], $0x4000  }
0xaf: {  	[sflag:s18] =	ssyncset.done $0x0  }
0xb0: {  	[sflag:s18] =	ssyncadd.s32 $0xFFFFC000  }
0xb1: {  	[spmem:s1] =	stream.indirect.scatter.add.f32 [tilespmem:s21], [sflag:$0x1], $0x80, s23, s20, $0xb8;
	[tilespmem:$0x1A400] =	vst v63  }
0xb2: {  	_ =	swait.ge [sflag:s18], $0x4000  }
0xb3: {  	[sflag:s18] =	ssyncset.done $0x0  }
0xb4: {  	[sflag:s18] =	ssyncadd.s32 $0xFFFFC000  }
0xb5: {  	[spmem:s1] =	stream.indirect.scatter.add.f32 [tilespmem:s21], [sflag:$0x1], $0x80, s24, s20, $0xb8;
	[tilespmem:$0x1A400] =	vst v63  }
0xb6: {  	_ =	swait.ge [sflag:s18], $0x4000  }
0xb7: {  	[sflag:s18] =	ssyncset.done $0x0  }
0xb8: {  	[sflag:s18] =	ssyncadd.s32 $0xFFFFC000  }
0xb9: {  	[spmem:s1] =	stream.indirect.scatter.add.f32 [tilespmem:s21], [sflag:$0x1], $0x80, s25, s20, $0xb8;
	[tilespmem:$0x1A400] =	vst v63  }
0xba: {  	_ =	swait.ge [sflag:s18], $0x4000  }
0xbb: {  	[sflag:s18] =	ssyncset.done $0x0  }
0xbc: {  	[sflag:s18] =	ssyncadd.s32 $0xFFFFC000  }
0xbd: {  	[spmem:s1] =	stream.indirect.scatter.add.f32 [tilespmem:s21], [sflag:$0x1], $0x80, s26, s20, $0xb8;
	[tilespmem:$0x1A400] =	vst v63  }
0xbe: {  	_ =	swait.ge [sflag:s18], $0x4000  }
0xbf: {  	[sflag:s18] =	ssyncset.done $0x0  }
0xc0: {  	[sflag:s18] =	ssyncadd.s32 $0xFFFFC000  }
0xc1: {  	[spmem:s1] =	stream.indirect.scatter.add.f32 [tilespmem:s21], [sflag:$0x1], $0x80, s28, s20, $0xb8;
	[tilespmem:$0x1A400] =	vst v63  }
0xc2: {  	_ =	swait.ge [sflag:s18], $0x4000  }
0xc3: {  	[sflag:s18] =	ssyncset.done $0x0  }
0xc4: {  	[sflag:s18] =	ssyncadd.s32 $0xFFFFC000  }
0xc5: {  	[spmem:s1] =	stream.indirect.scatter.add.f32 [tilespmem:s21], [sflag:$0x1], $0x80, s29, s20, $0xb8;
	[tilespmem:$0x1A400] =	vst v63  }
0xc6: {  	s31 =	stileid.u32;
	_ =	swait.ge [sflag:s18], $0x4000  }
0xc7: {  	s2 =	sshrl.u32 s4, $0x3;
	s30 =	sadd.s32 $0x1, s30;
	[sflag:s18] =	ssyncset.done $0x0  }
0xc8: {  	s0 =	sshll.u32 s31, $0x6;
	p0 =	sne.s32 s30, s15;
	[sflag:s18] =	ssyncadd.s32 $0xFFFFC000  }
.Ltmp3:
0xc9: {  	s0 =	sor.u32 $0x1C01, s0;
	[bflag:$0x0] =	sbarrier.arrive $0xFFFF;
	(pc) =	sbr.rel @p0 .LBB2_1-.Ltmp3, $4  }
0xca: {  	[hbm:s14], [sflag:s0] =	dma.local [spmem:s2], $0x2800  }
0xcb: {  	_ =	swait.ge [sflag:s18], $0x2800  }
0xcc: {  	[sflag:s18] =	ssyncset.done $0x0  }
0xcd: {  	[sflag:s18] =	ssyncadd.s32 $0xFFFFD800  }
0xce: {  	_ =	sfence.sel $0x180000  }
0xcf: {  	[bflag:$0x0] =	sbarrier.arrive $0xFFFF  }
0xd0: {  	_ =	strace $0x9000004A  }
0xd1: {  	s0 =	stileid.u32;
	[bflag:$0x2] =	sbarrier.arrive $0xFFFF  }
0xd2: {  	p0 =	sne.s32 s0, $0x0;
	s0 =	rddreg [dreg:$0x2]  }
0xd3: {  	s0 =	sadd.s32 @!p0 $0x100000, s0  }
0xd4: {  	[sflag:s0] =	ssyncadd.tile.s32 @!p0 $0x1;
	_ =	shalt  }
.Lfunc_end2:
_tile_overlayer_lowered:
.L_overlay_start_2:
0xd5: {  	(tag) =	ssettag $0x2  }
0xd6: {  	s0 =	rddreg [dreg:$0x0];
	s2 =	stileid.u32  }
0xd7: {  	s1 =	rddreg [dreg:$0x1];
	p0 =	sne.s32 s2, $0x0  }
0xd8: {  	s3 =	rddreg [dreg:$0x2];
	[bflag:$0x3] =	sbarrier.arrive $0xFFFF;
	s2 =	simm.s32 @!p0 $0x1C01  }
0xd9: {  	[timem:s3], [sflag:s2] =	dma.local @!p0 [hbm:s0], s1  }
0xda: {  	s0 =	simm.s32 @!p0 $0x1  }
0xdb: {  	_ =	swait.ge @!p0 [sflag:s0], s1  }
0xdc: {  	s1 =	ssub.s32 @!p0 $0x0, s1;
	[sflag:s0] =	ssyncset.done @!p0 $0x0  }
0xdd: {  	[sflag:s0] =	ssyncadd.s32 @!p0 s1  }
0xde: {  	[bflag:$0x3] =	sbarrier.arrive $0xFFFF  }
0xdf: {  	_ =	shalt  }

// kernel: kernel.13.cloned.1.call-start
scs
__scs_entry_jumppad:
0x0: {  	(pc) =	sbr.rel $0x88, $3  }
0x1: {  	(tag) =	ssettag $0x0;
	lr =	simm.s32 $0x1  }
0x2: {  	[smem:$0x3F95] =	sst lr;
	_ =	strace $0xD0000000  }
0x3: {  	_ = 	snop  }
0x4: {  	_ = 	snop  }
0x5: {  	_ = 	snop  }
0x6: {  	_ = 	snop  }
0x7: {  	_ = 	snop  }
__scs_overlays_trampoline_lowered:
0x8: {  	[smem:$0x3FA4] =	sst s0  }
0x9: {  	[smem:$0x3FA5] =	sst s1  }
0xa: {  	[smem:$0x3FA6] =	sst s2  }
0xb: {  	[smem:$0x3FA7] =	sst s3  }
0xc: {  	[smem:$0x3FA8] =	sst s4  }
0xd: {  	[smem:$0x3FA9] =	sst s5  }
0xe: {  	[smem:$0x3FAA] =	sst s6  }
0xf: {  	[smem:$0x3FAB] =	sst s7  }
0x10: {  	[smem:$0x3FAC] =	sst s8  }
0x11: {  	[smem:$0x3FAD] =	sst s9;
	s0 =	simm.s32 @!p0 $0x0  }
0x12: {  	s1 =	sld [smem:$0x3F93];
	s0 =	simm.s32 @p0 $0x1  }
0x13: {  	[smem:$0x3FAE] =	sst s0;
	s0 =	simm.s32 @!p1 $0x0  }
0x14: {  	s2 =	sld [smem:$0x3F92];
	s0 =	simm.s32 @p1 $0x1  }
0x15: {  	[smem:$0x3FAF] =	sst s0;
	s0 =	simm.s32 @!p2 $0x0  }
0x16: {  	s3 =	sld [smem:$0x3FDB];
	s0 =	simm.s32 @p2 $0x1  }
0x17: {  	s4 =	simm.s32 $0x1BF5;
	[smem:$0x3FB1] =	sst s0  }
0x18: {  	s0 =	sld [smem:$0x3F94];
	_ =	swait.ge [sflag:s4], $0x0  }
0x19: {  	s7 =	sld [smem:$0x3F95]  }
0x1a: {  	s8 =	sadd.s32 $0xFFFFE003, lr  }
0x1b: {  	s9 =	sadd.s32 $0xFFFFFEF7, lr;
	s5 =	simm.s32 $0xFFFFFFFF;
	p2 =	slt.u32 s8, $0xFFFFF086  }
0x1c: {  	p1 =	slt.u32 s9, $0xF7A;
	s5 =	simm.s32 @!p2 $0x0  }
0x1d: {  	s5 =	simm.s32 @p1 $0x1;
	p0 =	seq.s32 s7, s2  }
0x1e: {  	s7 =	smul.u32 @!p0 $0xF7A, s2;
	p2 =	seq.s32 @!p0 s5, $0x0  }
0x1f: {  	s9 =	smul.u32 $0xF7A, s1;
	s8 =	simm.s32 @!p0 $0x1BF5;
	p2 =	por !p2, p0  }
0x20: {  	[sflag:s8] =	ssyncset.s32 @!p0 $0xFFFFF086;
	s6 =	sadd.s32 @!p0 s3, s7;
	s7 =	simm.s32 @!p0 $0x108  }
0x21: {  	s3 =	sadd.s32 s3, s9;
	s6 =	sadd.s32 @!p0 $0x88, s6;
	s7 =	simm.s32 @p2 $0x1082  }
0x22: {  	[simem:s7], [sflag:s8] =	dma.local @!p0 [hbm:s6], $0xF7A  }
0x23: {  	s9 =	sor.u32 $0xD0000000, s2;
	s6 =	simm.s32 $0x108;
	_ =	swait.ge @!p0 [sflag:s8], $0x0  }
0x24: {  	s3 =	sadd.s32 $0x88, s3;
	s6 =	simm.s32 @!p1 $0x1082;
	[sflag:s4] =	ssyncset.s32 $0xFFFFF086  }
0x25: {  	[simem:s6], [sflag:s4] =	dma.local [hbm:s3], $0xF7A  }
0x26: {  	[smem:$0x3F95] =	sst s1;
	(tag) =	ssettag s2;
	_ =	strace s9  }
0x27: {  	s1 =	sld [smem:$0x3FA5]  }
0x28: {  	s2 =	sld [smem:$0x3FA6]  }
0x29: {  	s4 =	sld [smem:$0x3FA8]  }
0x2a: {  	p0 =	seq.s32 s5, $0x0;
	s5 =	sld [smem:$0x3FA9]  }
0x2b: {  	s6 =	sld [smem:$0x3FAA]  }
0x2c: {  	s7 =	sld [smem:$0x3FAB]  }
0x2d: {  	s3 =	simm.s32 $0x108;
	s8 =	sld [smem:$0x3FAC]  }
0x2e: {  	s3 =	simm.s32 @!p0 $0x1082;
	s9 =	sld [smem:$0x3FAD]  }
0x2f: {  	lr =	sadd.s32 s0, s3;
	s0 =	sld [smem:$0x3FA4]  }
0x30: {  	s3 =	sld [smem:$0x3FA7]  }
0x31: {  	[smem:$0x3FB0] =	sst s10  }
0x32: {  	s10 =	sld [smem:$0x3FAE];
	_ =	sdelay $0x3  }
0x33: {  	p0 =	seq.s32 s10, $0x1;
	s10 =	sld [smem:$0x3FB0];
	_ =	sdelay $0x3  }
0x34: {  	[smem:$0x3FB0] =	sst s10  }
0x35: {  	s10 =	sld [smem:$0x3FAF];
	_ =	sdelay $0x3  }
0x36: {  	p1 =	seq.s32 s10, $0x1;
	s10 =	sld [smem:$0x3FB0];
	_ =	sdelay $0x3  }
0x37: {  	[smem:$0x3FB0] =	sst s10  }
0x38: {  	s10 =	sld [smem:$0x3FB1]  }
0x39: {  	_ = 	snop;
	(pc) =	sbr.ind lr, $3  }
0x3a: {  	_ = 	snop  }
0x3b: {  	_ = 	snop  }
0x3c: {  	p2 =	seq.s32 s10, $0x1;
	s10 =	sld [smem:$0x3FB0]  }
0x3d: {  	_ =	shalt  }
0x3e: {  	_ =	shalt  }
0x3f: {  	_ =	shalt  }
0x40: {  	_ =	shalt  }
0x41: {  	_ =	shalt  }
0x42: {  	_ =	shalt  }
0x43: {  	_ =	shalt  }
0x44: {  	_ =	shalt  }
0x45: {  	_ =	shalt  }
0x46: {  	_ =	shalt  }
0x47: {  	_ =	shalt  }
0x48: {  	_ =	shalt  }
0x49: {  	_ =	shalt  }
0x4a: {  	_ =	shalt  }
0x4b: {  	_ =	shalt  }
0x4c: {  	_ =	shalt  }
0x4d: {  	_ =	shalt  }
0x4e: {  	_ =	shalt  }
0x4f: {  	_ =	shalt  }
0x50: {  	_ =	shalt  }
0x51: {  	_ =	shalt  }
0x52: {  	_ =	shalt  }
0x53: {  	_ =	shalt  }
0x54: {  	_ =	shalt  }
0x55: {  	_ =	shalt  }
0x56: {  	_ =	shalt  }
0x57: {  	_ =	shalt  }
0x58: {  	_ =	shalt  }
0x59: {  	_ =	shalt  }
0x5a: {  	_ =	shalt  }
0x5b: {  	_ =	shalt  }
0x5c: {  	_ =	shalt  }
0x5d: {  	_ =	shalt  }
0x5e: {  	_ =	shalt  }
0x5f: {  	_ =	shalt  }
0x60: {  	_ =	shalt  }
0x61: {  	_ =	shalt  }
0x62: {  	_ =	shalt  }
0x63: {  	_ =	shalt  }
0x64: {  	_ =	shalt  }
0x65: {  	_ =	shalt  }
0x66: {  	_ =	shalt  }
0x67: {  	_ =	shalt  }
0x68: {  	_ =	shalt  }
0x69: {  	_ =	shalt  }
0x6a: {  	_ =	shalt  }
0x6b: {  	_ =	shalt  }
0x6c: {  	_ =	shalt  }
0x6d: {  	_ =	shalt  }
0x6e: {  	_ =	shalt  }
0x6f: {  	_ =	shalt  }
0x70: {  	_ =	shalt  }
0x71: {  	_ =	shalt  }
0x72: {  	_ =	shalt  }
0x73: {  	_ =	shalt  }
0x74: {  	_ =	shalt  }
0x75: {  	_ =	shalt  }
0x76: {  	_ =	shalt  }
0x77: {  	_ =	shalt  }
0x78: {  	_ =	shalt  }
0x79: {  	_ =	shalt  }
0x7a: {  	_ =	shalt  }
0x7b: {  	_ =	shalt  }
0x7c: {  	_ =	shalt  }
0x7d: {  	_ =	shalt  }
0x7e: {  	_ =	shalt  }
0x7f: {  	_ =	shalt  }
0x80: {  	_ =	shalt  }
0x81: {  	_ =	shalt  }
0x82: {  	_ =	shalt  }
0x83: {  	_ =	shalt  }
0x84: {  	_ =	shalt  }
0x85: {  	_ =	shalt  }
0x86: {  	_ =	shalt  }
0x87: {  	_ =	shalt  }
.Lfunc_end0:
.L_simem_size_0:
called_computation.1_lowered:
.L_overlay_start_0:
0x88: {  	s2 =	sld [smem:$0x3FD9]  }
0x89: {  	s3 =	sld [smem:$0x3FFE];
	_ =	sdelay $0x1  }
0x8a: {  	s1 =	srdreg.scid  }
0x8b: {  	s0 =	sand.u32 $0x1, s1  }
0x8c: {  	s16 =	sshll.u32 s0, $0xA;
	s2 =	sadd.s32 s3, s2  }
0x8d: {  	s2 =	sadd.s32 s2, s16  }
0x8e: {  	[smem:$0x3FBC] =	sst s2  }
0x8f: {  	_ = 	snop  }
0x90: {  	(tm) =	ssettm $0x1  }
0x91: {  	s17 =	sld [smem:$0x3FFB];
	_ =	sdelay $0x3  }
0x92: {  	_ =	strace s17  }
0x93: {  	s2 =	sld [smem:$0x3FFC];
	_ =	sdelay $0x3  }
0x94: {  	_ =	strace s2  }
0x95: {  	s2 =	sld [smem:$0x3FFD];
	_ =	sdelay $0x3  }
0x96: {  	_ =	strace s2  }
0x97: {  	_ =	strace $0x8FFFFFFF  }
0x98: {  	s18 =	sld [smem:$0x3FDB];
	_ =	sdelay $0x1  }
0x99: {  	s19 =	simm.s32 $_scs_section_size  }
0x9a: {  	s4 =	simm.s32 $_size__tile_overlayer_lowered;
	s5 =	simm.s32 $_tile_overlayer_lowered  }
0x9b: {  	s22 =	simm.s32 $0x1BFF;
	s21 =	sshll.u32 s5, $0x1;
	s2 =	sadd.s32 s19, s18  }
0x9c: {  	s6 =	simm.s32 $0x0;
	s20 =	sshll.u32 s4, $0x1;
	s4 =	sadd.s32 s21, s2  }
0x9d: {  	[timem:s6], [sflag:s22] =	dma.local [hbm:s4], s20  }
0x9e: {  	_ =	swait.ge [sflag:s22], s20  }
0x9f: {  	s3 =	ssub.s32 $0x0, s20;
	[sflag:s22] =	ssyncset.done $0x0  }
0xa0: {  	[sflag:s22] =	ssyncadd.s32 s3;
	_ =	sdelay $0x1  }
0xa1: {  	s23 =	simm.s32 $0x1B8B  }
0xa2: {  	_ =	swait.ge [sflag:s23], $0x1  }
0xa3: {  	[sflag:s23] =	ssyncset.done $0x0  }
0xa4: {  	s25 =	simm.s32 $0x1B8E;
	s24 =	sld [smem:$0x3FFE];
	[sflag:s23] =	ssyncadd.s32 $0xFFFFFFFF  }
0xa5: {  	s26 =	simm.s32 $execute0_lowered;
	[smem:$0x3FD2] =	sst s25  }
0xa6: {  	s4 =	sshll.u32 s26, $0x1;
	_ =	strace $0x80000046;
	[dreg:$0x1] =	wrdreg $0xFFFFFFFF  }
0xa7: {  	s28 =	simm.s32 $_size_execute0_lowered;
	s2 =	sadd.s32 s2, s4;
	[dreg:$0x0] =	wrdreg $0x0  }
0xa8: {  	s4 =	sshll.u32 s28, $0x1;
	[dreg:$0x2] =	wrdreg s2  }
0xa9: {  	[dreg:$0x3] =	wrdreg s4  }
0xaa: {  	[dreg:$0x4] =	wrdreg $0xC0  }
0xab: {  	_ =	task [dreg:s6], $0x5FFFF  }
0xac: {  	[dreg:$0x1] =	wrdreg $0xFFFFFFFF  }
0xad: {  	[dreg:$0x0] =	wrdreg $0x60  }
0xae: {  	[dreg:$0x2] =	wrdreg s24  }
0xaf: {  	[dreg:$0x3] =	wrdreg $0x0  }
0xb0: {  	[dreg:$0x4] =	wrdreg $0xA  }
0xb1: {  	_ =	task.clear_ibuf [dreg:s6], $0x5FFFF;
	_ =	strace $0x90000046  }
0xb2: {  	s29 =	simm.s32 $0xA;
	_ =	strace $0x80000048  }
0xb3: {  	_ =	swait.ge [sflag:s29], $0x1  }
0xb4: {  	[sflag:s29] =	ssyncadd.s32 $0xFFFFFFFF  }
0xb5: {  	_ =	strace $0x90000048  }
0xb6: {  	_ =	sfence  }
0xb7: {  	s30 =	sld [smem:$0x0];
	_ =	sdelay $0x2  }
0xb8: {  	s31 =	sshll.u32 s1, $0xD;
	s1 =	sshrl.u32 s1, $0x2  }
0xb9: {  	s3 =	sand.u32 $0x4000, s31;
	s1 =	sadd.s32 s1, s30  }
0xba: {  	s0 =	sor.u32 s3, s0;
	s1 =	sshll.u32 s1, $0x11  }
0xbb: {  	s0 =	sor.u32 s1, s0  }
0xbc: {  	s0 =	sadd.s32 $0x8F2B, s0  }
0xbd: {  	[sflag:s0] =	ssyncadd.remote.s32 $0x1  }
0xbe: {  	_ =	sfence.sel $0xFFFF  }
0xbf: {  	[dreg:$0x0] =	wrdreg $0xFFFFFFFF;
	(pc) =	sbr.abs _section_cstart, $3  }
0xc0: {  	[dreg:$0x1] =	wrdreg $0xFFFFFFFF  }
0xc1: {  	_ =	task.clear_ibuf [dreg:s6], $0x2FFFF;
	_ =	strace $0x9FFFFFFF  }
0xc2: {  	(tm) =	ssettm $0x7FFFFFFF  }
0xc3: {  	_ =	shalt  }
tec
execute0_lowered:
.L_overlay_start_1:
0x0: {  	(tag) =	ssettag $0x1  }
0x1: {  	s0 =	rddreg [dreg:$0x0]  }
0x2: {  	s2 =	srdreg.scid;
	s1 =	rddreg [dreg:$0x1];
	s3 =	simm.s32 $0x0  }
0x3: {  	s9 =	stileid.u32;
	s16 =	simm.s32 $0x14040;
	s17 =	simm.s32 $0x14080  }
0x4: {  	s18 =	simm.s32 $0x140C0;
	s19 =	simm.s32 $0x14100;
	s20 =	simm.s32 $0x14140  }
0x5: {  	s21 =	simm.s32 $0x14480;
	s22 =	simm.s32 $0x14180;
	s23 =	simm.s32 $0x141C0  }
0x6: {  	s28 =	simm.s32 $0x142C0;
	s29 =	simm.s32 $0x14600;
	[smem:$0x7FF] =	sst s3  }
0x7: {  	s7 =	smul.u32 $0x14000, s9;
	_ =	strace $0x80000047;
	[dreg:$0x5] =	wrdreg s16  }
0x8: {  	s30 =	simm.s32 $0x14300;
	s8 =	smul.u32 $0x50000, s9;
	[dreg:$0x6] =	wrdreg s17  }
0x9: {  	s2 =	sand.u32 $0x1, s2;
	s26 =	smul.u32 $0x500, s9;
	[dreg:$0x7] =	wrdreg s18  }
0xa: {  	s31 =	simm.s32 $0x14340;
	s5 =	smul.u32 $0x5000, s2;
	[dreg:$0x8] =	wrdreg s19  }
0xb: {  	s4 =	sadd.s32 $0x17600, s0;
	s6 =	smul.u32 $0x140000, s2;
	[dreg:$0x9] =	wrdreg s20  }
0xc: {  	s2 =	ssub.s32 $0x2, s2;
	s16 =	simm.s32 $0x40;
	[dreg:$0xa] =	wrdreg s21  }
0xd: {  	s17 =	simm.s32 $0x16800;
	s18 =	simm.s32 $0x18800;
	[dreg:$0xb] =	wrdreg s22  }
0xe: {  	s19 =	simm.s32 $0x1A800;
	s20 =	simm.s32 $0x1;
	[dreg:$0xc] =	wrdreg s23  }
0xf: {  	s21 =	simm.s32 $0x2;
	s22 =	simm.s32 $0x80;
	s23 =	simm.s32 $0x3  }
0x10: {  	s24 =	sshrl.u32 s8, $0x2;
	s25 =	sshrl.u32 s2, $0x1;
	s8 =	simm.s32 $0x14780  }
0x11: {  	s5 =	sadd.s32 s5, s0;
	s6 =	sadd.s32 s7, s6;
	s10 =	sadd.s32 s24, s1  }
0x12: {  	s2 =	ssub.s32 s2, s25;
	s24 =	simm.s32 $0x14500;
	[dreg:$0x10] =	wrdreg s10  }
0x13: {  	s25 =	simm.s32 $0x14200;
	s7 =	simm.s32 $0x14700;
	[dreg:$0xd] =	wrdreg s24  }
0x14: {  	s6 =	sshrl.u32 s6, $0x3;
	s9 =	sadd.s32 $0x4000, s10;
	[dreg:$0xe] =	wrdreg s25  }
0x15: {  	s11 =	sadd.s32 $0x8000, s10;
	s12 =	sadd.s32 $0xC000, s10;
	[dreg:$0x11] =	wrdreg s9  }
0x16: {  	s5 =	sadd.s32 s26, s5;
	s13 =	sadd.s32 $0x10000, s10;
	[dreg:$0x12] =	wrdreg s11  }
0x17: {  	s2 =	smax.u32 s2, $0x1;
	s26 =	simm.s32 $0x14240;
	[dreg:$0x13] =	wrdreg s12  }
0x18: {  	s24 =	simm.s32 $0x4;
	s25 =	simm.s32 $0x14580;
	[dreg:$0x14] =	wrdreg s13  }
0x19: {  	s0 =	sadd.s32 s6, s0;
	s14 =	sadd.s32 $0x3600, s5;
	[dreg:$0x16] =	wrdreg s2  }
0x1a: {  	s15 =	sadd.s32 $0xD600, s5;
	s12 =	simm.s32 $0x14800;
	s13 =	simm.s32 $0x5  }
0x1b: {  	[dreg:$0xf] =	wrdreg s26;
	s26 =	simm.s32 $0x14280;
	s2 =	simm.s32 $0x14380  }
0x1c: {  	s6 =	simm.s32 $0x143C0;
	s9 =	simm.s32 $0x0;
	[dreg:$0x3] =	wrdreg s14  }
0x1d: {  	s0 =	sadd.s32 $0x3F600, s0;
	[dreg:$0x4] =	wrdreg s15;
	s14 =	simm.s32 $0x14000  }
0x1e: {  	v0 =	vimm.f32 $0.0e+00;
	s15 =	simm.s32 $0x14400;
	[dreg:$0x15] =	wrdreg s0;
	s0 =	simm.s32 $0x14680  }
.LBB2_1:
0x1f: {  	s10 =	simm.s32 $0x0;
	s11 =	simm.s32 $0x200  }
.LBB2_2:
0x20: {  	p0 =	sne.s32 s11, $0xFE00;
	[tilespmem:s10+$0x14870] =	vst v0  }
0x21: {  	[tilespmem:s10+$0x14800] =	vst v0  }
0x22: {  	[tilespmem:s10+$0x14810] =	vst v0  }
.Ltmp0:
0x23: {  	[tilespmem:s10+$0x14820] =	vst v0;
	(pc) =	sbr.rel @p0 .LBB2_2-.Ltmp0, $4  }
0x24: {  	[tilespmem:s10+$0x14830] =	vst v0  }
0x25: {  	[tilespmem:s10+$0x14840] =	vst v0  }
0x26: {  	[tilespmem:s10+$0x14850] =	vst v0  }
0x27: {  	[tilespmem:s10+$0x14860] =	vst v0;
	s10 =	sshra.s32 s11, $0x2;
	s11 =	sadd.s32 $0x200, s11  }
0x28: {  	[tilespmem:s10+$0x14870] =	vst v0  }
0x29: {  	[tilespmem:s10+$0x14800] =	vst v0  }
0x2a: {  	[tilespmem:s10+$0x14810] =	vst v0  }
0x2b: {  	[tilespmem:s10+$0x14820] =	vst v0  }
0x2c: {  	[tilespmem:s10+$0x14830] =	vst v0  }
0x2d: {  	[tilespmem:s10+$0x14840] =	vst v0  }
0x2e: {  	[dreg:$0x17] =	wrdreg s9;
	[tilespmem:s10+$0x14850] =	vst v0  }
0x2f: {  	[tilespmem:s10+$0x14860] =	vst v0;
	s5 =	rddreg [dreg:$0x10]  }
0x30: {  	[spmem:s5] =	stream.linear.scatter [tilespmem:s12], [sflag:$0x5], $0x4000, $0x38;
	[tilespmem:$0x1C800] =	vst v63  }
0x31: {  	_ =	swait.ge [sflag:s13], $0x4000  }
0x32: {  	[sflag:s13] =	ssyncset.done $0x0  }
0x33: {  	s10 =	rddreg [dreg:$0x11];
	[sflag:s13] =	ssyncadd.s32 $0xFFFFC000  }
0x34: {  	[spmem:s10] =	stream.linear.scatter [tilespmem:s12], [sflag:$0x5], $0x4000, $0x38;
	[tilespmem:$0x1C800] =	vst v63  }
0x35: {  	_ =	swait.ge [sflag:s13], $0x4000  }
0x36: {  	[sflag:s13] =	ssyncset.done $0x0  }
0x37: {  	s11 =	rddreg [dreg:$0x12];
	[sflag:s13] =	ssyncadd.s32 $0xFFFFC000  }
0x38: {  	[spmem:s11] =	stream.linear.scatter [tilespmem:s12], [sflag:$0x5], $0x4000, $0x38;
	[tilespmem:$0x1C800] =	vst v63  }
0x39: {  	_ =	swait.ge [sflag:s13], $0x4000  }
0x3a: {  	[sflag:s13] =	ssyncset.done $0x0  }
0x3b: {  	s9 =	rddreg [dreg:$0x13];
	[sflag:s13] =	ssyncadd.s32 $0xFFFFC000  }
0x3c: {  	[spmem:s9] =	stream.linear.scatter [tilespmem:s12], [sflag:$0x5], $0x4000, $0x38;
	[tilespmem:$0x1C800] =	vst v63  }
0x3d: {  	_ =	swait.ge [sflag:s13], $0x4000  }
0x3e: {  	[sflag:s13] =	ssyncset.done $0x0  }
0x3f: {  	s10 =	rddreg [dreg:$0x14];
	[sflag:s13] =	ssyncadd.s32 $0xFFFFC000  }
0x40: {  	[spmem:s10] =	stream.linear.scatter [tilespmem:s12], [sflag:$0x5], $0x4000, $0x38;
	[tilespmem:$0x1C800] =	vst v63  }
0x41: {  	_ =	swait.ge [sflag:s13], $0x4000  }
0x42: {  	[sflag:s13] =	ssyncset.done $0x0  }
0x43: {  	[sflag:s13] =	ssyncadd.s32 $0xFFFFC000  }
0x44: {  	[bflag:$0x0] =	sbarrier.arrive $0xFFFF  }
0x45: {  	s11 =	rddreg [dreg:$0x4]  }
0x46: {  	s5 =	sadd.s32 $0x0, s11  }
0x47: {  	[tilespmem:s14], [sflag:$0x5] =	stream.linear.gather [hbm4b:s5+s3], $0x400, $0x38;
	[tilespmem:$0x1C800] =	vst v63  }
0x48: {  	_ =	swait.ge [sflag:s13], $0x400  }
0x49: {  	s9 =	rddreg [dreg:$0x3];
	[sflag:s13] =	ssyncset.done $0x0  }
0x4a: {  	[sflag:s13] =	ssyncadd.s32 $0xFFFFFC00;
	s5 =	sadd.s32 $0x0, s9  }
0x4b: {  	[tilespmem:s15], [sflag:$0x5] =	stream.linear.gather [hbm4b:s5+s3], $0x400, $0x38;
	[tilespmem:$0x1C800] =	vst v63  }
0x4c: {  	_ =	swait.ge [sflag:s13], $0x400  }
0x4d: {  	[sflag:s13] =	ssyncset.done $0x0  }
0x4e: {  	[sflag:s13] =	ssyncadd.s32 $0xFFFFFC00  }
0x4f: {  	[tilespmem:s12], [sflag:$0x1] =	stream.indirect.gather [hbm4b:s4+s16], $0x80, s14, s16, $0xb8;
	[tilespmem:$0x1C800] =	vst v63  }
0x50: {  	s10 =	rddreg [dreg:$0x5]  }
0x51: {  	[tilespmem:s17], [sflag:$0x2] =	stream.indirect.gather [hbm4b:s4+s16], $0x80, s10, s16, $0xb8;
	[tilespmem:$0x1C800] =	vst v63  }
0x52: {  	s11 =	rddreg [dreg:$0x6]  }
0x53: {  	[tilespmem:s18], [sflag:$0x3] =	stream.indirect.gather [hbm4b:s4+s16], $0x80, s11, s16, $0xb8;
	[tilespmem:$0x1C800] =	vst v63  }
0x54: {  	s9 =	rddreg [dreg:$0x7]  }
0x55: {  	[tilespmem:s19], [sflag:$0x4] =	stream.indirect.gather [hbm4b:s4+s16], $0x80, s9, s16, $0xb8;
	[tilespmem:$0x1C800] =	vst v63  }
0x56: {  	_ =	swait.ge [sflag:s20], $0x2000  }
0x57: {  	[sflag:s20] =	ssyncset.done $0x0  }
0x58: {  	[sflag:s20] =	ssyncadd.s32 $0xFFFFE000  }
0x59: {  	_ =	swait.ge [sflag:s21], $0x2000  }
0x5a: {  	[sflag:s21] =	ssyncset.done $0x0  }
0x5b: {  	[sflag:s21] =	ssyncadd.s32 $0xFFFFE000  }
0x5c: {  	[spmem:s1] =	stream.indirect.scatter.add.f32 [tilespmem:s12], [sflag:$0x5], $0x80, s15, s22, $0xb8;
	[tilespmem:$0x1C800] =	vst v63  }
0x5d: {  	_ =	swait.ge [sflag:s13], $0x4000  }
0x5e: {  	[sflag:s13] =	ssyncset.done $0x0  }
0x5f: {  	s10 =	rddreg [dreg:$0x8];
	[sflag:s13] =	ssyncadd.s32 $0xFFFFC000  }
0x60: {  	[tilespmem:s12], [sflag:$0x1] =	stream.indirect.gather [hbm4b:s4+s16], $0x80, s10, s16, $0xb8;
	[tilespmem:$0x1C800] =	vst v63  }
0x61: {  	s11 =	rddreg [dreg:$0x9]  }
0x62: {  	[tilespmem:s17], [sflag:$0x2] =	stream.indirect.gather [hbm4b:s4+s16], $0x80, s11, s16, $0xb8;
	[tilespmem:$0x1C800] =	vst v63  }
0x63: {  	_ =	swait.ge [sflag:s23], $0x2000  }
0x64: {  	[sflag:s23] =	ssyncset.done $0x0  }
0x65: {  	[sflag:s23] =	ssyncadd.s32 $0xFFFFE000  }
0x66: {  	_ =	swait.ge [sflag:s24], $0x2000  }
0x67: {  	[sflag:s24] =	ssyncset.done $0x0  }
0x68: {  	s9 =	rddreg [dreg:$0xa];
	[sflag:s24] =	ssyncadd.s32 $0xFFFFE000  }
0x69: {  	[spmem:s1] =	stream.indirect.scatter.add.f32 [tilespmem:s18], [sflag:$0x5], $0x80, s9, s22, $0xb8;
	[tilespmem:$0x1C800] =	vst v63  }
0x6a: {  	_ =	swait.ge [sflag:s13], $0x4000  }
0x6b: {  	[sflag:s13] =	ssyncset.done $0x0  }
0x6c: {  	s10 =	rddreg [dreg:$0xb];
	[sflag:s13] =	ssyncadd.s32 $0xFFFFC000  }
0x6d: {  	[tilespmem:s18], [sflag:$0x3] =	stream.indirect.gather [hbm4b:s4+s16], $0x80, s10, s16, $0xb8;
	[tilespmem:$0x1C800] =	vst v63  }
0x6e: {  	s11 =	rddreg [dreg:$0xc]  }
0x6f: {  	[tilespmem:s19], [sflag:$0x4] =	stream.indirect.gather [hbm4b:s4+s16], $0x80, s11, s16, $0xb8;
	[tilespmem:$0x1C800] =	vst v63  }
0x70: {  	_ =	swait.ge [sflag:s20], $0x2000  }
0x71: {  	[sflag:s20] =	ssyncset.done $0x0  }
0x72: {  	[sflag:s20] =	ssyncadd.s32 $0xFFFFE000  }
0x73: {  	_ =	swait.ge [sflag:s21], $0x2000  }
0x74: {  	[sflag:s21] =	ssyncset.done $0x0  }
0x75: {  	s9 =	rddreg [dreg:$0xd];
	[sflag:s21] =	ssyncadd.s32 $0xFFFFE000  }
0x76: {  	[spmem:s1] =	stream.indirect.scatter.add.f32 [tilespmem:s12], [sflag:$0x5], $0x80, s9, s22, $0xb8;
	[tilespmem:$0x1C800] =	vst v63  }
0x77: {  	_ =	swait.ge [sflag:s13], $0x4000  }
0x78: {  	[sflag:s13] =	ssyncset.done $0x0  }
0x79: {  	s10 =	rddreg [dreg:$0xe];
	[sflag:s13] =	ssyncadd.s32 $0xFFFFC000  }
0x7a: {  	[tilespmem:s12], [sflag:$0x1] =	stream.indirect.gather [hbm4b:s4+s16], $0x80, s10, s16, $0xb8;
	[tilespmem:$0x1C800] =	vst v63  }
0x7b: {  	s11 =	rddreg [dreg:$0xf]  }
0x7c: {  	[tilespmem:s17], [sflag:$0x2] =	stream.indirect.gather [hbm4b:s4+s16], $0x80, s11, s16, $0xb8;
	[tilespmem:$0x1C800] =	vst v63  }
0x7d: {  	_ =	swait.ge [sflag:s23], $0x2000  }
0x7e: {  	[sflag:s23] =	ssyncset.done $0x0  }
0x7f: {  	[sflag:s23] =	ssyncadd.s32 $0xFFFFE000  }
0x80: {  	_ =	swait.ge [sflag:s24], $0x2000  }
0x81: {  	[sflag:s24] =	ssyncset.done $0x0  }
0x82: {  	[sflag:s24] =	ssyncadd.s32 $0xFFFFE000  }
0x83: {  	[spmem:s1] =	stream.indirect.scatter.add.f32 [tilespmem:s18], [sflag:$0x5], $0x80, s25, s22, $0xb8;
	[tilespmem:$0x1C800] =	vst v63  }
0x84: {  	_ =	swait.ge [sflag:s13], $0x4000  }
0x85: {  	[sflag:s13] =	ssyncset.done $0x0  }
0x86: {  	[sflag:s13] =	ssyncadd.s32 $0xFFFFC000  }
0x87: {  	[tilespmem:s18], [sflag:$0x3] =	stream.indirect.gather [hbm4b:s4+s16], $0x80, s26, s16, $0xb8;
	[tilespmem:$0x1C800] =	vst v63  }
0x88: {  	_ = 	snop  }
0x89: {  	[tilespmem:s19], [sflag:$0x4] =	stream.indirect.gather [hbm4b:s4+s16], $0x80, s28, s16, $0xb8;
	[tilespmem:$0x1C800] =	vst v63  }
0x8a: {  	_ =	swait.ge [sflag:s20], $0x2000  }
0x8b: {  	[sflag:s20] =	ssyncset.done $0x0  }
0x8c: {  	[sflag:s20] =	ssyncadd.s32 $0xFFFFE000  }
0x8d: {  	_ =	swait.ge [sflag:s21], $0x2000  }
0x8e: {  	[sflag:s21] =	ssyncset.done $0x0  }
0x8f: {  	[sflag:s21] =	ssyncadd.s32 $0xFFFFE000  }
0x90: {  	[spmem:s1] =	stream.indirect.scatter.add.f32 [tilespmem:s12], [sflag:$0x5], $0x80, s29, s22, $0xb8;
	[tilespmem:$0x1C800] =	vst v63  }
0x91: {  	_ =	swait.ge [sflag:s13], $0x4000  }
0x92: {  	[sflag:s13] =	ssyncset.done $0x0  }
0x93: {  	[sflag:s13] =	ssyncadd.s32 $0xFFFFC000  }
0x94: {  	[tilespmem:s12], [sflag:$0x1] =	stream.indirect.gather [hbm4b:s4+s16], $0x80, s30, s16, $0xb8;
	[tilespmem:$0x1C800] =	vst v63  }
0x95: {  	_ = 	snop  }
0x96: {  	[tilespmem:s17], [sflag:$0x2] =	stream.indirect.gather [hbm4b:s4+s16], $0x80, s31, s16, $0xb8;
	[tilespmem:$0x1C800] =	vst v63  }
0x97: {  	_ =	swait.ge [sflag:s23], $0x2000  }
0x98: {  	[sflag:s23] =	ssyncset.done $0x0  }
0x99: {  	[sflag:s23] =	ssyncadd.s32 $0xFFFFE000  }
0x9a: {  	_ =	swait.ge [sflag:s24], $0x2000  }
0x9b: {  	[sflag:s24] =	ssyncset.done $0x0  }
0x9c: {  	[sflag:s24] =	ssyncadd.s32 $0xFFFFE000  }
0x9d: {  	[spmem:s1] =	stream.indirect.scatter.add.f32 [tilespmem:s18], [sflag:$0x5], $0x80, s0, s22, $0xb8;
	[tilespmem:$0x1C800] =	vst v63  }
0x9e: {  	_ =	swait.ge [sflag:s13], $0x4000  }
0x9f: {  	[sflag:s13] =	ssyncset.done $0x0  }
0xa0: {  	[sflag:s13] =	ssyncadd.s32 $0xFFFFC000  }
0xa1: {  	[tilespmem:s18], [sflag:$0x3] =	stream.indirect.gather [hbm4b:s4+s16], $0x80, s2, s16, $0xb8;
	[tilespmem:$0x1C800] =	vst v63  }
0xa2: {  	_ = 	snop  }
0xa3: {  	[tilespmem:s19], [sflag:$0x4] =	stream.indirect.gather [hbm4b:s4+s16], $0x80, s6, s16, $0xb8;
	[tilespmem:$0x1C800] =	vst v63  }
0xa4: {  	_ =	swait.ge [sflag:s20], $0x2000  }
0xa5: {  	[sflag:s20] =	ssyncset.done $0x0  }
0xa6: {  	[sflag:s20] =	ssyncadd.s32 $0xFFFFE000  }
0xa7: {  	_ =	swait.ge [sflag:s21], $0x2000  }
0xa8: {  	[sflag:s21] =	ssyncset.done $0x0  }
0xa9: {  	[sflag:s21] =	ssyncadd.s32 $0xFFFFE000  }
0xaa: {  	[spmem:s1] =	stream.indirect.scatter.add.f32 [tilespmem:s12], [sflag:$0x5], $0x80, s7, s22, $0xb8;
	[tilespmem:$0x1C800] =	vst v63  }
0xab: {  	_ =	swait.ge [sflag:s13], $0x4000  }
0xac: {  	[sflag:s13] =	ssyncset.done $0x0  }
0xad: {  	[sflag:s13] =	ssyncadd.s32 $0xFFFFC000  }
0xae: {  	_ =	swait.ge [sflag:s23], $0x2000  }
0xaf: {  	[sflag:s23] =	ssyncset.done $0x0  }
0xb0: {  	[sflag:s23] =	ssyncadd.s32 $0xFFFFE000  }
0xb1: {  	_ =	swait.ge [sflag:s24], $0x2000  }
0xb2: {  	[sflag:s24] =	ssyncset.done $0x0  }
0xb3: {  	[sflag:s24] =	ssyncadd.s32 $0xFFFFE000  }
0xb4: {  	[spmem:s1] =	stream.indirect.scatter.add.f32 [tilespmem:s18], [sflag:$0x5], $0x80, s8, s22, $0xb8;
	[tilespmem:$0x1C800] =	vst v63  }
0xb5: {  	s10 =	simm.s32 $0x80;
	_ =	swait.ge [sflag:s13], $0x4000  }
0xb6: {  	s11 =	simm.s32 $0x100;
	s5 =	rddreg [dreg:$0x4];
	[sflag:s13] =	ssyncset.done $0x0  }
.LBB2_4:
0xb7: {  	[sflag:s13] =	ssyncadd.s32 $0xFFFFC000;
	s5 =	sadd.s32 s10, s5  }
0xb8: {  	[tilespmem:s14], [sflag:$0x5] =	stream.linear.gather [hbm4b:s5+s3], $0x400, $0x38;
	[tilespmem:$0x1C800] =	vst v63  }
0xb9: {  	_ =	swait.ge [sflag:s13], $0x400  }
0xba: {  	s5 =	rddreg [dreg:$0x3];
	[sflag:s13] =	ssyncset.done $0x0  }
0xbb: {  	[sflag:s13] =	ssyncadd.s32 $0xFFFFFC00;
	s5 =	sadd.s32 s10, s5  }
0xbc: {  	[tilespmem:s15], [sflag:$0x5] =	stream.linear.gather [hbm4b:s5+s3], $0x400, $0x38;
	[tilespmem:$0x1C800] =	vst v63  }
0xbd: {  	_ =	swait.ge [sflag:s13], $0x400  }
0xbe: {  	[sflag:s13] =	ssyncset.done $0x0  }
0xbf: {  	[sflag:s13] =	ssyncadd.s32 $0xFFFFFC00  }
0xc0: {  	[tilespmem:s12], [sflag:$0x1] =	stream.indirect.gather [hbm4b:s4+s16], $0x80, s14, s16, $0xb8;
	[tilespmem:$0x1C800] =	vst v63  }
0xc1: {  	s9 =	smov.u32 s11;
	s5 =	rddreg [dreg:$0x5]  }
0xc2: {  	[tilespmem:s17], [sflag:$0x2] =	stream.indirect.gather [hbm4b:s4+s16], $0x80, s5, s16, $0xb8;
	[tilespmem:$0x1C800] =	vst v63  }
0xc3: {  	s10 =	smov.u32 s9;
	s9 =	rddreg [dreg:$0x6]  }
0xc4: {  	[tilespmem:s18], [sflag:$0x3] =	stream.indirect.gather [hbm4b:s4+s16], $0x80, s9, s16, $0xb8;
	[tilespmem:$0x1C800] =	vst v63  }
0xc5: {  	s5 =	rddreg [dreg:$0x7]  }
0xc6: {  	[tilespmem:s19], [sflag:$0x4] =	stream.indirect.gather [hbm4b:s4+s16], $0x80, s5, s16, $0xb8;
	[tilespmem:$0x1C800] =	vst v63  }
0xc7: {  	_ =	swait.ge [sflag:s20], $0x2000  }
0xc8: {  	[sflag:s20] =	ssyncset.done $0x0  }
0xc9: {  	[sflag:s20] =	ssyncadd.s32 $0xFFFFE000  }
0xca: {  	_ =	swait.ge [sflag:s21], $0x2000  }
0xcb: {  	[sflag:s21] =	ssyncset.done $0x0  }
0xcc: {  	[sflag:s21] =	ssyncadd.s32 $0xFFFFE000  }
0xcd: {  	[spmem:s1] =	stream.indirect.scatter.add.f32 [tilespmem:s12], [sflag:$0x5], $0x80, s15, s22, $0xb8;
	[tilespmem:$0x1C800] =	vst v63  }
0xce: {  	_ =	swait.ge [sflag:s13], $0x4000  }
0xcf: {  	[sflag:s13] =	ssyncset.done $0x0  }
0xd0: {  	s5 =	rddreg [dreg:$0x8];
	[sflag:s13] =	ssyncadd.s32 $0xFFFFC000  }
0xd1: {  	[tilespmem:s12], [sflag:$0x1] =	stream.indirect.gather [hbm4b:s4+s16], $0x80, s5, s16, $0xb8;
	[tilespmem:$0x1C800] =	vst v63  }
0xd2: {  	s9 =	rddreg [dreg:$0x9]  }
0xd3: {  	[tilespmem:s17], [sflag:$0x2] =	stream.indirect.gather [hbm4b:s4+s16], $0x80, s9, s16, $0xb8;
	[tilespmem:$0x1C800] =	vst v63  }
0xd4: {  	_ =	swait.ge [sflag:s23], $0x2000  }
0xd5: {  	[sflag:s23] =	ssyncset.done $0x0  }
0xd6: {  	[sflag:s23] =	ssyncadd.s32 $0xFFFFE000  }
0xd7: {  	_ =	swait.ge [sflag:s24], $0x2000  }
0xd8: {  	[sflag:s24] =	ssyncset.done $0x0  }
0xd9: {  	s9 =	rddreg [dreg:$0xa];
	[sflag:s24] =	ssyncadd.s32 $0xFFFFE000  }
0xda: {  	[spmem:s1] =	stream.indirect.scatter.add.f32 [tilespmem:s18], [sflag:$0x5], $0x80, s9, s22, $0xb8;
	[tilespmem:$0x1C800] =	vst v63  }
0xdb: {  	_ =	swait.ge [sflag:s13], $0x4000  }
0xdc: {  	[sflag:s13] =	ssyncset.done $0x0  }
0xdd: {  	s5 =	rddreg [dreg:$0xb];
	[sflag:s13] =	ssyncadd.s32 $0xFFFFC000  }
0xde: {  	[tilespmem:s18], [sflag:$0x3] =	stream.indirect.gather [hbm4b:s4+s16], $0x80, s5, s16, $0xb8;
	[tilespmem:$0x1C800] =	vst v63  }
0xdf: {  	s9 =	rddreg [dreg:$0xc]  }
0xe0: {  	[tilespmem:s19], [sflag:$0x4] =	stream.indirect.gather [hbm4b:s4+s16], $0x80, s9, s16, $0xb8;
	[tilespmem:$0x1C800] =	vst v63  }
0xe1: {  	_ =	swait.ge [sflag:s20], $0x2000  }
0xe2: {  	[sflag:s20] =	ssyncset.done $0x0  }
0xe3: {  	[sflag:s20] =	ssyncadd.s32 $0xFFFFE000  }
0xe4: {  	_ =	swait.ge [sflag:s21], $0x2000  }
0xe5: {  	[sflag:s21] =	ssyncset.done $0x0  }
0xe6: {  	s9 =	rddreg [dreg:$0xd];
	[sflag:s21] =	ssyncadd.s32 $0xFFFFE000  }
0xe7: {  	[spmem:s1] =	stream.indirect.scatter.add.f32 [tilespmem:s12], [sflag:$0x5], $0x80, s9, s22, $0xb8;
	[tilespmem:$0x1C800] =	vst v63  }
0xe8: {  	_ =	swait.ge [sflag:s13], $0x4000  }
0xe9: {  	[sflag:s13] =	ssyncset.done $0x0  }
0xea: {  	s5 =	rddreg [dreg:$0xe];
	[sflag:s13] =	ssyncadd.s32 $0xFFFFC000  }
0xeb: {  	[tilespmem:s12], [sflag:$0x1] =	stream.indirect.gather [hbm4b:s4+s16], $0x80, s5, s16, $0xb8;
	[tilespmem:$0x1C800] =	vst v63  }
0xec: {  	s9 =	rddreg [dreg:$0xf]  }
0xed: {  	[tilespmem:s17], [sflag:$0x2] =	stream.indirect.gather [hbm4b:s4+s16], $0x80, s9, s16, $0xb8;
	[tilespmem:$0x1C800] =	vst v63  }
0xee: {  	_ =	swait.ge [sflag:s23], $0x2000  }
0xef: {  	[sflag:s23] =	ssyncset.done $0x0  }
0xf0: {  	[sflag:s23] =	ssyncadd.s32 $0xFFFFE000  }
0xf1: {  	_ =	swait.ge [sflag:s24], $0x2000  }
0xf2: {  	[sflag:s24] =	ssyncset.done $0x0  }
0xf3: {  	[sflag:s24] =	ssyncadd.s32 $0xFFFFE000  }
0xf4: {  	[spmem:s1] =	stream.indirect.scatter.add.f32 [tilespmem:s18], [sflag:$0x5], $0x80, s25, s22, $0xb8;
	[tilespmem:$0x1C800] =	vst v63  }
0xf5: {  	_ =	swait.ge [sflag:s13], $0x4000  }
0xf6: {  	[sflag:s13] =	ssyncset.done $0x0  }
0xf7: {  	[sflag:s13] =	ssyncadd.s32 $0xFFFFC000  }
0xf8: {  	[tilespmem:s18], [sflag:$0x3] =	stream.indirect.gather [hbm4b:s4+s16], $0x80, s26, s16, $0xb8;
	[tilespmem:$0x1C800] =	vst v63  }
0xf9: {  	_ = 	snop  }
0xfa: {  	[tilespmem:s19], [sflag:$0x4] =	stream.indirect.gather [hbm4b:s4+s16], $0x80, s28, s16, $0xb8;
	[tilespmem:$0x1C800] =	vst v63  }
0xfb: {  	_ =	swait.ge [sflag:s20], $0x2000  }
0xfc: {  	[sflag:s20] =	ssyncset.done $0x0  }
0xfd: {  	[sflag:s20] =	ssyncadd.s32 $0xFFFFE000  }
0xfe: {  	_ =	swait.ge [sflag:s21], $0x2000  }
0xff: {  	[sflag:s21] =	ssyncset.done $0x0  }
0x100: {  	[sflag:s21] =	ssyncadd.s32 $0xFFFFE000  }
0x101: {  	[spmem:s1] =	stream.indirect.scatter.add.f32 [tilespmem:s12], [sflag:$0x5], $0x80, s29, s22, $0xb8;
	[tilespmem:$0x1C800] =	vst v63  }
0x102: {  	_ =	swait.ge [sflag:s13], $0x4000  }
0x103: {  	[sflag:s13] =	ssyncset.done $0x0  }
0x104: {  	[sflag:s13] =	ssyncadd.s32 $0xFFFFC000  }
0x105: {  	[tilespmem:s12], [sflag:$0x1] =	stream.indirect.gather [hbm4b:s4+s16], $0x80, s30, s16, $0xb8;
	[tilespmem:$0x1C800] =	vst v63  }
0x106: {  	_ = 	snop  }
0x107: {  	[tilespmem:s17], [sflag:$0x2] =	stream.indirect.gather [hbm4b:s4+s16], $0x80, s31, s16, $0xb8;
	[tilespmem:$0x1C800] =	vst v63  }
0x108: {  	_ =	swait.ge [sflag:s23], $0x2000  }
0x109: {  	[sflag:s23] =	ssyncset.done $0x0  }
0x10a: {  	[sflag:s23] =	ssyncadd.s32 $0xFFFFE000  }
0x10b: {  	_ =	swait.ge [sflag:s24], $0x2000  }
0x10c: {  	[sflag:s24] =	ssyncset.done $0x0  }
0x10d: {  	[sflag:s24] =	ssyncadd.s32 $0xFFFFE000  }
0x10e: {  	[spmem:s1] =	stream.indirect.scatter.add.f32 [tilespmem:s18], [sflag:$0x5], $0x80, s0, s22, $0xb8;
	[tilespmem:$0x1C800] =	vst v63  }
0x10f: {  	_ =	swait.ge [sflag:s13], $0x4000  }
0x110: {  	[sflag:s13] =	ssyncset.done $0x0  }
0x111: {  	[sflag:s13] =	ssyncadd.s32 $0xFFFFC000  }
0x112: {  	[tilespmem:s18], [sflag:$0x3] =	stream.indirect.gather [hbm4b:s4+s16], $0x80, s2, s16, $0xb8;
	[tilespmem:$0x1C800] =	vst v63  }
0x113: {  	_ = 	snop  }
0x114: {  	[tilespmem:s19], [sflag:$0x4] =	stream.indirect.gather [hbm4b:s4+s16], $0x80, s6, s16, $0xb8;
	[tilespmem:$0x1C800] =	vst v63  }
0x115: {  	_ =	swait.ge [sflag:s20], $0x2000  }
0x116: {  	[sflag:s20] =	ssyncset.done $0x0  }
0x117: {  	[sflag:s20] =	ssyncadd.s32 $0xFFFFE000  }
0x118: {  	_ =	swait.ge [sflag:s21], $0x2000  }
0x119: {  	[sflag:s21] =	ssyncset.done $0x0  }
0x11a: {  	[sflag:s21] =	ssyncadd.s32 $0xFFFFE000  }
0x11b: {  	[spmem:s1] =	stream.indirect.scatter.add.f32 [tilespmem:s12], [sflag:$0x5], $0x80, s7, s22, $0xb8;
	[tilespmem:$0x1C800] =	vst v63  }
0x11c: {  	_ =	swait.ge [sflag:s13], $0x4000  }
0x11d: {  	[sflag:s13] =	ssyncset.done $0x0  }
0x11e: {  	[sflag:s13] =	ssyncadd.s32 $0xFFFFC000  }
0x11f: {  	_ =	swait.ge [sflag:s23], $0x2000  }
0x120: {  	[sflag:s23] =	ssyncset.done $0x0  }
0x121: {  	[sflag:s23] =	ssyncadd.s32 $0xFFFFE000  }
0x122: {  	p0 =	sne.s32 s11, $0x480;
	_ =	swait.ge [sflag:s24], $0x2000  }
.Ltmp1:
0x123: {  	[sflag:s24] =	ssyncset.done $0x0;
	(pc) =	sbr.rel @p0 .LBB2_4-.Ltmp1, $4  }
0x124: {  	[sflag:s24] =	ssyncadd.s32 $0xFFFFE000  }
0x125: {  	[spmem:s1] =	stream.indirect.scatter.add.f32 [tilespmem:s18], [sflag:$0x5], $0x80, s8, s22, $0xb8;
	[tilespmem:$0x1C800] =	vst v63  }
0x126: {  	_ =	swait.ge [sflag:s13], $0x4000  }
0x127: {  	s11 =	sadd.s32 $0x80, s11;
	s5 =	rddreg [dreg:$0x4];
	[sflag:s13] =	ssyncset.done $0x0  }
0x128: {  	[sflag:s13] =	ssyncadd.s32 $0xFFFFC000;
	s5 =	sadd.s32 s10, s5  }
0x129: {  	[tilespmem:s14], [sflag:$0x5] =	stream.linear.gather [hbm4b:s5+s3], $0x400, $0x38;
	[tilespmem:$0x1C800] =	vst v63  }
0x12a: {  	_ =	swait.ge [sflag:s13], $0x400  }
0x12b: {  	s9 =	rddreg [dreg:$0x3];
	[sflag:s13] =	ssyncset.done $0x0  }
0x12c: {  	[sflag:s13] =	ssyncadd.s32 $0xFFFFFC00;
	s5 =	sadd.s32 s10, s9  }
0x12d: {  	[tilespmem:s15], [sflag:$0x5] =	stream.linear.gather [hbm4b:s5+s3], $0x400, $0x38;
	[tilespmem:$0x1C800] =	vst v63  }
0x12e: {  	_ =	swait.ge [sflag:s13], $0x400  }
0x12f: {  	[sflag:s13] =	ssyncset.done $0x0  }
0x130: {  	[sflag:s13] =	ssyncadd.s32 $0xFFFFFC00  }
0x131: {  	[tilespmem:s12], [sflag:$0x1] =	stream.indirect.gather [hbm4b:s4+s16], $0x80, s14, s16, $0xb8;
	[tilespmem:$0x1C800] =	vst v63  }
0x132: {  	s10 =	rddreg [dreg:$0x5]  }
0x133: {  	[tilespmem:s17], [sflag:$0x2] =	stream.indirect.gather [hbm4b:s4+s16], $0x80, s10, s16, $0xb8;
	[tilespmem:$0x1C800] =	vst v63  }
0x134: {  	s9 =	rddreg [dreg:$0x6]  }
0x135: {  	[tilespmem:s18], [sflag:$0x3] =	stream.indirect.gather [hbm4b:s4+s16], $0x80, s9, s16, $0xb8;
	[tilespmem:$0x1C800] =	vst v63  }
0x136: {  	s11 =	rddreg [dreg:$0x7]  }
0x137: {  	[tilespmem:s19], [sflag:$0x4] =	stream.indirect.gather [hbm4b:s4+s16], $0x80, s11, s16, $0xb8;
	[tilespmem:$0x1C800] =	vst v63  }
0x138: {  	_ =	swait.ge [sflag:s20], $0x2000  }
0x139: {  	[sflag:s20] =	ssyncset.done $0x0  }
0x13a: {  	[sflag:s20] =	ssyncadd.s32 $0xFFFFE000  }
0x13b: {  	_ =	swait.ge [sflag:s21], $0x2000  }
0x13c: {  	[sflag:s21] =	ssyncset.done $0x0  }
0x13d: {  	[sflag:s21] =	ssyncadd.s32 $0xFFFFE000  }
0x13e: {  	[spmem:s1] =	stream.indirect.scatter.add.f32 [tilespmem:s12], [sflag:$0x5], $0x80, s15, s22, $0xb8;
	[tilespmem:$0x1C800] =	vst v63  }
0x13f: {  	_ =	swait.ge [sflag:s13], $0x4000  }
0x140: {  	[sflag:s13] =	ssyncset.done $0x0  }
0x141: {  	s10 =	rddreg [dreg:$0x8];
	[sflag:s13] =	ssyncadd.s32 $0xFFFFC000  }
0x142: {  	[tilespmem:s12], [sflag:$0x1] =	stream.indirect.gather [hbm4b:s4+s16], $0x80, s10, s16, $0xb8;
	[tilespmem:$0x1C800] =	vst v63  }
0x143: {  	s11 =	rddreg [dreg:$0x9]  }
0x144: {  	[tilespmem:s17], [sflag:$0x2] =	stream.indirect.gather [hbm4b:s4+s16], $0x80, s11, s16, $0xb8;
	[tilespmem:$0x1C800] =	vst v63  }
0x145: {  	_ =	swait.ge [sflag:s23], $0x2000  }
0x146: {  	[sflag:s23] =	ssyncset.done $0x0  }
0x147: {  	[sflag:s23] =	ssyncadd.s32 $0xFFFFE000  }
0x148: {  	_ =	swait.ge [sflag:s24], $0x2000  }
0x149: {  	[sflag:s24] =	ssyncset.done $0x0  }
0x14a: {  	s9 =	rddreg [dreg:$0xa];
	[sflag:s24] =	ssyncadd.s32 $0xFFFFE000  }
0x14b: {  	[spmem:s1] =	stream.indirect.scatter.add.f32 [tilespmem:s18], [sflag:$0x5], $0x80, s9, s22, $0xb8;
	[tilespmem:$0x1C800] =	vst v63  }
0x14c: {  	_ =	swait.ge [sflag:s13], $0x4000  }
0x14d: {  	[sflag:s13] =	ssyncset.done $0x0  }
0x14e: {  	s10 =	rddreg [dreg:$0xb];
	[sflag:s13] =	ssyncadd.s32 $0xFFFFC000  }
0x14f: {  	[tilespmem:s18], [sflag:$0x3] =	stream.indirect.gather [hbm4b:s4+s16], $0x80, s10, s16, $0xb8;
	[tilespmem:$0x1C800] =	vst v63  }
0x150: {  	s11 =	rddreg [dreg:$0xc]  }
0x151: {  	[tilespmem:s19], [sflag:$0x4] =	stream.indirect.gather [hbm4b:s4+s16], $0x80, s11, s16, $0xb8;
	[tilespmem:$0x1C800] =	vst v63  }
0x152: {  	_ =	swait.ge [sflag:s20], $0x2000  }
0x153: {  	[sflag:s20] =	ssyncset.done $0x0  }
0x154: {  	[sflag:s20] =	ssyncadd.s32 $0xFFFFE000  }
0x155: {  	_ =	swait.ge [sflag:s21], $0x2000  }
0x156: {  	[sflag:s21] =	ssyncset.done $0x0  }
0x157: {  	s9 =	rddreg [dreg:$0xd];
	[sflag:s21] =	ssyncadd.s32 $0xFFFFE000  }
0x158: {  	[spmem:s1] =	stream.indirect.scatter.add.f32 [tilespmem:s12], [sflag:$0x5], $0x80, s9, s22, $0xb8;
	[tilespmem:$0x1C800] =	vst v63  }
0x159: {  	_ =	swait.ge [sflag:s13], $0x4000  }
0x15a: {  	[sflag:s13] =	ssyncset.done $0x0  }
0x15b: {  	s10 =	rddreg [dreg:$0xe];
	[sflag:s13] =	ssyncadd.s32 $0xFFFFC000  }
0x15c: {  	[tilespmem:s12], [sflag:$0x1] =	stream.indirect.gather [hbm4b:s4+s16], $0x80, s10, s16, $0xb8;
	[tilespmem:$0x1C800] =	vst v63  }
0x15d: {  	s11 =	rddreg [dreg:$0xf]  }
0x15e: {  	[tilespmem:s17], [sflag:$0x2] =	stream.indirect.gather [hbm4b:s4+s16], $0x80, s11, s16, $0xb8;
	[tilespmem:$0x1C800] =	vst v63  }
0x15f: {  	_ =	swait.ge [sflag:s23], $0x2000  }
0x160: {  	[sflag:s23] =	ssyncset.done $0x0  }
0x161: {  	[sflag:s23] =	ssyncadd.s32 $0xFFFFE000  }
0x162: {  	_ =	swait.ge [sflag:s24], $0x2000  }
0x163: {  	[sflag:s24] =	ssyncset.done $0x0  }
0x164: {  	[sflag:s24] =	ssyncadd.s32 $0xFFFFE000  }
0x165: {  	[spmem:s1] =	stream.indirect.scatter.add.f32 [tilespmem:s18], [sflag:$0x5], $0x80, s25, s22, $0xb8;
	[tilespmem:$0x1C800] =	vst v63  }
0x166: {  	_ =	swait.ge [sflag:s13], $0x4000  }
0x167: {  	[sflag:s13] =	ssyncset.done $0x0  }
0x168: {  	[sflag:s13] =	ssyncadd.s32 $0xFFFFC000  }
0x169: {  	[tilespmem:s18], [sflag:$0x3] =	stream.indirect.gather [hbm4b:s4+s16], $0x80, s26, s16, $0xb8;
	[tilespmem:$0x1C800] =	vst v63  }
0x16a: {  	_ = 	snop  }
0x16b: {  	[tilespmem:s19], [sflag:$0x4] =	stream.indirect.gather [hbm4b:s4+s16], $0x80, s28, s16, $0xb8;
	[tilespmem:$0x1C800] =	vst v63  }
0x16c: {  	_ =	swait.ge [sflag:s20], $0x2000  }
0x16d: {  	[sflag:s20] =	ssyncset.done $0x0  }
0x16e: {  	[sflag:s20] =	ssyncadd.s32 $0xFFFFE000  }
0x16f: {  	_ =	swait.ge [sflag:s21], $0x2000  }
0x170: {  	[sflag:s21] =	ssyncset.done $0x0  }
0x171: {  	[sflag:s21] =	ssyncadd.s32 $0xFFFFE000  }
0x172: {  	[spmem:s1] =	stream.indirect.scatter.add.f32 [tilespmem:s12], [sflag:$0x5], $0x80, s29, s22, $0xb8;
	[tilespmem:$0x1C800] =	vst v63  }
0x173: {  	_ =	swait.ge [sflag:s13], $0x4000  }
0x174: {  	[sflag:s13] =	ssyncset.done $0x0  }
0x175: {  	[sflag:s13] =	ssyncadd.s32 $0xFFFFC000  }
0x176: {  	[tilespmem:s12], [sflag:$0x1] =	stream.indirect.gather [hbm4b:s4+s16], $0x80, s30, s16, $0xb8;
	[tilespmem:$0x1C800] =	vst v63  }
0x177: {  	_ = 	snop  }
0x178: {  	[tilespmem:s17], [sflag:$0x2] =	stream.indirect.gather [hbm4b:s4+s16], $0x80, s31, s16, $0xb8;
	[tilespmem:$0x1C800] =	vst v63  }
0x179: {  	_ =	swait.ge [sflag:s23], $0x2000  }
0x17a: {  	[sflag:s23] =	ssyncset.done $0x0  }
0x17b: {  	[sflag:s23] =	ssyncadd.s32 $0xFFFFE000  }
0x17c: {  	_ =	swait.ge [sflag:s24], $0x2000  }
0x17d: {  	[sflag:s24] =	ssyncset.done $0x0  }
0x17e: {  	[sflag:s24] =	ssyncadd.s32 $0xFFFFE000  }
0x17f: {  	[spmem:s1] =	stream.indirect.scatter.add.f32 [tilespmem:s18], [sflag:$0x5], $0x80, s0, s22, $0xb8;
	[tilespmem:$0x1C800] =	vst v63  }
0x180: {  	_ =	swait.ge [sflag:s13], $0x4000  }
0x181: {  	[sflag:s13] =	ssyncset.done $0x0  }
0x182: {  	[sflag:s13] =	ssyncadd.s32 $0xFFFFC000  }
0x183: {  	[tilespmem:s18], [sflag:$0x3] =	stream.indirect.gather [hbm4b:s4+s16], $0x80, s2, s16, $0xb8;
	[tilespmem:$0x1C800] =	vst v63  }
0x184: {  	_ = 	snop  }
0x185: {  	[tilespmem:s19], [sflag:$0x4] =	stream.indirect.gather [hbm4b:s4+s16], $0x80, s6, s16, $0xb8;
	[tilespmem:$0x1C800] =	vst v63  }
0x186: {  	_ =	swait.ge [sflag:s20], $0x2000  }
0x187: {  	[sflag:s20] =	ssyncset.done $0x0  }
0x188: {  	[sflag:s20] =	ssyncadd.s32 $0xFFFFE000  }
0x189: {  	_ =	swait.ge [sflag:s21], $0x2000  }
0x18a: {  	[sflag:s21] =	ssyncset.done $0x0  }
0x18b: {  	[sflag:s21] =	ssyncadd.s32 $0xFFFFE000  }
0x18c: {  	[spmem:s1] =	stream.indirect.scatter.add.f32 [tilespmem:s12], [sflag:$0x5], $0x80, s7, s22, $0xb8;
	[tilespmem:$0x1C800] =	vst v63  }
0x18d: {  	_ =	swait.ge [sflag:s13], $0x4000  }
0x18e: {  	[sflag:s13] =	ssyncset.done $0x0  }
0x18f: {  	[sflag:s13] =	ssyncadd.s32 $0xFFFFC000  }
0x190: {  	_ =	swait.ge [sflag:s23], $0x2000  }
0x191: {  	[sflag:s23] =	ssyncset.done $0x0  }
0x192: {  	[sflag:s23] =	ssyncadd.s32 $0xFFFFE000  }
0x193: {  	_ =	swait.ge [sflag:s24], $0x2000  }
0x194: {  	[sflag:s24] =	ssyncset.done $0x0  }
0x195: {  	[sflag:s24] =	ssyncadd.s32 $0xFFFFE000  }
0x196: {  	[spmem:s1] =	stream.indirect.scatter.add.f32 [tilespmem:s18], [sflag:$0x5], $0x80, s8, s22, $0xb8;
	[tilespmem:$0x1C800] =	vst v63  }
0x197: {  	_ =	swait.ge [sflag:s13], $0x4000  }
0x198: {  	[sflag:s13] =	ssyncset.done $0x0  }
0x199: {  	[sflag:s13] =	ssyncadd.s32 $0xFFFFC000  }
0x19a: {  	s9 =	stileid.u32;
	[bflag:$0x0] =	sbarrier.arrive $0xFFFF  }
0x19b: {  	s5 =	sshll.u32 s9, $0x6;
	s10 =	rddreg [dreg:$0x10]  }
0x19c: {  	s5 =	sor.u32 $0x1C05, s5;
	s11 =	rddreg [dreg:$0x15];
	s9 =	sshrl.u32 s10, $0x3  }
0x19d: {  	[hbm:s11], [sflag:s5] =	dma.local [spmem:s9], $0x2800  }
0x19e: {  	_ =	swait.ge [sflag:s13], $0x2800  }
0x19f: {  	s10 =	rddreg [dreg:$0x17]  }
0x1a0: {  	s11 =	rddreg [dreg:$0x16];
	s9 =	sadd.s32 $0x1, s10  }
0x1a1: {  	p0 =	sne.s32 s9, s11  }
.Ltmp2:
0x1a2: {  	_ = 	snop;
	(pc) =	sbr.rel @p0 .LBB2_1-.Ltmp2, $3  }
0x1a3: {  	_ =	sdelay $0x1  }
0x1a4: {  	[sflag:s13] =	ssyncset.done $0x0  }
0x1a5: {  	[sflag:s13] =	ssyncadd.s32 $0xFFFFD800  }
0x1a6: {  	_ =	sfence.sel $0x180000  }
0x1a7: {  	[bflag:$0x0] =	sbarrier.arrive $0xFFFF  }
0x1a8: {  	_ =	strace $0x90000047  }
0x1a9: {  	s0 =	stileid.u32;
	[bflag:$0x2] =	sbarrier.arrive $0xFFFF  }
0x1aa: {  	p0 =	sne.s32 s0, $0x0;
	s0 =	rddreg [dreg:$0x2]  }
0x1ab: {  	s0 =	sadd.s32 @!p0 $0x100000, s0  }
0x1ac: {  	[sflag:s0] =	ssyncadd.tile.s32 @!p0 $0x1;
	_ =	shalt  }
.Lfunc_end2:
_tile_overlayer_lowered:
.L_overlay_start_2:
0x1ad: {  	(tag) =	ssettag $0x2  }
0x1ae: {  	s0 =	rddreg [dreg:$0x0];
	s2 =	stileid.u32  }
0x1af: {  	s1 =	rddreg [dreg:$0x1];
	p0 =	sne.s32 s2, $0x0  }
0x1b0: {  	s3 =	rddreg [dreg:$0x2];
	[bflag:$0x3] =	sbarrier.arrive $0xFFFF;
	s2 =	simm.s32 @!p0 $0x1C05  }
0x1b1: {  	[timem:s3], [sflag:s2] =	dma.local @!p0 [hbm:s0], s1  }
0x1b2: {  	s0 =	simm.s32 @!p0 $0x5  }
0x1b3: {  	_ =	swait.ge @!p0 [sflag:s0], s1  }
0x1b4: {  	s1 =	ssub.s32 @!p0 $0x0, s1;
	[sflag:s0] =	ssyncset.done @!p0 $0x0  }
0x1b5: {  	[sflag:s0] =	ssyncadd.s32 @!p0 s1  }
0x1b6: {  	[bflag:$0x3] =	sbarrier.arrive $0xFFFF  }
0x1b7: {  	_ =	shalt  }

// kernel: kernel.16.cloned.1.call-start
scs
__scs_entry_jumppad:
0x0: {  	(pc) =	sbr.rel $0x88, $3  }
0x1: {  	(tag) =	ssettag $0x0;
	lr =	simm.s32 $0x1  }
0x2: {  	[smem:$0x3F95] =	sst lr;
	_ =	strace $0xD0000000  }
0x3: {  	_ = 	snop  }
0x4: {  	_ = 	snop  }
0x5: {  	_ = 	snop  }
0x6: {  	_ = 	snop  }
0x7: {  	_ = 	snop  }
__scs_overlays_trampoline_lowered:
0x8: {  	[smem:$0x3FA4] =	sst s0  }
0x9: {  	[smem:$0x3FA5] =	sst s1  }
0xa: {  	[smem:$0x3FA6] =	sst s2  }
0xb: {  	[smem:$0x3FA7] =	sst s3  }
0xc: {  	[smem:$0x3FA8] =	sst s4  }
0xd: {  	[smem:$0x3FA9] =	sst s5  }
0xe: {  	[smem:$0x3FAA] =	sst s6  }
0xf: {  	[smem:$0x3FAB] =	sst s7  }
0x10: {  	[smem:$0x3FAC] =	sst s8  }
0x11: {  	[smem:$0x3FAD] =	sst s9;
	s0 =	simm.s32 @!p0 $0x0  }
0x12: {  	s1 =	sld [smem:$0x3F93];
	s0 =	simm.s32 @p0 $0x1  }
0x13: {  	[smem:$0x3FAE] =	sst s0;
	s0 =	simm.s32 @!p1 $0x0  }
0x14: {  	s2 =	sld [smem:$0x3F92];
	s0 =	simm.s32 @p1 $0x1  }
0x15: {  	[smem:$0x3FAF] =	sst s0;
	s0 =	simm.s32 @!p2 $0x0  }
0x16: {  	s3 =	sld [smem:$0x3FDB];
	s0 =	simm.s32 @p2 $0x1  }
0x17: {  	s4 =	simm.s32 $0x1BF5;
	[smem:$0x3FB1] =	sst s0  }
0x18: {  	s0 =	sld [smem:$0x3F94];
	_ =	swait.ge [sflag:s4], $0x0  }
0x19: {  	s7 =	sld [smem:$0x3F95]  }
0x1a: {  	s8 =	sadd.s32 $0xFFFFE003, lr  }
0x1b: {  	s9 =	sadd.s32 $0xFFFFFEF7, lr;
	s5 =	simm.s32 $0xFFFFFFFF;
	p2 =	slt.u32 s8, $0xFFFFF086  }
0x1c: {  	p1 =	slt.u32 s9, $0xF7A;
	s5 =	simm.s32 @!p2 $0x0  }
0x1d: {  	s5 =	simm.s32 @p1 $0x1;
	p0 =	seq.s32 s7, s2  }
0x1e: {  	s7 =	smul.u32 @!p0 $0xF7A, s2;
	p2 =	seq.s32 @!p0 s5, $0x0  }
0x1f: {  	s9 =	smul.u32 $0xF7A, s1;
	s8 =	simm.s32 @!p0 $0x1BF5;
	p2 =	por !p2, p0  }
0x20: {  	[sflag:s8] =	ssyncset.s32 @!p0 $0xFFFFF086;
	s6 =	sadd.s32 @!p0 s3, s7;
	s7 =	simm.s32 @!p0 $0x108  }
0x21: {  	s3 =	sadd.s32 s3, s9;
	s6 =	sadd.s32 @!p0 $0x88, s6;
	s7 =	simm.s32 @p2 $0x1082  }
0x22: {  	[simem:s7], [sflag:s8] =	dma.local @!p0 [hbm:s6], $0xF7A  }
0x23: {  	s9 =	sor.u32 $0xD0000000, s2;
	s6 =	simm.s32 $0x108;
	_ =	swait.ge @!p0 [sflag:s8], $0x0  }
0x24: {  	s3 =	sadd.s32 $0x88, s3;
	s6 =	simm.s32 @!p1 $0x1082;
	[sflag:s4] =	ssyncset.s32 $0xFFFFF086  }
0x25: {  	[simem:s6], [sflag:s4] =	dma.local [hbm:s3], $0xF7A  }
0x26: {  	[smem:$0x3F95] =	sst s1;
	(tag) =	ssettag s2;
	_ =	strace s9  }
0x27: {  	s1 =	sld [smem:$0x3FA5]  }
0x28: {  	s2 =	sld [smem:$0x3FA6]  }
0x29: {  	s4 =	sld [smem:$0x3FA8]  }
0x2a: {  	p0 =	seq.s32 s5, $0x0;
	s5 =	sld [smem:$0x3FA9]  }
0x2b: {  	s6 =	sld [smem:$0x3FAA]  }
0x2c: {  	s7 =	sld [smem:$0x3FAB]  }
0x2d: {  	s3 =	simm.s32 $0x108;
	s8 =	sld [smem:$0x3FAC]  }
0x2e: {  	s3 =	simm.s32 @!p0 $0x1082;
	s9 =	sld [smem:$0x3FAD]  }
0x2f: {  	lr =	sadd.s32 s0, s3;
	s0 =	sld [smem:$0x3FA4]  }
0x30: {  	s3 =	sld [smem:$0x3FA7]  }
0x31: {  	[smem:$0x3FB0] =	sst s10  }
0x32: {  	s10 =	sld [smem:$0x3FAE];
	_ =	sdelay $0x3  }
0x33: {  	p0 =	seq.s32 s10, $0x1;
	s10 =	sld [smem:$0x3FB0];
	_ =	sdelay $0x3  }
0x34: {  	[smem:$0x3FB0] =	sst s10  }
0x35: {  	s10 =	sld [smem:$0x3FAF];
	_ =	sdelay $0x3  }
0x36: {  	p1 =	seq.s32 s10, $0x1;
	s10 =	sld [smem:$0x3FB0];
	_ =	sdelay $0x3  }
0x37: {  	[smem:$0x3FB0] =	sst s10  }
0x38: {  	s10 =	sld [smem:$0x3FB1]  }
0x39: {  	_ = 	snop;
	(pc) =	sbr.ind lr, $3  }
0x3a: {  	_ = 	snop  }
0x3b: {  	_ = 	snop  }
0x3c: {  	p2 =	seq.s32 s10, $0x1;
	s10 =	sld [smem:$0x3FB0]  }
0x3d: {  	_ =	shalt  }
0x3e: {  	_ =	shalt  }
0x3f: {  	_ =	shalt  }
0x40: {  	_ =	shalt  }
0x41: {  	_ =	shalt  }
0x42: {  	_ =	shalt  }
0x43: {  	_ =	shalt  }
0x44: {  	_ =	shalt  }
0x45: {  	_ =	shalt  }
0x46: {  	_ =	shalt  }
0x47: {  	_ =	shalt  }
0x48: {  	_ =	shalt  }
0x49: {  	_ =	shalt  }
0x4a: {  	_ =	shalt  }
0x4b: {  	_ =	shalt  }
0x4c: {  	_ =	shalt  }
0x4d: {  	_ =	shalt  }
0x4e: {  	_ =	shalt  }
0x4f: {  	_ =	shalt  }
0x50: {  	_ =	shalt  }
0x51: {  	_ =	shalt  }
0x52: {  	_ =	shalt  }
0x53: {  	_ =	shalt  }
0x54: {  	_ =	shalt  }
0x55: {  	_ =	shalt  }
0x56: {  	_ =	shalt  }
0x57: {  	_ =	shalt  }
0x58: {  	_ =	shalt  }
0x59: {  	_ =	shalt  }
0x5a: {  	_ =	shalt  }
0x5b: {  	_ =	shalt  }
0x5c: {  	_ =	shalt  }
0x5d: {  	_ =	shalt  }
0x5e: {  	_ =	shalt  }
0x5f: {  	_ =	shalt  }
0x60: {  	_ =	shalt  }
0x61: {  	_ =	shalt  }
0x62: {  	_ =	shalt  }
0x63: {  	_ =	shalt  }
0x64: {  	_ =	shalt  }
0x65: {  	_ =	shalt  }
0x66: {  	_ =	shalt  }
0x67: {  	_ =	shalt  }
0x68: {  	_ =	shalt  }
0x69: {  	_ =	shalt  }
0x6a: {  	_ =	shalt  }
0x6b: {  	_ =	shalt  }
0x6c: {  	_ =	shalt  }
0x6d: {  	_ =	shalt  }
0x6e: {  	_ =	shalt  }
0x6f: {  	_ =	shalt  }
0x70: {  	_ =	shalt  }
0x71: {  	_ =	shalt  }
0x72: {  	_ =	shalt  }
0x73: {  	_ =	shalt  }
0x74: {  	_ =	shalt  }
0x75: {  	_ =	shalt  }
0x76: {  	_ =	shalt  }
0x77: {  	_ =	shalt  }
0x78: {  	_ =	shalt  }
0x79: {  	_ =	shalt  }
0x7a: {  	_ =	shalt  }
0x7b: {  	_ =	shalt  }
0x7c: {  	_ =	shalt  }
0x7d: {  	_ =	shalt  }
0x7e: {  	_ =	shalt  }
0x7f: {  	_ =	shalt  }
0x80: {  	_ =	shalt  }
0x81: {  	_ =	shalt  }
0x82: {  	_ =	shalt  }
0x83: {  	_ =	shalt  }
0x84: {  	_ =	shalt  }
0x85: {  	_ =	shalt  }
0x86: {  	_ =	shalt  }
0x87: {  	_ =	shalt  }
.Lfunc_end0:
.L_simem_size_0:
called_computation.2_lowered:
.L_overlay_start_0:
0x88: {  	s2 =	sld [smem:$0x3FD9]  }
0x89: {  	s3 =	sld [smem:$0x3FFE];
	_ =	sdelay $0x1  }
0x8a: {  	s1 =	srdreg.scid  }
0x8b: {  	s0 =	sand.u32 $0x1, s1  }
0x8c: {  	s16 =	sshll.u32 s0, $0xA;
	s2 =	sadd.s32 s3, s2  }
0x8d: {  	s2 =	sadd.s32 s2, s16  }
0x8e: {  	[smem:$0x3FBC] =	sst s2  }
0x8f: {  	_ = 	snop  }
0x90: {  	(tm) =	ssettm $0x1  }
0x91: {  	s17 =	sld [smem:$0x3FFB];
	_ =	sdelay $0x3  }
0x92: {  	_ =	strace s17  }
0x93: {  	s2 =	sld [smem:$0x3FFC];
	_ =	sdelay $0x3  }
0x94: {  	_ =	strace s2  }
0x95: {  	s2 =	sld [smem:$0x3FFD];
	_ =	sdelay $0x3  }
0x96: {  	_ =	strace s2  }
0x97: {  	_ =	strace $0x8FFFFFFF  }
0x98: {  	s18 =	sld [smem:$0x3FDB];
	_ =	sdelay $0x1  }
0x99: {  	s19 =	simm.s32 $_scs_section_size  }
0x9a: {  	s4 =	simm.s32 $_size__tile_overlayer_lowered;
	s5 =	simm.s32 $_tile_overlayer_lowered  }
0x9b: {  	s22 =	simm.s32 $0x1BFF;
	s21 =	sshll.u32 s5, $0x1;
	s2 =	sadd.s32 s19, s18  }
0x9c: {  	s6 =	simm.s32 $0x0;
	s20 =	sshll.u32 s4, $0x1;
	s4 =	sadd.s32 s21, s2  }
0x9d: {  	[timem:s6], [sflag:s22] =	dma.local [hbm:s4], s20  }
0x9e: {  	_ =	swait.ge [sflag:s22], s20  }
0x9f: {  	s3 =	ssub.s32 $0x0, s20;
	[sflag:s22] =	ssyncset.done $0x0  }
0xa0: {  	[sflag:s22] =	ssyncadd.s32 s3;
	_ =	sdelay $0x1  }
0xa1: {  	s23 =	simm.s32 $0x1B8B  }
0xa2: {  	_ =	swait.ge [sflag:s23], $0x1  }
0xa3: {  	[sflag:s23] =	ssyncset.done $0x0  }
0xa4: {  	s25 =	simm.s32 $0x1B8E;
	s24 =	sld [smem:$0x3FFE];
	[sflag:s23] =	ssyncadd.s32 $0xFFFFFFFF  }
0xa5: {  	s26 =	simm.s32 $execute0_lowered;
	[smem:$0x3FD2] =	sst s25  }
0xa6: {  	s4 =	sshll.u32 s26, $0x1;
	_ =	strace $0x8000004C;
	[dreg:$0x1] =	wrdreg $0xFFFFFFFF  }
0xa7: {  	s28 =	simm.s32 $_size_execute0_lowered;
	s2 =	sadd.s32 s2, s4;
	[dreg:$0x0] =	wrdreg $0x0  }
0xa8: {  	s4 =	sshll.u32 s28, $0x1;
	[dreg:$0x2] =	wrdreg s2  }
0xa9: {  	[dreg:$0x3] =	wrdreg s4  }
0xaa: {  	[dreg:$0x4] =	wrdreg $0xC0  }
0xab: {  	_ =	task [dreg:s6], $0x5FFFF  }
0xac: {  	[dreg:$0x1] =	wrdreg $0xFFFFFFFF  }
0xad: {  	[dreg:$0x0] =	wrdreg $0x60  }
0xae: {  	[dreg:$0x2] =	wrdreg s24  }
0xaf: {  	[dreg:$0x3] =	wrdreg $0x0  }
0xb0: {  	[dreg:$0x4] =	wrdreg $0x9  }
0xb1: {  	_ =	task.clear_ibuf [dreg:s6], $0x5FFFF;
	_ =	strace $0x9000004C  }
0xb2: {  	s29 =	simm.s32 $0x9;
	_ =	strace $0x8000004E  }
0xb3: {  	_ =	swait.ge [sflag:s29], $0x1  }
0xb4: {  	[sflag:s29] =	ssyncadd.s32 $0xFFFFFFFF  }
0xb5: {  	_ =	strace $0x9000004E  }
0xb6: {  	_ =	sfence  }
0xb7: {  	s30 =	sld [smem:$0x0];
	_ =	sdelay $0x2  }
0xb8: {  	s31 =	sshll.u32 s1, $0xD;
	s1 =	sshrl.u32 s1, $0x2  }
0xb9: {  	s3 =	sand.u32 $0x4000, s31;
	s1 =	sadd.s32 s1, s30  }
0xba: {  	s0 =	sor.u32 s3, s0;
	s1 =	sshll.u32 s1, $0x11  }
0xbb: {  	s0 =	sor.u32 s1, s0  }
0xbc: {  	s0 =	sadd.s32 $0x8F2B, s0  }
0xbd: {  	[sflag:s0] =	ssyncadd.remote.s32 $0x1  }
0xbe: {  	_ =	sfence.sel $0xFFFF  }
0xbf: {  	[dreg:$0x0] =	wrdreg $0xFFFFFFFF;
	(pc) =	sbr.abs _section_cstart, $3  }
0xc0: {  	[dreg:$0x1] =	wrdreg $0xFFFFFFFF  }
0xc1: {  	_ =	task.clear_ibuf [dreg:s6], $0x2FFFF;
	_ =	strace $0x9FFFFFFF  }
0xc2: {  	(tm) =	ssettm $0x7FFFFFFF  }
0xc3: {  	_ =	shalt  }
tec
execute0_lowered:
.L_overlay_start_1:
0x0: {  	(tag) =	ssettag $0x1  }
0x1: {  	s0 =	rddreg [dreg:$0x0]  }
0x2: {  	s2 =	srdreg.scid;
	s1 =	rddreg [dreg:$0x1];
	s3 =	simm.s32 $0x0  }
0x3: {  	s9 =	stileid.u32;
	s16 =	simm.s32 $0x14040;
	s17 =	simm.s32 $0x14080  }
0x4: {  	s18 =	simm.s32 $0x140C0;
	s19 =	simm.s32 $0x14100;
	s20 =	simm.s32 $0x14140  }
0x5: {  	s21 =	simm.s32 $0x14480;
	s22 =	simm.s32 $0x14180;
	s23 =	simm.s32 $0x141C0  }
0x6: {  	s28 =	simm.s32 $0x142C0;
	s29 =	simm.s32 $0x14600;
	[smem:$0x7FF] =	sst s3  }
0x7: {  	s7 =	smul.u32 $0x14000, s9;
	_ =	strace $0x8000004D;
	[dreg:$0x5] =	wrdreg s16  }
0x8: {  	s30 =	simm.s32 $0x14300;
	s8 =	smul.u32 $0x50000, s9;
	[dreg:$0x6] =	wrdreg s17  }
0x9: {  	s2 =	sand.u32 $0x1, s2;
	s26 =	smul.u32 $0x500, s9;
	[dreg:$0x7] =	wrdreg s18  }
0xa: {  	s31 =	simm.s32 $0x14340;
	s5 =	smul.u32 $0x5000, s2;
	[dreg:$0x8] =	wrdreg s19  }
0xb: {  	s4 =	sadd.s32 $0x17600, s0;
	s6 =	smul.u32 $0x140000, s2;
	[dreg:$0x9] =	wrdreg s20  }
0xc: {  	s2 =	ssub.s32 $0x2, s2;
	s16 =	simm.s32 $0x40;
	[dreg:$0xa] =	wrdreg s21  }
0xd: {  	s17 =	simm.s32 $0x16800;
	s18 =	simm.s32 $0x18800;
	[dreg:$0xb] =	wrdreg s22  }
0xe: {  	s19 =	simm.s32 $0x1A800;
	s20 =	simm.s32 $0x1;
	[dreg:$0xc] =	wrdreg s23  }
0xf: {  	s21 =	simm.s32 $0x2;
	s22 =	simm.s32 $0x80;
	s23 =	simm.s32 $0x3  }
0x10: {  	s24 =	sshrl.u32 s8, $0x2;
	s25 =	sshrl.u32 s2, $0x1;
	s8 =	simm.s32 $0x14780  }
0x11: {  	s5 =	sadd.s32 s5, s0;
	s6 =	sadd.s32 s7, s6;
	s10 =	sadd.s32 s24, s1  }
0x12: {  	s2 =	ssub.s32 s2, s25;
	s24 =	simm.s32 $0x14500;
	[dreg:$0x10] =	wrdreg s10  }
0x13: {  	s25 =	simm.s32 $0x14200;
	s7 =	simm.s32 $0x14700;
	[dreg:$0xd] =	wrdreg s24  }
0x14: {  	s6 =	sshrl.u32 s6, $0x3;
	s9 =	sadd.s32 $0x4000, s10;
	[dreg:$0xe] =	wrdreg s25  }
0x15: {  	s11 =	sadd.s32 $0x8000, s10;
	s12 =	sadd.s32 $0xC000, s10;
	[dreg:$0x11] =	wrdreg s9  }
0x16: {  	s5 =	sadd.s32 s26, s5;
	s13 =	sadd.s32 $0x10000, s10;
	[dreg:$0x12] =	wrdreg s11  }
0x17: {  	s2 =	smax.u32 s2, $0x1;
	s26 =	simm.s32 $0x14240;
	[dreg:$0x13] =	wrdreg s12  }
0x18: {  	s24 =	simm.s32 $0x4;
	s25 =	simm.s32 $0x14580;
	[dreg:$0x14] =	wrdreg s13  }
0x19: {  	s0 =	sadd.s32 s6, s0;
	s14 =	sadd.s32 $0x3600, s5;
	[dreg:$0x16] =	wrdreg s2  }
0x1a: {  	s15 =	sadd.s32 $0xD600, s5;
	s12 =	simm.s32 $0x14800;
	s13 =	simm.s32 $0x5  }
0x1b: {  	[dreg:$0xf] =	wrdreg s26;
	s26 =	simm.s32 $0x14280;
	s2 =	simm.s32 $0x14380  }
0x1c: {  	s6 =	simm.s32 $0x143C0;
	s9 =	simm.s32 $0x0;
	[dreg:$0x3] =	wrdreg s14  }
0x1d: {  	s0 =	sadd.s32 $0x3F600, s0;
	[dreg:$0x4] =	wrdreg s15;
	s14 =	simm.s32 $0x14000  }
0x1e: {  	v0 =	vimm.f32 $0.0e+00;
	s15 =	simm.s32 $0x14400;
	[dreg:$0x15] =	wrdreg s0;
	s0 =	simm.s32 $0x14680  }
.LBB2_1:
0x1f: {  	s10 =	simm.s32 $0x0;
	s11 =	simm.s32 $0x200  }
.LBB2_2:
0x20: {  	p0 =	sne.s32 s11, $0xFE00;
	[tilespmem:s10+$0x14870] =	vst v0  }
0x21: {  	[tilespmem:s10+$0x14800] =	vst v0  }
0x22: {  	[tilespmem:s10+$0x14810] =	vst v0  }
.Ltmp0:
0x23: {  	[tilespmem:s10+$0x14820] =	vst v0;
	(pc) =	sbr.rel @p0 .LBB2_2-.Ltmp0, $4  }
0x24: {  	[tilespmem:s10+$0x14830] =	vst v0  }
0x25: {  	[tilespmem:s10+$0x14840] =	vst v0  }
0x26: {  	[tilespmem:s10+$0x14850] =	vst v0  }
0x27: {  	[tilespmem:s10+$0x14860] =	vst v0;
	s10 =	sshra.s32 s11, $0x2;
	s11 =	sadd.s32 $0x200, s11  }
0x28: {  	[tilespmem:s10+$0x14870] =	vst v0  }
0x29: {  	[tilespmem:s10+$0x14800] =	vst v0  }
0x2a: {  	[tilespmem:s10+$0x14810] =	vst v0  }
0x2b: {  	[tilespmem:s10+$0x14820] =	vst v0  }
0x2c: {  	[tilespmem:s10+$0x14830] =	vst v0  }
0x2d: {  	[tilespmem:s10+$0x14840] =	vst v0  }
0x2e: {  	[dreg:$0x17] =	wrdreg s9;
	[tilespmem:s10+$0x14850] =	vst v0  }
0x2f: {  	[tilespmem:s10+$0x14860] =	vst v0;
	s5 =	rddreg [dreg:$0x10]  }
0x30: {  	[spmem:s5] =	stream.linear.scatter [tilespmem:s12], [sflag:$0x5], $0x4000, $0x38;
	[tilespmem:$0x1C800] =	vst v63  }
0x31: {  	_ =	swait.ge [sflag:s13], $0x4000  }
0x32: {  	[sflag:s13] =	ssyncset.done $0x0  }
0x33: {  	s10 =	rddreg [dreg:$0x11];
	[sflag:s13] =	ssyncadd.s32 $0xFFFFC000  }
0x34: {  	[spmem:s10] =	stream.linear.scatter [tilespmem:s12], [sflag:$0x5], $0x4000, $0x38;
	[tilespmem:$0x1C800] =	vst v63  }
0x35: {  	_ =	swait.ge [sflag:s13], $0x4000  }
0x36: {  	[sflag:s13] =	ssyncset.done $0x0  }
0x37: {  	s11 =	rddreg [dreg:$0x12];
	[sflag:s13] =	ssyncadd.s32 $0xFFFFC000  }
0x38: {  	[spmem:s11] =	stream.linear.scatter [tilespmem:s12], [sflag:$0x5], $0x4000, $0x38;
	[tilespmem:$0x1C800] =	vst v63  }
0x39: {  	_ =	swait.ge [sflag:s13], $0x4000  }
0x3a: {  	[sflag:s13] =	ssyncset.done $0x0  }
0x3b: {  	s9 =	rddreg [dreg:$0x13];
	[sflag:s13] =	ssyncadd.s32 $0xFFFFC000  }
0x3c: {  	[spmem:s9] =	stream.linear.scatter [tilespmem:s12], [sflag:$0x5], $0x4000, $0x38;
	[tilespmem:$0x1C800] =	vst v63  }
0x3d: {  	_ =	swait.ge [sflag:s13], $0x4000  }
0x3e: {  	[sflag:s13] =	ssyncset.done $0x0  }
0x3f: {  	s10 =	rddreg [dreg:$0x14];
	[sflag:s13] =	ssyncadd.s32 $0xFFFFC000  }
0x40: {  	[spmem:s10] =	stream.linear.scatter [tilespmem:s12], [sflag:$0x5], $0x4000, $0x38;
	[tilespmem:$0x1C800] =	vst v63  }
0x41: {  	_ =	swait.ge [sflag:s13], $0x4000  }
0x42: {  	[sflag:s13] =	ssyncset.done $0x0  }
0x43: {  	[sflag:s13] =	ssyncadd.s32 $0xFFFFC000  }
0x44: {  	[bflag:$0x0] =	sbarrier.arrive $0xFFFF  }
0x45: {  	s11 =	rddreg [dreg:$0x4]  }
0x46: {  	s5 =	sadd.s32 $0x0, s11  }
0x47: {  	[tilespmem:s14], [sflag:$0x5] =	stream.linear.gather [hbm4b:s5+s3], $0x400, $0x38;
	[tilespmem:$0x1C800] =	vst v63  }
0x48: {  	_ =	swait.ge [sflag:s13], $0x400  }
0x49: {  	s9 =	rddreg [dreg:$0x3];
	[sflag:s13] =	ssyncset.done $0x0  }
0x4a: {  	[sflag:s13] =	ssyncadd.s32 $0xFFFFFC00;
	s5 =	sadd.s32 $0x0, s9  }
0x4b: {  	[tilespmem:s15], [sflag:$0x5] =	stream.linear.gather [hbm4b:s5+s3], $0x400, $0x38;
	[tilespmem:$0x1C800] =	vst v63  }
0x4c: {  	_ =	swait.ge [sflag:s13], $0x400  }
0x4d: {  	[sflag:s13] =	ssyncset.done $0x0  }
0x4e: {  	[sflag:s13] =	ssyncadd.s32 $0xFFFFFC00  }
0x4f: {  	[tilespmem:s12], [sflag:$0x1] =	stream.indirect.gather [hbm4b:s4+s16], $0x80, s14, s16, $0xb8;
	[tilespmem:$0x1C800] =	vst v63  }
0x50: {  	s10 =	rddreg [dreg:$0x5]  }
0x51: {  	[tilespmem:s17], [sflag:$0x2] =	stream.indirect.gather [hbm4b:s4+s16], $0x80, s10, s16, $0xb8;
	[tilespmem:$0x1C800] =	vst v63  }
0x52: {  	s11 =	rddreg [dreg:$0x6]  }
0x53: {  	[tilespmem:s18], [sflag:$0x3] =	stream.indirect.gather [hbm4b:s4+s16], $0x80, s11, s16, $0xb8;
	[tilespmem:$0x1C800] =	vst v63  }
0x54: {  	s9 =	rddreg [dreg:$0x7]  }
0x55: {  	[tilespmem:s19], [sflag:$0x4] =	stream.indirect.gather [hbm4b:s4+s16], $0x80, s9, s16, $0xb8;
	[tilespmem:$0x1C800] =	vst v63  }
0x56: {  	_ =	swait.ge [sflag:s20], $0x2000  }
0x57: {  	[sflag:s20] =	ssyncset.done $0x0  }
0x58: {  	[sflag:s20] =	ssyncadd.s32 $0xFFFFE000  }
0x59: {  	_ =	swait.ge [sflag:s21], $0x2000  }
0x5a: {  	[sflag:s21] =	ssyncset.done $0x0  }
0x5b: {  	[sflag:s21] =	ssyncadd.s32 $0xFFFFE000  }
0x5c: {  	[spmem:s1] =	stream.indirect.scatter.add.f32 [tilespmem:s12], [sflag:$0x5], $0x80, s15, s22, $0xb8;
	[tilespmem:$0x1C800] =	vst v63  }
0x5d: {  	_ =	swait.ge [sflag:s13], $0x4000  }
0x5e: {  	[sflag:s13] =	ssyncset.done $0x0  }
0x5f: {  	s10 =	rddreg [dreg:$0x8];
	[sflag:s13] =	ssyncadd.s32 $0xFFFFC000  }
0x60: {  	[tilespmem:s12], [sflag:$0x1] =	stream.indirect.gather [hbm4b:s4+s16], $0x80, s10, s16, $0xb8;
	[tilespmem:$0x1C800] =	vst v63  }
0x61: {  	s11 =	rddreg [dreg:$0x9]  }
0x62: {  	[tilespmem:s17], [sflag:$0x2] =	stream.indirect.gather [hbm4b:s4+s16], $0x80, s11, s16, $0xb8;
	[tilespmem:$0x1C800] =	vst v63  }
0x63: {  	_ =	swait.ge [sflag:s23], $0x2000  }
0x64: {  	[sflag:s23] =	ssyncset.done $0x0  }
0x65: {  	[sflag:s23] =	ssyncadd.s32 $0xFFFFE000  }
0x66: {  	_ =	swait.ge [sflag:s24], $0x2000  }
0x67: {  	[sflag:s24] =	ssyncset.done $0x0  }
0x68: {  	s9 =	rddreg [dreg:$0xa];
	[sflag:s24] =	ssyncadd.s32 $0xFFFFE000  }
0x69: {  	[spmem:s1] =	stream.indirect.scatter.add.f32 [tilespmem:s18], [sflag:$0x5], $0x80, s9, s22, $0xb8;
	[tilespmem:$0x1C800] =	vst v63  }
0x6a: {  	_ =	swait.ge [sflag:s13], $0x4000  }
0x6b: {  	[sflag:s13] =	ssyncset.done $0x0  }
0x6c: {  	s10 =	rddreg [dreg:$0xb];
	[sflag:s13] =	ssyncadd.s32 $0xFFFFC000  }
0x6d: {  	[tilespmem:s18], [sflag:$0x3] =	stream.indirect.gather [hbm4b:s4+s16], $0x80, s10, s16, $0xb8;
	[tilespmem:$0x1C800] =	vst v63  }
0x6e: {  	s11 =	rddreg [dreg:$0xc]  }
0x6f: {  	[tilespmem:s19], [sflag:$0x4] =	stream.indirect.gather [hbm4b:s4+s16], $0x80, s11, s16, $0xb8;
	[tilespmem:$0x1C800] =	vst v63  }
0x70: {  	_ =	swait.ge [sflag:s20], $0x2000  }
0x71: {  	[sflag:s20] =	ssyncset.done $0x0  }
0x72: {  	[sflag:s20] =	ssyncadd.s32 $0xFFFFE000  }
0x73: {  	_ =	swait.ge [sflag:s21], $0x2000  }
0x74: {  	[sflag:s21] =	ssyncset.done $0x0  }
0x75: {  	s9 =	rddreg [dreg:$0xd];
	[sflag:s21] =	ssyncadd.s32 $0xFFFFE000  }
0x76: {  	[spmem:s1] =	stream.indirect.scatter.add.f32 [tilespmem:s12], [sflag:$0x5], $0x80, s9, s22, $0xb8;
	[tilespmem:$0x1C800] =	vst v63  }
0x77: {  	_ =	swait.ge [sflag:s13], $0x4000  }
0x78: {  	[sflag:s13] =	ssyncset.done $0x0  }
0x79: {  	s10 =	rddreg [dreg:$0xe];
	[sflag:s13] =	ssyncadd.s32 $0xFFFFC000  }
0x7a: {  	[tilespmem:s12], [sflag:$0x1] =	stream.indirect.gather [hbm4b:s4+s16], $0x80, s10, s16, $0xb8;
	[tilespmem:$0x1C800] =	vst v63  }
0x7b: {  	s11 =	rddreg [dreg:$0xf]  }
0x7c: {  	[tilespmem:s17], [sflag:$0x2] =	stream.indirect.gather [hbm4b:s4+s16], $0x80, s11, s16, $0xb8;
	[tilespmem:$0x1C800] =	vst v63  }
0x7d: {  	_ =	swait.ge [sflag:s23], $0x2000  }
0x7e: {  	[sflag:s23] =	ssyncset.done $0x0  }
0x7f: {  	[sflag:s23] =	ssyncadd.s32 $0xFFFFE000  }
0x80: {  	_ =	swait.ge [sflag:s24], $0x2000  }
0x81: {  	[sflag:s24] =	ssyncset.done $0x0  }
0x82: {  	[sflag:s24] =	ssyncadd.s32 $0xFFFFE000  }
0x83: {  	[spmem:s1] =	stream.indirect.scatter.add.f32 [tilespmem:s18], [sflag:$0x5], $0x80, s25, s22, $0xb8;
	[tilespmem:$0x1C800] =	vst v63  }
0x84: {  	_ =	swait.ge [sflag:s13], $0x4000  }
0x85: {  	[sflag:s13] =	ssyncset.done $0x0  }
0x86: {  	[sflag:s13] =	ssyncadd.s32 $0xFFFFC000  }
0x87: {  	[tilespmem:s18], [sflag:$0x3] =	stream.indirect.gather [hbm4b:s4+s16], $0x80, s26, s16, $0xb8;
	[tilespmem:$0x1C800] =	vst v63  }
0x88: {  	_ = 	snop  }
0x89: {  	[tilespmem:s19], [sflag:$0x4] =	stream.indirect.gather [hbm4b:s4+s16], $0x80, s28, s16, $0xb8;
	[tilespmem:$0x1C800] =	vst v63  }
0x8a: {  	_ =	swait.ge [sflag:s20], $0x2000  }
0x8b: {  	[sflag:s20] =	ssyncset.done $0x0  }
0x8c: {  	[sflag:s20] =	ssyncadd.s32 $0xFFFFE000  }
0x8d: {  	_ =	swait.ge [sflag:s21], $0x2000  }
0x8e: {  	[sflag:s21] =	ssyncset.done $0x0  }
0x8f: {  	[sflag:s21] =	ssyncadd.s32 $0xFFFFE000  }
0x90: {  	[spmem:s1] =	stream.indirect.scatter.add.f32 [tilespmem:s12], [sflag:$0x5], $0x80, s29, s22, $0xb8;
	[tilespmem:$0x1C800] =	vst v63  }
0x91: {  	_ =	swait.ge [sflag:s13], $0x4000  }
0x92: {  	[sflag:s13] =	ssyncset.done $0x0  }
0x93: {  	[sflag:s13] =	ssyncadd.s32 $0xFFFFC000  }
0x94: {  	[tilespmem:s12], [sflag:$0x1] =	stream.indirect.gather [hbm4b:s4+s16], $0x80, s30, s16, $0xb8;
	[tilespmem:$0x1C800] =	vst v63  }
0x95: {  	_ = 	snop  }
0x96: {  	[tilespmem:s17], [sflag:$0x2] =	stream.indirect.gather [hbm4b:s4+s16], $0x80, s31, s16, $0xb8;
	[tilespmem:$0x1C800] =	vst v63  }
0x97: {  	_ =	swait.ge [sflag:s23], $0x2000  }
0x98: {  	[sflag:s23] =	ssyncset.done $0x0  }
0x99: {  	[sflag:s23] =	ssyncadd.s32 $0xFFFFE000  }
0x9a: {  	_ =	swait.ge [sflag:s24], $0x2000  }
0x9b: {  	[sflag:s24] =	ssyncset.done $0x0  }
0x9c: {  	[sflag:s24] =	ssyncadd.s32 $0xFFFFE000  }
0x9d: {  	[spmem:s1] =	stream.indirect.scatter.add.f32 [tilespmem:s18], [sflag:$0x5], $0x80, s0, s22, $0xb8;
	[tilespmem:$0x1C800] =	vst v63  }
0x9e: {  	_ =	swait.ge [sflag:s13], $0x4000  }
0x9f: {  	[sflag:s13] =	ssyncset.done $0x0  }
0xa0: {  	[sflag:s13] =	ssyncadd.s32 $0xFFFFC000  }
0xa1: {  	[tilespmem:s18], [sflag:$0x3] =	stream.indirect.gather [hbm4b:s4+s16], $0x80, s2, s16, $0xb8;
	[tilespmem:$0x1C800] =	vst v63  }
0xa2: {  	_ = 	snop  }
0xa3: {  	[tilespmem:s19], [sflag:$0x4] =	stream.indirect.gather [hbm4b:s4+s16], $0x80, s6, s16, $0xb8;
	[tilespmem:$0x1C800] =	vst v63  }
0xa4: {  	_ =	swait.ge [sflag:s20], $0x2000  }
0xa5: {  	[sflag:s20] =	ssyncset.done $0x0  }
0xa6: {  	[sflag:s20] =	ssyncadd.s32 $0xFFFFE000  }
0xa7: {  	_ =	swait.ge [sflag:s21], $0x2000  }
0xa8: {  	[sflag:s21] =	ssyncset.done $0x0  }
0xa9: {  	[sflag:s21] =	ssyncadd.s32 $0xFFFFE000  }
0xaa: {  	[spmem:s1] =	stream.indirect.scatter.add.f32 [tilespmem:s12], [sflag:$0x5], $0x80, s7, s22, $0xb8;
	[tilespmem:$0x1C800] =	vst v63  }
0xab: {  	_ =	swait.ge [sflag:s13], $0x4000  }
0xac: {  	[sflag:s13] =	ssyncset.done $0x0  }
0xad: {  	[sflag:s13] =	ssyncadd.s32 $0xFFFFC000  }
0xae: {  	_ =	swait.ge [sflag:s23], $0x2000  }
0xaf: {  	[sflag:s23] =	ssyncset.done $0x0  }
0xb0: {  	[sflag:s23] =	ssyncadd.s32 $0xFFFFE000  }
0xb1: {  	_ =	swait.ge [sflag:s24], $0x2000  }
0xb2: {  	[sflag:s24] =	ssyncset.done $0x0  }
0xb3: {  	[sflag:s24] =	ssyncadd.s32 $0xFFFFE000  }
0xb4: {  	[spmem:s1] =	stream.indirect.scatter.add.f32 [tilespmem:s18], [sflag:$0x5], $0x80, s8, s22, $0xb8;
	[tilespmem:$0x1C800] =	vst v63  }
0xb5: {  	s10 =	simm.s32 $0x80;
	_ =	swait.ge [sflag:s13], $0x4000  }
0xb6: {  	s11 =	simm.s32 $0x100;
	s5 =	rddreg [dreg:$0x4];
	[sflag:s13] =	ssyncset.done $0x0  }
.LBB2_4:
0xb7: {  	[sflag:s13] =	ssyncadd.s32 $0xFFFFC000;
	s5 =	sadd.s32 s10, s5  }
0xb8: {  	[tilespmem:s14], [sflag:$0x5] =	stream.linear.gather [hbm4b:s5+s3], $0x400, $0x38;
	[tilespmem:$0x1C800] =	vst v63  }
0xb9: {  	_ =	swait.ge [sflag:s13], $0x400  }
0xba: {  	s5 =	rddreg [dreg:$0x3];
	[sflag:s13] =	ssyncset.done $0x0  }
0xbb: {  	[sflag:s13] =	ssyncadd.s32 $0xFFFFFC00;
	s5 =	sadd.s32 s10, s5  }
0xbc: {  	[tilespmem:s15], [sflag:$0x5] =	stream.linear.gather [hbm4b:s5+s3], $0x400, $0x38;
	[tilespmem:$0x1C800] =	vst v63  }
0xbd: {  	_ =	swait.ge [sflag:s13], $0x400  }
0xbe: {  	[sflag:s13] =	ssyncset.done $0x0  }
0xbf: {  	[sflag:s13] =	ssyncadd.s32 $0xFFFFFC00  }
0xc0: {  	[tilespmem:s12], [sflag:$0x1] =	stream.indirect.gather [hbm4b:s4+s16], $0x80, s14, s16, $0xb8;
	[tilespmem:$0x1C800] =	vst v63  }
0xc1: {  	s9 =	smov.u32 s11;
	s5 =	rddreg [dreg:$0x5]  }
0xc2: {  	[tilespmem:s17], [sflag:$0x2] =	stream.indirect.gather [hbm4b:s4+s16], $0x80, s5, s16, $0xb8;
	[tilespmem:$0x1C800] =	vst v63  }
0xc3: {  	s10 =	smov.u32 s9;
	s9 =	rddreg [dreg:$0x6]  }
0xc4: {  	[tilespmem:s18], [sflag:$0x3] =	stream.indirect.gather [hbm4b:s4+s16], $0x80, s9, s16, $0xb8;
	[tilespmem:$0x1C800] =	vst v63  }
0xc5: {  	s5 =	rddreg [dreg:$0x7]  }
0xc6: {  	[tilespmem:s19], [sflag:$0x4] =	stream.indirect.gather [hbm4b:s4+s16], $0x80, s5, s16, $0xb8;
	[tilespmem:$0x1C800] =	vst v63  }
0xc7: {  	_ =	swait.ge [sflag:s20], $0x2000  }
0xc8: {  	[sflag:s20] =	ssyncset.done $0x0  }
0xc9: {  	[sflag:s20] =	ssyncadd.s32 $0xFFFFE000  }
0xca: {  	_ =	swait.ge [sflag:s21], $0x2000  }
0xcb: {  	[sflag:s21] =	ssyncset.done $0x0  }
0xcc: {  	[sflag:s21] =	ssyncadd.s32 $0xFFFFE000  }
0xcd: {  	[spmem:s1] =	stream.indirect.scatter.add.f32 [tilespmem:s12], [sflag:$0x5], $0x80, s15, s22, $0xb8;
	[tilespmem:$0x1C800] =	vst v63  }
0xce: {  	_ =	swait.ge [sflag:s13], $0x4000  }
0xcf: {  	[sflag:s13] =	ssyncset.done $0x0  }
0xd0: {  	s5 =	rddreg [dreg:$0x8];
	[sflag:s13] =	ssyncadd.s32 $0xFFFFC000  }
0xd1: {  	[tilespmem:s12], [sflag:$0x1] =	stream.indirect.gather [hbm4b:s4+s16], $0x80, s5, s16, $0xb8;
	[tilespmem:$0x1C800] =	vst v63  }
0xd2: {  	s9 =	rddreg [dreg:$0x9]  }
0xd3: {  	[tilespmem:s17], [sflag:$0x2] =	stream.indirect.gather [hbm4b:s4+s16], $0x80, s9, s16, $0xb8;
	[tilespmem:$0x1C800] =	vst v63  }
0xd4: {  	_ =	swait.ge [sflag:s23], $0x2000  }
0xd5: {  	[sflag:s23] =	ssyncset.done $0x0  }
0xd6: {  	[sflag:s23] =	ssyncadd.s32 $0xFFFFE000  }
0xd7: {  	_ =	swait.ge [sflag:s24], $0x2000  }
0xd8: {  	[sflag:s24] =	ssyncset.done $0x0  }
0xd9: {  	s9 =	rddreg [dreg:$0xa];
	[sflag:s24] =	ssyncadd.s32 $0xFFFFE000  }
0xda: {  	[spmem:s1] =	stream.indirect.scatter.add.f32 [tilespmem:s18], [sflag:$0x5], $0x80, s9, s22, $0xb8;
	[tilespmem:$0x1C800] =	vst v63  }
0xdb: {  	_ =	swait.ge [sflag:s13], $0x4000  }
0xdc: {  	[sflag:s13] =	ssyncset.done $0x0  }
0xdd: {  	s5 =	rddreg [dreg:$0xb];
	[sflag:s13] =	ssyncadd.s32 $0xFFFFC000  }
0xde: {  	[tilespmem:s18], [sflag:$0x3] =	stream.indirect.gather [hbm4b:s4+s16], $0x80, s5, s16, $0xb8;
	[tilespmem:$0x1C800] =	vst v63  }
0xdf: {  	s9 =	rddreg [dreg:$0xc]  }
0xe0: {  	[tilespmem:s19], [sflag:$0x4] =	stream.indirect.gather [hbm4b:s4+s16], $0x80, s9, s16, $0xb8;
	[tilespmem:$0x1C800] =	vst v63  }
0xe1: {  	_ =	swait.ge [sflag:s20], $0x2000  }
0xe2: {  	[sflag:s20] =	ssyncset.done $0x0  }
0xe3: {  	[sflag:s20] =	ssyncadd.s32 $0xFFFFE000  }
0xe4: {  	_ =	swait.ge [sflag:s21], $0x2000  }
0xe5: {  	[sflag:s21] =	ssyncset.done $0x0  }
0xe6: {  	s9 =	rddreg [dreg:$0xd];
	[sflag:s21] =	ssyncadd.s32 $0xFFFFE000  }
0xe7: {  	[spmem:s1] =	stream.indirect.scatter.add.f32 [tilespmem:s12], [sflag:$0x5], $0x80, s9, s22, $0xb8;
	[tilespmem:$0x1C800] =	vst v63  }
0xe8: {  	_ =	swait.ge [sflag:s13], $0x4000  }
0xe9: {  	[sflag:s13] =	ssyncset.done $0x0  }
0xea: {  	s5 =	rddreg [dreg:$0xe];
	[sflag:s13] =	ssyncadd.s32 $0xFFFFC000  }
0xeb: {  	[tilespmem:s12], [sflag:$0x1] =	stream.indirect.gather [hbm4b:s4+s16], $0x80, s5, s16, $0xb8;
	[tilespmem:$0x1C800] =	vst v63  }
0xec: {  	s9 =	rddreg [dreg:$0xf]  }
0xed: {  	[tilespmem:s17], [sflag:$0x2] =	stream.indirect.gather [hbm4b:s4+s16], $0x80, s9, s16, $0xb8;
	[tilespmem:$0x1C800] =	vst v63  }
0xee: {  	_ =	swait.ge [sflag:s23], $0x2000  }
0xef: {  	[sflag:s23] =	ssyncset.done $0x0  }
0xf0: {  	[sflag:s23] =	ssyncadd.s32 $0xFFFFE000  }
0xf1: {  	_ =	swait.ge [sflag:s24], $0x2000  }
0xf2: {  	[sflag:s24] =	ssyncset.done $0x0  }
0xf3: {  	[sflag:s24] =	ssyncadd.s32 $0xFFFFE000  }
0xf4: {  	[spmem:s1] =	stream.indirect.scatter.add.f32 [tilespmem:s18], [sflag:$0x5], $0x80, s25, s22, $0xb8;
	[tilespmem:$0x1C800] =	vst v63  }
0xf5: {  	_ =	swait.ge [sflag:s13], $0x4000  }
0xf6: {  	[sflag:s13] =	ssyncset.done $0x0  }
0xf7: {  	[sflag:s13] =	ssyncadd.s32 $0xFFFFC000  }
0xf8: {  	[tilespmem:s18], [sflag:$0x3] =	stream.indirect.gather [hbm4b:s4+s16], $0x80, s26, s16, $0xb8;
	[tilespmem:$0x1C800] =	vst v63  }
0xf9: {  	_ = 	snop  }
0xfa: {  	[tilespmem:s19], [sflag:$0x4] =	stream.indirect.gather [hbm4b:s4+s16], $0x80, s28, s16, $0xb8;
	[tilespmem:$0x1C800] =	vst v63  }
0xfb: {  	_ =	swait.ge [sflag:s20], $0x2000  }
0xfc: {  	[sflag:s20] =	ssyncset.done $0x0  }
0xfd: {  	[sflag:s20] =	ssyncadd.s32 $0xFFFFE000  }
0xfe: {  	_ =	swait.ge [sflag:s21], $0x2000  }
0xff: {  	[sflag:s21] =	ssyncset.done $0x0  }
0x100: {  	[sflag:s21] =	ssyncadd.s32 $0xFFFFE000  }
0x101: {  	[spmem:s1] =	stream.indirect.scatter.add.f32 [tilespmem:s12], [sflag:$0x5], $0x80, s29, s22, $0xb8;
	[tilespmem:$0x1C800] =	vst v63  }
0x102: {  	_ =	swait.ge [sflag:s13], $0x4000  }
0x103: {  	[sflag:s13] =	ssyncset.done $0x0  }
0x104: {  	[sflag:s13] =	ssyncadd.s32 $0xFFFFC000  }
0x105: {  	[tilespmem:s12], [sflag:$0x1] =	stream.indirect.gather [hbm4b:s4+s16], $0x80, s30, s16, $0xb8;
	[tilespmem:$0x1C800] =	vst v63  }
0x106: {  	_ = 	snop  }
0x107: {  	[tilespmem:s17], [sflag:$0x2] =	stream.indirect.gather [hbm4b:s4+s16], $0x80, s31, s16, $0xb8;
	[tilespmem:$0x1C800] =	vst v63  }
0x108: {  	_ =	swait.ge [sflag:s23], $0x2000  }
0x109: {  	[sflag:s23] =	ssyncset.done $0x0  }
0x10a: {  	[sflag:s23] =	ssyncadd.s32 $0xFFFFE000  }
0x10b: {  	_ =	swait.ge [sflag:s24], $0x2000  }
0x10c: {  	[sflag:s24] =	ssyncset.done $0x0  }
0x10d: {  	[sflag:s24] =	ssyncadd.s32 $0xFFFFE000  }
0x10e: {  	[spmem:s1] =	stream.indirect.scatter.add.f32 [tilespmem:s18], [sflag:$0x5], $0x80, s0, s22, $0xb8;
	[tilespmem:$0x1C800] =	vst v63  }
0x10f: {  	_ =	swait.ge [sflag:s13], $0x4000  }
0x110: {  	[sflag:s13] =	ssyncset.done $0x0  }
0x111: {  	[sflag:s13] =	ssyncadd.s32 $0xFFFFC000  }
0x112: {  	[tilespmem:s18], [sflag:$0x3] =	stream.indirect.gather [hbm4b:s4+s16], $0x80, s2, s16, $0xb8;
	[tilespmem:$0x1C800] =	vst v63  }
0x113: {  	_ = 	snop  }
0x114: {  	[tilespmem:s19], [sflag:$0x4] =	stream.indirect.gather [hbm4b:s4+s16], $0x80, s6, s16, $0xb8;
	[tilespmem:$0x1C800] =	vst v63  }
0x115: {  	_ =	swait.ge [sflag:s20], $0x2000  }
0x116: {  	[sflag:s20] =	ssyncset.done $0x0  }
0x117: {  	[sflag:s20] =	ssyncadd.s32 $0xFFFFE000  }
0x118: {  	_ =	swait.ge [sflag:s21], $0x2000  }
0x119: {  	[sflag:s21] =	ssyncset.done $0x0  }
0x11a: {  	[sflag:s21] =	ssyncadd.s32 $0xFFFFE000  }
0x11b: {  	[spmem:s1] =	stream.indirect.scatter.add.f32 [tilespmem:s12], [sflag:$0x5], $0x80, s7, s22, $0xb8;
	[tilespmem:$0x1C800] =	vst v63  }
0x11c: {  	_ =	swait.ge [sflag:s13], $0x4000  }
0x11d: {  	[sflag:s13] =	ssyncset.done $0x0  }
0x11e: {  	[sflag:s13] =	ssyncadd.s32 $0xFFFFC000  }
0x11f: {  	_ =	swait.ge [sflag:s23], $0x2000  }
0x120: {  	[sflag:s23] =	ssyncset.done $0x0  }
0x121: {  	[sflag:s23] =	ssyncadd.s32 $0xFFFFE000  }
0x122: {  	p0 =	sne.s32 s11, $0x480;
	_ =	swait.ge [sflag:s24], $0x2000  }
.Ltmp1:
0x123: {  	[sflag:s24] =	ssyncset.done $0x0;
	(pc) =	sbr.rel @p0 .LBB2_4-.Ltmp1, $4  }
0x124: {  	[sflag:s24] =	ssyncadd.s32 $0xFFFFE000  }
0x125: {  	[spmem:s1] =	stream.indirect.scatter.add.f32 [tilespmem:s18], [sflag:$0x5], $0x80, s8, s22, $0xb8;
	[tilespmem:$0x1C800] =	vst v63  }
0x126: {  	_ =	swait.ge [sflag:s13], $0x4000  }
0x127: {  	s11 =	sadd.s32 $0x80, s11;
	s5 =	rddreg [dreg:$0x4];
	[sflag:s13] =	ssyncset.done $0x0  }
0x128: {  	[sflag:s13] =	ssyncadd.s32 $0xFFFFC000;
	s5 =	sadd.s32 s10, s5  }
0x129: {  	[tilespmem:s14], [sflag:$0x5] =	stream.linear.gather [hbm4b:s5+s3], $0x400, $0x38;
	[tilespmem:$0x1C800] =	vst v63  }
0x12a: {  	_ =	swait.ge [sflag:s13], $0x400  }
0x12b: {  	s9 =	rddreg [dreg:$0x3];
	[sflag:s13] =	ssyncset.done $0x0  }
0x12c: {  	[sflag:s13] =	ssyncadd.s32 $0xFFFFFC00;
	s5 =	sadd.s32 s10, s9  }
0x12d: {  	[tilespmem:s15], [sflag:$0x5] =	stream.linear.gather [hbm4b:s5+s3], $0x400, $0x38;
	[tilespmem:$0x1C800] =	vst v63  }
0x12e: {  	_ =	swait.ge [sflag:s13], $0x400  }
0x12f: {  	[sflag:s13] =	ssyncset.done $0x0  }
0x130: {  	[sflag:s13] =	ssyncadd.s32 $0xFFFFFC00  }
0x131: {  	[tilespmem:s12], [sflag:$0x1] =	stream.indirect.gather [hbm4b:s4+s16], $0x80, s14, s16, $0xb8;
	[tilespmem:$0x1C800] =	vst v63  }
0x132: {  	s10 =	rddreg [dreg:$0x5]  }
0x133: {  	[tilespmem:s17], [sflag:$0x2] =	stream.indirect.gather [hbm4b:s4+s16], $0x80, s10, s16, $0xb8;
	[tilespmem:$0x1C800] =	vst v63  }
0x134: {  	s9 =	rddreg [dreg:$0x6]  }
0x135: {  	[tilespmem:s18], [sflag:$0x3] =	stream.indirect.gather [hbm4b:s4+s16], $0x80, s9, s16, $0xb8;
	[tilespmem:$0x1C800] =	vst v63  }
0x136: {  	s11 =	rddreg [dreg:$0x7]  }
0x137: {  	[tilespmem:s19], [sflag:$0x4] =	stream.indirect.gather [hbm4b:s4+s16], $0x80, s11, s16, $0xb8;
	[tilespmem:$0x1C800] =	vst v63  }
0x138: {  	_ =	swait.ge [sflag:s20], $0x2000  }
0x139: {  	[sflag:s20] =	ssyncset.done $0x0  }
0x13a: {  	[sflag:s20] =	ssyncadd.s32 $0xFFFFE000  }
0x13b: {  	_ =	swait.ge [sflag:s21], $0x2000  }
0x13c: {  	[sflag:s21] =	ssyncset.done $0x0  }
0x13d: {  	[sflag:s21] =	ssyncadd.s32 $0xFFFFE000  }
0x13e: {  	[spmem:s1] =	stream.indirect.scatter.add.f32 [tilespmem:s12], [sflag:$0x5], $0x80, s15, s22, $0xb8;
	[tilespmem:$0x1C800] =	vst v63  }
0x13f: {  	_ =	swait.ge [sflag:s13], $0x4000  }
0x140: {  	[sflag:s13] =	ssyncset.done $0x0  }
0x141: {  	s10 =	rddreg [dreg:$0x8];
	[sflag:s13] =	ssyncadd.s32 $0xFFFFC000  }
0x142: {  	[tilespmem:s12], [sflag:$0x1] =	stream.indirect.gather [hbm4b:s4+s16], $0x80, s10, s16, $0xb8;
	[tilespmem:$0x1C800] =	vst v63  }
0x143: {  	s11 =	rddreg [dreg:$0x9]  }
0x144: {  	[tilespmem:s17], [sflag:$0x2] =	stream.indirect.gather [hbm4b:s4+s16], $0x80, s11, s16, $0xb8;
	[tilespmem:$0x1C800] =	vst v63  }
0x145: {  	_ =	swait.ge [sflag:s23], $0x2000  }
0x146: {  	[sflag:s23] =	ssyncset.done $0x0  }
0x147: {  	[sflag:s23] =	ssyncadd.s32 $0xFFFFE000  }
0x148: {  	_ =	swait.ge [sflag:s24], $0x2000  }
0x149: {  	[sflag:s24] =	ssyncset.done $0x0  }
0x14a: {  	s9 =	rddreg [dreg:$0xa];
	[sflag:s24] =	ssyncadd.s32 $0xFFFFE000  }
0x14b: {  	[spmem:s1] =	stream.indirect.scatter.add.f32 [tilespmem:s18], [sflag:$0x5], $0x80, s9, s22, $0xb8;
	[tilespmem:$0x1C800] =	vst v63  }
0x14c: {  	_ =	swait.ge [sflag:s13], $0x4000  }
0x14d: {  	[sflag:s13] =	ssyncset.done $0x0  }
0x14e: {  	s10 =	rddreg [dreg:$0xb];
	[sflag:s13] =	ssyncadd.s32 $0xFFFFC000  }
0x14f: {  	[tilespmem:s18], [sflag:$0x3] =	stream.indirect.gather [hbm4b:s4+s16], $0x80, s10, s16, $0xb8;
	[tilespmem:$0x1C800] =	vst v63  }
0x150: {  	s11 =	rddreg [dreg:$0xc]  }
0x151: {  	[tilespmem:s19], [sflag:$0x4] =	stream.indirect.gather [hbm4b:s4+s16], $0x80, s11, s16, $0xb8;
	[tilespmem:$0x1C800] =	vst v63  }
0x152: {  	_ =	swait.ge [sflag:s20], $0x2000  }
0x153: {  	[sflag:s20] =	ssyncset.done $0x0  }
0x154: {  	[sflag:s20] =	ssyncadd.s32 $0xFFFFE000  }
0x155: {  	_ =	swait.ge [sflag:s21], $0x2000  }
0x156: {  	[sflag:s21] =	ssyncset.done $0x0  }
0x157: {  	s9 =	rddreg [dreg:$0xd];
	[sflag:s21] =	ssyncadd.s32 $0xFFFFE000  }
0x158: {  	[spmem:s1] =	stream.indirect.scatter.add.f32 [tilespmem:s12], [sflag:$0x5], $0x80, s9, s22, $0xb8;
	[tilespmem:$0x1C800] =	vst v63  }
0x159: {  	_ =	swait.ge [sflag:s13], $0x4000  }
0x15a: {  	[sflag:s13] =	ssyncset.done $0x0  }
0x15b: {  	s10 =	rddreg [dreg:$0xe];
	[sflag:s13] =	ssyncadd.s32 $0xFFFFC000  }
0x15c: {  	[tilespmem:s12], [sflag:$0x1] =	stream.indirect.gather [hbm4b:s4+s16], $0x80, s10, s16, $0xb8;
	[tilespmem:$0x1C800] =	vst v63  }
0x15d: {  	s11 =	rddreg [dreg:$0xf]  }
0x15e: {  	[tilespmem:s17], [sflag:$0x2] =	stream.indirect.gather [hbm4b:s4+s16], $0x80, s11, s16, $0xb8;
	[tilespmem:$0x1C800] =	vst v63  }
0x15f: {  	_ =	swait.ge [sflag:s23], $0x2000  }
0x160: {  	[sflag:s23] =	ssyncset.done $0x0  }
0x161: {  	[sflag:s23] =	ssyncadd.s32 $0xFFFFE000  }
0x162: {  	_ =	swait.ge [sflag:s24], $0x2000  }
0x163: {  	[sflag:s24] =	ssyncset.done $0x0  }
0x164: {  	[sflag:s24] =	ssyncadd.s32 $0xFFFFE000  }
0x165: {  	[spmem:s1] =	stream.indirect.scatter.add.f32 [tilespmem:s18], [sflag:$0x5], $0x80, s25, s22, $0xb8;
	[tilespmem:$0x1C800] =	vst v63  }
0x166: {  	_ =	swait.ge [sflag:s13], $0x4000  }
0x167: {  	[sflag:s13] =	ssyncset.done $0x0  }
0x168: {  	[sflag:s13] =	ssyncadd.s32 $0xFFFFC000  }
0x169: {  	[tilespmem:s18], [sflag:$0x3] =	stream.indirect.gather [hbm4b:s4+s16], $0x80, s26, s16, $0xb8;
	[tilespmem:$0x1C800] =	vst v63  }
0x16a: {  	_ = 	snop  }
0x16b: {  	[tilespmem:s19], [sflag:$0x4] =	stream.indirect.gather [hbm4b:s4+s16], $0x80, s28, s16, $0xb8;
	[tilespmem:$0x1C800] =	vst v63  }
0x16c: {  	_ =	swait.ge [sflag:s20], $0x2000  }
0x16d: {  	[sflag:s20] =	ssyncset.done $0x0  }
0x16e: {  	[sflag:s20] =	ssyncadd.s32 $0xFFFFE000  }
0x16f: {  	_ =	swait.ge [sflag:s21], $0x2000  }
0x170: {  	[sflag:s21] =	ssyncset.done $0x0  }
0x171: {  	[sflag:s21] =	ssyncadd.s32 $0xFFFFE000  }
0x172: {  	[spmem:s1] =	stream.indirect.scatter.add.f32 [tilespmem:s12], [sflag:$0x5], $0x80, s29, s22, $0xb8;
	[tilespmem:$0x1C800] =	vst v63  }
0x173: {  	_ =	swait.ge [sflag:s13], $0x4000  }
0x174: {  	[sflag:s13] =	ssyncset.done $0x0  }
0x175: {  	[sflag:s13] =	ssyncadd.s32 $0xFFFFC000  }
0x176: {  	[tilespmem:s12], [sflag:$0x1] =	stream.indirect.gather [hbm4b:s4+s16], $0x80, s30, s16, $0xb8;
	[tilespmem:$0x1C800] =	vst v63  }
0x177: {  	_ = 	snop  }
0x178: {  	[tilespmem:s17], [sflag:$0x2] =	stream.indirect.gather [hbm4b:s4+s16], $0x80, s31, s16, $0xb8;
	[tilespmem:$0x1C800] =	vst v63  }
0x179: {  	_ =	swait.ge [sflag:s23], $0x2000  }
0x17a: {  	[sflag:s23] =	ssyncset.done $0x0  }
0x17b: {  	[sflag:s23] =	ssyncadd.s32 $0xFFFFE000  }
0x17c: {  	_ =	swait.ge [sflag:s24], $0x2000  }
0x17d: {  	[sflag:s24] =	ssyncset.done $0x0  }
0x17e: {  	[sflag:s24] =	ssyncadd.s32 $0xFFFFE000  }
0x17f: {  	[spmem:s1] =	stream.indirect.scatter.add.f32 [tilespmem:s18], [sflag:$0x5], $0x80, s0, s22, $0xb8;
	[tilespmem:$0x1C800] =	vst v63  }
0x180: {  	_ =	swait.ge [sflag:s13], $0x4000  }
0x181: {  	[sflag:s13] =	ssyncset.done $0x0  }
0x182: {  	[sflag:s13] =	ssyncadd.s32 $0xFFFFC000  }
0x183: {  	[tilespmem:s18], [sflag:$0x3] =	stream.indirect.gather [hbm4b:s4+s16], $0x80, s2, s16, $0xb8;
	[tilespmem:$0x1C800] =	vst v63  }
0x184: {  	_ = 	snop  }
0x185: {  	[tilespmem:s19], [sflag:$0x4] =	stream.indirect.gather [hbm4b:s4+s16], $0x80, s6, s16, $0xb8;
	[tilespmem:$0x1C800] =	vst v63  }
0x186: {  	_ =	swait.ge [sflag:s20], $0x2000  }
0x187: {  	[sflag:s20] =	ssyncset.done $0x0  }
0x188: {  	[sflag:s20] =	ssyncadd.s32 $0xFFFFE000  }
0x189: {  	_ =	swait.ge [sflag:s21], $0x2000  }
0x18a: {  	[sflag:s21] =	ssyncset.done $0x0  }
0x18b: {  	[sflag:s21] =	ssyncadd.s32 $0xFFFFE000  }
0x18c: {  	[spmem:s1] =	stream.indirect.scatter.add.f32 [tilespmem:s12], [sflag:$0x5], $0x80, s7, s22, $0xb8;
	[tilespmem:$0x1C800] =	vst v63  }
0x18d: {  	_ =	swait.ge [sflag:s13], $0x4000  }
0x18e: {  	[sflag:s13] =	ssyncset.done $0x0  }
0x18f: {  	[sflag:s13] =	ssyncadd.s32 $0xFFFFC000  }
0x190: {  	_ =	swait.ge [sflag:s23], $0x2000  }
0x191: {  	[sflag:s23] =	ssyncset.done $0x0  }
0x192: {  	[sflag:s23] =	ssyncadd.s32 $0xFFFFE000  }
0x193: {  	_ =	swait.ge [sflag:s24], $0x2000  }
0x194: {  	[sflag:s24] =	ssyncset.done $0x0  }
0x195: {  	[sflag:s24] =	ssyncadd.s32 $0xFFFFE000  }
0x196: {  	[spmem:s1] =	stream.indirect.scatter.add.f32 [tilespmem:s18], [sflag:$0x5], $0x80, s8, s22, $0xb8;
	[tilespmem:$0x1C800] =	vst v63  }
0x197: {  	_ =	swait.ge [sflag:s13], $0x4000  }
0x198: {  	[sflag:s13] =	ssyncset.done $0x0  }
0x199: {  	[sflag:s13] =	ssyncadd.s32 $0xFFFFC000  }
0x19a: {  	s9 =	stileid.u32;
	[bflag:$0x0] =	sbarrier.arrive $0xFFFF  }
0x19b: {  	s5 =	sshll.u32 s9, $0x6;
	s10 =	rddreg [dreg:$0x10]  }
0x19c: {  	s5 =	sor.u32 $0x1C05, s5;
	s11 =	rddreg [dreg:$0x15];
	s9 =	sshrl.u32 s10, $0x3  }
0x19d: {  	[hbm:s11], [sflag:s5] =	dma.local [spmem:s9], $0x2800  }
0x19e: {  	_ =	swait.ge [sflag:s13], $0x2800  }
0x19f: {  	s10 =	rddreg [dreg:$0x17]  }
0x1a0: {  	s11 =	rddreg [dreg:$0x16];
	s9 =	sadd.s32 $0x1, s10  }
0x1a1: {  	p0 =	sne.s32 s9, s11  }
.Ltmp2:
0x1a2: {  	_ = 	snop;
	(pc) =	sbr.rel @p0 .LBB2_1-.Ltmp2, $3  }
0x1a3: {  	_ =	sdelay $0x1  }
0x1a4: {  	[sflag:s13] =	ssyncset.done $0x0  }
0x1a5: {  	[sflag:s13] =	ssyncadd.s32 $0xFFFFD800  }
0x1a6: {  	_ =	sfence.sel $0x180000  }
0x1a7: {  	[bflag:$0x0] =	sbarrier.arrive $0xFFFF  }
0x1a8: {  	_ =	strace $0x9000004D  }
0x1a9: {  	s0 =	stileid.u32;
	[bflag:$0x2] =	sbarrier.arrive $0xFFFF  }
0x1aa: {  	p0 =	sne.s32 s0, $0x0;
	s0 =	rddreg [dreg:$0x2]  }
0x1ab: {  	s0 =	sadd.s32 @!p0 $0x100000, s0  }
0x1ac: {  	[sflag:s0] =	ssyncadd.tile.s32 @!p0 $0x1;
	_ =	shalt  }
.Lfunc_end2:
_tile_overlayer_lowered:
.L_overlay_start_2:
0x1ad: {  	(tag) =	ssettag $0x2  }
0x1ae: {  	s0 =	rddreg [dreg:$0x0];
	s2 =	stileid.u32  }
0x1af: {  	s1 =	rddreg [dreg:$0x1];
	p0 =	sne.s32 s2, $0x0  }
0x1b0: {  	s3 =	rddreg [dreg:$0x2];
	[bflag:$0x3] =	sbarrier.arrive $0xFFFF;
	s2 =	simm.s32 @!p0 $0x1C05  }
0x1b1: {  	[timem:s3], [sflag:s2] =	dma.local @!p0 [hbm:s0], s1  }
0x1b2: {  	s0 =	simm.s32 @!p0 $0x5  }
0x1b3: {  	_ =	swait.ge @!p0 [sflag:s0], s1  }
0x1b4: {  	s1 =	ssub.s32 @!p0 $0x0, s1;
	[sflag:s0] =	ssyncset.done @!p0 $0x0  }
0x1b5: {  	[sflag:s0] =	ssyncadd.s32 @!p0 s1  }
0x1b6: {  	[bflag:$0x3] =	sbarrier.arrive $0xFFFF  }
0x1b7: {  	_ =	shalt  }

// kernel: kernel.19.cloned.1.call-start
scs
__scs_entry_jumppad:
0x0: {  	(pc) =	sbr.rel $0x88, $3  }
0x1: {  	(tag) =	ssettag $0x0;
	lr =	simm.s32 $0x1  }
0x2: {  	[smem:$0x3F95] =	sst lr;
	_ =	strace $0xD0000000  }
0x3: {  	_ = 	snop  }
0x4: {  	_ = 	snop  }
0x5: {  	_ = 	snop  }
0x6: {  	_ = 	snop  }
0x7: {  	_ = 	snop  }
__scs_overlays_trampoline_lowered:
0x8: {  	[smem:$0x3FA4] =	sst s0  }
0x9: {  	[smem:$0x3FA5] =	sst s1  }
0xa: {  	[smem:$0x3FA6] =	sst s2  }
0xb: {  	[smem:$0x3FA7] =	sst s3  }
0xc: {  	[smem:$0x3FA8] =	sst s4  }
0xd: {  	[smem:$0x3FA9] =	sst s5  }
0xe: {  	[smem:$0x3FAA] =	sst s6  }
0xf: {  	[smem:$0x3FAB] =	sst s7  }
0x10: {  	[smem:$0x3FAC] =	sst s8  }
0x11: {  	[smem:$0x3FAD] =	sst s9;
	s0 =	simm.s32 @!p0 $0x0  }
0x12: {  	s1 =	sld [smem:$0x3F93];
	s0 =	simm.s32 @p0 $0x1  }
0x13: {  	[smem:$0x3FAE] =	sst s0;
	s0 =	simm.s32 @!p1 $0x0  }
0x14: {  	s2 =	sld [smem:$0x3F92];
	s0 =	simm.s32 @p1 $0x1  }
0x15: {  	[smem:$0x3FAF] =	sst s0;
	s0 =	simm.s32 @!p2 $0x0  }
0x16: {  	s3 =	sld [smem:$0x3FDB];
	s0 =	simm.s32 @p2 $0x1  }
0x17: {  	s4 =	simm.s32 $0x1BF5;
	[smem:$0x3FB1] =	sst s0  }
0x18: {  	s0 =	sld [smem:$0x3F94];
	_ =	swait.ge [sflag:s4], $0x0  }
0x19: {  	s7 =	sld [smem:$0x3F95]  }
0x1a: {  	s8 =	sadd.s32 $0xFFFFE003, lr  }
0x1b: {  	s9 =	sadd.s32 $0xFFFFFEF7, lr;
	s5 =	simm.s32 $0xFFFFFFFF;
	p2 =	slt.u32 s8, $0xFFFFF086  }
0x1c: {  	p1 =	slt.u32 s9, $0xF7A;
	s5 =	simm.s32 @!p2 $0x0  }
0x1d: {  	s5 =	simm.s32 @p1 $0x1;
	p0 =	seq.s32 s7, s2  }
0x1e: {  	s7 =	smul.u32 @!p0 $0xF7A, s2;
	p2 =	seq.s32 @!p0 s5, $0x0  }
0x1f: {  	s9 =	smul.u32 $0xF7A, s1;
	s8 =	simm.s32 @!p0 $0x1BF5;
	p2 =	por !p2, p0  }
0x20: {  	[sflag:s8] =	ssyncset.s32 @!p0 $0xFFFFF086;
	s6 =	sadd.s32 @!p0 s3, s7;
	s7 =	simm.s32 @!p0 $0x108  }
0x21: {  	s3 =	sadd.s32 s3, s9;
	s6 =	sadd.s32 @!p0 $0x88, s6;
	s7 =	simm.s32 @p2 $0x1082  }
0x22: {  	[simem:s7], [sflag:s8] =	dma.local @!p0 [hbm:s6], $0xF7A  }
0x23: {  	s9 =	sor.u32 $0xD0000000, s2;
	s6 =	simm.s32 $0x108;
	_ =	swait.ge @!p0 [sflag:s8], $0x0  }
0x24: {  	s3 =	sadd.s32 $0x88, s3;
	s6 =	simm.s32 @!p1 $0x1082;
	[sflag:s4] =	ssyncset.s32 $0xFFFFF086  }
0x25: {  	[simem:s6], [sflag:s4] =	dma.local [hbm:s3], $0xF7A  }
0x26: {  	[smem:$0x3F95] =	sst s1;
	(tag) =	ssettag s2;
	_ =	strace s9  }
0x27: {  	s1 =	sld [smem:$0x3FA5]  }
0x28: {  	s2 =	sld [smem:$0x3FA6]  }
0x29: {  	s4 =	sld [smem:$0x3FA8]  }
0x2a: {  	p0 =	seq.s32 s5, $0x0;
	s5 =	sld [smem:$0x3FA9]  }
0x2b: {  	s6 =	sld [smem:$0x3FAA]  }
0x2c: {  	s7 =	sld [smem:$0x3FAB]  }
0x2d: {  	s3 =	simm.s32 $0x108;
	s8 =	sld [smem:$0x3FAC]  }
0x2e: {  	s3 =	simm.s32 @!p0 $0x1082;
	s9 =	sld [smem:$0x3FAD]  }
0x2f: {  	lr =	sadd.s32 s0, s3;
	s0 =	sld [smem:$0x3FA4]  }
0x30: {  	s3 =	sld [smem:$0x3FA7]  }
0x31: {  	[smem:$0x3FB0] =	sst s10  }
0x32: {  	s10 =	sld [smem:$0x3FAE];
	_ =	sdelay $0x3  }
0x33: {  	p0 =	seq.s32 s10, $0x1;
	s10 =	sld [smem:$0x3FB0];
	_ =	sdelay $0x3  }
0x34: {  	[smem:$0x3FB0] =	sst s10  }
0x35: {  	s10 =	sld [smem:$0x3FAF];
	_ =	sdelay $0x3  }
0x36: {  	p1 =	seq.s32 s10, $0x1;
	s10 =	sld [smem:$0x3FB0];
	_ =	sdelay $0x3  }
0x37: {  	[smem:$0x3FB0] =	sst s10  }
0x38: {  	s10 =	sld [smem:$0x3FB1]  }
0x39: {  	_ = 	snop;
	(pc) =	sbr.ind lr, $3  }
0x3a: {  	_ = 	snop  }
0x3b: {  	_ = 	snop  }
0x3c: {  	p2 =	seq.s32 s10, $0x1;
	s10 =	sld [smem:$0x3FB0]  }
0x3d: {  	_ =	shalt  }
0x3e: {  	_ =	shalt  }
0x3f: {  	_ =	shalt  }
0x40: {  	_ =	shalt  }
0x41: {  	_ =	shalt  }
0x42: {  	_ =	shalt  }
0x43: {  	_ =	shalt  }
0x44: {  	_ =	shalt  }
0x45: {  	_ =	shalt  }
0x46: {  	_ =	shalt  }
0x47: {  	_ =	shalt  }
0x48: {  	_ =	shalt  }
0x49: {  	_ =	shalt  }
0x4a: {  	_ =	shalt  }
0x4b: {  	_ =	shalt  }
0x4c: {  	_ =	shalt  }
0x4d: {  	_ =	shalt  }
0x4e: {  	_ =	shalt  }
0x4f: {  	_ =	shalt  }
0x50: {  	_ =	shalt  }
0x51: {  	_ =	shalt  }
0x52: {  	_ =	shalt  }
0x53: {  	_ =	shalt  }
0x54: {  	_ =	shalt  }
0x55: {  	_ =	shalt  }
0x56: {  	_ =	shalt  }
0x57: {  	_ =	shalt  }
0x58: {  	_ =	shalt  }
0x59: {  	_ =	shalt  }
0x5a: {  	_ =	shalt  }
0x5b: {  	_ =	shalt  }
0x5c: {  	_ =	shalt  }
0x5d: {  	_ =	shalt  }
0x5e: {  	_ =	shalt  }
0x5f: {  	_ =	shalt  }
0x60: {  	_ =	shalt  }
0x61: {  	_ =	shalt  }
0x62: {  	_ =	shalt  }
0x63: {  	_ =	shalt  }
0x64: {  	_ =	shalt  }
0x65: {  	_ =	shalt  }
0x66: {  	_ =	shalt  }
0x67: {  	_ =	shalt  }
0x68: {  	_ =	shalt  }
0x69: {  	_ =	shalt  }
0x6a: {  	_ =	shalt  }
0x6b: {  	_ =	shalt  }
0x6c: {  	_ =	shalt  }
0x6d: {  	_ =	shalt  }
0x6e: {  	_ =	shalt  }
0x6f: {  	_ =	shalt  }
0x70: {  	_ =	shalt  }
0x71: {  	_ =	shalt  }
0x72: {  	_ =	shalt  }
0x73: {  	_ =	shalt  }
0x74: {  	_ =	shalt  }
0x75: {  	_ =	shalt  }
0x76: {  	_ =	shalt  }
0x77: {  	_ =	shalt  }
0x78: {  	_ =	shalt  }
0x79: {  	_ =	shalt  }
0x7a: {  	_ =	shalt  }
0x7b: {  	_ =	shalt  }
0x7c: {  	_ =	shalt  }
0x7d: {  	_ =	shalt  }
0x7e: {  	_ =	shalt  }
0x7f: {  	_ =	shalt  }
0x80: {  	_ =	shalt  }
0x81: {  	_ =	shalt  }
0x82: {  	_ =	shalt  }
0x83: {  	_ =	shalt  }
0x84: {  	_ =	shalt  }
0x85: {  	_ =	shalt  }
0x86: {  	_ =	shalt  }
0x87: {  	_ =	shalt  }
.Lfunc_end0:
.L_simem_size_0:
called_computation.3_lowered:
.L_overlay_start_0:
0x88: {  	s2 =	sld [smem:$0x3FD9]  }
0x89: {  	s3 =	sld [smem:$0x3FFE];
	_ =	sdelay $0x1  }
0x8a: {  	s1 =	srdreg.scid  }
0x8b: {  	s0 =	sand.u32 $0x1, s1  }
0x8c: {  	s16 =	sshll.u32 s0, $0xA;
	s2 =	sadd.s32 s3, s2  }
0x8d: {  	s2 =	sadd.s32 s2, s16  }
0x8e: {  	[smem:$0x3FBC] =	sst s2  }
0x8f: {  	_ = 	snop  }
0x90: {  	(tm) =	ssettm $0x1  }
0x91: {  	s17 =	sld [smem:$0x3FFB];
	_ =	sdelay $0x3  }
0x92: {  	_ =	strace s17  }
0x93: {  	s2 =	sld [smem:$0x3FFC];
	_ =	sdelay $0x3  }
0x94: {  	_ =	strace s2  }
0x95: {  	s2 =	sld [smem:$0x3FFD];
	_ =	sdelay $0x3  }
0x96: {  	_ =	strace s2  }
0x97: {  	_ =	strace $0x8FFFFFFF  }
0x98: {  	s18 =	sld [smem:$0x3FDB];
	_ =	sdelay $0x1  }
0x99: {  	s19 =	simm.s32 $_scs_section_size  }
0x9a: {  	s4 =	simm.s32 $_size__tile_overlayer_lowered;
	s5 =	simm.s32 $_tile_overlayer_lowered  }
0x9b: {  	s22 =	simm.s32 $0x1BFF;
	s21 =	sshll.u32 s5, $0x1;
	s2 =	sadd.s32 s19, s18  }
0x9c: {  	s6 =	simm.s32 $0x0;
	s20 =	sshll.u32 s4, $0x1;
	s4 =	sadd.s32 s21, s2  }
0x9d: {  	[timem:s6], [sflag:s22] =	dma.local [hbm:s4], s20  }
0x9e: {  	_ =	swait.ge [sflag:s22], s20  }
0x9f: {  	s3 =	ssub.s32 $0x0, s20;
	[sflag:s22] =	ssyncset.done $0x0  }
0xa0: {  	[sflag:s22] =	ssyncadd.s32 s3;
	_ =	sdelay $0x1  }
0xa1: {  	s23 =	simm.s32 $0x1B8B  }
0xa2: {  	_ =	swait.ge [sflag:s23], $0x1  }
0xa3: {  	[sflag:s23] =	ssyncset.done $0x0  }
0xa4: {  	s25 =	simm.s32 $0x1B8E;
	s24 =	sld [smem:$0x3FFE];
	[sflag:s23] =	ssyncadd.s32 $0xFFFFFFFF  }
0xa5: {  	s26 =	simm.s32 $execute0_lowered;
	[smem:$0x3FD2] =	sst s25  }
0xa6: {  	s4 =	sshll.u32 s26, $0x1;
	_ =	strace $0x8000004F;
	[dreg:$0x1] =	wrdreg $0xFFFFFFFF  }
0xa7: {  	s28 =	simm.s32 $_size_execute0_lowered;
	s2 =	sadd.s32 s2, s4;
	[dreg:$0x0] =	wrdreg $0x0  }
0xa8: {  	s4 =	sshll.u32 s28, $0x1;
	[dreg:$0x2] =	wrdreg s2  }
0xa9: {  	[dreg:$0x3] =	wrdreg s4  }
0xaa: {  	[dreg:$0x4] =	wrdreg $0xC0  }
0xab: {  	_ =	task [dreg:s6], $0x5FFFF  }
0xac: {  	[dreg:$0x1] =	wrdreg $0xFFFFFFFF  }
0xad: {  	[dreg:$0x0] =	wrdreg $0x60  }
0xae: {  	[dreg:$0x2] =	wrdreg s24  }
0xaf: {  	[dreg:$0x3] =	wrdreg $0x0  }
0xb0: {  	[dreg:$0x4] =	wrdreg $0x9  }
0xb1: {  	_ =	task.clear_ibuf [dreg:s6], $0x5FFFF;
	_ =	strace $0x9000004F  }
0xb2: {  	s29 =	simm.s32 $0x9;
	_ =	strace $0x80000051  }
0xb3: {  	_ =	swait.ge [sflag:s29], $0x1  }
0xb4: {  	[sflag:s29] =	ssyncadd.s32 $0xFFFFFFFF  }
0xb5: {  	_ =	strace $0x90000051  }
0xb6: {  	_ =	sfence  }
0xb7: {  	s30 =	sld [smem:$0x0];
	_ =	sdelay $0x2  }
0xb8: {  	s31 =	sshll.u32 s1, $0xD;
	s1 =	sshrl.u32 s1, $0x2  }
0xb9: {  	s3 =	sand.u32 $0x4000, s31;
	s1 =	sadd.s32 s1, s30  }
0xba: {  	s0 =	sor.u32 s3, s0;
	s1 =	sshll.u32 s1, $0x11  }
0xbb: {  	s0 =	sor.u32 s1, s0  }
0xbc: {  	s0 =	sadd.s32 $0x8F2B, s0  }
0xbd: {  	[sflag:s0] =	ssyncadd.remote.s32 $0x1  }
0xbe: {  	_ =	sfence.sel $0xFFFF  }
0xbf: {  	[dreg:$0x0] =	wrdreg $0xFFFFFFFF;
	(pc) =	sbr.abs _section_cstart, $3  }
0xc0: {  	[dreg:$0x1] =	wrdreg $0xFFFFFFFF  }
0xc1: {  	_ =	task.clear_ibuf [dreg:s6], $0x2FFFF;
	_ =	strace $0x9FFFFFFF  }
0xc2: {  	(tm) =	ssettm $0x7FFFFFFF  }
0xc3: {  	_ =	shalt  }
tec
execute0_lowered:
.L_overlay_start_1:
0x0: {  	(tag) =	ssettag $0x1  }
0x1: {  	s0 =	rddreg [dreg:$0x0]  }
0x2: {  	s2 =	srdreg.scid;
	s1 =	rddreg [dreg:$0x1];
	s3 =	simm.s32 $0x0  }
0x3: {  	s9 =	stileid.u32;
	s16 =	simm.s32 $0x14040;
	s17 =	simm.s32 $0x14080  }
0x4: {  	s18 =	simm.s32 $0x140C0;
	s19 =	simm.s32 $0x14100;
	s20 =	simm.s32 $0x14140  }
0x5: {  	s21 =	simm.s32 $0x14480;
	s22 =	simm.s32 $0x14180;
	s23 =	simm.s32 $0x141C0  }
0x6: {  	s28 =	simm.s32 $0x142C0;
	s29 =	simm.s32 $0x14600;
	[smem:$0x7FF] =	sst s3  }
0x7: {  	s7 =	smul.u32 $0x14000, s9;
	_ =	strace $0x80000050;
	[dreg:$0x5] =	wrdreg s16  }
0x8: {  	s30 =	simm.s32 $0x14300;
	s8 =	smul.u32 $0x50000, s9;
	[dreg:$0x6] =	wrdreg s17  }
0x9: {  	s2 =	sand.u32 $0x1, s2;
	s26 =	smul.u32 $0x500, s9;
	[dreg:$0x7] =	wrdreg s18  }
0xa: {  	s31 =	simm.s32 $0x14340;
	s5 =	smul.u32 $0x5000, s2;
	[dreg:$0x8] =	wrdreg s19  }
0xb: {  	s4 =	sadd.s32 $0x17600, s0;
	s6 =	smul.u32 $0x140000, s2;
	[dreg:$0x9] =	wrdreg s20  }
0xc: {  	s2 =	ssub.s32 $0x2, s2;
	s16 =	simm.s32 $0x40;
	[dreg:$0xa] =	wrdreg s21  }
0xd: {  	s17 =	simm.s32 $0x16800;
	s18 =	simm.s32 $0x18800;
	[dreg:$0xb] =	wrdreg s22  }
0xe: {  	s19 =	simm.s32 $0x1A800;
	s20 =	simm.s32 $0x1;
	[dreg:$0xc] =	wrdreg s23  }
0xf: {  	s21 =	simm.s32 $0x2;
	s22 =	simm.s32 $0x80;
	s23 =	simm.s32 $0x3  }
0x10: {  	s24 =	sshrl.u32 s8, $0x2;
	s25 =	sshrl.u32 s2, $0x1;
	s8 =	simm.s32 $0x14780  }
0x11: {  	s5 =	sadd.s32 s5, s0;
	s6 =	sadd.s32 s7, s6;
	s10 =	sadd.s32 s24, s1  }
0x12: {  	s2 =	ssub.s32 s2, s25;
	s24 =	simm.s32 $0x14500;
	[dreg:$0x10] =	wrdreg s10  }
0x13: {  	s25 =	simm.s32 $0x14200;
	s7 =	simm.s32 $0x14700;
	[dreg:$0xd] =	wrdreg s24  }
0x14: {  	s6 =	sshrl.u32 s6, $0x3;
	s9 =	sadd.s32 $0x4000, s10;
	[dreg:$0xe] =	wrdreg s25  }
0x15: {  	s11 =	sadd.s32 $0x8000, s10;
	s12 =	sadd.s32 $0xC000, s10;
	[dreg:$0x11] =	wrdreg s9  }
0x16: {  	s5 =	sadd.s32 s26, s5;
	s13 =	sadd.s32 $0x10000, s10;
	[dreg:$0x12] =	wrdreg s11  }
0x17: {  	s2 =	smax.u32 s2, $0x1;
	s26 =	simm.s32 $0x14240;
	[dreg:$0x13] =	wrdreg s12  }
0x18: {  	s24 =	simm.s32 $0x4;
	s25 =	simm.s32 $0x14580;
	[dreg:$0x14] =	wrdreg s13  }
0x19: {  	s0 =	sadd.s32 s6, s0;
	s14 =	sadd.s32 $0x3600, s5;
	[dreg:$0x16] =	wrdreg s2  }
0x1a: {  	s15 =	sadd.s32 $0xD600, s5;
	s12 =	simm.s32 $0x14800;
	s13 =	simm.s32 $0x5  }
0x1b: {  	[dreg:$0xf] =	wrdreg s26;
	s26 =	simm.s32 $0x14280;
	s2 =	simm.s32 $0x14380  }
0x1c: {  	s6 =	simm.s32 $0x143C0;
	s9 =	simm.s32 $0x0;
	[dreg:$0x3] =	wrdreg s14  }
0x1d: {  	s0 =	sadd.s32 $0x3F600, s0;
	[dreg:$0x4] =	wrdreg s15;
	s14 =	simm.s32 $0x14000  }
0x1e: {  	v0 =	vimm.f32 $0.0e+00;
	s15 =	simm.s32 $0x14400;
	[dreg:$0x15] =	wrdreg s0;
	s0 =	simm.s32 $0x14680  }
.LBB2_1:
0x1f: {  	s10 =	simm.s32 $0x0;
	s11 =	simm.s32 $0x200  }
.LBB2_2:
0x20: {  	p0 =	sne.s32 s11, $0xFE00;
	[tilespmem:s10+$0x14870] =	vst v0  }
0x21: {  	[tilespmem:s10+$0x14800] =	vst v0  }
0x22: {  	[tilespmem:s10+$0x14810] =	vst v0  }
.Ltmp0:
0x23: {  	[tilespmem:s10+$0x14820] =	vst v0;
	(pc) =	sbr.rel @p0 .LBB2_2-.Ltmp0, $4  }
0x24: {  	[tilespmem:s10+$0x14830] =	vst v0  }
0x25: {  	[tilespmem:s10+$0x14840] =	vst v0  }
0x26: {  	[tilespmem:s10+$0x14850] =	vst v0  }
0x27: {  	[tilespmem:s10+$0x14860] =	vst v0;
	s10 =	sshra.s32 s11, $0x2;
	s11 =	sadd.s32 $0x200, s11  }
0x28: {  	[tilespmem:s10+$0x14870] =	vst v0  }
0x29: {  	[tilespmem:s10+$0x14800] =	vst v0  }
0x2a: {  	[tilespmem:s10+$0x14810] =	vst v0  }
0x2b: {  	[tilespmem:s10+$0x14820] =	vst v0  }
0x2c: {  	[tilespmem:s10+$0x14830] =	vst v0  }
0x2d: {  	[tilespmem:s10+$0x14840] =	vst v0  }
0x2e: {  	[dreg:$0x17] =	wrdreg s9;
	[tilespmem:s10+$0x14850] =	vst v0  }
0x2f: {  	[tilespmem:s10+$0x14860] =	vst v0;
	s5 =	rddreg [dreg:$0x10]  }
0x30: {  	[spmem:s5] =	stream.linear.scatter [tilespmem:s12], [sflag:$0x5], $0x4000, $0x38;
	[tilespmem:$0x1C800] =	vst v63  }
0x31: {  	_ =	swait.ge [sflag:s13], $0x4000  }
0x32: {  	[sflag:s13] =	ssyncset.done $0x0  }
0x33: {  	s10 =	rddreg [dreg:$0x11];
	[sflag:s13] =	ssyncadd.s32 $0xFFFFC000  }
0x34: {  	[spmem:s10] =	stream.linear.scatter [tilespmem:s12], [sflag:$0x5], $0x4000, $0x38;
	[tilespmem:$0x1C800] =	vst v63  }
0x35: {  	_ =	swait.ge [sflag:s13], $0x4000  }
0x36: {  	[sflag:s13] =	ssyncset.done $0x0  }
0x37: {  	s11 =	rddreg [dreg:$0x12];
	[sflag:s13] =	ssyncadd.s32 $0xFFFFC000  }
0x38: {  	[spmem:s11] =	stream.linear.scatter [tilespmem:s12], [sflag:$0x5], $0x4000, $0x38;
	[tilespmem:$0x1C800] =	vst v63  }
0x39: {  	_ =	swait.ge [sflag:s13], $0x4000  }
0x3a: {  	[sflag:s13] =	ssyncset.done $0x0  }
0x3b: {  	s9 =	rddreg [dreg:$0x13];
	[sflag:s13] =	ssyncadd.s32 $0xFFFFC000  }
0x3c: {  	[spmem:s9] =	stream.linear.scatter [tilespmem:s12], [sflag:$0x5], $0x4000, $0x38;
	[tilespmem:$0x1C800] =	vst v63  }
0x3d: {  	_ =	swait.ge [sflag:s13], $0x4000  }
0x3e: {  	[sflag:s13] =	ssyncset.done $0x0  }
0x3f: {  	s10 =	rddreg [dreg:$0x14];
	[sflag:s13] =	ssyncadd.s32 $0xFFFFC000  }
0x40: {  	[spmem:s10] =	stream.linear.scatter [tilespmem:s12], [sflag:$0x5], $0x4000, $0x38;
	[tilespmem:$0x1C800] =	vst v63  }
0x41: {  	_ =	swait.ge [sflag:s13], $0x4000  }
0x42: {  	[sflag:s13] =	ssyncset.done $0x0  }
0x43: {  	[sflag:s13] =	ssyncadd.s32 $0xFFFFC000  }
0x44: {  	[bflag:$0x0] =	sbarrier.arrive $0xFFFF  }
0x45: {  	s11 =	rddreg [dreg:$0x4]  }
0x46: {  	s5 =	sadd.s32 $0x0, s11  }
0x47: {  	[tilespmem:s14], [sflag:$0x5] =	stream.linear.gather [hbm4b:s5+s3], $0x400, $0x38;
	[tilespmem:$0x1C800] =	vst v63  }
0x48: {  	_ =	swait.ge [sflag:s13], $0x400  }
0x49: {  	s9 =	rddreg [dreg:$0x3];
	[sflag:s13] =	ssyncset.done $0x0  }
0x4a: {  	[sflag:s13] =	ssyncadd.s32 $0xFFFFFC00;
	s5 =	sadd.s32 $0x0, s9  }
0x4b: {  	[tilespmem:s15], [sflag:$0x5] =	stream.linear.gather [hbm4b:s5+s3], $0x400, $0x38;
	[tilespmem:$0x1C800] =	vst v63  }
0x4c: {  	_ =	swait.ge [sflag:s13], $0x400  }
0x4d: {  	[sflag:s13] =	ssyncset.done $0x0  }
0x4e: {  	[sflag:s13] =	ssyncadd.s32 $0xFFFFFC00  }
0x4f: {  	[tilespmem:s12], [sflag:$0x1] =	stream.indirect.gather [hbm4b:s4+s16], $0x80, s14, s16, $0xb8;
	[tilespmem:$0x1C800] =	vst v63  }
0x50: {  	s10 =	rddreg [dreg:$0x5]  }
0x51: {  	[tilespmem:s17], [sflag:$0x2] =	stream.indirect.gather [hbm4b:s4+s16], $0x80, s10, s16, $0xb8;
	[tilespmem:$0x1C800] =	vst v63  }
0x52: {  	s11 =	rddreg [dreg:$0x6]  }
0x53: {  	[tilespmem:s18], [sflag:$0x3] =	stream.indirect.gather [hbm4b:s4+s16], $0x80, s11, s16, $0xb8;
	[tilespmem:$0x1C800] =	vst v63  }
0x54: {  	s9 =	rddreg [dreg:$0x7]  }
0x55: {  	[tilespmem:s19], [sflag:$0x4] =	stream.indirect.gather [hbm4b:s4+s16], $0x80, s9, s16, $0xb8;
	[tilespmem:$0x1C800] =	vst v63  }
0x56: {  	_ =	swait.ge [sflag:s20], $0x2000  }
0x57: {  	[sflag:s20] =	ssyncset.done $0x0  }
0x58: {  	[sflag:s20] =	ssyncadd.s32 $0xFFFFE000  }
0x59: {  	_ =	swait.ge [sflag:s21], $0x2000  }
0x5a: {  	[sflag:s21] =	ssyncset.done $0x0  }
0x5b: {  	[sflag:s21] =	ssyncadd.s32 $0xFFFFE000  }
0x5c: {  	[spmem:s1] =	stream.indirect.scatter.add.f32 [tilespmem:s12], [sflag:$0x5], $0x80, s15, s22, $0xb8;
	[tilespmem:$0x1C800] =	vst v63  }
0x5d: {  	_ =	swait.ge [sflag:s13], $0x4000  }
0x5e: {  	[sflag:s13] =	ssyncset.done $0x0  }
0x5f: {  	s10 =	rddreg [dreg:$0x8];
	[sflag:s13] =	ssyncadd.s32 $0xFFFFC000  }
0x60: {  	[tilespmem:s12], [sflag:$0x1] =	stream.indirect.gather [hbm4b:s4+s16], $0x80, s10, s16, $0xb8;
	[tilespmem:$0x1C800] =	vst v63  }
0x61: {  	s11 =	rddreg [dreg:$0x9]  }
0x62: {  	[tilespmem:s17], [sflag:$0x2] =	stream.indirect.gather [hbm4b:s4+s16], $0x80, s11, s16, $0xb8;
	[tilespmem:$0x1C800] =	vst v63  }
0x63: {  	_ =	swait.ge [sflag:s23], $0x2000  }
0x64: {  	[sflag:s23] =	ssyncset.done $0x0  }
0x65: {  	[sflag:s23] =	ssyncadd.s32 $0xFFFFE000  }
0x66: {  	_ =	swait.ge [sflag:s24], $0x2000  }
0x67: {  	[sflag:s24] =	ssyncset.done $0x0  }
0x68: {  	s9 =	rddreg [dreg:$0xa];
	[sflag:s24] =	ssyncadd.s32 $0xFFFFE000  }
0x69: {  	[spmem:s1] =	stream.indirect.scatter.add.f32 [tilespmem:s18], [sflag:$0x5], $0x80, s9, s22, $0xb8;
	[tilespmem:$0x1C800] =	vst v63  }
0x6a: {  	_ =	swait.ge [sflag:s13], $0x4000  }
0x6b: {  	[sflag:s13] =	ssyncset.done $0x0  }
0x6c: {  	s10 =	rddreg [dreg:$0xb];
	[sflag:s13] =	ssyncadd.s32 $0xFFFFC000  }
0x6d: {  	[tilespmem:s18], [sflag:$0x3] =	stream.indirect.gather [hbm4b:s4+s16], $0x80, s10, s16, $0xb8;
	[tilespmem:$0x1C800] =	vst v63  }
0x6e: {  	s11 =	rddreg [dreg:$0xc]  }
0x6f: {  	[tilespmem:s19], [sflag:$0x4] =	stream.indirect.gather [hbm4b:s4+s16], $0x80, s11, s16, $0xb8;
	[tilespmem:$0x1C800] =	vst v63  }
0x70: {  	_ =	swait.ge [sflag:s20], $0x2000  }
0x71: {  	[sflag:s20] =	ssyncset.done $0x0  }
0x72: {  	[sflag:s20] =	ssyncadd.s32 $0xFFFFE000  }
0x73: {  	_ =	swait.ge [sflag:s21], $0x2000  }
0x74: {  	[sflag:s21] =	ssyncset.done $0x0  }
0x75: {  	s9 =	rddreg [dreg:$0xd];
	[sflag:s21] =	ssyncadd.s32 $0xFFFFE000  }
0x76: {  	[spmem:s1] =	stream.indirect.scatter.add.f32 [tilespmem:s12], [sflag:$0x5], $0x80, s9, s22, $0xb8;
	[tilespmem:$0x1C800] =	vst v63  }
0x77: {  	_ =	swait.ge [sflag:s13], $0x4000  }
0x78: {  	[sflag:s13] =	ssyncset.done $0x0  }
0x79: {  	s10 =	rddreg [dreg:$0xe];
	[sflag:s13] =	ssyncadd.s32 $0xFFFFC000  }
0x7a: {  	[tilespmem:s12], [sflag:$0x1] =	stream.indirect.gather [hbm4b:s4+s16], $0x80, s10, s16, $0xb8;
	[tilespmem:$0x1C800] =	vst v63  }
0x7b: {  	s11 =	rddreg [dreg:$0xf]  }
0x7c: {  	[tilespmem:s17], [sflag:$0x2] =	stream.indirect.gather [hbm4b:s4+s16], $0x80, s11, s16, $0xb8;
	[tilespmem:$0x1C800] =	vst v63  }
0x7d: {  	_ =	swait.ge [sflag:s23], $0x2000  }
0x7e: {  	[sflag:s23] =	ssyncset.done $0x0  }
0x7f: {  	[sflag:s23] =	ssyncadd.s32 $0xFFFFE000  }
0x80: {  	_ =	swait.ge [sflag:s24], $0x2000  }
0x81: {  	[sflag:s24] =	ssyncset.done $0x0  }
0x82: {  	[sflag:s24] =	ssyncadd.s32 $0xFFFFE000  }
0x83: {  	[spmem:s1] =	stream.indirect.scatter.add.f32 [tilespmem:s18], [sflag:$0x5], $0x80, s25, s22, $0xb8;
	[tilespmem:$0x1C800] =	vst v63  }
0x84: {  	_ =	swait.ge [sflag:s13], $0x4000  }
0x85: {  	[sflag:s13] =	ssyncset.done $0x0  }
0x86: {  	[sflag:s13] =	ssyncadd.s32 $0xFFFFC000  }
0x87: {  	[tilespmem:s18], [sflag:$0x3] =	stream.indirect.gather [hbm4b:s4+s16], $0x80, s26, s16, $0xb8;
	[tilespmem:$0x1C800] =	vst v63  }
0x88: {  	_ = 	snop  }
0x89: {  	[tilespmem:s19], [sflag:$0x4] =	stream.indirect.gather [hbm4b:s4+s16], $0x80, s28, s16, $0xb8;
	[tilespmem:$0x1C800] =	vst v63  }
0x8a: {  	_ =	swait.ge [sflag:s20], $0x2000  }
0x8b: {  	[sflag:s20] =	ssyncset.done $0x0  }
0x8c: {  	[sflag:s20] =	ssyncadd.s32 $0xFFFFE000  }
0x8d: {  	_ =	swait.ge [sflag:s21], $0x2000  }
0x8e: {  	[sflag:s21] =	ssyncset.done $0x0  }
0x8f: {  	[sflag:s21] =	ssyncadd.s32 $0xFFFFE000  }
0x90: {  	[spmem:s1] =	stream.indirect.scatter.add.f32 [tilespmem:s12], [sflag:$0x5], $0x80, s29, s22, $0xb8;
	[tilespmem:$0x1C800] =	vst v63  }
0x91: {  	_ =	swait.ge [sflag:s13], $0x4000  }
0x92: {  	[sflag:s13] =	ssyncset.done $0x0  }
0x93: {  	[sflag:s13] =	ssyncadd.s32 $0xFFFFC000  }
0x94: {  	[tilespmem:s12], [sflag:$0x1] =	stream.indirect.gather [hbm4b:s4+s16], $0x80, s30, s16, $0xb8;
	[tilespmem:$0x1C800] =	vst v63  }
0x95: {  	_ = 	snop  }
0x96: {  	[tilespmem:s17], [sflag:$0x2] =	stream.indirect.gather [hbm4b:s4+s16], $0x80, s31, s16, $0xb8;
	[tilespmem:$0x1C800] =	vst v63  }
0x97: {  	_ =	swait.ge [sflag:s23], $0x2000  }
0x98: {  	[sflag:s23] =	ssyncset.done $0x0  }
0x99: {  	[sflag:s23] =	ssyncadd.s32 $0xFFFFE000  }
0x9a: {  	_ =	swait.ge [sflag:s24], $0x2000  }
0x9b: {  	[sflag:s24] =	ssyncset.done $0x0  }
0x9c: {  	[sflag:s24] =	ssyncadd.s32 $0xFFFFE000  }
0x9d: {  	[spmem:s1] =	stream.indirect.scatter.add.f32 [tilespmem:s18], [sflag:$0x5], $0x80, s0, s22, $0xb8;
	[tilespmem:$0x1C800] =	vst v63  }
0x9e: {  	_ =	swait.ge [sflag:s13], $0x4000  }
0x9f: {  	[sflag:s13] =	ssyncset.done $0x0  }
0xa0: {  	[sflag:s13] =	ssyncadd.s32 $0xFFFFC000  }
0xa1: {  	[tilespmem:s18], [sflag:$0x3] =	stream.indirect.gather [hbm4b:s4+s16], $0x80, s2, s16, $0xb8;
	[tilespmem:$0x1C800] =	vst v63  }
0xa2: {  	_ = 	snop  }
0xa3: {  	[tilespmem:s19], [sflag:$0x4] =	stream.indirect.gather [hbm4b:s4+s16], $0x80, s6, s16, $0xb8;
	[tilespmem:$0x1C800] =	vst v63  }
0xa4: {  	_ =	swait.ge [sflag:s20], $0x2000  }
0xa5: {  	[sflag:s20] =	ssyncset.done $0x0  }
0xa6: {  	[sflag:s20] =	ssyncadd.s32 $0xFFFFE000  }
0xa7: {  	_ =	swait.ge [sflag:s21], $0x2000  }
0xa8: {  	[sflag:s21] =	ssyncset.done $0x0  }
0xa9: {  	[sflag:s21] =	ssyncadd.s32 $0xFFFFE000  }
0xaa: {  	[spmem:s1] =	stream.indirect.scatter.add.f32 [tilespmem:s12], [sflag:$0x5], $0x80, s7, s22, $0xb8;
	[tilespmem:$0x1C800] =	vst v63  }
0xab: {  	_ =	swait.ge [sflag:s13], $0x4000  }
0xac: {  	[sflag:s13] =	ssyncset.done $0x0  }
0xad: {  	[sflag:s13] =	ssyncadd.s32 $0xFFFFC000  }
0xae: {  	_ =	swait.ge [sflag:s23], $0x2000  }
0xaf: {  	[sflag:s23] =	ssyncset.done $0x0  }
0xb0: {  	[sflag:s23] =	ssyncadd.s32 $0xFFFFE000  }
0xb1: {  	_ =	swait.ge [sflag:s24], $0x2000  }
0xb2: {  	[sflag:s24] =	ssyncset.done $0x0  }
0xb3: {  	[sflag:s24] =	ssyncadd.s32 $0xFFFFE000  }
0xb4: {  	[spmem:s1] =	stream.indirect.scatter.add.f32 [tilespmem:s18], [sflag:$0x5], $0x80, s8, s22, $0xb8;
	[tilespmem:$0x1C800] =	vst v63  }
0xb5: {  	s10 =	simm.s32 $0x80;
	_ =	swait.ge [sflag:s13], $0x4000  }
0xb6: {  	s11 =	simm.s32 $0x100;
	s5 =	rddreg [dreg:$0x4];
	[sflag:s13] =	ssyncset.done $0x0  }
.LBB2_4:
0xb7: {  	[sflag:s13] =	ssyncadd.s32 $0xFFFFC000;
	s5 =	sadd.s32 s10, s5  }
0xb8: {  	[tilespmem:s14], [sflag:$0x5] =	stream.linear.gather [hbm4b:s5+s3], $0x400, $0x38;
	[tilespmem:$0x1C800] =	vst v63  }
0xb9: {  	_ =	swait.ge [sflag:s13], $0x400  }
0xba: {  	s5 =	rddreg [dreg:$0x3];
	[sflag:s13] =	ssyncset.done $0x0  }
0xbb: {  	[sflag:s13] =	ssyncadd.s32 $0xFFFFFC00;
	s5 =	sadd.s32 s10, s5  }
0xbc: {  	[tilespmem:s15], [sflag:$0x5] =	stream.linear.gather [hbm4b:s5+s3], $0x400, $0x38;
	[tilespmem:$0x1C800] =	vst v63  }
0xbd: {  	_ =	swait.ge [sflag:s13], $0x400  }
0xbe: {  	[sflag:s13] =	ssyncset.done $0x0  }
0xbf: {  	[sflag:s13] =	ssyncadd.s32 $0xFFFFFC00  }
0xc0: {  	[tilespmem:s12], [sflag:$0x1] =	stream.indirect.gather [hbm4b:s4+s16], $0x80, s14, s16, $0xb8;
	[tilespmem:$0x1C800] =	vst v63  }
0xc1: {  	s9 =	smov.u32 s11;
	s5 =	rddreg [dreg:$0x5]  }
0xc2: {  	[tilespmem:s17], [sflag:$0x2] =	stream.indirect.gather [hbm4b:s4+s16], $0x80, s5, s16, $0xb8;
	[tilespmem:$0x1C800] =	vst v63  }
0xc3: {  	s10 =	smov.u32 s9;
	s9 =	rddreg [dreg:$0x6]  }
0xc4: {  	[tilespmem:s18], [sflag:$0x3] =	stream.indirect.gather [hbm4b:s4+s16], $0x80, s9, s16, $0xb8;
	[tilespmem:$0x1C800] =	vst v63  }
0xc5: {  	s5 =	rddreg [dreg:$0x7]  }
0xc6: {  	[tilespmem:s19], [sflag:$0x4] =	stream.indirect.gather [hbm4b:s4+s16], $0x80, s5, s16, $0xb8;
	[tilespmem:$0x1C800] =	vst v63  }
0xc7: {  	_ =	swait.ge [sflag:s20], $0x2000  }
0xc8: {  	[sflag:s20] =	ssyncset.done $0x0  }
0xc9: {  	[sflag:s20] =	ssyncadd.s32 $0xFFFFE000  }
0xca: {  	_ =	swait.ge [sflag:s21], $0x2000  }
0xcb: {  	[sflag:s21] =	ssyncset.done $0x0  }
0xcc: {  	[sflag:s21] =	ssyncadd.s32 $0xFFFFE000  }
0xcd: {  	[spmem:s1] =	stream.indirect.scatter.add.f32 [tilespmem:s12], [sflag:$0x5], $0x80, s15, s22, $0xb8;
	[tilespmem:$0x1C800] =	vst v63  }
0xce: {  	_ =	swait.ge [sflag:s13], $0x4000  }
0xcf: {  	[sflag:s13] =	ssyncset.done $0x0  }
0xd0: {  	s5 =	rddreg [dreg:$0x8];
	[sflag:s13] =	ssyncadd.s32 $0xFFFFC000  }
0xd1: {  	[tilespmem:s12], [sflag:$0x1] =	stream.indirect.gather [hbm4b:s4+s16], $0x80, s5, s16, $0xb8;
	[tilespmem:$0x1C800] =	vst v63  }
0xd2: {  	s9 =	rddreg [dreg:$0x9]  }
0xd3: {  	[tilespmem:s17], [sflag:$0x2] =	stream.indirect.gather [hbm4b:s4+s16], $0x80, s9, s16, $0xb8;
	[tilespmem:$0x1C800] =	vst v63  }
0xd4: {  	_ =	swait.ge [sflag:s23], $0x2000  }
0xd5: {  	[sflag:s23] =	ssyncset.done $0x0  }
0xd6: {  	[sflag:s23] =	ssyncadd.s32 $0xFFFFE000  }
0xd7: {  	_ =	swait.ge [sflag:s24], $0x2000  }
0xd8: {  	[sflag:s24] =	ssyncset.done $0x0  }
0xd9: {  	s9 =	rddreg [dreg:$0xa];
	[sflag:s24] =	ssyncadd.s32 $0xFFFFE000  }
0xda: {  	[spmem:s1] =	stream.indirect.scatter.add.f32 [tilespmem:s18], [sflag:$0x5], $0x80, s9, s22, $0xb8;
	[tilespmem:$0x1C800] =	vst v63  }
0xdb: {  	_ =	swait.ge [sflag:s13], $0x4000  }
0xdc: {  	[sflag:s13] =	ssyncset.done $0x0  }
0xdd: {  	s5 =	rddreg [dreg:$0xb];
	[sflag:s13] =	ssyncadd.s32 $0xFFFFC000  }
0xde: {  	[tilespmem:s18], [sflag:$0x3] =	stream.indirect.gather [hbm4b:s4+s16], $0x80, s5, s16, $0xb8;
	[tilespmem:$0x1C800] =	vst v63  }
0xdf: {  	s9 =	rddreg [dreg:$0xc]  }
0xe0: {  	[tilespmem:s19], [sflag:$0x4] =	stream.indirect.gather [hbm4b:s4+s16], $0x80, s9, s16, $0xb8;
	[tilespmem:$0x1C800] =	vst v63  }
0xe1: {  	_ =	swait.ge [sflag:s20], $0x2000  }
0xe2: {  	[sflag:s20] =	ssyncset.done $0x0  }
0xe3: {  	[sflag:s20] =	ssyncadd.s32 $0xFFFFE000  }
0xe4: {  	_ =	swait.ge [sflag:s21], $0x2000  }
0xe5: {  	[sflag:s21] =	ssyncset.done $0x0  }
0xe6: {  	s9 =	rddreg [dreg:$0xd];
	[sflag:s21] =	ssyncadd.s32 $0xFFFFE000  }
0xe7: {  	[spmem:s1] =	stream.indirect.scatter.add.f32 [tilespmem:s12], [sflag:$0x5], $0x80, s9, s22, $0xb8;
	[tilespmem:$0x1C800] =	vst v63  }
0xe8: {  	_ =	swait.ge [sflag:s13], $0x4000  }
0xe9: {  	[sflag:s13] =	ssyncset.done $0x0  }
0xea: {  	s5 =	rddreg [dreg:$0xe];
	[sflag:s13] =	ssyncadd.s32 $0xFFFFC000  }
0xeb: {  	[tilespmem:s12], [sflag:$0x1] =	stream.indirect.gather [hbm4b:s4+s16], $0x80, s5, s16, $0xb8;
	[tilespmem:$0x1C800] =	vst v63  }
0xec: {  	s9 =	rddreg [dreg:$0xf]  }
0xed: {  	[tilespmem:s17], [sflag:$0x2] =	stream.indirect.gather [hbm4b:s4+s16], $0x80, s9, s16, $0xb8;
	[tilespmem:$0x1C800] =	vst v63  }
0xee: {  	_ =	swait.ge [sflag:s23], $0x2000  }
0xef: {  	[sflag:s23] =	ssyncset.done $0x0  }
0xf0: {  	[sflag:s23] =	ssyncadd.s32 $0xFFFFE000  }
0xf1: {  	_ =	swait.ge [sflag:s24], $0x2000  }
0xf2: {  	[sflag:s24] =	ssyncset.done $0x0  }
0xf3: {  	[sflag:s24] =	ssyncadd.s32 $0xFFFFE000  }
0xf4: {  	[spmem:s1] =	stream.indirect.scatter.add.f32 [tilespmem:s18], [sflag:$0x5], $0x80, s25, s22, $0xb8;
	[tilespmem:$0x1C800] =	vst v63  }
0xf5: {  	_ =	swait.ge [sflag:s13], $0x4000  }
0xf6: {  	[sflag:s13] =	ssyncset.done $0x0  }
0xf7: {  	[sflag:s13] =	ssyncadd.s32 $0xFFFFC000  }
0xf8: {  	[tilespmem:s18], [sflag:$0x3] =	stream.indirect.gather [hbm4b:s4+s16], $0x80, s26, s16, $0xb8;
	[tilespmem:$0x1C800] =	vst v63  }
0xf9: {  	_ = 	snop  }
0xfa: {  	[tilespmem:s19], [sflag:$0x4] =	stream.indirect.gather [hbm4b:s4+s16], $0x80, s28, s16, $0xb8;
	[tilespmem:$0x1C800] =	vst v63  }
0xfb: {  	_ =	swait.ge [sflag:s20], $0x2000  }
0xfc: {  	[sflag:s20] =	ssyncset.done $0x0  }
0xfd: {  	[sflag:s20] =	ssyncadd.s32 $0xFFFFE000  }
0xfe: {  	_ =	swait.ge [sflag:s21], $0x2000  }
0xff: {  	[sflag:s21] =	ssyncset.done $0x0  }
0x100: {  	[sflag:s21] =	ssyncadd.s32 $0xFFFFE000  }
0x101: {  	[spmem:s1] =	stream.indirect.scatter.add.f32 [tilespmem:s12], [sflag:$0x5], $0x80, s29, s22, $0xb8;
	[tilespmem:$0x1C800] =	vst v63  }
0x102: {  	_ =	swait.ge [sflag:s13], $0x4000  }
0x103: {  	[sflag:s13] =	ssyncset.done $0x0  }
0x104: {  	[sflag:s13] =	ssyncadd.s32 $0xFFFFC000  }
0x105: {  	[tilespmem:s12], [sflag:$0x1] =	stream.indirect.gather [hbm4b:s4+s16], $0x80, s30, s16, $0xb8;
	[tilespmem:$0x1C800] =	vst v63  }
0x106: {  	_ = 	snop  }
0x107: {  	[tilespmem:s17], [sflag:$0x2] =	stream.indirect.gather [hbm4b:s4+s16], $0x80, s31, s16, $0xb8;
	[tilespmem:$0x1C800] =	vst v63  }
0x108: {  	_ =	swait.ge [sflag:s23], $0x2000  }
0x109: {  	[sflag:s23] =	ssyncset.done $0x0  }
0x10a: {  	[sflag:s23] =	ssyncadd.s32 $0xFFFFE000  }
0x10b: {  	_ =	swait.ge [sflag:s24], $0x2000  }
0x10c: {  	[sflag:s24] =	ssyncset.done $0x0  }
0x10d: {  	[sflag:s24] =	ssyncadd.s32 $0xFFFFE000  }
0x10e: {  	[spmem:s1] =	stream.indirect.scatter.add.f32 [tilespmem:s18], [sflag:$0x5], $0x80, s0, s22, $0xb8;
	[tilespmem:$0x1C800] =	vst v63  }
0x10f: {  	_ =	swait.ge [sflag:s13], $0x4000  }
0x110: {  	[sflag:s13] =	ssyncset.done $0x0  }
0x111: {  	[sflag:s13] =	ssyncadd.s32 $0xFFFFC000  }
0x112: {  	[tilespmem:s18], [sflag:$0x3] =	stream.indirect.gather [hbm4b:s4+s16], $0x80, s2, s16, $0xb8;
	[tilespmem:$0x1C800] =	vst v63  }
0x113: {  	_ = 	snop  }
0x114: {  	[tilespmem:s19], [sflag:$0x4] =	stream.indirect.gather [hbm4b:s4+s16], $0x80, s6, s16, $0xb8;
	[tilespmem:$0x1C800] =	vst v63  }
0x115: {  	_ =	swait.ge [sflag:s20], $0x2000  }
0x116: {  	[sflag:s20] =	ssyncset.done $0x0  }
0x117: {  	[sflag:s20] =	ssyncadd.s32 $0xFFFFE000  }
0x118: {  	_ =	swait.ge [sflag:s21], $0x2000  }
0x119: {  	[sflag:s21] =	ssyncset.done $0x0  }
0x11a: {  	[sflag:s21] =	ssyncadd.s32 $0xFFFFE000  }
0x11b: {  	[spmem:s1] =	stream.indirect.scatter.add.f32 [tilespmem:s12], [sflag:$0x5], $0x80, s7, s22, $0xb8;
	[tilespmem:$0x1C800] =	vst v63  }
0x11c: {  	_ =	swait.ge [sflag:s13], $0x4000  }
0x11d: {  	[sflag:s13] =	ssyncset.done $0x0  }
0x11e: {  	[sflag:s13] =	ssyncadd.s32 $0xFFFFC000  }
0x11f: {  	_ =	swait.ge [sflag:s23], $0x2000  }
0x120: {  	[sflag:s23] =	ssyncset.done $0x0  }
0x121: {  	[sflag:s23] =	ssyncadd.s32 $0xFFFFE000  }
0x122: {  	p0 =	sne.s32 s11, $0x480;
	_ =	swait.ge [sflag:s24], $0x2000  }
.Ltmp1:
0x123: {  	[sflag:s24] =	ssyncset.done $0x0;
	(pc) =	sbr.rel @p0 .LBB2_4-.Ltmp1, $4  }
0x124: {  	[sflag:s24] =	ssyncadd.s32 $0xFFFFE000  }
0x125: {  	[spmem:s1] =	stream.indirect.scatter.add.f32 [tilespmem:s18], [sflag:$0x5], $0x80, s8, s22, $0xb8;
	[tilespmem:$0x1C800] =	vst v63  }
0x126: {  	_ =	swait.ge [sflag:s13], $0x4000  }
0x127: {  	s11 =	sadd.s32 $0x80, s11;
	s5 =	rddreg [dreg:$0x4];
	[sflag:s13] =	ssyncset.done $0x0  }
0x128: {  	[sflag:s13] =	ssyncadd.s32 $0xFFFFC000;
	s5 =	sadd.s32 s10, s5  }
0x129: {  	[tilespmem:s14], [sflag:$0x5] =	stream.linear.gather [hbm4b:s5+s3], $0x400, $0x38;
	[tilespmem:$0x1C800] =	vst v63  }
0x12a: {  	_ =	swait.ge [sflag:s13], $0x400  }
0x12b: {  	s9 =	rddreg [dreg:$0x3];
	[sflag:s13] =	ssyncset.done $0x0  }
0x12c: {  	[sflag:s13] =	ssyncadd.s32 $0xFFFFFC00;
	s5 =	sadd.s32 s10, s9  }
0x12d: {  	[tilespmem:s15], [sflag:$0x5] =	stream.linear.gather [hbm4b:s5+s3], $0x400, $0x38;
	[tilespmem:$0x1C800] =	vst v63  }
0x12e: {  	_ =	swait.ge [sflag:s13], $0x400  }
0x12f: {  	[sflag:s13] =	ssyncset.done $0x0  }
0x130: {  	[sflag:s13] =	ssyncadd.s32 $0xFFFFFC00  }
0x131: {  	[tilespmem:s12], [sflag:$0x1] =	stream.indirect.gather [hbm4b:s4+s16], $0x80, s14, s16, $0xb8;
	[tilespmem:$0x1C800] =	vst v63  }
0x132: {  	s10 =	rddreg [dreg:$0x5]  }
0x133: {  	[tilespmem:s17], [sflag:$0x2] =	stream.indirect.gather [hbm4b:s4+s16], $0x80, s10, s16, $0xb8;
	[tilespmem:$0x1C800] =	vst v63  }
0x134: {  	s9 =	rddreg [dreg:$0x6]  }
0x135: {  	[tilespmem:s18], [sflag:$0x3] =	stream.indirect.gather [hbm4b:s4+s16], $0x80, s9, s16, $0xb8;
	[tilespmem:$0x1C800] =	vst v63  }
0x136: {  	s11 =	rddreg [dreg:$0x7]  }
0x137: {  	[tilespmem:s19], [sflag:$0x4] =	stream.indirect.gather [hbm4b:s4+s16], $0x80, s11, s16, $0xb8;
	[tilespmem:$0x1C800] =	vst v63  }
0x138: {  	_ =	swait.ge [sflag:s20], $0x2000  }
0x139: {  	[sflag:s20] =	ssyncset.done $0x0  }
0x13a: {  	[sflag:s20] =	ssyncadd.s32 $0xFFFFE000  }
0x13b: {  	_ =	swait.ge [sflag:s21], $0x2000  }
0x13c: {  	[sflag:s21] =	ssyncset.done $0x0  }
0x13d: {  	[sflag:s21] =	ssyncadd.s32 $0xFFFFE000  }
0x13e: {  	[spmem:s1] =	stream.indirect.scatter.add.f32 [tilespmem:s12], [sflag:$0x5], $0x80, s15, s22, $0xb8;
	[tilespmem:$0x1C800] =	vst v63  }
0x13f: {  	_ =	swait.ge [sflag:s13], $0x4000  }
0x140: {  	[sflag:s13] =	ssyncset.done $0x0  }
0x141: {  	s10 =	rddreg [dreg:$0x8];
	[sflag:s13] =	ssyncadd.s32 $0xFFFFC000  }
0x142: {  	[tilespmem:s12], [sflag:$0x1] =	stream.indirect.gather [hbm4b:s4+s16], $0x80, s10, s16, $0xb8;
	[tilespmem:$0x1C800] =	vst v63  }
0x143: {  	s11 =	rddreg [dreg:$0x9]  }
0x144: {  	[tilespmem:s17], [sflag:$0x2] =	stream.indirect.gather [hbm4b:s4+s16], $0x80, s11, s16, $0xb8;
	[tilespmem:$0x1C800] =	vst v63  }
0x145: {  	_ =	swait.ge [sflag:s23], $0x2000  }
0x146: {  	[sflag:s23] =	ssyncset.done $0x0  }
0x147: {  	[sflag:s23] =	ssyncadd.s32 $0xFFFFE000  }
0x148: {  	_ =	swait.ge [sflag:s24], $0x2000  }
0x149: {  	[sflag:s24] =	ssyncset.done $0x0  }
0x14a: {  	s9 =	rddreg [dreg:$0xa];
	[sflag:s24] =	ssyncadd.s32 $0xFFFFE000  }
0x14b: {  	[spmem:s1] =	stream.indirect.scatter.add.f32 [tilespmem:s18], [sflag:$0x5], $0x80, s9, s22, $0xb8;
	[tilespmem:$0x1C800] =	vst v63  }
0x14c: {  	_ =	swait.ge [sflag:s13], $0x4000  }
0x14d: {  	[sflag:s13] =	ssyncset.done $0x0  }
0x14e: {  	s10 =	rddreg [dreg:$0xb];
	[sflag:s13] =	ssyncadd.s32 $0xFFFFC000  }
0x14f: {  	[tilespmem:s18], [sflag:$0x3] =	stream.indirect.gather [hbm4b:s4+s16], $0x80, s10, s16, $0xb8;
	[tilespmem:$0x1C800] =	vst v63  }
0x150: {  	s11 =	rddreg [dreg:$0xc]  }
0x151: {  	[tilespmem:s19], [sflag:$0x4] =	stream.indirect.gather [hbm4b:s4+s16], $0x80, s11, s16, $0xb8;
	[tilespmem:$0x1C800] =	vst v63  }
0x152: {  	_ =	swait.ge [sflag:s20], $0x2000  }
0x153: {  	[sflag:s20] =	ssyncset.done $0x0  }
0x154: {  	[sflag:s20] =	ssyncadd.s32 $0xFFFFE000  }
0x155: {  	_ =	swait.ge [sflag:s21], $0x2000  }
0x156: {  	[sflag:s21] =	ssyncset.done $0x0  }
0x157: {  	s9 =	rddreg [dreg:$0xd];
	[sflag:s21] =	ssyncadd.s32 $0xFFFFE000  }
0x158: {  	[spmem:s1] =	stream.indirect.scatter.add.f32 [tilespmem:s12], [sflag:$0x5], $0x80, s9, s22, $0xb8;
	[tilespmem:$0x1C800] =	vst v63  }
0x159: {  	_ =	swait.ge [sflag:s13], $0x4000  }
0x15a: {  	[sflag:s13] =	ssyncset.done $0x0  }
0x15b: {  	s10 =	rddreg [dreg:$0xe];
	[sflag:s13] =	ssyncadd.s32 $0xFFFFC000  }
0x15c: {  	[tilespmem:s12], [sflag:$0x1] =	stream.indirect.gather [hbm4b:s4+s16], $0x80, s10, s16, $0xb8;
	[tilespmem:$0x1C800] =	vst v63  }
0x15d: {  	s11 =	rddreg [dreg:$0xf]  }
0x15e: {  	[tilespmem:s17], [sflag:$0x2] =	stream.indirect.gather [hbm4b:s4+s16], $0x80, s11, s16, $0xb8;
	[tilespmem:$0x1C800] =	vst v63  }
0x15f: {  	_ =	swait.ge [sflag:s23], $0x2000  }
0x160: {  	[sflag:s23] =	ssyncset.done $0x0  }
0x161: {  	[sflag:s23] =	ssyncadd.s32 $0xFFFFE000  }
0x162: {  	_ =	swait.ge [sflag:s24], $0x2000  }
0x163: {  	[sflag:s24] =	ssyncset.done $0x0  }
0x164: {  	[sflag:s24] =	ssyncadd.s32 $0xFFFFE000  }
0x165: {  	[spmem:s1] =	stream.indirect.scatter.add.f32 [tilespmem:s18], [sflag:$0x5], $0x80, s25, s22, $0xb8;
	[tilespmem:$0x1C800] =	vst v63  }
0x166: {  	_ =	swait.ge [sflag:s13], $0x4000  }
0x167: {  	[sflag:s13] =	ssyncset.done $0x0  }
0x168: {  	[sflag:s13] =	ssyncadd.s32 $0xFFFFC000  }
0x169: {  	[tilespmem:s18], [sflag:$0x3] =	stream.indirect.gather [hbm4b:s4+s16], $0x80, s26, s16, $0xb8;
	[tilespmem:$0x1C800] =	vst v63  }
0x16a: {  	_ = 	snop  }
0x16b: {  	[tilespmem:s19], [sflag:$0x4] =	stream.indirect.gather [hbm4b:s4+s16], $0x80, s28, s16, $0xb8;
	[tilespmem:$0x1C800] =	vst v63  }
0x16c: {  	_ =	swait.ge [sflag:s20], $0x2000  }
0x16d: {  	[sflag:s20] =	ssyncset.done $0x0  }
0x16e: {  	[sflag:s20] =	ssyncadd.s32 $0xFFFFE000  }
0x16f: {  	_ =	swait.ge [sflag:s21], $0x2000  }
0x170: {  	[sflag:s21] =	ssyncset.done $0x0  }
0x171: {  	[sflag:s21] =	ssyncadd.s32 $0xFFFFE000  }
0x172: {  	[spmem:s1] =	stream.indirect.scatter.add.f32 [tilespmem:s12], [sflag:$0x5], $0x80, s29, s22, $0xb8;
	[tilespmem:$0x1C800] =	vst v63  }
0x173: {  	_ =	swait.ge [sflag:s13], $0x4000  }
0x174: {  	[sflag:s13] =	ssyncset.done $0x0  }
0x175: {  	[sflag:s13] =	ssyncadd.s32 $0xFFFFC000  }
0x176: {  	[tilespmem:s12], [sflag:$0x1] =	stream.indirect.gather [hbm4b:s4+s16], $0x80, s30, s16, $0xb8;
	[tilespmem:$0x1C800] =	vst v63  }
0x177: {  	_ = 	snop  }
0x178: {  	[tilespmem:s17], [sflag:$0x2] =	stream.indirect.gather [hbm4b:s4+s16], $0x80, s31, s16, $0xb8;
	[tilespmem:$0x1C800] =	vst v63  }
0x179: {  	_ =	swait.ge [sflag:s23], $0x2000  }
0x17a: {  	[sflag:s23] =	ssyncset.done $0x0  }
0x17b: {  	[sflag:s23] =	ssyncadd.s32 $0xFFFFE000  }
0x17c: {  	_ =	swait.ge [sflag:s24], $0x2000  }
0x17d: {  	[sflag:s24] =	ssyncset.done $0x0  }
0x17e: {  	[sflag:s24] =	ssyncadd.s32 $0xFFFFE000  }
0x17f: {  	[spmem:s1] =	stream.indirect.scatter.add.f32 [tilespmem:s18], [sflag:$0x5], $0x80, s0, s22, $0xb8;
	[tilespmem:$0x1C800] =	vst v63  }
0x180: {  	_ =	swait.ge [sflag:s13], $0x4000  }
0x181: {  	[sflag:s13] =	ssyncset.done $0x0  }
0x182: {  	[sflag:s13] =	ssyncadd.s32 $0xFFFFC000  }
0x183: {  	[tilespmem:s18], [sflag:$0x3] =	stream.indirect.gather [hbm4b:s4+s16], $0x80, s2, s16, $0xb8;
	[tilespmem:$0x1C800] =	vst v63  }
0x184: {  	_ = 	snop  }
0x185: {  	[tilespmem:s19], [sflag:$0x4] =	stream.indirect.gather [hbm4b:s4+s16], $0x80, s6, s16, $0xb8;
	[tilespmem:$0x1C800] =	vst v63  }
0x186: {  	_ =	swait.ge [sflag:s20], $0x2000  }
0x187: {  	[sflag:s20] =	ssyncset.done $0x0  }
0x188: {  	[sflag:s20] =	ssyncadd.s32 $0xFFFFE000  }
0x189: {  	_ =	swait.ge [sflag:s21], $0x2000  }
0x18a: {  	[sflag:s21] =	ssyncset.done $0x0  }
0x18b: {  	[sflag:s21] =	ssyncadd.s32 $0xFFFFE000  }
0x18c: {  	[spmem:s1] =	stream.indirect.scatter.add.f32 [tilespmem:s12], [sflag:$0x5], $0x80, s7, s22, $0xb8;
	[tilespmem:$0x1C800] =	vst v63  }
0x18d: {  	_ =	swait.ge [sflag:s13], $0x4000  }
0x18e: {  	[sflag:s13] =	ssyncset.done $0x0  }
0x18f: {  	[sflag:s13] =	ssyncadd.s32 $0xFFFFC000  }
0x190: {  	_ =	swait.ge [sflag:s23], $0x2000  }
0x191: {  	[sflag:s23] =	ssyncset.done $0x0  }
0x192: {  	[sflag:s23] =	ssyncadd.s32 $0xFFFFE000  }
0x193: {  	_ =	swait.ge [sflag:s24], $0x2000  }
0x194: {  	[sflag:s24] =	ssyncset.done $0x0  }
0x195: {  	[sflag:s24] =	ssyncadd.s32 $0xFFFFE000  }
0x196: {  	[spmem:s1] =	stream.indirect.scatter.add.f32 [tilespmem:s18], [sflag:$0x5], $0x80, s8, s22, $0xb8;
	[tilespmem:$0x1C800] =	vst v63  }
0x197: {  	_ =	swait.ge [sflag:s13], $0x4000  }
0x198: {  	[sflag:s13] =	ssyncset.done $0x0  }
0x199: {  	[sflag:s13] =	ssyncadd.s32 $0xFFFFC000  }
0x19a: {  	s9 =	stileid.u32;
	[bflag:$0x0] =	sbarrier.arrive $0xFFFF  }
0x19b: {  	s5 =	sshll.u32 s9, $0x6;
	s10 =	rddreg [dreg:$0x10]  }
0x19c: {  	s5 =	sor.u32 $0x1C05, s5;
	s11 =	rddreg [dreg:$0x15];
	s9 =	sshrl.u32 s10, $0x3  }
0x19d: {  	[hbm:s11], [sflag:s5] =	dma.local [spmem:s9], $0x2800  }
0x19e: {  	_ =	swait.ge [sflag:s13], $0x2800  }
0x19f: {  	s10 =	rddreg [dreg:$0x17]  }
0x1a0: {  	s11 =	rddreg [dreg:$0x16];
	s9 =	sadd.s32 $0x1, s10  }
0x1a1: {  	p0 =	sne.s32 s9, s11  }
.Ltmp2:
0x1a2: {  	_ = 	snop;
	(pc) =	sbr.rel @p0 .LBB2_1-.Ltmp2, $3  }
0x1a3: {  	_ =	sdelay $0x1  }
0x1a4: {  	[sflag:s13] =	ssyncset.done $0x0  }
0x1a5: {  	[sflag:s13] =	ssyncadd.s32 $0xFFFFD800  }
0x1a6: {  	_ =	sfence.sel $0x180000  }
0x1a7: {  	[bflag:$0x0] =	sbarrier.arrive $0xFFFF  }
0x1a8: {  	_ =	strace $0x90000050  }
0x1a9: {  	s0 =	stileid.u32;
	[bflag:$0x2] =	sbarrier.arrive $0xFFFF  }
0x1aa: {  	p0 =	sne.s32 s0, $0x0;
	s0 =	rddreg [dreg:$0x2]  }
0x1ab: {  	s0 =	sadd.s32 @!p0 $0x100000, s0  }
0x1ac: {  	[sflag:s0] =	ssyncadd.tile.s32 @!p0 $0x1;
	_ =	shalt  }
.Lfunc_end2:
_tile_overlayer_lowered:
.L_overlay_start_2:
0x1ad: {  	(tag) =	ssettag $0x2  }
0x1ae: {  	s0 =	rddreg [dreg:$0x0];
	s2 =	stileid.u32  }
0x1af: {  	s1 =	rddreg [dreg:$0x1];
	p0 =	sne.s32 s2, $0x0  }
0x1b0: {  	s3 =	rddreg [dreg:$0x2];
	[bflag:$0x3] =	sbarrier.arrive $0xFFFF;
	s2 =	simm.s32 @!p0 $0x1C05  }
0x1b1: {  	[timem:s3], [sflag:s2] =	dma.local @!p0 [hbm:s0], s1  }
0x1b2: {  	s0 =	simm.s32 @!p0 $0x5  }
0x1b3: {  	_ =	swait.ge @!p0 [sflag:s0], s1  }
0x1b4: {  	s1 =	ssub.s32 @!p0 $0x0, s1;
	[sflag:s0] =	ssyncset.done @!p0 $0x0  }
0x1b5: {  	[sflag:s0] =	ssyncadd.s32 @!p0 s1  }
0x1b6: {  	[bflag:$0x3] =	sbarrier.arrive $0xFFFF  }
0x1b7: {  	_ =	shalt  }

</sc_bundles>
